<compile_context>
chip_gen: v7x
topology: tpu7x:2x2x1
jax: 0.10.2.dev20260603
libtpu: 0.0.44.dev20260713+nightly
codegen_flags: <defaults>
</compile_context>

<pallas_src>
import jax
import jax.numpy as jnp
from jax import lax
from jax.experimental import pallas as pl
from jax.experimental.pallas import tpu as pltpu
from jax.experimental.pallas import tpu_sc as plsc

NUM_NODES = 50000
D = 4
NC, NS = 2, 16
NW = NC * NS

RPT = 3136
SIZE_P = NS * RPT
NBLK = SIZE_P // 128

CE = 1920
NCH_B = 26
EPT_B = 49984
CED = 1664
NCH_D = 15
EPT_D = 24992

_SC_PARAMS = dict(
    compiler_params=pltpu.CompilerParams(
        use_tc_tiling_on_sc=False, needs_layout_passes=False),
)


def _wid():
    return lax.axis_index("s") * NC + lax.axis_index("c")


def _ec16(i):
    q = i * 16 + lax.iota(jnp.int32, 16)
    e = jnp.bitwise_or(
        lax.shift_left(lax.shift_right_logical(q, 9), 7),
        jnp.bitwise_and(q, 127))
    c = jnp.bitwise_and(lax.shift_right_logical(q, 7), 3)
    return e, c


def _scatter_body(e2, mv16, part, idx0, idx1, stg16, vals0, vals1, tidx,
                  tstg, tvals, acc_sh, sem_st, sem_s0, sem_s1):
    cid = lax.axis_index("c")
    sid = lax.axis_index("s")
    wid = sid * NC + cid
    base = wid * EPT_B + 32 * jnp.minimum(wid, NW // 2)

    def zb(i, k):
        e, c = _ec16(i)
        plsc.store_scatter(vals0, [e, c], jnp.zeros((16,), jnp.float32))
        return k
    lax.fori_loop(0, (CE * D) // 16, zb, 0)
    pltpu.sync_copy(vals0, acc_sh.at[pl.ds(sid * RPT, CE)])
    pltpu.sync_copy(vals0.at[pl.ds(0, RPT - CE)],
                    acc_sh.at[pl.ds(sid * RPT + CE, RPT - CE)])
    plsc.subcore_barrier()

    def sq(vals_b, ne):
        def body(i, k):
            e, c = _ec16(i)
            x = stg16[i]
            plsc.store_scatter(vals_b, [e, c], x * x)
            return k
        lax.fori_loop(0, (ne * D) // 16, body, 0, unroll=4)

    def stage(e0, idx_b):
        pltpu.async_copy(e2.at[0, pl.ds(e0, CE)], idx_b, sem_st)
        pltpu.async_copy(mv16.at[pl.ds(e0 // 4, CE // 4)], stg16, sem_st)

    def wait_stage(idx_b):
        pltpu.make_async_copy(e2.at[0, pl.ds(0, CE)], idx_b, sem_st).wait()
        pltpu.make_async_copy(
            mv16.at[pl.ds(0, CE // 4)], stg16, sem_st).wait()

    stage(base, idx0)

    def pair(t, carry):
        k0 = 2 * t
        wait_stage(idx0)
        sq(vals0, CE)

        @pl.when(t > 0)
        def _():
            pltpu.make_async_copy(vals1, acc_sh.at[idx1], sem_s1).wait()
        pltpu.async_copy(vals0, acc_sh.at[idx0], sem_s0, add=True)
        stage(base + (k0 + 1) * CE, idx1)

        wait_stage(idx1)
        sq(vals1, CE)
        pltpu.make_async_copy(vals0, acc_sh.at[idx0], sem_s0).wait()
        pltpu.async_copy(vals1, acc_sh.at[idx1], sem_s1, add=True)

        @pl.when(t < NCH_B // 2 - 1)
        def _():
            stage(base + (k0 + 2) * CE, idx0)
        return carry
    lax.fori_loop(0, NCH_B // 2, pair, 0)
    pltpu.make_async_copy(vals1, acc_sh.at[idx1], sem_s1).wait()

    e0t = base + NCH_B * CE

    def tail(ne):
        pltpu.sync_copy(e2.at[0, pl.ds(e0t, ne)], tidx.at[pl.ds(0, ne)])
        pltpu.sync_copy(mv16.at[pl.ds(e0t // 4, ne // 4)],
                        tstg.at[pl.ds(0, ne // 4)])

        def body(i, k):
            q = i * 16 + lax.iota(jnp.int32, 16)
            e = lax.shift_right_logical(q, 2)
            c = jnp.bitwise_and(q, 3)
            x = tstg[i]
            plsc.store_scatter(tvals, [e, c], x * x)
            return k
        lax.fori_loop(0, (ne * D) // 16, body, 0, unroll=4)
        pltpu.sync_copy(tvals.at[pl.ds(0, ne)],
                        acc_sh.at[tidx.at[pl.ds(0, ne)]], add=True)

    @pl.when(wid < NW // 2)
    def _():
        tail(96)

    @pl.when(wid >= NW // 2)
    def _():
        tail(64)

    plsc.subcore_barrier()
    pltpu.sync_copy(acc_sh.at[pl.ds(sid * RPT, CE)], vals0)
    pltpu.sync_copy(vals0, part.at[cid, pl.ds(sid * RPT, CE)])
    pltpu.sync_copy(acc_sh.at[pl.ds(sid * RPT + CE, RPT - CE)],
                    vals1.at[pl.ds(0, RPT - CE)])
    pltpu.sync_copy(vals1.at[pl.ds(0, RPT - CE)],
                    part.at[cid, pl.ds(sid * RPT + CE, RPT - CE)])


def _rsqrt_newton(x):
    xi = plsc.bitcast(x, jnp.int32)
    y = plsc.bitcast(
        jnp.int32(0x5F3759DF) - lax.shift_right_logical(xi, 1), jnp.float32)
    hx = x * 0.5
    for _ in range(3):
        y = y * (1.5 - hx * y * y)
    return y


def _norm_body(part, dsi8, dnv, p0_v, p1_v, dsi_v, dn_v):
    bpt = NBLK // NW
    brem = NBLK - bpt * NW
    wid = _wid()
    b0 = wid * bpt + jnp.minimum(wid, brem)
    nb = bpt + jnp.where(wid < brem, 1, 0)
    n0 = b0 * 128
    nn = nb * 128

    pltpu.sync_copy(part.at[0, pl.ds(n0, nn)], p0_v.at[pl.ds(0, nn)])
    pltpu.sync_copy(part.at[1, pl.ds(n0, nn)], p1_v.at[pl.ds(0, nn)])

    def body(i, k):
        e, c = _ec16(i)
        q = i * 16 + lax.iota(jnp.int32, 16)
        br = lax.shift_right_logical(q, 7)
        bc = jnp.bitwise_and(q, 127)
        d = (plsc.load_gather(p0_v, [e, c])
             + plsc.load_gather(p1_v, [e, c]))
        dp1 = d + 1.0
        plsc.store_scatter(dsi_v, [e, c], _rsqrt_newton(dp1))
        plsc.store_scatter(dn_v, [br, bc], d / dp1)
        return k
    lax.fori_loop(0, (nn * D) // 16, body, 0)

    pltpu.sync_copy(dsi_v.at[pl.ds(0, nn)], dsi8.at[pl.ds(n0, nn)])
    pltpu.sync_copy(dn_v.at[pl.ds(0, nb * D)], dnv.at[pl.ds(b0 * D, nb * D)])


def _gather_body(e2, mv16, dsi8, trilv, idx0, idx1, bufr0, bufc0, bufr1,
                 bufc1, stgl0, stgr0, stgl1, stgr1, out0, out1, tidx,
                 sem_ix, sem_g0, sem_g1, sem_st0, sem_st1, sem_w):
    wid = _wid()
    half_e = e2.shape[1] // 2
    base = wid * EPT_D + 32 * jnp.minimum(wid, 8)

    idxs = (idx0, idx1)
    bufrs = (bufr0, bufr1)
    bufcs = (bufc0, bufc1)
    stgls = (stgl0, stgl1)
    stgrs = (stgr0, stgr1)
    outs = (out0, out1)
    sem_gs = (sem_g0, sem_g1)
    sem_sts = (sem_st0, sem_st1)

    def stage_idx(e0, b):
        pltpu.async_copy(e2.at[0, pl.ds(e0, CED)], idxs[b].at[0], sem_ix)
        pltpu.async_copy(e2.at[1, pl.ds(e0, CED)], idxs[b].at[1], sem_ix)

    def wait_idx(b):
        pltpu.make_async_copy(
            e2.at[0, pl.ds(0, CED)], idxs[b].at[0], sem_ix).wait()
        pltpu.make_async_copy(
            e2.at[1, pl.ds(0, CED)], idxs[b].at[1], sem_ix).wait()

    def fire_gather(b):
        pltpu.async_copy(dsi8.at[idxs[b].at[0]], bufrs[b], sem_gs[b])
        pltpu.async_copy(dsi8.at[idxs[b].at[1]], bufcs[b], sem_gs[b])

    def drain_gather(b):
        pltpu.make_async_copy(
            dsi8.at[idxs[b].at[0]], bufrs[b], sem_gs[b]).wait()
        pltpu.make_async_copy(
            dsi8.at[idxs[b].at[1]], bufcs[b], sem_gs[b]).wait()

    def stage_data(e0, b):
        pltpu.async_copy(mv16.at[pl.ds(e0 // 4, CED // 4)],
                         stgls[b], sem_sts[b])
        pltpu.async_copy(mv16.at[pl.ds((half_e + e0) // 4, CED // 4)],
                         stgrs[b], sem_sts[b])

    def wait_data(b):
        pltpu.make_async_copy(
            mv16.at[pl.ds(0, CED // 4)], stgls[b], sem_sts[b]).wait()
        pltpu.make_async_copy(
            mv16.at[pl.ds(0, CED // 4)], stgrs[b], sem_sts[b]).wait()

    def mul(b, ne):
        def body(i, k):
            e, c = _ec16(i)
            a = stgls[b][i]
            bb = stgrs[b][i]
            rr = plsc.load_gather(bufrs[b], [e, c])
            cc2 = plsc.load_gather(bufcs[b], [e, c])
            outs[b][i] = -(a * bb) * rr * cc2
            return k
        lax.fori_loop(0, (ne * D) // 16, body, 0, unroll=4)

    def wb_start(e0, b):
        pltpu.async_copy(outs[b], trilv.at[pl.ds(e0 // 4, CED // 4)], sem_w)

    def wb_drain(b):
        pltpu.make_async_copy(
            outs[b], trilv.at[pl.ds(0, CED // 4)], sem_w).wait()

    pltpu.sync_copy(e2.at[0, pl.ds(base, CED)], idx0.at[0])
    pltpu.sync_copy(e2.at[1, pl.ds(base, CED)], idx0.at[1])
    fire_gather(0)
    stage_data(base, 0)
    stage_idx(base + CED, 1)

    def half(t, k, b):
        wait_idx(1 - b)
        fire_gather(1 - b)
        stage_data(base + (k + 1) * CED, 1 - b)
        drain_gather(b)
        wait_data(b)

        @pl.when(k + 2 < NCH_D)
        def _():
            stage_idx(base + (k + 2) * CED, b)

        @pl.when(t > 0)
        def _():
            wb_drain(b)
        mul(b, CED)
        wb_start(base + k * CED, b)

    def pair(t, carry):
        half(t, 2 * t, 0)
        half(t, 2 * t + 1, 1)
        return carry
    lax.fori_loop(0, NCH_D // 2, pair, 0)

    drain_gather(0)
    wait_data(0)
    wb_drain(0)
    mul(0, CED)
    wb_drain(1)
    wb_start(base + (NCH_D - 1) * CED, 0)

    e0t = base + NCH_D * CED

    def tail(ne):
        pltpu.sync_copy(e2.at[0, pl.ds(e0t, ne)], tidx.at[0].at[pl.ds(0, ne)])
        pltpu.sync_copy(e2.at[1, pl.ds(e0t, ne)], tidx.at[1].at[pl.ds(0, ne)])
        pltpu.async_copy(dsi8.at[tidx.at[0].at[pl.ds(0, ne)]],
                         bufr1.at[pl.ds(0, ne)], sem_g1).wait()
        pltpu.async_copy(dsi8.at[tidx.at[1].at[pl.ds(0, ne)]],
                         bufc1.at[pl.ds(0, ne)], sem_g1).wait()
        pltpu.sync_copy(mv16.at[pl.ds(e0t // 4, ne // 4)],
                        stgl1.at[pl.ds(0, ne // 4)])
        pltpu.sync_copy(mv16.at[pl.ds((half_e + e0t) // 4, ne // 4)],
                        stgr1.at[pl.ds(0, ne // 4)])

        def body(i, k):
            q = i * 16 + lax.iota(jnp.int32, 16)
            e = lax.shift_right_logical(q, 2)
            c = jnp.bitwise_and(q, 3)
            a = stgl1[i]
            bb = stgr1[i]
            rr = plsc.load_gather(bufr1, [e, c])
            cc2 = plsc.load_gather(bufc1, [e, c])
            out1[i] = -(a * bb) * rr * cc2
            return k
        lax.fori_loop(0, (ne * D) // 16, body, 0, unroll=4)
        pltpu.sync_copy(out1.at[pl.ds(0, ne // 4)],
                        trilv.at[pl.ds(e0t // 4, ne // 4)])

    @pl.when(wid < 8)
    def _():
        tail(64)

    @pl.when(wid >= 8)
    def _():
        tail(32)

    wb_drain(0)


@jax.jit
def kernel(maps, edge_index):
    half = edge_index.shape[1] // 2
    nblk_e = (2 * half) // 128
    mv16 = (maps.reshape(nblk_e, 128, D).transpose(0, 2, 1)
            .reshape(nblk_e * D * 8, 16))
    mesh = plsc.VectorSubcoreMesh(core_axis_name="c", subcore_axis_name="s")

    part = pl.kernel(
        _scatter_body,
        out_type=jax.ShapeDtypeStruct((NC, SIZE_P, D), jnp.float32),
        mesh=mesh,
        scratch_types=[
            pltpu.VMEM((CE,), jnp.int32),
            pltpu.VMEM((CE,), jnp.int32),
            pltpu.VMEM((CE // 4, 16), jnp.float32),
            pltpu.VMEM((CE, D), jnp.float32),
            pltpu.VMEM((CE, D), jnp.float32),
            pltpu.VMEM((96,), jnp.int32),
            pltpu.VMEM((24, 16), jnp.float32),
            pltpu.VMEM((96, D), jnp.float32),
            pltpu.VMEM_SHARED((SIZE_P, D), jnp.float32),
            pltpu.SemaphoreType.DMA,
            pltpu.SemaphoreType.DMA,
            pltpu.SemaphoreType.DMA,
        ],
        **_SC_PARAMS,
    )(edge_index, mv16)

    bmax = NBLK // NW + 1
    dsi8, dnv = pl.kernel(
        _norm_body,
        out_type=[
            jax.ShapeDtypeStruct((SIZE_P, 8), jnp.float32),
            jax.ShapeDtypeStruct((NBLK * D, 128), jnp.float32),
        ],
        mesh=mesh,
        scratch_types=[
            pltpu.VMEM((bmax * 128, D), jnp.float32),
            pltpu.VMEM((bmax * 128, D), jnp.float32),
            pltpu.VMEM((bmax * 128, 8), jnp.float32),
            pltpu.VMEM((bmax * D, 128), jnp.float32),
        ],
        **_SC_PARAMS,
    )(part)

    trilv = pl.kernel(
        _gather_body,
        out_type=jax.ShapeDtypeStruct((half * D // 16, 16), jnp.float32),
        mesh=mesh,
        scratch_types=[
            pltpu.VMEM((2, CED), jnp.int32),
            pltpu.VMEM((2, CED), jnp.int32),
            pltpu.VMEM((CED, 8), jnp.float32),
            pltpu.VMEM((CED, 8), jnp.float32),
            pltpu.VMEM((CED, 8), jnp.float32),
            pltpu.VMEM((CED, 8), jnp.float32),
            pltpu.VMEM((CED // 4, 16), jnp.float32),
            pltpu.VMEM((CED // 4, 16), jnp.float32),
            pltpu.VMEM((CED // 4, 16), jnp.float32),
            pltpu.VMEM((CED // 4, 16), jnp.float32),
            pltpu.VMEM((CED // 4, 16), jnp.float32),
            pltpu.VMEM((CED // 4, 16), jnp.float32),
            pltpu.VMEM((2, 64), jnp.int32),
            pltpu.SemaphoreType.DMA,
            pltpu.SemaphoreType.DMA,
            pltpu.SemaphoreType.DMA,
            pltpu.SemaphoreType.DMA,
            pltpu.SemaphoreType.DMA,
            pltpu.SemaphoreType.DMA,
        ],
        **_SC_PARAMS,
    )(edge_index, mv16, dsi8)

    dn = dnv.reshape(NBLK, D, 128).transpose(0, 2, 1).reshape(SIZE_P, D)
    tril = (trilv.reshape(half // 128, D, 128).transpose(0, 2, 1)
            .reshape(half, D))
    return jnp.concatenate([dn[:NUM_NODES], tril], axis=0)

# --- scband reference (transcript-rebuilt; emitter-appended) ---
"""Pipeline reference for scband-laplacian-builder-50534585204947 (READ-ONLY COPY).

The authoritative reference and input builder live on the scoring server;
editing this copy changes nothing except your own understanding.
"""

import jax, jax.numpy as jnp
import numpy as np

SIZE = 50000
D = 4
HALF = 800000

def setup_inputs(seed: int = 0) -> dict:
    key = jax.random.key(seed)
    k1, k2, k3 = jax.random.split(key, 3)
    src = jax.random.randint(k1, (HALF,), 0, SIZE, dtype=jnp.int32)
    dst = jax.random.randint(k2, (HALF,), 0, SIZE, dtype=jnp.int32)
    # edge i and edge i+HALF are reverse directions of the same undirected edge,
    # so left_right_idx = (arange(HALF), arange(HALF)+HALF) and
    # vertex_tril_idx = (src, dst) of the first half.
    edge_index = jnp.stack([jnp.concatenate([src, dst]), jnp.concatenate([dst, src])])
    maps = jax.random.normal(k3, (2 * HALF, D), dtype=jnp.float32)
    return {"maps": maps, "edge_index": edge_index}

def reference(maps, edge_index):
    half = edge_index.shape[1] // 2
    row_t = edge_index[0, :half]
    col_t = edge_index[1, :half]
    # gather left/right restriction maps for each undirected (tril) edge
    left_maps = jnp.take(maps, jnp.arange(half), axis=0)
    right_maps = jnp.take(maps, jnp.arange(half) + half, axis=0)
    non_diag_maps = -left_maps * right_maps  # [HALF, D]
    # diagonal: scatter-add of squared maps over source node (diag sheaf Laplacian)
    diag_maps = jax.ops.segment_sum(maps * maps, edge_index[0], num_segments=SIZE)  # [SIZE, D]
    # scalar_normalise with augmented=True: (diag + 1)^(-1/2)
    diag_sqrt_inv = jnp.power(diag_maps + 1.0, -0.5)
    left_norm = diag_sqrt_inv[row_t]
    right_norm = diag_sqrt_inv[col_t]
    tril = left_norm * non_diag_maps * right_norm
    diag_norm = (diag_sqrt_inv ** 2) * diag_maps
    # concatenate (diag values, tril values) into a single array for a single output
    return jnp.concatenate([diag_norm, tril], axis=0)

if __name__ == "__main__":
    import jax
    _d = setup_inputs()
    print(jax.jit(kernel)(*tuple(_d.values())))

</pallas_src>

<mosaic_0001>
#map = affine_map<(d0, d1) -> (0, 0)>
#map1 = affine_map<(d0, d1) -> (0, 0, 0)>
module attributes {stable_mosaic.version = 14 : i64} {
  func.func @_scatter_body(%arg0: i32, %arg1: i32, %arg2: memref<2x1600000xi32, #tpu.memory_space<hbm>>, %arg3: memref<400000x16xf32, #tpu.memory_space<hbm>>, %arg4: memref<2x50176x4xf32, #tpu.memory_space<hbm>>, %arg5: memref<1920xi32, #tpu.memory_space<vmem>>, %arg6: memref<1920xi32, #tpu.memory_space<vmem>>, %arg7: memref<480x16xf32, #tpu.memory_space<vmem>>, %arg8: memref<1920x4xf32, #tpu.memory_space<vmem>>, %arg9: memref<1920x4xf32, #tpu.memory_space<vmem>>, %arg10: memref<96xi32, #tpu.memory_space<vmem>>, %arg11: memref<24x16xf32, #tpu.memory_space<vmem>>, %arg12: memref<96x4xf32, #tpu.memory_space<vmem>>, %arg13: memref<50176x4xf32, #tpu.memory_space<vmem_shared>>, %arg14: memref<!tpu.dma_semaphore, #tpu.memory_space<semaphore_mem>>, %arg15: memref<!tpu.dma_semaphore, #tpu.memory_space<semaphore_mem>>, %arg16: memref<!tpu.dma_semaphore, #tpu.memory_space<semaphore_mem>>) attributes {dimension_semantics = [#tpu.dimension_semantics<core_parallel>, #tpu.dimension_semantics<subcore_parallel>], iteration_bounds = array<i64: 2, 16>, scalar_prefetch = 0 : i64, scratch_operands = 12 : i64, tpu.core_type = #tpu.core_type<sc_vector_subcore>, window_params = [{transform_indices = #map}, {transform_indices = #map}, {transform_indices = #map1}]} {
    %mul3A = arith.constant 2 : i32
    %mul3A_0 = arith.muli %arg1, %mul3A : i32
    %add3A = arith.addi %mul3A_0, %arg0 : i32
    %mul3A_1 = arith.constant 49984 : i32
    %mul3A_2 = arith.muli %add3A, %mul3A_1 : i32
    %min3A = arith.constant 16 : i32
    %min3A_3 = arith.minsi %add3A, %min3A : i32
    %mul3A_4 = arith.constant 32 : i32
    %mul3A_5 = arith.muli %mul3A_4, %min3A_3 : i32
    %add3A_6 = arith.addi %mul3A_2, %mul3A_5 : i32
    %scan3A = arith.constant 0 : i32
    %scan3A_7 = arith.constant 0 : i32
    %scan3A_8 = arith.constant 480 : i32
    %scan3A_9 = arith.addi %scan3A_7, %scan3A_8 : i32
    %scan3A_10 = arith.constant 1 : i32
    scf.for %scan3A_71 = %scan3A_7 to %scan3A_9 step %scan3A_10  : i32 {
      %mul3A_72 = arith.constant 16 : i32
      %mul3A_73 = arith.muli %scan3A_71, %mul3A_72 : i32
      %iota3A = tpu.iota {dimensions = array<i32: 0>} : vector<16xi32>
      %add3A_74 = vector.broadcast %mul3A_73 : i32 to vector<16xi32>
      %add3A_75 = arith.addi %add3A_74, %iota3A : vector<16xi32>
      %shift_right_logical3A = arith.constant 9 : i32
      %shift_right_logical3A_76 = vector.broadcast %shift_right_logical3A : i32 to vector<16xi32>
      %shift_right_logical3A_77 = arith.shrui %add3A_75, %shift_right_logical3A_76 : vector<16xi32>
      %shift_left3A = arith.constant 7 : i32
      %shift_left3A_78 = vector.broadcast %shift_left3A : i32 to vector<16xi32>
      %shift_left3A_79 = arith.shli %shift_right_logical3A_77, %shift_left3A_78 : vector<16xi32>
      %and3A_80 = arith.constant 127 : i32
      %and3A_81 = vector.broadcast %and3A_80 : i32 to vector<16xi32>
      %and3A_82 = arith.andi %add3A_75, %and3A_81 : vector<16xi32>
      %or3A = arith.ori %shift_left3A_79, %and3A_82 : vector<16xi32>
      %shift_right_logical3A_83 = arith.constant 7 : i32
      %shift_right_logical3A_84 = vector.broadcast %shift_right_logical3A_83 : i32 to vector<16xi32>
      %shift_right_logical3A_85 = arith.shrui %add3A_75, %shift_right_logical3A_84 : vector<16xi32>
      %and3A_86 = arith.constant 3 : i32
      %and3A_87 = vector.broadcast %and3A_86 : i32 to vector<16xi32>
      %and3A_88 = arith.andi %shift_right_logical3A_85, %and3A_87 : vector<16xi32>
      %broadcast_in_dim3A = arith.constant 0.000000e+00 : f32
      %broadcast_in_dim3A_89 = vector.broadcast %broadcast_in_dim3A : f32 to vector<16xf32>
      tpu.vector_store_idx %arg8[%or3A, %and3A_88], %broadcast_in_dim3A_89 : memref<1920x4xf32, #tpu.memory_space<vmem>>[vector<16xi32>, vector<16xi32>], vector<16xf32>,
    }
    %scan3A_11 = arith.constant 480 : i32
    %mul3A_12 = arith.constant 3136 : i32
    %mul3A_13 = arith.muli %arg1, %mul3A_12 : i32
    "tpu.region"() ({
      %run_scoped3A = tpu.sem_alloc : memref<!tpu.dma_semaphore, #tpu.memory_space<semaphore_mem>>
      %dma_start3A_71 = arith.constant 0 : i32
      %dma_start3A_72 = tpu.memref_slice %arg13[%mul3A_13, %dma_start3A_71] : memref<50176x4xf32, #tpu.memory_space<vmem_shared>> -> memref<1920x4xf32, #tpu.memory_space<vmem_shared>>
      %dma_start3A_73 = arith.constant 0 : i32
      %dma_start3A_74 = tpu.memref_slice %arg13[%mul3A_13, %dma_start3A_73] : memref<50176x4xf32, #tpu.memory_space<vmem_shared>> -> memref<1920x4xf32, #tpu.memory_space<vmem_shared>>
      tpu.enqueue_dma source(%arg8 : memref<1920x4xf32, #tpu.memory_space<vmem>>) target(%dma_start3A_74 : memref<1920x4xf32, #tpu.memory_space<vmem_shared>>) target_semaphore(%run_scoped3A : memref<!tpu.dma_semaphore, #tpu.memory_space<semaphore_mem>>)
      %dma_wait3A_75 = arith.constant 0 : i32
      %dma_wait3A_76 = tpu.memref_slice %arg13[%mul3A_13, %dma_wait3A_75] : memref<50176x4xf32, #tpu.memory_space<vmem_shared>> -> memref<1920x4xf32, #tpu.memory_space<vmem_shared>>
      %dma_wait3A_77 = arith.constant 0 : i32
      %dma_wait3A_78 = tpu.memref_slice %arg13[%mul3A_13, %dma_wait3A_77] : memref<50176x4xf32, #tpu.memory_space<vmem_shared>> -> memref<1920x4xf32, #tpu.memory_space<vmem_shared>>
      tpu.wait_dma2 semaphore(%run_scoped3A : memref<!tpu.dma_semaphore, #tpu.memory_space<semaphore_mem>>) src(%arg8 : memref<1920x4xf32, #tpu.memory_space<vmem>>) dst(%dma_wait3A_78 : memref<1920x4xf32, #tpu.memory_space<vmem_shared>>)
      tpu.yield
    }) : () -> ()
    %mul3A_14 = arith.constant 3136 : i32
    %mul3A_15 = arith.muli %arg1, %mul3A_14 : i32
    %add3A_16 = arith.constant 1920 : i32
    %add3A_17 = arith.addi %mul3A_15, %add3A_16 : i32
    "tpu.region"() ({
      %run_scoped3A = tpu.sem_alloc : memref<!tpu.dma_semaphore, #tpu.memory_space<semaphore_mem>>
      %dma_start3A_71 = arith.constant 0 : i32
      %dma_start3A_72 = arith.constant 0 : i32
      %dma_start3A_73 = tpu.memref_slice %arg8[%dma_start3A_71, %dma_start3A_72] : memref<1920x4xf32, #tpu.memory_space<vmem>> -> memref<1216x4xf32, #tpu.memory_space<vmem>>
      %dma_start3A_74 = arith.constant 0 : i32
      %dma_start3A_75 = tpu.memref_slice %arg13[%add3A_17, %dma_start3A_74] : memref<50176x4xf32, #tpu.memory_space<vmem_shared>> -> memref<1216x4xf32, #tpu.memory_space<vmem_shared>>
      %dma_start3A_76 = arith.constant 0 : i32
      %dma_start3A_77 = tpu.memref_slice %arg13[%add3A_17, %dma_start3A_76] : memref<50176x4xf32, #tpu.memory_space<vmem_shared>> -> memref<1216x4xf32, #tpu.memory_space<vmem_shared>>
      %dma_start3A_78 = arith.constant 0 : i32
      %dma_start3A_79 = arith.constant 0 : i32
      %dma_start3A_80 = tpu.memref_slice %arg8[%dma_start3A_78, %dma_start3A_79] : memref<1920x4xf32, #tpu.memory_space<vmem>> -> memref<1216x4xf32, #tpu.memory_space<vmem>>
      tpu.enqueue_dma source(%dma_start3A_80 : memref<1216x4xf32, #tpu.memory_space<vmem>>) target(%dma_start3A_77 : memref<1216x4xf32, #tpu.memory_space<vmem_shared>>) target_semaphore(%run_scoped3A : memref<!tpu.dma_semaphore, #tpu.memory_space<semaphore_mem>>)
      %dma_wait3A_81 = arith.constant 0 : i32
      %dma_wait3A_82 = arith.constant 0 : i32
      %dma_wait3A_83 = tpu.memref_slice %arg8[%dma_wait3A_81, %dma_wait3A_82] : memref<1920x4xf32, #tpu.memory_space<vmem>> -> memref<1216x4xf32, #tpu.memory_space<vmem>>
      %dma_wait3A_84 = arith.constant 0 : i32
      %dma_wait3A_85 = tpu.memref_slice %arg13[%add3A_17, %dma_wait3A_84] : memref<50176x4xf32, #tpu.memory_space<vmem_shared>> -> memref<1216x4xf32, #tpu.memory_space<vmem_shared>>
      %dma_wait3A_86 = arith.constant 0 : i32
      %dma_wait3A_87 = tpu.memref_slice %arg13[%add3A_17, %dma_wait3A_86] : memref<50176x4xf32, #tpu.memory_space<vmem_shared>> -> memref<1216x4xf32, #tpu.memory_space<vmem_shared>>
      %dma_wait3A_88 = arith.constant 0 : i32
      %dma_wait3A_89 = arith.constant 0 : i32
      %dma_wait3A_90 = tpu.memref_slice %arg8[%dma_wait3A_88, %dma_wait3A_89] : memref<1920x4xf32, #tpu.memory_space<vmem>> -> memref<1216x4xf32, #tpu.memory_space<vmem>>
      tpu.wait_dma2 semaphore(%run_scoped3A : memref<!tpu.dma_semaphore, #tpu.memory_space<semaphore_mem>>) src(%dma_wait3A_90 : memref<1216x4xf32, #tpu.memory_space<vmem>>) dst(%dma_wait3A_87 : memref<1216x4xf32, #tpu.memory_space<vmem_shared>>)
      tpu.yield
    }) : () -> ()
    %barrier3A = arith.constant 0 : index
    tpu.barrier barrier_id(%barrier3A)
    %dma_start3A = arith.constant 0 : i32
    %dma_start3A_18 = tpu.memref_slice %arg2[%dma_start3A, %add3A_6] : memref<2x1600000xi32, #tpu.memory_space<hbm>> -> memref<1x1920xi32, #tpu.memory_space<hbm>>
    %dma_start3A_19 = tpu.memref_squeeze %dma_start3A_18 : memref<1x1920xi32, #tpu.memory_space<hbm>> -> memref<1920xi32, #tpu.memory_space<hbm>>
    %dma_start3A_20 = tpu.memref_slice %arg2[%dma_start3A, %add3A_6] : memref<2x1600000xi32, #tpu.memory_space<hbm>> -> memref<1x1920xi32, #tpu.memory_space<hbm>>
    %dma_start3A_21 = tpu.memref_squeeze %dma_start3A_20 : memref<1x1920xi32, #tpu.memory_space<hbm>> -> memref<1920xi32, #tpu.memory_space<hbm>>
    tpu.enqueue_dma source(%dma_start3A_21 : memref<1920xi32, #tpu.memory_space<hbm>>) target(%arg5 : memref<1920xi32, #tpu.memory_space<vmem>>) target_semaphore(%arg14 : memref<!tpu.dma_semaphore, #tpu.memory_space<semaphore_mem>>)
    %jit3A = arith.constant 4 : i32
    %div3A = arith.divsi %add3A_6, %jit3A : i32
    %sign3A = arith.constant 0 : i32
    %sign3A_22 = arith.cmpi sgt, %add3A_6, %sign3A : i32
    %sign3A_23 = arith.extui %sign3A_22 : i1 to i32
    %sign3A_24 = arith.constant 0 : i32
    %sign3A_25 = arith.cmpi slt, %add3A_6, %sign3A_24 : i32
    %sign3A_26 = arith.extui %sign3A_25 : i1 to i32
    %sign3A_27 = arith.subi %sign3A_23, %sign3A_26 : i32
    %sign3A_28 = arith.constant 0 : i32
    %sign3A_29 = arith.cmpi sgt, %jit3A, %sign3A_28 : i32
    %sign3A_30 = arith.extui %sign3A_29 : i1 to i32
    %sign3A_31 = arith.constant 0 : i32
    %sign3A_32 = arith.cmpi slt, %jit3A, %sign3A_31 : i32
    %sign3A_33 = arith.extui %sign3A_32 : i1 to i32
    %sign3A_34 = arith.subi %sign3A_30, %sign3A_33 : i32
    %ne3A = arith.cmpi ne, %sign3A_27, %sign3A_34 : i32
    %rem3A = arith.remsi %add3A_6, %jit3A : i32
    %ne3A_35 = arith.constant 0 : i32
    %ne3A_36 = arith.cmpi ne, %rem3A, %ne3A_35 : i32
    %and3A = arith.andi %ne3A, %ne3A_36 : i1
    %sub3A = arith.constant 1 : i32
    %sub3A_37 = arith.subi %div3A, %sub3A : i32
    %select_n3A = arith.select %and3A, %sub3A_37, %div3A : i32
    %dma_start3A_38 = arith.constant 0 : i32
    %dma_start3A_39 = tpu.memref_slice %arg3[%select_n3A, %dma_start3A_38] : memref<400000x16xf32, #tpu.memory_space<hbm>> -> memref<480x16xf32, #tpu.memory_space<hbm>>
    %dma_start3A_40 = arith.constant 0 : i32
    %dma_start3A_41 = tpu.memref_slice %arg3[%select_n3A, %dma_start3A_40] : memref<400000x16xf32, #tpu.memory_space<hbm>> -> memref<480x16xf32, #tpu.memory_space<hbm>>
    tpu.enqueue_dma source(%dma_start3A_41 : memref<480x16xf32, #tpu.memory_space<hbm>>) target(%arg7 : memref<480x16xf32, #tpu.memory_space<vmem>>) target_semaphore(%arg14 : memref<!tpu.dma_semaphore, #tpu.memory_space<semaphore_mem>>)
    %scan3A_42 = arith.constant 0 : i32
    %scan3A_43 = arith.constant 0 : i32
    %scan3A_44 = arith.constant 13 : i32
    %scan3A_45 = arith.addi %scan3A_43, %scan3A_44 : i32
    %scan3A_46 = arith.constant 1 : i32
    scf.for %scan3A_71 = %scan3A_43 to %scan3A_45 step %scan3A_46  : i32 {
      %mul3A_72 = arith.constant 2 : i32
      %mul3A_73 = arith.muli %mul3A_72, %scan3A_71 : i32
      %dma_wait3A_74 = arith.constant 0 : i32
      %dma_wait3A_75 = arith.constant 0 : i32
      %dma_wait3A_76 = tpu.memref_slice %arg2[%dma_wait3A_74, %dma_wait3A_75] : memref<2x1600000xi32, #tpu.memory_space<hbm>> -> memref<1x1920xi32, #tpu.memory_space<hbm>>
      %dma_wait3A_77 = tpu.memref_squeeze %dma_wait3A_76 : memref<1x1920xi32, #tpu.memory_space<hbm>> -> memref<1920xi32, #tpu.memory_space<hbm>>
      %dma_wait3A_78 = arith.constant 0 : i32
      %dma_wait3A_79 = tpu.memref_slice %arg2[%dma_wait3A_74, %dma_wait3A_78] : memref<2x1600000xi32, #tpu.memory_space<hbm>> -> memref<1x1920xi32, #tpu.memory_space<hbm>>
      %dma_wait3A_80 = tpu.memref_squeeze %dma_wait3A_79 : memref<1x1920xi32, #tpu.memory_space<hbm>> -> memref<1920xi32, #tpu.memory_space<hbm>>
      tpu.wait_dma2 semaphore(%arg14 : memref<!tpu.dma_semaphore, #tpu.memory_space<semaphore_mem>>) src(%dma_wait3A_80 : memref<1920xi32, #tpu.memory_space<hbm>>) dst(%arg5 : memref<1920xi32, #tpu.memory_space<vmem>>)
      %dma_wait3A_81 = arith.constant 0 : i32
      %dma_wait3A_82 = arith.constant 0 : i32
      %dma_wait3A_83 = tpu.memref_slice %arg3[%dma_wait3A_81, %dma_wait3A_82] : memref<400000x16xf32, #tpu.memory_space<hbm>> -> memref<480x16xf32, #tpu.memory_space<hbm>>
      %dma_wait3A_84 = arith.constant 0 : i32
      %dma_wait3A_85 = arith.constant 0 : i32
      %dma_wait3A_86 = tpu.memref_slice %arg3[%dma_wait3A_84, %dma_wait3A_85] : memref<400000x16xf32, #tpu.memory_space<hbm>> -> memref<480x16xf32, #tpu.memory_space<hbm>>
      tpu.wait_dma2 semaphore(%arg14 : memref<!tpu.dma_semaphore, #tpu.memory_space<semaphore_mem>>) src(%dma_wait3A_86 : memref<480x16xf32, #tpu.memory_space<hbm>>) dst(%arg7 : memref<480x16xf32, #tpu.memory_space<vmem>>)
      %scan3A_87 = arith.constant 0 : i32
      %scan3A_88 = arith.constant 0 : i32
      %scan3A_89 = arith.constant 480 : i32
      %scan3A_90 = arith.addi %scan3A_88, %scan3A_89 : i32
      %scan3A_91 = arith.constant 4 : i32
      scf.for %scan3A_168 = %scan3A_88 to %scan3A_90 step %scan3A_91  : i32 {
        %mul3A_169 = arith.constant 16 : i32
        %mul3A_170 = arith.muli %scan3A_168, %mul3A_169 : i32
        %iota3A = tpu.iota {dimensions = array<i32: 0>} : vector<16xi32>
        %add3A_171 = vector.broadcast %mul3A_170 : i32 to vector<16xi32>
        %add3A_172 = arith.addi %add3A_171, %iota3A : vector<16xi32>
        %shift_right_logical3A = arith.constant 9 : i32
        %shift_right_logical3A_173 = vector.broadcast %shift_right_logical3A : i32 to vector<16xi32>
        %shift_right_logical3A_174 = arith.shrui %add3A_172, %shift_right_logical3A_173 : vector<16xi32>
        %shift_left3A = arith.constant 7 : i32
        %shift_left3A_175 = vector.broadcast %shift_left3A : i32 to vector<16xi32>
        %shift_left3A_176 = arith.shli %shift_right_logical3A_174, %shift_left3A_175 : vector<16xi32>
        %and3A_177 = arith.constant 127 : i32
        %and3A_178 = vector.broadcast %and3A_177 : i32 to vector<16xi32>
        %and3A_179 = arith.andi %add3A_172, %and3A_178 : vector<16xi32>
        %or3A = arith.ori %shift_left3A_176, %and3A_179 : vector<16xi32>
        %shift_right_logical3A_180 = arith.constant 7 : i32
        %shift_right_logical3A_181 = vector.broadcast %shift_right_logical3A_180 : i32 to vector<16xi32>
        %shift_right_logical3A_182 = arith.shrui %add3A_172, %shift_right_logical3A_181 : vector<16xi32>
        %and3A_183 = arith.constant 3 : i32
        %and3A_184 = vector.broadcast %and3A_183 : i32 to vector<16xi32>
        %and3A_185 = arith.andi %shift_right_logical3A_182, %and3A_184 : vector<16xi32>
        %get3A = arith.index_cast %scan3A_168 : i32 to index
        %get3A_186 = arith.constant 0 : index
        %get3A_187 = tpu.vector_load %arg7[%get3A, %get3A_186] {strides = array<i32>} : memref<480x16xf32, #tpu.memory_space<vmem>>, vector<16xf32>,
        %mul3A_188 = arith.mulf %get3A_187, %get3A_187 : vector<16xf32>
        tpu.vector_store_idx %arg8[%or3A, %and3A_185], %mul3A_188 : memref<1920x4xf32, #tpu.memory_space<vmem>>[vector<16xi32>, vector<16xi32>], vector<16xf32>,
        %scan3A_189 = arith.constant 1 : i32
        %scan3A_190 = arith.addi %scan3A_168, %scan3A_189 : i32
        %mul3A_191 = arith.constant 16 : i32
        %mul3A_192 = arith.muli %scan3A_190, %mul3A_191 : i32
        %iota3A_193 = tpu.iota {dimensions = array<i32: 0>} : vector<16xi32>
        %add3A_194 = vector.broadcast %mul3A_192 : i32 to vector<16xi32>
        %add3A_195 = arith.addi %add3A_194, %iota3A_193 : vector<16xi32>
        %shift_right_logical3A_196 = arith.constant 9 : i32
        %shift_right_logical3A_197 = vector.broadcast %shift_right_logical3A_196 : i32 to vector<16xi32>
        %shift_right_logical3A_198 = arith.shrui %add3A_195, %shift_right_logical3A_197 : vector<16xi32>
        %shift_left3A_199 = arith.constant 7 : i32
        %shift_left3A_200 = vector.broadcast %shift_left3A_199 : i32 to vector<16xi32>
        %shift_left3A_201 = arith.shli %shift_right_logical3A_198, %shift_left3A_200 : vector<16xi32>
        %and3A_202 = arith.constant 127 : i32
        %and3A_203 = vector.broadcast %and3A_202 : i32 to vector<16xi32>
        %and3A_204 = arith.andi %add3A_195, %and3A_203 : vector<16xi32>
        %or3A_205 = arith.ori %shift_left3A_201, %and3A_204 : vector<16xi32>
        %shift_right_logical3A_206 = arith.constant 7 : i32
        %shift_right_logical3A_207 = vector.broadcast %shift_right_logical3A_206 : i32 to vector<16xi32>
        %shift_right_logical3A_208 = arith.shrui %add3A_195, %shift_right_logical3A_207 : vector<16xi32>
        %and3A_209 = arith.constant 3 : i32
        %and3A_210 = vector.broadcast %and3A_209 : i32 to vector<16xi32>
        %and3A_211 = arith.andi %shift_right_logical3A_208, %and3A_210 : vector<16xi32>
        %get3A_212 = arith.index_cast %scan3A_190 : i32 to index
        %get3A_213 = arith.constant 0 : index
        %get3A_214 = tpu.vector_load %arg7[%get3A_212, %get3A_213] {strides = array<i32>} : memref<480x16xf32, #tpu.memory_space<vmem>>, vector<16xf32>,
        %mul3A_215 = arith.mulf %get3A_214, %get3A_214 : vector<16xf32>
        tpu.vector_store_idx %arg8[%or3A_205, %and3A_211], %mul3A_215 : memref<1920x4xf32, #tpu.memory_space<vmem>>[vector<16xi32>, vector<16xi32>], vector<16xf32>,
        %scan3A_216 = arith.constant 2 : i32
        %scan3A_217 = arith.addi %scan3A_168, %scan3A_216 : i32
        %mul3A_218 = arith.constant 16 : i32
        %mul3A_219 = arith.muli %scan3A_217, %mul3A_218 : i32
        %iota3A_220 = tpu.iota {dimensions = array<i32: 0>} : vector<16xi32>
        %add3A_221 = vector.broadcast %mul3A_219 : i32 to vector<16xi32>
        %add3A_222 = arith.addi %add3A_221, %iota3A_220 : vector<16xi32>
        %shift_right_logical3A_223 = arith.constant 9 : i32
        %shift_right_logical3A_224 = vector.broadcast %shift_right_logical3A_223 : i32 to vector<16xi32>
        %shift_right_logical3A_225 = arith.shrui %add3A_222, %shift_right_logical3A_224 : vector<16xi32>
        %shift_left3A_226 = arith.constant 7 : i32
        %shift_left3A_227 = vector.broadcast %shift_left3A_226 : i32 to vector<16xi32>
        %shift_left3A_228 = arith.shli %shift_right_logical3A_225, %shift_left3A_227 : vector<16xi32>
        %and3A_229 = arith.constant 127 : i32
        %and3A_230 = vector.broadcast %and3A_229 : i32 to vector<16xi32>
        %and3A_231 = arith.andi %add3A_222, %and3A_230 : vector<16xi32>
        %or3A_232 = arith.ori %shift_left3A_228, %and3A_231 : vector<16xi32>
        %shift_right_logical3A_233 = arith.constant 7 : i32
        %shift_right_logical3A_234 = vector.broadcast %shift_right_logical3A_233 : i32 to vector<16xi32>
        %shift_right_logical3A_235 = arith.shrui %add3A_222, %shift_right_logical3A_234 : vector<16xi32>
        %and3A_236 = arith.constant 3 : i32
        %and3A_237 = vector.broadcast %and3A_236 : i32 to vector<16xi32>
        %and3A_238 = arith.andi %shift_right_logical3A_235, %and3A_237 : vector<16xi32>
        %get3A_239 = arith.index_cast %scan3A_217 : i32 to index
        %get3A_240 = arith.constant 0 : index
        %get3A_241 = tpu.vector_load %arg7[%get3A_239, %get3A_240] {strides = array<i32>} : memref<480x16xf32, #tpu.memory_space<vmem>>, vector<16xf32>,
        %mul3A_242 = arith.mulf %get3A_241, %get3A_241 : vector<16xf32>
        tpu.vector_store_idx %arg8[%or3A_232, %and3A_238], %mul3A_242 : memref<1920x4xf32, #tpu.memory_space<vmem>>[vector<16xi32>, vector<16xi32>], vector<16xf32>,
        %scan3A_243 = arith.constant 3 : i32
        %scan3A_244 = arith.addi %scan3A_168, %scan3A_243 : i32
        %mul3A_245 = arith.constant 16 : i32
        %mul3A_246 = arith.muli %scan3A_244, %mul3A_245 : i32
        %iota3A_247 = tpu.iota {dimensions = array<i32: 0>} : vector<16xi32>
        %add3A_248 = vector.broadcast %mul3A_246 : i32 to vector<16xi32>
        %add3A_249 = arith.addi %add3A_248, %iota3A_247 : vector<16xi32>
        %shift_right_logical3A_250 = arith.constant 9 : i32
        %shift_right_logical3A_251 = vector.broadcast %shift_right_logical3A_250 : i32 to vector<16xi32>
        %shift_right_logical3A_252 = arith.shrui %add3A_249, %shift_right_logical3A_251 : vector<16xi32>
        %shift_left3A_253 = arith.constant 7 : i32
        %shift_left3A_254 = vector.broadcast %shift_left3A_253 : i32 to vector<16xi32>
        %shift_left3A_255 = arith.shli %shift_right_logical3A_252, %shift_left3A_254 : vector<16xi32>
        %and3A_256 = arith.constant 127 : i32
        %and3A_257 = vector.broadcast %and3A_256 : i32 to vector<16xi32>
        %and3A_258 = arith.andi %add3A_249, %and3A_257 : vector<16xi32>
        %or3A_259 = arith.ori %shift_left3A_255, %and3A_258 : vector<16xi32>
        %shift_right_logical3A_260 = arith.constant 7 : i32
        %shift_right_logical3A_261 = vector.broadcast %shift_right_logical3A_260 : i32 to vector<16xi32>
        %shift_right_logical3A_262 = arith.shrui %add3A_249, %shift_right_logical3A_261 : vector<16xi32>
        %and3A_263 = arith.constant 3 : i32
        %and3A_264 = vector.broadcast %and3A_263 : i32 to vector<16xi32>
        %and3A_265 = arith.andi %shift_right_logical3A_262, %and3A_264 : vector<16xi32>
        %get3A_266 = arith.index_cast %scan3A_244 : i32 to index
        %get3A_267 = arith.constant 0 : index
        %get3A_268 = tpu.vector_load %arg7[%get3A_266, %get3A_267] {strides = array<i32>} : memref<480x16xf32, #tpu.memory_space<vmem>>, vector<16xf32>,
        %mul3A_269 = arith.mulf %get3A_268, %get3A_268 : vector<16xf32>
        tpu.vector_store_idx %arg8[%or3A_259, %and3A_265], %mul3A_269 : memref<1920x4xf32, #tpu.memory_space<vmem>>[vector<16xi32>, vector<16xi32>], vector<16xf32>,
      }
      %scan3A_92 = arith.constant 480 : i32
      %gt3A = arith.constant 0 : i32
      %gt3A_93 = arith.cmpi sgt, %scan3A_71, %gt3A : i32
      %convert_element_type3A_94 = arith.extui %gt3A_93 : i1 to i32
      %cond3A_95 = arith.constant 0 : i32
      %cond3A_96 = arith.cmpi ne, %convert_element_type3A_94, %cond3A_95 : i32
      scf.if %cond3A_96 {
        %dma_wait3A_168 = arith.constant 0 : i32
        %dma_wait3A_169 = arith.constant 0 : i32
        %dma_wait3A_170 = tpu.memref_slice %arg13[%dma_wait3A_168, %dma_wait3A_169] : memref<50176x4xf32, #tpu.memory_space<vmem_shared>> -> memref<50176x4xf32, #tpu.memory_space<vmem_shared>>
        tpu.wait_indirect_dma semaphore(%arg16 : memref<!tpu.dma_semaphore, #tpu.memory_space<semaphore_mem>>) src(%arg9 : memref<1920x4xf32, #tpu.memory_space<vmem>>) dst(%dma_wait3A_170 : memref<50176x4xf32, #tpu.memory_space<vmem_shared>>)
      } else {
      }
      %dma_start3A_97 = arith.constant 0 : i32
      %dma_start3A_98 = arith.constant 0 : i32
      %dma_start3A_99 = tpu.memref_slice %arg13[%dma_start3A_97, %dma_start3A_98] : memref<50176x4xf32, #tpu.memory_space<vmem_shared>> -> memref<50176x4xf32, #tpu.memory_space<vmem_shared>>
      tpu.enqueue_indirect_dma source(%arg8 : memref<1920x4xf32, #tpu.memory_space<vmem>>) target(%dma_start3A_99 : memref<50176x4xf32, #tpu.memory_space<vmem_shared>>) offsets(%arg5 : memref<1920xi32, #tpu.memory_space<vmem>>) semaphore(%arg15 : memref<!tpu.dma_semaphore, #tpu.memory_space<semaphore_mem>>) {add = true}
      %add3A_100 = arith.constant 1 : i32
      %add3A_101 = arith.addi %mul3A_73, %add3A_100 : i32
      %mul3A_102 = arith.constant 1920 : i32
      %mul3A_103 = arith.muli %add3A_101, %mul3A_102 : i32
      %add3A_104 = arith.addi %add3A_6, %mul3A_103 : i32
      %dma_start3A_105 = arith.constant 0 : i32
      %dma_start3A_106 = tpu.memref_slice %arg2[%dma_start3A_105, %add3A_104] : memref<2x1600000xi32, #tpu.memory_space<hbm>> -> memref<1x1920xi32, #tpu.memory_space<hbm>>
      %dma_start3A_107 = tpu.memref_squeeze %dma_start3A_106 : memref<1x1920xi32, #tpu.memory_space<hbm>> -> memref<1920xi32, #tpu.memory_space<hbm>>
      %dma_start3A_108 = tpu.memref_slice %arg2[%dma_start3A_105, %add3A_104] : memref<2x1600000xi32, #tpu.memory_space<hbm>> -> memref<1x1920xi32, #tpu.memory_space<hbm>>
      %dma_start3A_109 = tpu.memref_squeeze %dma_start3A_108 : memref<1x1920xi32, #tpu.memory_space<hbm>> -> memref<1920xi32, #tpu.memory_space<hbm>>
      tpu.enqueue_dma source(%dma_start3A_109 : memref<1920xi32, #tpu.memory_space<hbm>>) target(%arg6 : memref<1920xi32, #tpu.memory_space<vmem>>) target_semaphore(%arg14 : memref<!tpu.dma_semaphore, #tpu.memory_space<semaphore_mem>>)
      %jit3A_110 = arith.constant 4 : i32
      %div3A_111 = arith.divsi %add3A_104, %jit3A_110 : i32
      %sign3A_112 = arith.constant 0 : i32
      %sign3A_113 = arith.cmpi sgt, %add3A_104, %sign3A_112 : i32
      %sign3A_114 = arith.extui %sign3A_113 : i1 to i32
      %sign3A_115 = arith.constant 0 : i32
      %sign3A_116 = arith.cmpi slt, %add3A_104, %sign3A_115 : i32
      %sign3A_117 = arith.extui %sign3A_116 : i1 to i32
      %sign3A_118 = arith.subi %sign3A_114, %sign3A_117 : i32
      %sign3A_119 = arith.constant 0 : i32
      %sign3A_120 = arith.cmpi sgt, %jit3A_110, %sign3A_119 : i32
      %sign3A_121 = arith.extui %sign3A_120 : i1 to i32
      %sign3A_122 = arith.constant 0 : i32
      %sign3A_123 = arith.cmpi slt, %jit3A_110, %sign3A_122 : i32
      %sign3A_124 = arith.extui %sign3A_123 : i1 to i32
      %sign3A_125 = arith.subi %sign3A_121, %sign3A_124 : i32
      %ne3A_126 = arith.cmpi ne, %sign3A_118, %sign3A_125 : i32
      %rem3A_127 = arith.remsi %add3A_104, %jit3A_110 : i32
      %ne3A_128 = arith.constant 0 : i32
      %ne3A_129 = arith.cmpi ne, %rem3A_127, %ne3A_128 : i32
      %and3A_130 = arith.andi %ne3A_126, %ne3A_129 : i1
      %sub3A_131 = arith.constant 1 : i32
      %sub3A_132 = arith.subi %div3A_111, %sub3A_131 : i32
      %select_n3A_133 = arith.select %and3A_130, %sub3A_132, %div3A_111 : i32
      %dma_start3A_134 = arith.constant 0 : i32
      %dma_start3A_135 = tpu.memref_slice %arg3[%select_n3A_133, %dma_start3A_134] : memref<400000x16xf32, #tpu.memory_space<hbm>> -> memref<480x16xf32, #tpu.memory_space<hbm>>
      %dma_start3A_136 = arith.constant 0 : i32
      %dma_start3A_137 = tpu.memref_slice %arg3[%select_n3A_133, %dma_start3A_136] : memref<400000x16xf32, #tpu.memory_space<hbm>> -> memref<480x16xf32, #tpu.memory_space<hbm>>
      tpu.enqueue_dma source(%dma_start3A_137 : memref<480x16xf32, #tpu.memory_space<hbm>>) target(%arg7 : memref<480x16xf32, #tpu.memory_space<vmem>>) target_semaphore(%arg14 : memref<!tpu.dma_semaphore, #tpu.memory_space<semaphore_mem>>)
      %dma_wait3A_138 = arith.constant 0 : i32
      %dma_wait3A_139 = arith.constant 0 : i32
      %dma_wait3A_140 = tpu.memref_slice %arg2[%dma_wait3A_138, %dma_wait3A_139] : memref<2x1600000xi32, #tpu.memory_space<hbm>> -> memref<1x1920xi32, #tpu.memory_space<hbm>>
      %dma_wait3A_141 = tpu.memref_squeeze %dma_wait3A_140 : memref<1x1920xi32, #tpu.memory_space<hbm>> -> memref<1920xi32, #tpu.memory_space<hbm>>
      %dma_wait3A_142 = arith.constant 0 : i32
      %dma_wait3A_143 = tpu.memref_slice %arg2[%dma_wait3A_138, %dma_wait3A_142] : memref<2x1600000xi32, #tpu.memory_space<hbm>> -> memref<1x1920xi32, #tpu.memory_space<hbm>>
      %dma_wait3A_144 = tpu.memref_squeeze %dma_wait3A_143 : memref<1x1920xi32, #tpu.memory_space<hbm>> -> memref<1920xi32, #tpu.memory_space<hbm>>
      tpu.wait_dma2 semaphore(%arg14 : memref<!tpu.dma_semaphore, #tpu.memory_space<semaphore_mem>>) src(%dma_wait3A_144 : memref<1920xi32, #tpu.memory_space<hbm>>) dst(%arg6 : memref<1920xi32, #tpu.memory_space<vmem>>)
      %dma_wait3A_145 = arith.constant 0 : i32
      %dma_wait3A_146 = arith.constant 0 : i32
      %dma_wait3A_147 = tpu.memref_slice %arg3[%dma_wait3A_145, %dma_wait3A_146] : memref<400000x16xf32, #tpu.memory_space<hbm>> -> memref<480x16xf32, #tpu.memory_space<hbm>>
      %dma_wait3A_148 = arith.constant 0 : i32
      %dma_wait3A_149 = arith.constant 0 : i32
      %dma_wait3A_150 = tpu.memref_slice %arg3[%dma_wait3A_148, %dma_wait3A_149] : memref<400000x16xf32, #tpu.memory_space<hbm>> -> memref<480x16xf32, #tpu.memory_space<hbm>>
      tpu.wait_dma2 semaphore(%arg14 : memref<!tpu.dma_semaphore, #tpu.memory_space<semaphore_mem>>) src(%dma_wait3A_150 : memref<480x16xf32, #tpu.memory_space<hbm>>) dst(%arg7 : memref<480x16xf32, #tpu.memory_space<vmem>>)
      %scan3A_151 = arith.constant 0 : i32
      %scan3A_152 = arith.constant 0 : i32
      %scan3A_153 = arith.constant 480 : i32
      %scan3A_154 = arith.addi %scan3A_152, %scan3A_153 : i32
      %scan3A_155 = arith.constant 4 : i32
      scf.for %scan3A_168 = %scan3A_152 to %scan3A_154 step %scan3A_155  : i32 {
        %mul3A_169 = arith.constant 16 : i32
        %mul3A_170 = arith.muli %scan3A_168, %mul3A_169 : i32
        %iota3A = tpu.iota {dimensions = array<i32: 0>} : vector<16xi32>
        %add3A_171 = vector.broadcast %mul3A_170 : i32 to vector<16xi32>
        %add3A_172 = arith.addi %add3A_171, %iota3A : vector<16xi32>
        %shift_right_logical3A = arith.constant 9 : i32
        %shift_right_logical3A_173 = vector.broadcast %shift_right_logical3A : i32 to vector<16xi32>
        %shift_right_logical3A_174 = arith.shrui %add3A_172, %shift_right_logical3A_173 : vector<16xi32>
        %shift_left3A = arith.constant 7 : i32
        %shift_left3A_175 = vector.broadcast %shift_left3A : i32 to vector<16xi32>
        %shift_left3A_176 = arith.shli %shift_right_logical3A_174, %shift_left3A_175 : vector<16xi32>
        %and3A_177 = arith.constant 127 : i32
        %and3A_178 = vector.broadcast %and3A_177 : i32 to vector<16xi32>
        %and3A_179 = arith.andi %add3A_172, %and3A_178 : vector<16xi32>
        %or3A = arith.ori %shift_left3A_176, %and3A_179 : vector<16xi32>
        %shift_right_logical3A_180 = arith.constant 7 : i32
        %shift_right_logical3A_181 = vector.broadcast %shift_right_logical3A_180 : i32 to vector<16xi32>
        %shift_right_logical3A_182 = arith.shrui %add3A_172, %shift_right_logical3A_181 : vector<16xi32>
        %and3A_183 = arith.constant 3 : i32
        %and3A_184 = vector.broadcast %and3A_183 : i32 to vector<16xi32>
        %and3A_185 = arith.andi %shift_right_logical3A_182, %and3A_184 : vector<16xi32>
        %get3A = arith.index_cast %scan3A_168 : i32 to index
        %get3A_186 = arith.constant 0 : index
        %get3A_187 = tpu.vector_load %arg7[%get3A, %get3A_186] {strides = array<i32>} : memref<480x16xf32, #tpu.memory_space<vmem>>, vector<16xf32>,
        %mul3A_188 = arith.mulf %get3A_187, %get3A_187 : vector<16xf32>
        tpu.vector_store_idx %arg9[%or3A, %and3A_185], %mul3A_188 : memref<1920x4xf32, #tpu.memory_space<vmem>>[vector<16xi32>, vector<16xi32>], vector<16xf32>,
        %scan3A_189 = arith.constant 1 : i32
        %scan3A_190 = arith.addi %scan3A_168, %scan3A_189 : i32
        %mul3A_191 = arith.constant 16 : i32
        %mul3A_192 = arith.muli %scan3A_190, %mul3A_191 : i32
        %iota3A_193 = tpu.iota {dimensions = array<i32: 0>} : vector<16xi32>
        %add3A_194 = vector.broadcast %mul3A_192 : i32 to vector<16xi32>
        %add3A_195 = arith.addi %add3A_194, %iota3A_193 : vector<16xi32>
        %shift_right_logical3A_196 = arith.constant 9 : i32
        %shift_right_logical3A_197 = vector.broadcast %shift_right_logical3A_196 : i32 to vector<16xi32>
        %shift_right_logical3A_198 = arith.shrui %add3A_195, %shift_right_logical3A_197 : vector<16xi32>
        %shift_left3A_199 = arith.constant 7 : i32
        %shift_left3A_200 = vector.broadcast %shift_left3A_199 : i32 to vector<16xi32>
        %shift_left3A_201 = arith.shli %shift_right_logical3A_198, %shift_left3A_200 : vector<16xi32>
        %and3A_202 = arith.constant 127 : i32
        %and3A_203 = vector.broadcast %and3A_202 : i32 to vector<16xi32>
        %and3A_204 = arith.andi %add3A_195, %and3A_203 : vector<16xi32>
        %or3A_205 = arith.ori %shift_left3A_201, %and3A_204 : vector<16xi32>
        %shift_right_logical3A_206 = arith.constant 7 : i32
        %shift_right_logical3A_207 = vector.broadcast %shift_right_logical3A_206 : i32 to vector<16xi32>
        %shift_right_logical3A_208 = arith.shrui %add3A_195, %shift_right_logical3A_207 : vector<16xi32>
        %and3A_209 = arith.constant 3 : i32
        %and3A_210 = vector.broadcast %and3A_209 : i32 to vector<16xi32>
        %and3A_211 = arith.andi %shift_right_logical3A_208, %and3A_210 : vector<16xi32>
        %get3A_212 = arith.index_cast %scan3A_190 : i32 to index
        %get3A_213 = arith.constant 0 : index
        %get3A_214 = tpu.vector_load %arg7[%get3A_212, %get3A_213] {strides = array<i32>} : memref<480x16xf32, #tpu.memory_space<vmem>>, vector<16xf32>,
        %mul3A_215 = arith.mulf %get3A_214, %get3A_214 : vector<16xf32>
        tpu.vector_store_idx %arg9[%or3A_205, %and3A_211], %mul3A_215 : memref<1920x4xf32, #tpu.memory_space<vmem>>[vector<16xi32>, vector<16xi32>], vector<16xf32>,
        %scan3A_216 = arith.constant 2 : i32
        %scan3A_217 = arith.addi %scan3A_168, %scan3A_216 : i32
        %mul3A_218 = arith.constant 16 : i32
        %mul3A_219 = arith.muli %scan3A_217, %mul3A_218 : i32
        %iota3A_220 = tpu.iota {dimensions = array<i32: 0>} : vector<16xi32>
        %add3A_221 = vector.broadcast %mul3A_219 : i32 to vector<16xi32>
        %add3A_222 = arith.addi %add3A_221, %iota3A_220 : vector<16xi32>
        %shift_right_logical3A_223 = arith.constant 9 : i32
        %shift_right_logical3A_224 = vector.broadcast %shift_right_logical3A_223 : i32 to vector<16xi32>
        %shift_right_logical3A_225 = arith.shrui %add3A_222, %shift_right_logical3A_224 : vector<16xi32>
        %shift_left3A_226 = arith.constant 7 : i32
        %shift_left3A_227 = vector.broadcast %shift_left3A_226 : i32 to vector<16xi32>
        %shift_left3A_228 = arith.shli %shift_right_logical3A_225, %shift_left3A_227 : vector<16xi32>
        %and3A_229 = arith.constant 127 : i32
        %and3A_230 = vector.broadcast %and3A_229 : i32 to vector<16xi32>
        %and3A_231 = arith.andi %add3A_222, %and3A_230 : vector<16xi32>
        %or3A_232 = arith.ori %shift_left3A_228, %and3A_231 : vector<16xi32>
        %shift_right_logical3A_233 = arith.constant 7 : i32
        %shift_right_logical3A_234 = vector.broadcast %shift_right_logical3A_233 : i32 to vector<16xi32>
        %shift_right_logical3A_235 = arith.shrui %add3A_222, %shift_right_logical3A_234 : vector<16xi32>
        %and3A_236 = arith.constant 3 : i32
        %and3A_237 = vector.broadcast %and3A_236 : i32 to vector<16xi32>
        %and3A_238 = arith.andi %shift_right_logical3A_235, %and3A_237 : vector<16xi32>
        %get3A_239 = arith.index_cast %scan3A_217 : i32 to index
        %get3A_240 = arith.constant 0 : index
        %get3A_241 = tpu.vector_load %arg7[%get3A_239, %get3A_240] {strides = array<i32>} : memref<480x16xf32, #tpu.memory_space<vmem>>, vector<16xf32>,
        %mul3A_242 = arith.mulf %get3A_241, %get3A_241 : vector<16xf32>
        tpu.vector_store_idx %arg9[%or3A_232, %and3A_238], %mul3A_242 : memref<1920x4xf32, #tpu.memory_space<vmem>>[vector<16xi32>, vector<16xi32>], vector<16xf32>,
        %scan3A_243 = arith.constant 3 : i32
        %scan3A_244 = arith.addi %scan3A_168, %scan3A_243 : i32
        %mul3A_245 = arith.constant 16 : i32
        %mul3A_246 = arith.muli %scan3A_244, %mul3A_245 : i32
        %iota3A_247 = tpu.iota {dimensions = array<i32: 0>} : vector<16xi32>
        %add3A_248 = vector.broadcast %mul3A_246 : i32 to vector<16xi32>
        %add3A_249 = arith.addi %add3A_248, %iota3A_247 : vector<16xi32>
        %shift_right_logical3A_250 = arith.constant 9 : i32
        %shift_right_logical3A_251 = vector.broadcast %shift_right_logical3A_250 : i32 to vector<16xi32>
        %shift_right_logical3A_252 = arith.shrui %add3A_249, %shift_right_logical3A_251 : vector<16xi32>
        %shift_left3A_253 = arith.constant 7 : i32
        %shift_left3A_254 = vector.broadcast %shift_left3A_253 : i32 to vector<16xi32>
        %shift_left3A_255 = arith.shli %shift_right_logical3A_252, %shift_left3A_254 : vector<16xi32>
        %and3A_256 = arith.constant 127 : i32
        %and3A_257 = vector.broadcast %and3A_256 : i32 to vector<16xi32>
        %and3A_258 = arith.andi %add3A_249, %and3A_257 : vector<16xi32>
        %or3A_259 = arith.ori %shift_left3A_255, %and3A_258 : vector<16xi32>
        %shift_right_logical3A_260 = arith.constant 7 : i32
        %shift_right_logical3A_261 = vector.broadcast %shift_right_logical3A_260 : i32 to vector<16xi32>
        %shift_right_logical3A_262 = arith.shrui %add3A_249, %shift_right_logical3A_261 : vector<16xi32>
        %and3A_263 = arith.constant 3 : i32
        %and3A_264 = vector.broadcast %and3A_263 : i32 to vector<16xi32>
        %and3A_265 = arith.andi %shift_right_logical3A_262, %and3A_264 : vector<16xi32>
        %get3A_266 = arith.index_cast %scan3A_244 : i32 to index
        %get3A_267 = arith.constant 0 : index
        %get3A_268 = tpu.vector_load %arg7[%get3A_266, %get3A_267] {strides = array<i32>} : memref<480x16xf32, #tpu.memory_space<vmem>>, vector<16xf32>,
        %mul3A_269 = arith.mulf %get3A_268, %get3A_268 : vector<16xf32>
        tpu.vector_store_idx %arg9[%or3A_259, %and3A_265], %mul3A_269 : memref<1920x4xf32, #tpu.memory_space<vmem>>[vector<16xi32>, vector<16xi32>], vector<16xf32>,
      }
      %scan3A_156 = arith.constant 480 : i32
      %dma_wait3A_157 = arith.constant 0 : i32
      %dma_wait3A_158 = arith.constant 0 : i32
      %dma_wait3A_159 = tpu.memref_slice %arg13[%dma_wait3A_157, %dma_wait3A_158] : memref<50176x4xf32, #tpu.memory_space<vmem_shared>> -> memref<50176x4xf32, #tpu.memory_space<vmem_shared>>
      tpu.wait_indirect_dma semaphore(%arg15 : memref<!tpu.dma_semaphore, #tpu.memory_space<semaphore_mem>>) src(%arg8 : memref<1920x4xf32, #tpu.memory_space<vmem>>) dst(%dma_wait3A_159 : memref<50176x4xf32, #tpu.memory_space<vmem_shared>>)
      %dma_start3A_160 = arith.constant 0 : i32
      %dma_start3A_161 = arith.constant 0 : i32
      %dma_start3A_162 = tpu.memref_slice %arg13[%dma_start3A_160, %dma_start3A_161] : memref<50176x4xf32, #tpu.memory_space<vmem_shared>> -> memref<50176x4xf32, #tpu.memory_space<vmem_shared>>
      tpu.enqueue_indirect_dma source(%arg9 : memref<1920x4xf32, #tpu.memory_space<vmem>>) target(%dma_start3A_162 : memref<50176x4xf32, #tpu.memory_space<vmem_shared>>) offsets(%arg6 : memref<1920xi32, #tpu.memory_space<vmem>>) semaphore(%arg16 : memref<!tpu.dma_semaphore, #tpu.memory_space<semaphore_mem>>) {add = true}
      %lt3A_163 = arith.constant 12 : i32
      %lt3A_164 = arith.cmpi slt, %scan3A_71, %lt3A_163 : i32
      %convert_element_type3A_165 = arith.extui %lt3A_164 : i1 to i32
      %cond3A_166 = arith.constant 0 : i32
      %cond3A_167 = arith.cmpi ne, %convert_element_type3A_165, %cond3A_166 : i32
      scf.if %cond3A_167 {
        %add3A_168 = arith.constant 2 : i32
        %add3A_169 = arith.addi %mul3A_73, %add3A_168 : i32
        %mul3A_170 = arith.constant 1920 : i32
        %mul3A_171 = arith.muli %add3A_169, %mul3A_170 : i32
        %add3A_172 = arith.addi %add3A_6, %mul3A_171 : i32
        %dma_start3A_173 = arith.constant 0 : i32
        %dma_start3A_174 = tpu.memref_slice %arg2[%dma_start3A_173, %add3A_172] : memref<2x1600000xi32, #tpu.memory_space<hbm>> -> memref<1x1920xi32, #tpu.memory_space<hbm>>
        %dma_start3A_175 = tpu.memref_squeeze %dma_start3A_174 : memref<1x1920xi32, #tpu.memory_space<hbm>> -> memref<1920xi32, #tpu.memory_space<hbm>>
        %dma_start3A_176 = tpu.memref_slice %arg2[%dma_start3A_173, %add3A_172] : memref<2x1600000xi32, #tpu.memory_space<hbm>> -> memref<1x1920xi32, #tpu.memory_space<hbm>>
        %dma_start3A_177 = tpu.memref_squeeze %dma_start3A_176 : memref<1x1920xi32, #tpu.memory_space<hbm>> -> memref<1920xi32, #tpu.memory_space<hbm>>
        tpu.enqueue_dma source(%dma_start3A_177 : memref<1920xi32, #tpu.memory_space<hbm>>) target(%arg5 : memref<1920xi32, #tpu.memory_space<vmem>>) target_semaphore(%arg14 : memref<!tpu.dma_semaphore, #tpu.memory_space<semaphore_mem>>)
        %jit3A_178 = arith.constant 4 : i32
        %div3A_179 = arith.divsi %add3A_172, %jit3A_178 : i32
        %sign3A_180 = arith.constant 0 : i32
        %sign3A_181 = arith.cmpi sgt, %add3A_172, %sign3A_180 : i32
        %sign3A_182 = arith.extui %sign3A_181 : i1 to i32
        %sign3A_183 = arith.constant 0 : i32
        %sign3A_184 = arith.cmpi slt, %add3A_172, %sign3A_183 : i32
        %sign3A_185 = arith.extui %sign3A_184 : i1 to i32
        %sign3A_186 = arith.subi %sign3A_182, %sign3A_185 : i32
        %sign3A_187 = arith.constant 0 : i32
        %sign3A_188 = arith.cmpi sgt, %jit3A_178, %sign3A_187 : i32
        %sign3A_189 = arith.extui %sign3A_188 : i1 to i32
        %sign3A_190 = arith.constant 0 : i32
        %sign3A_191 = arith.cmpi slt, %jit3A_178, %sign3A_190 : i32
        %sign3A_192 = arith.extui %sign3A_191 : i1 to i32
        %sign3A_193 = arith.subi %sign3A_189, %sign3A_192 : i32
        %ne3A_194 = arith.cmpi ne, %sign3A_186, %sign3A_193 : i32
        %rem3A_195 = arith.remsi %add3A_172, %jit3A_178 : i32
        %ne3A_196 = arith.constant 0 : i32
        %ne3A_197 = arith.cmpi ne, %rem3A_195, %ne3A_196 : i32
        %and3A_198 = arith.andi %ne3A_194, %ne3A_197 : i1
        %sub3A_199 = arith.constant 1 : i32
        %sub3A_200 = arith.subi %div3A_179, %sub3A_199 : i32
        %select_n3A_201 = arith.select %and3A_198, %sub3A_200, %div3A_179 : i32
        %dma_start3A_202 = arith.constant 0 : i32
        %dma_start3A_203 = tpu.memref_slice %arg3[%select_n3A_201, %dma_start3A_202] : memref<400000x16xf32, #tpu.memory_space<hbm>> -> memref<480x16xf32, #tpu.memory_space<hbm>>
        %dma_start3A_204 = arith.constant 0 : i32
        %dma_start3A_205 = tpu.memref_slice %arg3[%select_n3A_201, %dma_start3A_204] : memref<400000x16xf32, #tpu.memory_space<hbm>> -> memref<480x16xf32, #tpu.memory_space<hbm>>
        tpu.enqueue_dma source(%dma_start3A_205 : memref<480x16xf32, #tpu.memory_space<hbm>>) target(%arg7 : memref<480x16xf32, #tpu.memory_space<vmem>>) target_semaphore(%arg14 : memref<!tpu.dma_semaphore, #tpu.memory_space<semaphore_mem>>)
      } else {
      }
    }
    %scan3A_47 = arith.constant 13 : i32
    %dma_wait3A = arith.constant 0 : i32
    %dma_wait3A_48 = arith.constant 0 : i32
    %dma_wait3A_49 = tpu.memref_slice %arg13[%dma_wait3A, %dma_wait3A_48] : memref<50176x4xf32, #tpu.memory_space<vmem_shared>> -> memref<50176x4xf32, #tpu.memory_space<vmem_shared>>
    tpu.wait_indirect_dma semaphore(%arg16 : memref<!tpu.dma_semaphore, #tpu.memory_space<semaphore_mem>>) src(%arg9 : memref<1920x4xf32, #tpu.memory_space<vmem>>) dst(%dma_wait3A_49 : memref<50176x4xf32, #tpu.memory_space<vmem_shared>>)
    %add3A_50 = arith.constant 49920 : i32
    %add3A_51 = arith.addi %add3A_6, %add3A_50 : i32
    %lt3A = arith.constant 16 : i32
    %lt3A_52 = arith.cmpi slt, %add3A, %lt3A : i32
    %convert_element_type3A = arith.extui %lt3A_52 : i1 to i32
    %cond3A = arith.constant 0 : i32
    %cond3A_53 = arith.cmpi ne, %convert_element_type3A, %cond3A : i32
    scf.if %cond3A_53 {
      %run_scoped3A = arith.constant 0 : i32
      "tpu.region"() ({
        %run_scoped3A_101 = tpu.sem_alloc : memref<!tpu.dma_semaphore, #tpu.memory_space<semaphore_mem>>
        %dma_start3A_102 = arith.constant 0 : i32
        %dma_start3A_103 = tpu.memref_slice %arg10[%dma_start3A_102] : memref<96xi32, #tpu.memory_space<vmem>> -> memref<96xi32, #tpu.memory_space<vmem>>
        %dma_start3A_104 = tpu.memref_slice %arg2[%run_scoped3A, %add3A_51] : memref<2x1600000xi32, #tpu.memory_space<hbm>> -> memref<1x96xi32, #tpu.memory_space<hbm>>
        %dma_start3A_105 = tpu.memref_squeeze %dma_start3A_104 : memref<1x96xi32, #tpu.memory_space<hbm>> -> memref<96xi32, #tpu.memory_space<hbm>>
        %dma_start3A_106 = arith.constant 0 : i32
        %dma_start3A_107 = tpu.memref_slice %arg10[%dma_start3A_106] : memref<96xi32, #tpu.memory_space<vmem>> -> memref<96xi32, #tpu.memory_space<vmem>>
        %dma_start3A_108 = tpu.memref_slice %arg2[%run_scoped3A, %add3A_51] : memref<2x1600000xi32, #tpu.memory_space<hbm>> -> memref<1x96xi32, #tpu.memory_space<hbm>>
        %dma_start3A_109 = tpu.memref_squeeze %dma_start3A_108 : memref<1x96xi32, #tpu.memory_space<hbm>> -> memref<96xi32, #tpu.memory_space<hbm>>
        tpu.enqueue_dma source(%dma_start3A_109 : memref<96xi32, #tpu.memory_space<hbm>>) target(%dma_start3A_107 : memref<96xi32, #tpu.memory_space<vmem>>) target_semaphore(%run_scoped3A_101 : memref<!tpu.dma_semaphore, #tpu.memory_space<semaphore_mem>>)
        %dma_wait3A_110 = arith.constant 0 : i32
        %dma_wait3A_111 = tpu.memref_slice %arg10[%dma_wait3A_110] : memref<96xi32, #tpu.memory_space<vmem>> -> memref<96xi32, #tpu.memory_space<vmem>>
        %dma_wait3A_112 = tpu.memref_slice %arg2[%run_scoped3A, %add3A_51] : memref<2x1600000xi32, #tpu.memory_space<hbm>> -> memref<1x96xi32, #tpu.memory_space<hbm>>
        %dma_wait3A_113 = tpu.memref_squeeze %dma_wait3A_112 : memref<1x96xi32, #tpu.memory_space<hbm>> -> memref<96xi32, #tpu.memory_space<hbm>>
        %dma_wait3A_114 = arith.constant 0 : i32
        %dma_wait3A_115 = tpu.memref_slice %arg10[%dma_wait3A_114] : memref<96xi32, #tpu.memory_space<vmem>> -> memref<96xi32, #tpu.memory_space<vmem>>
        %dma_wait3A_116 = tpu.memref_slice %arg2[%run_scoped3A, %add3A_51] : memref<2x1600000xi32, #tpu.memory_space<hbm>> -> memref<1x96xi32, #tpu.memory_space<hbm>>
        %dma_wait3A_117 = tpu.memref_squeeze %dma_wait3A_116 : memref<1x96xi32, #tpu.memory_space<hbm>> -> memref<96xi32, #tpu.memory_space<hbm>>
        tpu.wait_dma2 semaphore(%run_scoped3A_101 : memref<!tpu.dma_semaphore, #tpu.memory_space<semaphore_mem>>) src(%dma_wait3A_117 : memref<96xi32, #tpu.memory_space<hbm>>) dst(%dma_wait3A_115 : memref<96xi32, #tpu.memory_space<vmem>>)
        tpu.yield
      }) : () -> ()
      %jit3A_71 = arith.constant 4 : i32
      %div3A_72 = arith.divsi %add3A_51, %jit3A_71 : i32
      %sign3A_73 = arith.constant 0 : i32
      %sign3A_74 = arith.cmpi sgt, %add3A_51, %sign3A_73 : i32
      %sign3A_75 = arith.extui %sign3A_74 : i1 to i32
      %sign3A_76 = arith.constant 0 : i32
      %sign3A_77 = arith.cmpi slt, %add3A_51, %sign3A_76 : i32
      %sign3A_78 = arith.extui %sign3A_77 : i1 to i32
      %sign3A_79 = arith.subi %sign3A_75, %sign3A_78 : i32
      %sign3A_80 = arith.constant 0 : i32
      %sign3A_81 = arith.cmpi sgt, %jit3A_71, %sign3A_80 : i32
      %sign3A_82 = arith.extui %sign3A_81 : i1 to i32
      %sign3A_83 = arith.constant 0 : i32
      %sign3A_84 = arith.cmpi slt, %jit3A_71, %sign3A_83 : i32
      %sign3A_85 = arith.extui %sign3A_84 : i1 to i32
      %sign3A_86 = arith.subi %sign3A_82, %sign3A_85 : i32
      %ne3A_87 = arith.cmpi ne, %sign3A_79, %sign3A_86 : i32
      %rem3A_88 = arith.remsi %add3A_51, %jit3A_71 : i32
      %ne3A_89 = arith.constant 0 : i32
      %ne3A_90 = arith.cmpi ne, %rem3A_88, %ne3A_89 : i32
      %and3A_91 = arith.andi %ne3A_87, %ne3A_90 : i1
      %sub3A_92 = arith.constant 1 : i32
      %sub3A_93 = arith.subi %div3A_72, %sub3A_92 : i32
      %select_n3A_94 = arith.select %and3A_91, %sub3A_93, %div3A_72 : i32
      "tpu.region"() ({
        %run_scoped3A_101 = tpu.sem_alloc : memref<!tpu.dma_semaphore, #tpu.memory_space<semaphore_mem>>
        %dma_start3A_102 = arith.constant 0 : i32
        %dma_start3A_103 = arith.constant 0 : i32
        %dma_start3A_104 = tpu.memref_slice %arg11[%dma_start3A_102, %dma_start3A_103] : memref<24x16xf32, #tpu.memory_space<vmem>> -> memref<24x16xf32, #tpu.memory_space<vmem>>
        %dma_start3A_105 = arith.constant 0 : i32
        %dma_start3A_106 = tpu.memref_slice %arg3[%select_n3A_94, %dma_start3A_105] : memref<400000x16xf32, #tpu.memory_space<hbm>> -> memref<24x16xf32, #tpu.memory_space<hbm>>
        %dma_start3A_107 = arith.constant 0 : i32
        %dma_start3A_108 = arith.constant 0 : i32
        %dma_start3A_109 = tpu.memref_slice %arg11[%dma_start3A_107, %dma_start3A_108] : memref<24x16xf32, #tpu.memory_space<vmem>> -> memref<24x16xf32, #tpu.memory_space<vmem>>
        %dma_start3A_110 = arith.constant 0 : i32
        %dma_start3A_111 = tpu.memref_slice %arg3[%select_n3A_94, %dma_start3A_110] : memref<400000x16xf32, #tpu.memory_space<hbm>> -> memref<24x16xf32, #tpu.memory_space<hbm>>
        tpu.enqueue_dma source(%dma_start3A_111 : memref<24x16xf32, #tpu.memory_space<hbm>>) target(%dma_start3A_109 : memref<24x16xf32, #tpu.memory_space<vmem>>) target_semaphore(%run_scoped3A_101 : memref<!tpu.dma_semaphore, #tpu.memory_space<semaphore_mem>>)
        %dma_wait3A_112 = arith.constant 0 : i32
        %dma_wait3A_113 = arith.constant 0 : i32
        %dma_wait3A_114 = tpu.memref_slice %arg11[%dma_wait3A_112, %dma_wait3A_113] : memref<24x16xf32, #tpu.memory_space<vmem>> -> memref<24x16xf32, #tpu.memory_space<vmem>>
        %dma_wait3A_115 = arith.constant 0 : i32
        %dma_wait3A_116 = tpu.memref_slice %arg3[%select_n3A_94, %dma_wait3A_115] : memref<400000x16xf32, #tpu.memory_space<hbm>> -> memref<24x16xf32, #tpu.memory_space<hbm>>
        %dma_wait3A_117 = arith.constant 0 : i32
        %dma_wait3A_118 = arith.constant 0 : i32
        %dma_wait3A_119 = tpu.memref_slice %arg11[%dma_wait3A_117, %dma_wait3A_118] : memref<24x16xf32, #tpu.memory_space<vmem>> -> memref<24x16xf32, #tpu.memory_space<vmem>>
        %dma_wait3A_120 = arith.constant 0 : i32
        %dma_wait3A_121 = tpu.memref_slice %arg3[%select_n3A_94, %dma_wait3A_120] : memref<400000x16xf32, #tpu.memory_space<hbm>> -> memref<24x16xf32, #tpu.memory_space<hbm>>
        tpu.wait_dma2 semaphore(%run_scoped3A_101 : memref<!tpu.dma_semaphore, #tpu.memory_space<semaphore_mem>>) src(%dma_wait3A_121 : memref<24x16xf32, #tpu.memory_space<hbm>>) dst(%dma_wait3A_119 : memref<24x16xf32, #tpu.memory_space<vmem>>)
        tpu.yield
      }) : () -> ()
      %scan3A_95 = arith.constant 0 : i32
      %scan3A_96 = arith.constant 0 : i32
      %scan3A_97 = arith.constant 24 : i32
      %scan3A_98 = arith.addi %scan3A_96, %scan3A_97 : i32
      %scan3A_99 = arith.constant 4 : i32
      scf.for %scan3A_101 = %scan3A_96 to %scan3A_98 step %scan3A_99  : i32 {
        %mul3A_102 = arith.constant 16 : i32
        %mul3A_103 = arith.muli %scan3A_101, %mul3A_102 : i32
        %iota3A = tpu.iota {dimensions = array<i32: 0>} : vector<16xi32>
        %add3A_104 = vector.broadcast %mul3A_103 : i32 to vector<16xi32>
        %add3A_105 = arith.addi %add3A_104, %iota3A : vector<16xi32>
        %shift_right_logical3A = arith.constant 2 : i32
        %shift_right_logical3A_106 = vector.broadcast %shift_right_logical3A : i32 to vector<16xi32>
        %shift_right_logical3A_107 = arith.shrui %add3A_105, %shift_right_logical3A_106 : vector<16xi32>
        %and3A_108 = arith.constant 3 : i32
        %and3A_109 = vector.broadcast %and3A_108 : i32 to vector<16xi32>
        %and3A_110 = arith.andi %add3A_105, %and3A_109 : vector<16xi32>
        %get3A = arith.index_cast %scan3A_101 : i32 to index
        %get3A_111 = arith.constant 0 : index
        %get3A_112 = tpu.vector_load %arg11[%get3A, %get3A_111] {strides = array<i32>} : memref<24x16xf32, #tpu.memory_space<vmem>>, vector<16xf32>,
        %mul3A_113 = arith.mulf %get3A_112, %get3A_112 : vector<16xf32>
        tpu.vector_store_idx %arg12[%shift_right_logical3A_107, %and3A_110], %mul3A_113 : memref<96x4xf32, #tpu.memory_space<vmem>>[vector<16xi32>, vector<16xi32>], vector<16xf32>,
        %scan3A_114 = arith.constant 1 : i32
        %scan3A_115 = arith.addi %scan3A_101, %scan3A_114 : i32
        %mul3A_116 = arith.constant 16 : i32
        %mul3A_117 = arith.muli %scan3A_115, %mul3A_116 : i32
        %iota3A_118 = tpu.iota {dimensions = array<i32: 0>} : vector<16xi32>
        %add3A_119 = vector.broadcast %mul3A_117 : i32 to vector<16xi32>
        %add3A_120 = arith.addi %add3A_119, %iota3A_118 : vector<16xi32>
        %shift_right_logical3A_121 = arith.constant 2 : i32
        %shift_right_logical3A_122 = vector.broadcast %shift_right_logical3A_121 : i32 to vector<16xi32>
        %shift_right_logical3A_123 = arith.shrui %add3A_120, %shift_right_logical3A_122 : vector<16xi32>
        %and3A_124 = arith.constant 3 : i32
        %and3A_125 = vector.broadcast %and3A_124 : i32 to vector<16xi32>
        %and3A_126 = arith.andi %add3A_120, %and3A_125 : vector<16xi32>
        %get3A_127 = arith.index_cast %scan3A_115 : i32 to index
        %get3A_128 = arith.constant 0 : index
        %get3A_129 = tpu.vector_load %arg11[%get3A_127, %get3A_128] {strides = array<i32>} : memref<24x16xf32, #tpu.memory_space<vmem>>, vector<16xf32>,
        %mul3A_130 = arith.mulf %get3A_129, %get3A_129 : vector<16xf32>
        tpu.vector_store_idx %arg12[%shift_right_logical3A_123, %and3A_126], %mul3A_130 : memref<96x4xf32, #tpu.memory_space<vmem>>[vector<16xi32>, vector<16xi32>], vector<16xf32>,
        %scan3A_131 = arith.constant 2 : i32
        %scan3A_132 = arith.addi %scan3A_101, %scan3A_131 : i32
        %mul3A_133 = arith.constant 16 : i32
        %mul3A_134 = arith.muli %scan3A_132, %mul3A_133 : i32
        %iota3A_135 = tpu.iota {dimensions = array<i32: 0>} : vector<16xi32>
        %add3A_136 = vector.broadcast %mul3A_134 : i32 to vector<16xi32>
        %add3A_137 = arith.addi %add3A_136, %iota3A_135 : vector<16xi32>
        %shift_right_logical3A_138 = arith.constant 2 : i32
        %shift_right_logical3A_139 = vector.broadcast %shift_right_logical3A_138 : i32 to vector<16xi32>
        %shift_right_logical3A_140 = arith.shrui %add3A_137, %shift_right_logical3A_139 : vector<16xi32>
        %and3A_141 = arith.constant 3 : i32
        %and3A_142 = vector.broadcast %and3A_141 : i32 to vector<16xi32>
        %and3A_143 = arith.andi %add3A_137, %and3A_142 : vector<16xi32>
        %get3A_144 = arith.index_cast %scan3A_132 : i32 to index
        %get3A_145 = arith.constant 0 : index
        %get3A_146 = tpu.vector_load %arg11[%get3A_144, %get3A_145] {strides = array<i32>} : memref<24x16xf32, #tpu.memory_space<vmem>>, vector<16xf32>,
        %mul3A_147 = arith.mulf %get3A_146, %get3A_146 : vector<16xf32>
        tpu.vector_store_idx %arg12[%shift_right_logical3A_140, %and3A_143], %mul3A_147 : memref<96x4xf32, #tpu.memory_space<vmem>>[vector<16xi32>, vector<16xi32>], vector<16xf32>,
        %scan3A_148 = arith.constant 3 : i32
        %scan3A_149 = arith.addi %scan3A_101, %scan3A_148 : i32
        %mul3A_150 = arith.constant 16 : i32
        %mul3A_151 = arith.muli %scan3A_149, %mul3A_150 : i32
        %iota3A_152 = tpu.iota {dimensions = array<i32: 0>} : vector<16xi32>
        %add3A_153 = vector.broadcast %mul3A_151 : i32 to vector<16xi32>
        %add3A_154 = arith.addi %add3A_153, %iota3A_152 : vector<16xi32>
        %shift_right_logical3A_155 = arith.constant 2 : i32
        %shift_right_logical3A_156 = vector.broadcast %shift_right_logical3A_155 : i32 to vector<16xi32>
        %shift_right_logical3A_157 = arith.shrui %add3A_154, %shift_right_logical3A_156 : vector<16xi32>
        %and3A_158 = arith.constant 3 : i32
        %and3A_159 = vector.broadcast %and3A_158 : i32 to vector<16xi32>
        %and3A_160 = arith.andi %add3A_154, %and3A_159 : vector<16xi32>
        %get3A_161 = arith.index_cast %scan3A_149 : i32 to index
        %get3A_162 = arith.constant 0 : index
        %get3A_163 = tpu.vector_load %arg11[%get3A_161, %get3A_162] {strides = array<i32>} : memref<24x16xf32, #tpu.memory_space<vmem>>, vector<16xf32>,
        %mul3A_164 = arith.mulf %get3A_163, %get3A_163 : vector<16xf32>
        tpu.vector_store_idx %arg12[%shift_right_logical3A_157, %and3A_160], %mul3A_164 : memref<96x4xf32, #tpu.memory_space<vmem>>[vector<16xi32>, vector<16xi32>], vector<16xf32>,
      }
      %scan3A_100 = arith.constant 24 : i32
      "tpu.region"() ({
        %run_scoped3A_101 = tpu.sem_alloc : memref<!tpu.dma_semaphore, #tpu.memory_space<semaphore_mem>>
        %dma_start3A_102 = arith.constant 0 : i32
        %dma_start3A_103 = arith.constant 0 : i32
        %dma_start3A_104 = tpu.memref_slice %arg12[%dma_start3A_102, %dma_start3A_103] : memref<96x4xf32, #tpu.memory_space<vmem>> -> memref<96x4xf32, #tpu.memory_space<vmem>>
        %dma_start3A_105 = arith.constant 0 : i32
        %dma_start3A_106 = tpu.memref_slice %arg10[%dma_start3A_105] : memref<96xi32, #tpu.memory_space<vmem>> -> memref<96xi32, #tpu.memory_space<vmem>>
        %dma_start3A_107 = arith.constant 0 : i32
        %dma_start3A_108 = arith.constant 0 : i32
        %dma_start3A_109 = tpu.memref_slice %arg13[%dma_start3A_107, %dma_start3A_108] : memref<50176x4xf32, #tpu.memory_space<vmem_shared>> -> memref<50176x4xf32, #tpu.memory_space<vmem_shared>>
        tpu.enqueue_indirect_dma source(%dma_start3A_104 : memref<96x4xf32, #tpu.memory_space<vmem>>) target(%dma_start3A_109 : memref<50176x4xf32, #tpu.memory_space<vmem_shared>>) offsets(%dma_start3A_106 : memref<96xi32, #tpu.memory_space<vmem>>) semaphore(%run_scoped3A_101 : memref<!tpu.dma_semaphore, #tpu.memory_space<semaphore_mem>>) {add = true}
        %dma_wait3A_110 = arith.constant 0 : i32
        %dma_wait3A_111 = arith.constant 0 : i32
        %dma_wait3A_112 = tpu.memref_slice %arg12[%dma_wait3A_110, %dma_wait3A_111] : memref<96x4xf32, #tpu.memory_space<vmem>> -> memref<96x4xf32, #tpu.memory_space<vmem>>
        %dma_wait3A_113 = arith.constant 0 : i32
        %dma_wait3A_114 = tpu.memref_slice %arg10[%dma_wait3A_113] : memref<96xi32, #tpu.memory_space<vmem>> -> memref<96xi32, #tpu.memory_space<vmem>>
        %dma_wait3A_115 = arith.constant 0 : i32
        %dma_wait3A_116 = arith.constant 0 : i32
        %dma_wait3A_117 = tpu.memref_slice %arg13[%dma_wait3A_115, %dma_wait3A_116] : memref<50176x4xf32, #tpu.memory_space<vmem_shared>> -> memref<50176x4xf32, #tpu.memory_space<vmem_shared>>
        tpu.wait_indirect_dma semaphore(%run_scoped3A_101 : memref<!tpu.dma_semaphore, #tpu.memory_space<semaphore_mem>>) src(%dma_wait3A_112 : memref<96x4xf32, #tpu.memory_space<vmem>>) dst(%dma_wait3A_117 : memref<50176x4xf32, #tpu.memory_space<vmem_shared>>)
        tpu.yield
      }) : () -> ()
    } else {
    }
    %ge3A = arith.constant 16 : i32
    %ge3A_54 = arith.cmpi sge, %add3A, %ge3A : i32
    %convert_element_type3A_55 = arith.extui %ge3A_54 : i1 to i32
    %cond3A_56 = arith.constant 0 : i32
    %cond3A_57 = arith.cmpi ne, %convert_element_type3A_55, %cond3A_56 : i32
    scf.if %cond3A_57 {
      %run_scoped3A = arith.constant 0 : i32
      "tpu.region"() ({
        %run_scoped3A_101 = tpu.sem_alloc : memref<!tpu.dma_semaphore, #tpu.memory_space<semaphore_mem>>
        %dma_start3A_102 = arith.constant 0 : i32
        %dma_start3A_103 = tpu.memref_slice %arg10[%dma_start3A_102] : memref<96xi32, #tpu.memory_space<vmem>> -> memref<64xi32, #tpu.memory_space<vmem>>
        %dma_start3A_104 = tpu.memref_slice %arg2[%run_scoped3A, %add3A_51] : memref<2x1600000xi32, #tpu.memory_space<hbm>> -> memref<1x64xi32, #tpu.memory_space<hbm>>
        %dma_start3A_105 = tpu.memref_squeeze %dma_start3A_104 : memref<1x64xi32, #tpu.memory_space<hbm>> -> memref<64xi32, #tpu.memory_space<hbm>>
        %dma_start3A_106 = arith.constant 0 : i32
        %dma_start3A_107 = tpu.memref_slice %arg10[%dma_start3A_106] : memref<96xi32, #tpu.memory_space<vmem>> -> memref<64xi32, #tpu.memory_space<vmem>>
        %dma_start3A_108 = tpu.memref_slice %arg2[%run_scoped3A, %add3A_51] : memref<2x1600000xi32, #tpu.memory_space<hbm>> -> memref<1x64xi32, #tpu.memory_space<hbm>>
        %dma_start3A_109 = tpu.memref_squeeze %dma_start3A_108 : memref<1x64xi32, #tpu.memory_space<hbm>> -> memref<64xi32, #tpu.memory_space<hbm>>
        tpu.enqueue_dma source(%dma_start3A_109 : memref<64xi32, #tpu.memory_space<hbm>>) target(%dma_start3A_107 : memref<64xi32, #tpu.memory_space<vmem>>) target_semaphore(%run_scoped3A_101 : memref<!tpu.dma_semaphore, #tpu.memory_space<semaphore_mem>>)
        %dma_wait3A_110 = arith.constant 0 : i32
        %dma_wait3A_111 = tpu.memref_slice %arg10[%dma_wait3A_110] : memref<96xi32, #tpu.memory_space<vmem>> -> memref<64xi32, #tpu.memory_space<vmem>>
        %dma_wait3A_112 = tpu.memref_slice %arg2[%run_scoped3A, %add3A_51] : memref<2x1600000xi32, #tpu.memory_space<hbm>> -> memref<1x64xi32, #tpu.memory_space<hbm>>
        %dma_wait3A_113 = tpu.memref_squeeze %dma_wait3A_112 : memref<1x64xi32, #tpu.memory_space<hbm>> -> memref<64xi32, #tpu.memory_space<hbm>>
        %dma_wait3A_114 = arith.constant 0 : i32
        %dma_wait3A_115 = tpu.memref_slice %arg10[%dma_wait3A_114] : memref<96xi32, #tpu.memory_space<vmem>> -> memref<64xi32, #tpu.memory_space<vmem>>
        %dma_wait3A_116 = tpu.memref_slice %arg2[%run_scoped3A, %add3A_51] : memref<2x1600000xi32, #tpu.memory_space<hbm>> -> memref<1x64xi32, #tpu.memory_space<hbm>>
        %dma_wait3A_117 = tpu.memref_squeeze %dma_wait3A_116 : memref<1x64xi32, #tpu.memory_space<hbm>> -> memref<64xi32, #tpu.memory_space<hbm>>
        tpu.wait_dma2 semaphore(%run_scoped3A_101 : memref<!tpu.dma_semaphore, #tpu.memory_space<semaphore_mem>>) src(%dma_wait3A_117 : memref<64xi32, #tpu.memory_space<hbm>>) dst(%dma_wait3A_115 : memref<64xi32, #tpu.memory_space<vmem>>)
        tpu.yield
      }) : () -> ()
      %jit3A_71 = arith.constant 4 : i32
      %div3A_72 = arith.divsi %add3A_51, %jit3A_71 : i32
      %sign3A_73 = arith.constant 0 : i32
      %sign3A_74 = arith.cmpi sgt, %add3A_51, %sign3A_73 : i32
      %sign3A_75 = arith.extui %sign3A_74 : i1 to i32
      %sign3A_76 = arith.constant 0 : i32
      %sign3A_77 = arith.cmpi slt, %add3A_51, %sign3A_76 : i32
      %sign3A_78 = arith.extui %sign3A_77 : i1 to i32
      %sign3A_79 = arith.subi %sign3A_75, %sign3A_78 : i32
      %sign3A_80 = arith.constant 0 : i32
      %sign3A_81 = arith.cmpi sgt, %jit3A_71, %sign3A_80 : i32
      %sign3A_82 = arith.extui %sign3A_81 : i1 to i32
      %sign3A_83 = arith.constant 0 : i32
      %sign3A_84 = arith.cmpi slt, %jit3A_71, %sign3A_83 : i32
      %sign3A_85 = arith.extui %sign3A_84 : i1 to i32
      %sign3A_86 = arith.subi %sign3A_82, %sign3A_85 : i32
      %ne3A_87 = arith.cmpi ne, %sign3A_79, %sign3A_86 : i32
      %rem3A_88 = arith.remsi %add3A_51, %jit3A_71 : i32
      %ne3A_89 = arith.constant 0 : i32
      %ne3A_90 = arith.cmpi ne, %rem3A_88, %ne3A_89 : i32
      %and3A_91 = arith.andi %ne3A_87, %ne3A_90 : i1
      %sub3A_92 = arith.constant 1 : i32
      %sub3A_93 = arith.subi %div3A_72, %sub3A_92 : i32
      %select_n3A_94 = arith.select %and3A_91, %sub3A_93, %div3A_72 : i32
      "tpu.region"() ({
        %run_scoped3A_101 = tpu.sem_alloc : memref<!tpu.dma_semaphore, #tpu.memory_space<semaphore_mem>>
        %dma_start3A_102 = arith.constant 0 : i32
        %dma_start3A_103 = arith.constant 0 : i32
        %dma_start3A_104 = tpu.memref_slice %arg11[%dma_start3A_102, %dma_start3A_103] : memref<24x16xf32, #tpu.memory_space<vmem>> -> memref<16x16xf32, #tpu.memory_space<vmem>>
        %dma_start3A_105 = arith.constant 0 : i32
        %dma_start3A_106 = tpu.memref_slice %arg3[%select_n3A_94, %dma_start3A_105] : memref<400000x16xf32, #tpu.memory_space<hbm>> -> memref<16x16xf32, #tpu.memory_space<hbm>>
        %dma_start3A_107 = arith.constant 0 : i32
        %dma_start3A_108 = arith.constant 0 : i32
        %dma_start3A_109 = tpu.memref_slice %arg11[%dma_start3A_107, %dma_start3A_108] : memref<24x16xf32, #tpu.memory_space<vmem>> -> memref<16x16xf32, #tpu.memory_space<vmem>>
        %dma_start3A_110 = arith.constant 0 : i32
        %dma_start3A_111 = tpu.memref_slice %arg3[%select_n3A_94, %dma_start3A_110] : memref<400000x16xf32, #tpu.memory_space<hbm>> -> memref<16x16xf32, #tpu.memory_space<hbm>>
        tpu.enqueue_dma source(%dma_start3A_111 : memref<16x16xf32, #tpu.memory_space<hbm>>) target(%dma_start3A_109 : memref<16x16xf32, #tpu.memory_space<vmem>>) target_semaphore(%run_scoped3A_101 : memref<!tpu.dma_semaphore, #tpu.memory_space<semaphore_mem>>)
        %dma_wait3A_112 = arith.constant 0 : i32
        %dma_wait3A_113 = arith.constant 0 : i32
        %dma_wait3A_114 = tpu.memref_slice %arg11[%dma_wait3A_112, %dma_wait3A_113] : memref<24x16xf32, #tpu.memory_space<vmem>> -> memref<16x16xf32, #tpu.memory_space<vmem>>
        %dma_wait3A_115 = arith.constant 0 : i32
        %dma_wait3A_116 = tpu.memref_slice %arg3[%select_n3A_94, %dma_wait3A_115] : memref<400000x16xf32, #tpu.memory_space<hbm>> -> memref<16x16xf32, #tpu.memory_space<hbm>>
        %dma_wait3A_117 = arith.constant 0 : i32
        %dma_wait3A_118 = arith.constant 0 : i32
        %dma_wait3A_119 = tpu.memref_slice %arg11[%dma_wait3A_117, %dma_wait3A_118] : memref<24x16xf32, #tpu.memory_space<vmem>> -> memref<16x16xf32, #tpu.memory_space<vmem>>
        %dma_wait3A_120 = arith.constant 0 : i32
        %dma_wait3A_121 = tpu.memref_slice %arg3[%select_n3A_94, %dma_wait3A_120] : memref<400000x16xf32, #tpu.memory_space<hbm>> -> memref<16x16xf32, #tpu.memory_space<hbm>>
        tpu.wait_dma2 semaphore(%run_scoped3A_101 : memref<!tpu.dma_semaphore, #tpu.memory_space<semaphore_mem>>) src(%dma_wait3A_121 : memref<16x16xf32, #tpu.memory_space<hbm>>) dst(%dma_wait3A_119 : memref<16x16xf32, #tpu.memory_space<vmem>>)
        tpu.yield
      }) : () -> ()
      %scan3A_95 = arith.constant 0 : i32
      %scan3A_96 = arith.constant 0 : i32
      %scan3A_97 = arith.constant 16 : i32
      %scan3A_98 = arith.addi %scan3A_96, %scan3A_97 : i32
      %scan3A_99 = arith.constant 4 : i32
      scf.for %scan3A_101 = %scan3A_96 to %scan3A_98 step %scan3A_99  : i32 {
        %mul3A_102 = arith.constant 16 : i32
        %mul3A_103 = arith.muli %scan3A_101, %mul3A_102 : i32
        %iota3A = tpu.iota {dimensions = array<i32: 0>} : vector<16xi32>
        %add3A_104 = vector.broadcast %mul3A_103 : i32 to vector<16xi32>
        %add3A_105 = arith.addi %add3A_104, %iota3A : vector<16xi32>
        %shift_right_logical3A = arith.constant 2 : i32
        %shift_right_logical3A_106 = vector.broadcast %shift_right_logical3A : i32 to vector<16xi32>
        %shift_right_logical3A_107 = arith.shrui %add3A_105, %shift_right_logical3A_106 : vector<16xi32>
        %and3A_108 = arith.constant 3 : i32
        %and3A_109 = vector.broadcast %and3A_108 : i32 to vector<16xi32>
        %and3A_110 = arith.andi %add3A_105, %and3A_109 : vector<16xi32>
        %get3A = arith.index_cast %scan3A_101 : i32 to index
        %get3A_111 = arith.constant 0 : index
        %get3A_112 = tpu.vector_load %arg11[%get3A, %get3A_111] {strides = array<i32>} : memref<24x16xf32, #tpu.memory_space<vmem>>, vector<16xf32>,
        %mul3A_113 = arith.mulf %get3A_112, %get3A_112 : vector<16xf32>
        tpu.vector_store_idx %arg12[%shift_right_logical3A_107, %and3A_110], %mul3A_113 : memref<96x4xf32, #tpu.memory_space<vmem>>[vector<16xi32>, vector<16xi32>], vector<16xf32>,
        %scan3A_114 = arith.constant 1 : i32
        %scan3A_115 = arith.addi %scan3A_101, %scan3A_114 : i32
        %mul3A_116 = arith.constant 16 : i32
        %mul3A_117 = arith.muli %scan3A_115, %mul3A_116 : i32
        %iota3A_118 = tpu.iota {dimensions = array<i32: 0>} : vector<16xi32>
        %add3A_119 = vector.broadcast %mul3A_117 : i32 to vector<16xi32>
        %add3A_120 = arith.addi %add3A_119, %iota3A_118 : vector<16xi32>
        %shift_right_logical3A_121 = arith.constant 2 : i32
        %shift_right_logical3A_122 = vector.broadcast %shift_right_logical3A_121 : i32 to vector<16xi32>
        %shift_right_logical3A_123 = arith.shrui %add3A_120, %shift_right_logical3A_122 : vector<16xi32>
        %and3A_124 = arith.constant 3 : i32
        %and3A_125 = vector.broadcast %and3A_124 : i32 to vector<16xi32>
        %and3A_126 = arith.andi %add3A_120, %and3A_125 : vector<16xi32>
        %get3A_127 = arith.index_cast %scan3A_115 : i32 to index
        %get3A_128 = arith.constant 0 : index
        %get3A_129 = tpu.vector_load %arg11[%get3A_127, %get3A_128] {strides = array<i32>} : memref<24x16xf32, #tpu.memory_space<vmem>>, vector<16xf32>,
        %mul3A_130 = arith.mulf %get3A_129, %get3A_129 : vector<16xf32>
        tpu.vector_store_idx %arg12[%shift_right_logical3A_123, %and3A_126], %mul3A_130 : memref<96x4xf32, #tpu.memory_space<vmem>>[vector<16xi32>, vector<16xi32>], vector<16xf32>,
        %scan3A_131 = arith.constant 2 : i32
        %scan3A_132 = arith.addi %scan3A_101, %scan3A_131 : i32
        %mul3A_133 = arith.constant 16 : i32
        %mul3A_134 = arith.muli %scan3A_132, %mul3A_133 : i32
        %iota3A_135 = tpu.iota {dimensions = array<i32: 0>} : vector<16xi32>
        %add3A_136 = vector.broadcast %mul3A_134 : i32 to vector<16xi32>
        %add3A_137 = arith.addi %add3A_136, %iota3A_135 : vector<16xi32>
        %shift_right_logical3A_138 = arith.constant 2 : i32
        %shift_right_logical3A_139 = vector.broadcast %shift_right_logical3A_138 : i32 to vector<16xi32>
        %shift_right_logical3A_140 = arith.shrui %add3A_137, %shift_right_logical3A_139 : vector<16xi32>
        %and3A_141 = arith.constant 3 : i32
        %and3A_142 = vector.broadcast %and3A_141 : i32 to vector<16xi32>
        %and3A_143 = arith.andi %add3A_137, %and3A_142 : vector<16xi32>
        %get3A_144 = arith.index_cast %scan3A_132 : i32 to index
        %get3A_145 = arith.constant 0 : index
        %get3A_146 = tpu.vector_load %arg11[%get3A_144, %get3A_145] {strides = array<i32>} : memref<24x16xf32, #tpu.memory_space<vmem>>, vector<16xf32>,
        %mul3A_147 = arith.mulf %get3A_146, %get3A_146 : vector<16xf32>
        tpu.vector_store_idx %arg12[%shift_right_logical3A_140, %and3A_143], %mul3A_147 : memref<96x4xf32, #tpu.memory_space<vmem>>[vector<16xi32>, vector<16xi32>], vector<16xf32>,
        %scan3A_148 = arith.constant 3 : i32
        %scan3A_149 = arith.addi %scan3A_101, %scan3A_148 : i32
        %mul3A_150 = arith.constant 16 : i32
        %mul3A_151 = arith.muli %scan3A_149, %mul3A_150 : i32
        %iota3A_152 = tpu.iota {dimensions = array<i32: 0>} : vector<16xi32>
        %add3A_153 = vector.broadcast %mul3A_151 : i32 to vector<16xi32>
        %add3A_154 = arith.addi %add3A_153, %iota3A_152 : vector<16xi32>
        %shift_right_logical3A_155 = arith.constant 2 : i32
        %shift_right_logical3A_156 = vector.broadcast %shift_right_logical3A_155 : i32 to vector<16xi32>
        %shift_right_logical3A_157 = arith.shrui %add3A_154, %shift_right_logical3A_156 : vector<16xi32>
        %and3A_158 = arith.constant 3 : i32
        %and3A_159 = vector.broadcast %and3A_158 : i32 to vector<16xi32>
        %and3A_160 = arith.andi %add3A_154, %and3A_159 : vector<16xi32>
        %get3A_161 = arith.index_cast %scan3A_149 : i32 to index
        %get3A_162 = arith.constant 0 : index
        %get3A_163 = tpu.vector_load %arg11[%get3A_161, %get3A_162] {strides = array<i32>} : memref<24x16xf32, #tpu.memory_space<vmem>>, vector<16xf32>,
        %mul3A_164 = arith.mulf %get3A_163, %get3A_163 : vector<16xf32>
        tpu.vector_store_idx %arg12[%shift_right_logical3A_157, %and3A_160], %mul3A_164 : memref<96x4xf32, #tpu.memory_space<vmem>>[vector<16xi32>, vector<16xi32>], vector<16xf32>,
      }
      %scan3A_100 = arith.constant 16 : i32
      "tpu.region"() ({
        %run_scoped3A_101 = tpu.sem_alloc : memref<!tpu.dma_semaphore, #tpu.memory_space<semaphore_mem>>
        %dma_start3A_102 = arith.constant 0 : i32
        %dma_start3A_103 = arith.constant 0 : i32
        %dma_start3A_104 = tpu.memref_slice %arg12[%dma_start3A_102, %dma_start3A_103] : memref<96x4xf32, #tpu.memory_space<vmem>> -> memref<64x4xf32, #tpu.memory_space<vmem>>
        %dma_start3A_105 = arith.constant 0 : i32
        %dma_start3A_106 = tpu.memref_slice %arg10[%dma_start3A_105] : memref<96xi32, #tpu.memory_space<vmem>> -> memref<64xi32, #tpu.memory_space<vmem>>
        %dma_start3A_107 = arith.constant 0 : i32
        %dma_start3A_108 = arith.constant 0 : i32
        %dma_start3A_109 = tpu.memref_slice %arg13[%dma_start3A_107, %dma_start3A_108] : memref<50176x4xf32, #tpu.memory_space<vmem_shared>> -> memref<50176x4xf32, #tpu.memory_space<vmem_shared>>
        tpu.enqueue_indirect_dma source(%dma_start3A_104 : memref<64x4xf32, #tpu.memory_space<vmem>>) target(%dma_start3A_109 : memref<50176x4xf32, #tpu.memory_space<vmem_shared>>) offsets(%dma_start3A_106 : memref<64xi32, #tpu.memory_space<vmem>>) semaphore(%run_scoped3A_101 : memref<!tpu.dma_semaphore, #tpu.memory_space<semaphore_mem>>) {add = true}
        %dma_wait3A_110 = arith.constant 0 : i32
        %dma_wait3A_111 = arith.constant 0 : i32
        %dma_wait3A_112 = tpu.memref_slice %arg12[%dma_wait3A_110, %dma_wait3A_111] : memref<96x4xf32, #tpu.memory_space<vmem>> -> memref<64x4xf32, #tpu.memory_space<vmem>>
        %dma_wait3A_113 = arith.constant 0 : i32
        %dma_wait3A_114 = tpu.memref_slice %arg10[%dma_wait3A_113] : memref<96xi32, #tpu.memory_space<vmem>> -> memref<64xi32, #tpu.memory_space<vmem>>
        %dma_wait3A_115 = arith.constant 0 : i32
        %dma_wait3A_116 = arith.constant 0 : i32
        %dma_wait3A_117 = tpu.memref_slice %arg13[%dma_wait3A_115, %dma_wait3A_116] : memref<50176x4xf32, #tpu.memory_space<vmem_shared>> -> memref<50176x4xf32, #tpu.memory_space<vmem_shared>>
        tpu.wait_indirect_dma semaphore(%run_scoped3A_101 : memref<!tpu.dma_semaphore, #tpu.memory_space<semaphore_mem>>) src(%dma_wait3A_112 : memref<64x4xf32, #tpu.memory_space<vmem>>) dst(%dma_wait3A_117 : memref<50176x4xf32, #tpu.memory_space<vmem_shared>>)
        tpu.yield
      }) : () -> ()
    } else {
    }
    %barrier3A_58 = arith.constant 0 : index
    tpu.barrier barrier_id(%barrier3A_58)
    %mul3A_59 = arith.constant 3136 : i32
    %mul3A_60 = arith.muli %arg1, %mul3A_59 : i32
    "tpu.region"() ({
      %run_scoped3A = tpu.sem_alloc : memref<!tpu.dma_semaphore, #tpu.memory_space<semaphore_mem>>
      %dma_start3A_71 = arith.constant 0 : i32
      %dma_start3A_72 = tpu.memref_slice %arg13[%mul3A_60, %dma_start3A_71] : memref<50176x4xf32, #tpu.memory_space<vmem_shared>> -> memref<1920x4xf32, #tpu.memory_space<vmem_shared>>
      %dma_start3A_73 = arith.constant 0 : i32
      %dma_start3A_74 = tpu.memref_slice %arg13[%mul3A_60, %dma_start3A_73] : memref<50176x4xf32, #tpu.memory_space<vmem_shared>> -> memref<1920x4xf32, #tpu.memory_space<vmem_shared>>
      tpu.enqueue_dma source(%dma_start3A_74 : memref<1920x4xf32, #tpu.memory_space<vmem_shared>>) target(%arg8 : memref<1920x4xf32, #tpu.memory_space<vmem>>) target_semaphore(%run_scoped3A : memref<!tpu.dma_semaphore, #tpu.memory_space<semaphore_mem>>)
      %dma_wait3A_75 = arith.constant 0 : i32
      %dma_wait3A_76 = tpu.memref_slice %arg13[%mul3A_60, %dma_wait3A_75] : memref<50176x4xf32, #tpu.memory_space<vmem_shared>> -> memref<1920x4xf32, #tpu.memory_space<vmem_shared>>
      %dma_wait3A_77 = arith.constant 0 : i32
      %dma_wait3A_78 = tpu.memref_slice %arg13[%mul3A_60, %dma_wait3A_77] : memref<50176x4xf32, #tpu.memory_space<vmem_shared>> -> memref<1920x4xf32, #tpu.memory_space<vmem_shared>>
      tpu.wait_dma2 semaphore(%run_scoped3A : memref<!tpu.dma_semaphore, #tpu.memory_space<semaphore_mem>>) src(%dma_wait3A_78 : memref<1920x4xf32, #tpu.memory_space<vmem_shared>>) dst(%arg8 : memref<1920x4xf32, #tpu.memory_space<vmem>>)
      tpu.yield
    }) : () -> ()
    %mul3A_61 = arith.constant 3136 : i32
    %mul3A_62 = arith.muli %arg1, %mul3A_61 : i32
    "tpu.region"() ({
      %run_scoped3A = tpu.sem_alloc : memref<!tpu.dma_semaphore, #tpu.memory_space<semaphore_mem>>
      %dma_start3A_71 = arith.constant 0 : i32
      %dma_start3A_72 = tpu.memref_slice %arg4[%arg0, %mul3A_62, %dma_start3A_71] : memref<2x50176x4xf32, #tpu.memory_space<hbm>> -> memref<1x1920x4xf32, #tpu.memory_space<hbm>>
      %dma_start3A_73 = tpu.memref_squeeze %dma_start3A_72 : memref<1x1920x4xf32, #tpu.memory_space<hbm>> -> memref<1920x4xf32, #tpu.memory_space<hbm>>
      %dma_start3A_74 = arith.constant 0 : i32
      %dma_start3A_75 = tpu.memref_slice %arg4[%arg0, %mul3A_62, %dma_start3A_74] : memref<2x50176x4xf32, #tpu.memory_space<hbm>> -> memref<1x1920x4xf32, #tpu.memory_space<hbm>>
      %dma_start3A_76 = tpu.memref_squeeze %dma_start3A_75 : memref<1x1920x4xf32, #tpu.memory_space<hbm>> -> memref<1920x4xf32, #tpu.memory_space<hbm>>
      tpu.enqueue_dma source(%arg8 : memref<1920x4xf32, #tpu.memory_space<vmem>>) target(%dma_start3A_76 : memref<1920x4xf32, #tpu.memory_space<hbm>>) target_semaphore(%run_scoped3A : memref<!tpu.dma_semaphore, #tpu.memory_space<semaphore_mem>>)
      %dma_wait3A_77 = arith.constant 0 : i32
      %dma_wait3A_78 = tpu.memref_slice %arg4[%arg0, %mul3A_62, %dma_wait3A_77] : memref<2x50176x4xf32, #tpu.memory_space<hbm>> -> memref<1x1920x4xf32, #tpu.memory_space<hbm>>
      %dma_wait3A_79 = tpu.memref_squeeze %dma_wait3A_78 : memref<1x1920x4xf32, #tpu.memory_space<hbm>> -> memref<1920x4xf32, #tpu.memory_space<hbm>>
      %dma_wait3A_80 = arith.constant 0 : i32
      %dma_wait3A_81 = tpu.memref_slice %arg4[%arg0, %mul3A_62, %dma_wait3A_80] : memref<2x50176x4xf32, #tpu.memory_space<hbm>> -> memref<1x1920x4xf32, #tpu.memory_space<hbm>>
      %dma_wait3A_82 = tpu.memref_squeeze %dma_wait3A_81 : memref<1x1920x4xf32, #tpu.memory_space<hbm>> -> memref<1920x4xf32, #tpu.memory_space<hbm>>
      tpu.wait_dma2 semaphore(%run_scoped3A : memref<!tpu.dma_semaphore, #tpu.memory_space<semaphore_mem>>) src(%arg8 : memref<1920x4xf32, #tpu.memory_space<vmem>>) dst(%dma_wait3A_82 : memref<1920x4xf32, #tpu.memory_space<hbm>>)
      tpu.yield
    }) : () -> ()
    %mul3A_63 = arith.constant 3136 : i32
    %mul3A_64 = arith.muli %arg1, %mul3A_63 : i32
    %add3A_65 = arith.constant 1920 : i32
    %add3A_66 = arith.addi %mul3A_64, %add3A_65 : i32
    "tpu.region"() ({
      %run_scoped3A = tpu.sem_alloc : memref<!tpu.dma_semaphore, #tpu.memory_space<semaphore_mem>>
      %dma_start3A_71 = arith.constant 0 : i32
      %dma_start3A_72 = arith.constant 0 : i32
      %dma_start3A_73 = tpu.memref_slice %arg9[%dma_start3A_71, %dma_start3A_72] : memref<1920x4xf32, #tpu.memory_space<vmem>> -> memref<1216x4xf32, #tpu.memory_space<vmem>>
      %dma_start3A_74 = arith.constant 0 : i32
      %dma_start3A_75 = tpu.memref_slice %arg13[%add3A_66, %dma_start3A_74] : memref<50176x4xf32, #tpu.memory_space<vmem_shared>> -> memref<1216x4xf32, #tpu.memory_space<vmem_shared>>
      %dma_start3A_76 = arith.constant 0 : i32
      %dma_start3A_77 = arith.constant 0 : i32
      %dma_start3A_78 = tpu.memref_slice %arg9[%dma_start3A_76, %dma_start3A_77] : memref<1920x4xf32, #tpu.memory_space<vmem>> -> memref<1216x4xf32, #tpu.memory_space<vmem>>
      %dma_start3A_79 = arith.constant 0 : i32
      %dma_start3A_80 = tpu.memref_slice %arg13[%add3A_66, %dma_start3A_79] : memref<50176x4xf32, #tpu.memory_space<vmem_shared>> -> memref<1216x4xf32, #tpu.memory_space<vmem_shared>>
      tpu.enqueue_dma source(%dma_start3A_80 : memref<1216x4xf32, #tpu.memory_space<vmem_shared>>) target(%dma_start3A_78 : memref<1216x4xf32, #tpu.memory_space<vmem>>) target_semaphore(%run_scoped3A : memref<!tpu.dma_semaphore, #tpu.memory_space<semaphore_mem>>)
      %dma_wait3A_81 = arith.constant 0 : i32
      %dma_wait3A_82 = arith.constant 0 : i32
      %dma_wait3A_83 = tpu.memref_slice %arg9[%dma_wait3A_81, %dma_wait3A_82] : memref<1920x4xf32, #tpu.memory_space<vmem>> -> memref<1216x4xf32, #tpu.memory_space<vmem>>
      %dma_wait3A_84 = arith.constant 0 : i32
      %dma_wait3A_85 = tpu.memref_slice %arg13[%add3A_66, %dma_wait3A_84] : memref<50176x4xf32, #tpu.memory_space<vmem_shared>> -> memref<1216x4xf32, #tpu.memory_space<vmem_shared>>
      %dma_wait3A_86 = arith.constant 0 : i32
      %dma_wait3A_87 = arith.constant 0 : i32
      %dma_wait3A_88 = tpu.memref_slice %arg9[%dma_wait3A_86, %dma_wait3A_87] : memref<1920x4xf32, #tpu.memory_space<vmem>> -> memref<1216x4xf32, #tpu.memory_space<vmem>>
      %dma_wait3A_89 = arith.constant 0 : i32
      %dma_wait3A_90 = tpu.memref_slice %arg13[%add3A_66, %dma_wait3A_89] : memref<50176x4xf32, #tpu.memory_space<vmem_shared>> -> memref<1216x4xf32, #tpu.memory_space<vmem_shared>>
      tpu.wait_dma2 semaphore(%run_scoped3A : memref<!tpu.dma_semaphore, #tpu.memory_space<semaphore_mem>>) src(%dma_wait3A_90 : memref<1216x4xf32, #tpu.memory_space<vmem_shared>>) dst(%dma_wait3A_88 : memref<1216x4xf32, #tpu.memory_space<vmem>>)
      tpu.yield
    }) : () -> ()
    %mul3A_67 = arith.constant 3136 : i32
    %mul3A_68 = arith.muli %arg1, %mul3A_67 : i32
    %add3A_69 = arith.constant 1920 : i32
    %add3A_70 = arith.addi %mul3A_68, %add3A_69 : i32
    "tpu.region"() ({
      %run_scoped3A = tpu.sem_alloc : memref<!tpu.dma_semaphore, #tpu.memory_space<semaphore_mem>>
      %dma_start3A_71 = arith.constant 0 : i32
      %dma_start3A_72 = arith.constant 0 : i32
      %dma_start3A_73 = tpu.memref_slice %arg9[%dma_start3A_71, %dma_start3A_72] : memref<1920x4xf32, #tpu.memory_space<vmem>> -> memref<1216x4xf32, #tpu.memory_space<vmem>>
      %dma_start3A_74 = arith.constant 0 : i32
      %dma_start3A_75 = tpu.memref_slice %arg4[%arg0, %add3A_70, %dma_start3A_74] : memref<2x50176x4xf32, #tpu.memory_space<hbm>> -> memref<1x1216x4xf32, #tpu.memory_space<hbm>>
      %dma_start3A_76 = tpu.memref_squeeze %dma_start3A_75 : memref<1x1216x4xf32, #tpu.memory_space<hbm>> -> memref<1216x4xf32, #tpu.memory_space<hbm>>
      %dma_start3A_77 = arith.constant 0 : i32
      %dma_start3A_78 = tpu.memref_slice %arg4[%arg0, %add3A_70, %dma_start3A_77] : memref<2x50176x4xf32, #tpu.memory_space<hbm>> -> memref<1x1216x4xf32, #tpu.memory_space<hbm>>
      %dma_start3A_79 = tpu.memref_squeeze %dma_start3A_78 : memref<1x1216x4xf32, #tpu.memory_space<hbm>> -> memref<1216x4xf32, #tpu.memory_space<hbm>>
      %dma_start3A_80 = arith.constant 0 : i32
      %dma_start3A_81 = arith.constant 0 : i32
      %dma_start3A_82 = tpu.memref_slice %arg9[%dma_start3A_80, %dma_start3A_81] : memref<1920x4xf32, #tpu.memory_space<vmem>> -> memref<1216x4xf32, #tpu.memory_space<vmem>>
      tpu.enqueue_dma source(%dma_start3A_82 : memref<1216x4xf32, #tpu.memory_space<vmem>>) target(%dma_start3A_79 : memref<1216x4xf32, #tpu.memory_space<hbm>>) target_semaphore(%run_scoped3A : memref<!tpu.dma_semaphore, #tpu.memory_space<semaphore_mem>>)
      %dma_wait3A_83 = arith.constant 0 : i32
      %dma_wait3A_84 = arith.constant 0 : i32
      %dma_wait3A_85 = tpu.memref_slice %arg9[%dma_wait3A_83, %dma_wait3A_84] : memref<1920x4xf32, #tpu.memory_space<vmem>> -> memref<1216x4xf32, #tpu.memory_space<vmem>>
      %dma_wait3A_86 = arith.constant 0 : i32
      %dma_wait3A_87 = tpu.memref_slice %arg4[%arg0, %add3A_70, %dma_wait3A_86] : memref<2x50176x4xf32, #tpu.memory_space<hbm>> -> memref<1x1216x4xf32, #tpu.memory_space<hbm>>
      %dma_wait3A_88 = tpu.memref_squeeze %dma_wait3A_87 : memref<1x1216x4xf32, #tpu.memory_space<hbm>> -> memref<1216x4xf32, #tpu.memory_space<hbm>>
      %dma_wait3A_89 = arith.constant 0 : i32
      %dma_wait3A_90 = tpu.memref_slice %arg4[%arg0, %add3A_70, %dma_wait3A_89] : memref<2x50176x4xf32, #tpu.memory_space<hbm>> -> memref<1x1216x4xf32, #tpu.memory_space<hbm>>
      %dma_wait3A_91 = tpu.memref_squeeze %dma_wait3A_90 : memref<1x1216x4xf32, #tpu.memory_space<hbm>> -> memref<1216x4xf32, #tpu.memory_space<hbm>>
      %dma_wait3A_92 = arith.constant 0 : i32
      %dma_wait3A_93 = arith.constant 0 : i32
      %dma_wait3A_94 = tpu.memref_slice %arg9[%dma_wait3A_92, %dma_wait3A_93] : memref<1920x4xf32, #tpu.memory_space<vmem>> -> memref<1216x4xf32, #tpu.memory_space<vmem>>
      tpu.wait_dma2 semaphore(%run_scoped3A : memref<!tpu.dma_semaphore, #tpu.memory_space<semaphore_mem>>) src(%dma_wait3A_94 : memref<1216x4xf32, #tpu.memory_space<vmem>>) dst(%dma_wait3A_91 : memref<1216x4xf32, #tpu.memory_space<hbm>>)
      tpu.yield
    }) : () -> ()
    return
  }
}

#map = affine_map<(d0, d1) -> (0, 0)>
module attributes {stable_mosaic.version = 14 : i64} {
  func.func @_gather_body(%arg0: i32, %arg1: i32, %arg2: memref<2x1600000xi32, #tpu.memory_space<hbm>>, %arg3: memref<400000x16xf32, #tpu.memory_space<hbm>>, %arg4: memref<50176x8xf32, #tpu.memory_space<hbm>>, %arg5: memref<200000x16xf32, #tpu.memory_space<hbm>>, %arg6: memref<2x1664xi32, #tpu.memory_space<vmem>>, %arg7: memref<2x1664xi32, #tpu.memory_space<vmem>>, %arg8: memref<1664x8xf32, #tpu.memory_space<vmem>>, %arg9: memref<1664x8xf32, #tpu.memory_space<vmem>>, %arg10: memref<1664x8xf32, #tpu.memory_space<vmem>>, %arg11: memref<1664x8xf32, #tpu.memory_space<vmem>>, %arg12: memref<416x16xf32, #tpu.memory_space<vmem>>, %arg13: memref<416x16xf32, #tpu.memory_space<vmem>>, %arg14: memref<416x16xf32, #tpu.memory_space<vmem>>, %arg15: memref<416x16xf32, #tpu.memory_space<vmem>>, %arg16: memref<416x16xf32, #tpu.memory_space<vmem>>, %arg17: memref<416x16xf32, #tpu.memory_space<vmem>>, %arg18: memref<2x64xi32, #tpu.memory_space<vmem>>, %arg19: memref<!tpu.dma_semaphore, #tpu.memory_space<semaphore_mem>>, %arg20: memref<!tpu.dma_semaphore, #tpu.memory_space<semaphore_mem>>, %arg21: memref<!tpu.dma_semaphore, #tpu.memory_space<semaphore_mem>>, %arg22: memref<!tpu.dma_semaphore, #tpu.memory_space<semaphore_mem>>, %arg23: memref<!tpu.dma_semaphore, #tpu.memory_space<semaphore_mem>>, %arg24: memref<!tpu.dma_semaphore, #tpu.memory_space<semaphore_mem>>) attributes {dimension_semantics = [#tpu.dimension_semantics<core_parallel>, #tpu.dimension_semantics<subcore_parallel>], iteration_bounds = array<i64: 2, 16>, scalar_prefetch = 0 : i64, scratch_operands = 19 : i64, tpu.core_type = #tpu.core_type<sc_vector_subcore>, window_params = [{transform_indices = #map}, {transform_indices = #map}, {transform_indices = #map}, {transform_indices = #map}]} {
    %mul3A = arith.constant 2 : i32
    %mul3A_0 = arith.muli %arg1, %mul3A : i32
    %add3A = arith.addi %mul3A_0, %arg0 : i32
    %mul3A_1 = arith.constant 24992 : i32
    %mul3A_2 = arith.muli %add3A, %mul3A_1 : i32
    %min3A = arith.constant 8 : i32
    %min3A_3 = arith.minsi %add3A, %min3A : i32
    %mul3A_4 = arith.constant 32 : i32
    %mul3A_5 = arith.muli %mul3A_4, %min3A_3 : i32
    %add3A_6 = arith.addi %mul3A_2, %mul3A_5 : i32
    %run_scoped3A = arith.constant 0 : i32
    %run_scoped3A_7 = arith.constant 0 : i32
    "tpu.region"() ({
      %run_scoped3A_191 = tpu.sem_alloc : memref<!tpu.dma_semaphore, #tpu.memory_space<semaphore_mem>>
      %dma_start3A_192 = arith.constant 0 : i32
      %dma_start3A_193 = tpu.memref_slice %arg6[%run_scoped3A_7, %dma_start3A_192] : memref<2x1664xi32, #tpu.memory_space<vmem>> -> memref<1x1664xi32, #tpu.memory_space<vmem>>
      %dma_start3A_194 = tpu.memref_squeeze %dma_start3A_193 : memref<1x1664xi32, #tpu.memory_space<vmem>> -> memref<1664xi32, #tpu.memory_space<vmem>>
      %dma_start3A_195 = tpu.memref_slice %arg2[%run_scoped3A, %add3A_6] : memref<2x1600000xi32, #tpu.memory_space<hbm>> -> memref<1x1664xi32, #tpu.memory_space<hbm>>
      %dma_start3A_196 = tpu.memref_squeeze %dma_start3A_195 : memref<1x1664xi32, #tpu.memory_space<hbm>> -> memref<1664xi32, #tpu.memory_space<hbm>>
      %dma_start3A_197 = arith.constant 0 : i32
      %dma_start3A_198 = tpu.memref_slice %arg6[%run_scoped3A_7, %dma_start3A_197] : memref<2x1664xi32, #tpu.memory_space<vmem>> -> memref<1x1664xi32, #tpu.memory_space<vmem>>
      %dma_start3A_199 = tpu.memref_squeeze %dma_start3A_198 : memref<1x1664xi32, #tpu.memory_space<vmem>> -> memref<1664xi32, #tpu.memory_space<vmem>>
      %dma_start3A_200 = tpu.memref_slice %arg2[%run_scoped3A, %add3A_6] : memref<2x1600000xi32, #tpu.memory_space<hbm>> -> memref<1x1664xi32, #tpu.memory_space<hbm>>
      %dma_start3A_201 = tpu.memref_squeeze %dma_start3A_200 : memref<1x1664xi32, #tpu.memory_space<hbm>> -> memref<1664xi32, #tpu.memory_space<hbm>>
      tpu.enqueue_dma source(%dma_start3A_201 : memref<1664xi32, #tpu.memory_space<hbm>>) target(%dma_start3A_199 : memref<1664xi32, #tpu.memory_space<vmem>>) target_semaphore(%run_scoped3A_191 : memref<!tpu.dma_semaphore, #tpu.memory_space<semaphore_mem>>)
      %dma_wait3A_202 = arith.constant 0 : i32
      %dma_wait3A_203 = tpu.memref_slice %arg6[%run_scoped3A_7, %dma_wait3A_202] : memref<2x1664xi32, #tpu.memory_space<vmem>> -> memref<1x1664xi32, #tpu.memory_space<vmem>>
      %dma_wait3A_204 = tpu.memref_squeeze %dma_wait3A_203 : memref<1x1664xi32, #tpu.memory_space<vmem>> -> memref<1664xi32, #tpu.memory_space<vmem>>
      %dma_wait3A_205 = tpu.memref_slice %arg2[%run_scoped3A, %add3A_6] : memref<2x1600000xi32, #tpu.memory_space<hbm>> -> memref<1x1664xi32, #tpu.memory_space<hbm>>
      %dma_wait3A_206 = tpu.memref_squeeze %dma_wait3A_205 : memref<1x1664xi32, #tpu.memory_space<hbm>> -> memref<1664xi32, #tpu.memory_space<hbm>>
      %dma_wait3A_207 = arith.constant 0 : i32
      %dma_wait3A_208 = tpu.memref_slice %arg6[%run_scoped3A_7, %dma_wait3A_207] : memref<2x1664xi32, #tpu.memory_space<vmem>> -> memref<1x1664xi32, #tpu.memory_space<vmem>>
      %dma_wait3A_209 = tpu.memref_squeeze %dma_wait3A_208 : memref<1x1664xi32, #tpu.memory_space<vmem>> -> memref<1664xi32, #tpu.memory_space<vmem>>
      %dma_wait3A_210 = tpu.memref_slice %arg2[%run_scoped3A, %add3A_6] : memref<2x1600000xi32, #tpu.memory_space<hbm>> -> memref<1x1664xi32, #tpu.memory_space<hbm>>
      %dma_wait3A_211 = tpu.memref_squeeze %dma_wait3A_210 : memref<1x1664xi32, #tpu.memory_space<hbm>> -> memref<1664xi32, #tpu.memory_space<hbm>>
      tpu.wait_dma2 semaphore(%run_scoped3A_191 : memref<!tpu.dma_semaphore, #tpu.memory_space<semaphore_mem>>) src(%dma_wait3A_211 : memref<1664xi32, #tpu.memory_space<hbm>>) dst(%dma_wait3A_209 : memref<1664xi32, #tpu.memory_space<vmem>>)
      tpu.yield
    }) : () -> ()
    %run_scoped3A_8 = arith.constant 1 : i32
    %run_scoped3A_9 = arith.constant 1 : i32
    "tpu.region"() ({
      %run_scoped3A_191 = tpu.sem_alloc : memref<!tpu.dma_semaphore, #tpu.memory_space<semaphore_mem>>
      %dma_start3A_192 = arith.constant 0 : i32
      %dma_start3A_193 = tpu.memref_slice %arg6[%run_scoped3A_9, %dma_start3A_192] : memref<2x1664xi32, #tpu.memory_space<vmem>> -> memref<1x1664xi32, #tpu.memory_space<vmem>>
      %dma_start3A_194 = tpu.memref_squeeze %dma_start3A_193 : memref<1x1664xi32, #tpu.memory_space<vmem>> -> memref<1664xi32, #tpu.memory_space<vmem>>
      %dma_start3A_195 = tpu.memref_slice %arg2[%run_scoped3A_8, %add3A_6] : memref<2x1600000xi32, #tpu.memory_space<hbm>> -> memref<1x1664xi32, #tpu.memory_space<hbm>>
      %dma_start3A_196 = tpu.memref_squeeze %dma_start3A_195 : memref<1x1664xi32, #tpu.memory_space<hbm>> -> memref<1664xi32, #tpu.memory_space<hbm>>
      %dma_start3A_197 = arith.constant 0 : i32
      %dma_start3A_198 = tpu.memref_slice %arg6[%run_scoped3A_9, %dma_start3A_197] : memref<2x1664xi32, #tpu.memory_space<vmem>> -> memref<1x1664xi32, #tpu.memory_space<vmem>>
      %dma_start3A_199 = tpu.memref_squeeze %dma_start3A_198 : memref<1x1664xi32, #tpu.memory_space<vmem>> -> memref<1664xi32, #tpu.memory_space<vmem>>
      %dma_start3A_200 = tpu.memref_slice %arg2[%run_scoped3A_8, %add3A_6] : memref<2x1600000xi32, #tpu.memory_space<hbm>> -> memref<1x1664xi32, #tpu.memory_space<hbm>>
      %dma_start3A_201 = tpu.memref_squeeze %dma_start3A_200 : memref<1x1664xi32, #tpu.memory_space<hbm>> -> memref<1664xi32, #tpu.memory_space<hbm>>
      tpu.enqueue_dma source(%dma_start3A_201 : memref<1664xi32, #tpu.memory_space<hbm>>) target(%dma_start3A_199 : memref<1664xi32, #tpu.memory_space<vmem>>) target_semaphore(%run_scoped3A_191 : memref<!tpu.dma_semaphore, #tpu.memory_space<semaphore_mem>>)
      %dma_wait3A_202 = arith.constant 0 : i32
      %dma_wait3A_203 = tpu.memref_slice %arg6[%run_scoped3A_9, %dma_wait3A_202] : memref<2x1664xi32, #tpu.memory_space<vmem>> -> memref<1x1664xi32, #tpu.memory_space<vmem>>
      %dma_wait3A_204 = tpu.memref_squeeze %dma_wait3A_203 : memref<1x1664xi32, #tpu.memory_space<vmem>> -> memref<1664xi32, #tpu.memory_space<vmem>>
      %dma_wait3A_205 = tpu.memref_slice %arg2[%run_scoped3A_8, %add3A_6] : memref<2x1600000xi32, #tpu.memory_space<hbm>> -> memref<1x1664xi32, #tpu.memory_space<hbm>>
      %dma_wait3A_206 = tpu.memref_squeeze %dma_wait3A_205 : memref<1x1664xi32, #tpu.memory_space<hbm>> -> memref<1664xi32, #tpu.memory_space<hbm>>
      %dma_wait3A_207 = arith.constant 0 : i32
      %dma_wait3A_208 = tpu.memref_slice %arg6[%run_scoped3A_9, %dma_wait3A_207] : memref<2x1664xi32, #tpu.memory_space<vmem>> -> memref<1x1664xi32, #tpu.memory_space<vmem>>
      %dma_wait3A_209 = tpu.memref_squeeze %dma_wait3A_208 : memref<1x1664xi32, #tpu.memory_space<vmem>> -> memref<1664xi32, #tpu.memory_space<vmem>>
      %dma_wait3A_210 = tpu.memref_slice %arg2[%run_scoped3A_8, %add3A_6] : memref<2x1600000xi32, #tpu.memory_space<hbm>> -> memref<1x1664xi32, #tpu.memory_space<hbm>>
      %dma_wait3A_211 = tpu.memref_squeeze %dma_wait3A_210 : memref<1x1664xi32, #tpu.memory_space<hbm>> -> memref<1664xi32, #tpu.memory_space<hbm>>
      tpu.wait_dma2 semaphore(%run_scoped3A_191 : memref<!tpu.dma_semaphore, #tpu.memory_space<semaphore_mem>>) src(%dma_wait3A_211 : memref<1664xi32, #tpu.memory_space<hbm>>) dst(%dma_wait3A_209 : memref<1664xi32, #tpu.memory_space<vmem>>)
      tpu.yield
    }) : () -> ()
    %dma_start3A = arith.constant 0 : i32
    %dma_start3A_10 = arith.constant 0 : i32
    %dma_start3A_11 = tpu.memref_slice %arg6[%dma_start3A, %dma_start3A_10] : memref<2x1664xi32, #tpu.memory_space<vmem>> -> memref<1x1664xi32, #tpu.memory_space<vmem>>
    %dma_start3A_12 = tpu.memref_squeeze %dma_start3A_11 : memref<1x1664xi32, #tpu.memory_space<vmem>> -> memref<1664xi32, #tpu.memory_space<vmem>>
    %dma_start3A_13 = arith.constant 0 : i32
    %dma_start3A_14 = arith.constant 0 : i32
    %dma_start3A_15 = tpu.memref_slice %arg4[%dma_start3A_13, %dma_start3A_14] : memref<50176x8xf32, #tpu.memory_space<hbm>> -> memref<50176x8xf32, #tpu.memory_space<hbm>>
    tpu.enqueue_indirect_dma source(%dma_start3A_15 : memref<50176x8xf32, #tpu.memory_space<hbm>>) target(%arg8 : memref<1664x8xf32, #tpu.memory_space<vmem>>) offsets(%dma_start3A_12 : memref<1664xi32, #tpu.memory_space<vmem>>) semaphore(%arg20 : memref<!tpu.dma_semaphore, #tpu.memory_space<semaphore_mem>>)
    %dma_start3A_16 = arith.constant 1 : i32
    %dma_start3A_17 = arith.constant 0 : i32
    %dma_start3A_18 = tpu.memref_slice %arg6[%dma_start3A_16, %dma_start3A_17] : memref<2x1664xi32, #tpu.memory_space<vmem>> -> memref<1x1664xi32, #tpu.memory_space<vmem>>
    %dma_start3A_19 = tpu.memref_squeeze %dma_start3A_18 : memref<1x1664xi32, #tpu.memory_space<vmem>> -> memref<1664xi32, #tpu.memory_space<vmem>>
    %dma_start3A_20 = arith.constant 0 : i32
    %dma_start3A_21 = arith.constant 0 : i32
    %dma_start3A_22 = tpu.memref_slice %arg4[%dma_start3A_20, %dma_start3A_21] : memref<50176x8xf32, #tpu.memory_space<hbm>> -> memref<50176x8xf32, #tpu.memory_space<hbm>>
    tpu.enqueue_indirect_dma source(%dma_start3A_22 : memref<50176x8xf32, #tpu.memory_space<hbm>>) target(%arg9 : memref<1664x8xf32, #tpu.memory_space<vmem>>) offsets(%dma_start3A_19 : memref<1664xi32, #tpu.memory_space<vmem>>) semaphore(%arg20 : memref<!tpu.dma_semaphore, #tpu.memory_space<semaphore_mem>>)
    %jit3A = arith.constant 4 : i32
    %div3A = arith.divsi %add3A_6, %jit3A : i32
    %sign3A = arith.constant 0 : i32
    %sign3A_23 = arith.cmpi sgt, %add3A_6, %sign3A : i32
    %sign3A_24 = arith.extui %sign3A_23 : i1 to i32
    %sign3A_25 = arith.constant 0 : i32
    %sign3A_26 = arith.cmpi slt, %add3A_6, %sign3A_25 : i32
    %sign3A_27 = arith.extui %sign3A_26 : i1 to i32
    %sign3A_28 = arith.subi %sign3A_24, %sign3A_27 : i32
    %sign3A_29 = arith.constant 0 : i32
    %sign3A_30 = arith.cmpi sgt, %jit3A, %sign3A_29 : i32
    %sign3A_31 = arith.extui %sign3A_30 : i1 to i32
    %sign3A_32 = arith.constant 0 : i32
    %sign3A_33 = arith.cmpi slt, %jit3A, %sign3A_32 : i32
    %sign3A_34 = arith.extui %sign3A_33 : i1 to i32
    %sign3A_35 = arith.subi %sign3A_31, %sign3A_34 : i32
    %ne3A = arith.cmpi ne, %sign3A_28, %sign3A_35 : i32
    %rem3A = arith.remsi %add3A_6, %jit3A : i32
    %ne3A_36 = arith.constant 0 : i32
    %ne3A_37 = arith.cmpi ne, %rem3A, %ne3A_36 : i32
    %and3A = arith.andi %ne3A, %ne3A_37 : i1
    %sub3A = arith.constant 1 : i32
    %sub3A_38 = arith.subi %div3A, %sub3A : i32
    %select_n3A = arith.select %and3A, %sub3A_38, %div3A : i32
    %dma_start3A_39 = arith.constant 0 : i32
    %dma_start3A_40 = tpu.memref_slice %arg3[%select_n3A, %dma_start3A_39] : memref<400000x16xf32, #tpu.memory_space<hbm>> -> memref<416x16xf32, #tpu.memory_space<hbm>>
    %dma_start3A_41 = arith.constant 0 : i32
    %dma_start3A_42 = tpu.memref_slice %arg3[%select_n3A, %dma_start3A_41] : memref<400000x16xf32, #tpu.memory_space<hbm>> -> memref<416x16xf32, #tpu.memory_space<hbm>>
    tpu.enqueue_dma source(%dma_start3A_42 : memref<416x16xf32, #tpu.memory_space<hbm>>) target(%arg12 : memref<416x16xf32, #tpu.memory_space<vmem>>) target_semaphore(%arg22 : memref<!tpu.dma_semaphore, #tpu.memory_space<semaphore_mem>>)
    %add3A_43 = arith.constant 800000 : i32
    %add3A_44 = arith.addi %add3A_43, %add3A_6 : i32
    %jit3A_45 = arith.constant 4 : i32
    %div3A_46 = arith.divsi %add3A_44, %jit3A_45 : i32
    %sign3A_47 = arith.constant 0 : i32
    %sign3A_48 = arith.cmpi sgt, %add3A_44, %sign3A_47 : i32
    %sign3A_49 = arith.extui %sign3A_48 : i1 to i32
    %sign3A_50 = arith.constant 0 : i32
    %sign3A_51 = arith.cmpi slt, %add3A_44, %sign3A_50 : i32
    %sign3A_52 = arith.extui %sign3A_51 : i1 to i32
    %sign3A_53 = arith.subi %sign3A_49, %sign3A_52 : i32
    %sign3A_54 = arith.constant 0 : i32
    %sign3A_55 = arith.cmpi sgt, %jit3A_45, %sign3A_54 : i32
    %sign3A_56 = arith.extui %sign3A_55 : i1 to i32
    %sign3A_57 = arith.constant 0 : i32
    %sign3A_58 = arith.cmpi slt, %jit3A_45, %sign3A_57 : i32
    %sign3A_59 = arith.extui %sign3A_58 : i1 to i32
    %sign3A_60 = arith.subi %sign3A_56, %sign3A_59 : i32
    %ne3A_61 = arith.cmpi ne, %sign3A_53, %sign3A_60 : i32
    %rem3A_62 = arith.remsi %add3A_44, %jit3A_45 : i32
    %ne3A_63 = arith.constant 0 : i32
    %ne3A_64 = arith.cmpi ne, %rem3A_62, %ne3A_63 : i32
    %and3A_65 = arith.andi %ne3A_61, %ne3A_64 : i1
    %sub3A_66 = arith.constant 1 : i32
    %sub3A_67 = arith.subi %div3A_46, %sub3A_66 : i32
    %select_n3A_68 = arith.select %and3A_65, %sub3A_67, %div3A_46 : i32
    %dma_start3A_69 = arith.constant 0 : i32
    %dma_start3A_70 = tpu.memref_slice %arg3[%select_n3A_68, %dma_start3A_69] : memref<400000x16xf32, #tpu.memory_space<hbm>> -> memref<416x16xf32, #tpu.memory_space<hbm>>
    %dma_start3A_71 = arith.constant 0 : i32
    %dma_start3A_72 = tpu.memref_slice %arg3[%select_n3A_68, %dma_start3A_71] : memref<400000x16xf32, #tpu.memory_space<hbm>> -> memref<416x16xf32, #tpu.memory_space<hbm>>
    tpu.enqueue_dma source(%dma_start3A_72 : memref<416x16xf32, #tpu.memory_space<hbm>>) target(%arg13 : memref<416x16xf32, #tpu.memory_space<vmem>>) target_semaphore(%arg22 : memref<!tpu.dma_semaphore, #tpu.memory_space<semaphore_mem>>)
    %add3A_73 = arith.constant 1664 : i32
    %add3A_74 = arith.addi %add3A_6, %add3A_73 : i32
    %dma_start3A_75 = arith.constant 0 : i32
    %dma_start3A_76 = arith.constant 0 : i32
    %dma_start3A_77 = arith.constant 0 : i32
    %dma_start3A_78 = tpu.memref_slice %arg7[%dma_start3A_76, %dma_start3A_77] : memref<2x1664xi32, #tpu.memory_space<vmem>> -> memref<1x1664xi32, #tpu.memory_space<vmem>>
    %dma_start3A_79 = tpu.memref_squeeze %dma_start3A_78 : memref<1x1664xi32, #tpu.memory_space<vmem>> -> memref<1664xi32, #tpu.memory_space<vmem>>
    %dma_start3A_80 = tpu.memref_slice %arg2[%dma_start3A_75, %add3A_74] : memref<2x1600000xi32, #tpu.memory_space<hbm>> -> memref<1x1664xi32, #tpu.memory_space<hbm>>
    %dma_start3A_81 = tpu.memref_squeeze %dma_start3A_80 : memref<1x1664xi32, #tpu.memory_space<hbm>> -> memref<1664xi32, #tpu.memory_space<hbm>>
    %dma_start3A_82 = arith.constant 0 : i32
    %dma_start3A_83 = tpu.memref_slice %arg7[%dma_start3A_76, %dma_start3A_82] : memref<2x1664xi32, #tpu.memory_space<vmem>> -> memref<1x1664xi32, #tpu.memory_space<vmem>>
    %dma_start3A_84 = tpu.memref_squeeze %dma_start3A_83 : memref<1x1664xi32, #tpu.memory_space<vmem>> -> memref<1664xi32, #tpu.memory_space<vmem>>
    %dma_start3A_85 = tpu.memref_slice %arg2[%dma_start3A_75, %add3A_74] : memref<2x1600000xi32, #tpu.memory_space<hbm>> -> memref<1x1664xi32, #tpu.memory_space<hbm>>
    %dma_start3A_86 = tpu.memref_squeeze %dma_start3A_85 : memref<1x1664xi32, #tpu.memory_space<hbm>> -> memref<1664xi32, #tpu.memory_space<hbm>>
    tpu.enqueue_dma source(%dma_start3A_86 : memref<1664xi32, #tpu.memory_space<hbm>>) target(%dma_start3A_84 : memref<1664xi32, #tpu.memory_space<vmem>>) target_semaphore(%arg19 : memref<!tpu.dma_semaphore, #tpu.memory_space<semaphore_mem>>)
    %dma_start3A_87 = arith.constant 1 : i32
    %dma_start3A_88 = arith.constant 1 : i32
    %dma_start3A_89 = arith.constant 0 : i32
    %dma_start3A_90 = tpu.memref_slice %arg7[%dma_start3A_88, %dma_start3A_89] : memref<2x1664xi32, #tpu.memory_space<vmem>> -> memref<1x1664xi32, #tpu.memory_space<vmem>>
    %dma_start3A_91 = tpu.memref_squeeze %dma_start3A_90 : memref<1x1664xi32, #tpu.memory_space<vmem>> -> memref<1664xi32, #tpu.memory_space<vmem>>
    %dma_start3A_92 = tpu.memref_slice %arg2[%dma_start3A_87, %add3A_74] : memref<2x1600000xi32, #tpu.memory_space<hbm>> -> memref<1x1664xi32, #tpu.memory_space<hbm>>
    %dma_start3A_93 = tpu.memref_squeeze %dma_start3A_92 : memref<1x1664xi32, #tpu.memory_space<hbm>> -> memref<1664xi32, #tpu.memory_space<hbm>>
    %dma_start3A_94 = arith.constant 0 : i32
    %dma_start3A_95 = tpu.memref_slice %arg7[%dma_start3A_88, %dma_start3A_94] : memref<2x1664xi32, #tpu.memory_space<vmem>> -> memref<1x1664xi32, #tpu.memory_space<vmem>>
    %dma_start3A_96 = tpu.memref_squeeze %dma_start3A_95 : memref<1x1664xi32, #tpu.memory_space<vmem>> -> memref<1664xi32, #tpu.memory_space<vmem>>
    %dma_start3A_97 = tpu.memref_slice %arg2[%dma_start3A_87, %add3A_74] : memref<2x1600000xi32, #tpu.memory_space<hbm>> -> memref<1x1664xi32, #tpu.memory_space<hbm>>
    %dma_start3A_98 = tpu.memref_squeeze %dma_start3A_97 : memref<1x1664xi32, #tpu.memory_space<hbm>> -> memref<1664xi32, #tpu.memory_space<hbm>>
    tpu.enqueue_dma source(%dma_start3A_98 : memref<1664xi32, #tpu.memory_space<hbm>>) target(%dma_start3A_96 : memref<1664xi32, #tpu.memory_space<vmem>>) target_semaphore(%arg19 : memref<!tpu.dma_semaphore, #tpu.memory_space<semaphore_mem>>)
    %scan3A = arith.constant 0 : i32
    %scan3A_99 = arith.constant 0 : i32
    %scan3A_100 = arith.constant 7 : i32
    %scan3A_101 = arith.addi %scan3A_99, %scan3A_100 : i32
    %scan3A_102 = arith.constant 1 : i32
    scf.for %scan3A_191 = %scan3A_99 to %scan3A_101 step %scan3A_102  : i32 {
      %mul3A_192 = arith.constant 2 : i32
      %mul3A_193 = arith.muli %mul3A_192, %scan3A_191 : i32
      %dma_wait3A_194 = arith.constant 0 : i32
      %dma_wait3A_195 = arith.constant 0 : i32
      %dma_wait3A_196 = arith.constant 0 : i32
      %dma_wait3A_197 = tpu.memref_slice %arg7[%dma_wait3A_195, %dma_wait3A_196] : memref<2x1664xi32, #tpu.memory_space<vmem>> -> memref<1x1664xi32, #tpu.memory_space<vmem>>
      %dma_wait3A_198 = tpu.memref_squeeze %dma_wait3A_197 : memref<1x1664xi32, #tpu.memory_space<vmem>> -> memref<1664xi32, #tpu.memory_space<vmem>>
      %dma_wait3A_199 = arith.constant 0 : i32
      %dma_wait3A_200 = tpu.memref_slice %arg2[%dma_wait3A_194, %dma_wait3A_199] : memref<2x1600000xi32, #tpu.memory_space<hbm>> -> memref<1x1664xi32, #tpu.memory_space<hbm>>
      %dma_wait3A_201 = tpu.memref_squeeze %dma_wait3A_200 : memref<1x1664xi32, #tpu.memory_space<hbm>> -> memref<1664xi32, #tpu.memory_space<hbm>>
      %dma_wait3A_202 = arith.constant 0 : i32
      %dma_wait3A_203 = tpu.memref_slice %arg7[%dma_wait3A_195, %dma_wait3A_202] : memref<2x1664xi32, #tpu.memory_space<vmem>> -> memref<1x1664xi32, #tpu.memory_space<vmem>>
      %dma_wait3A_204 = tpu.memref_squeeze %dma_wait3A_203 : memref<1x1664xi32, #tpu.memory_space<vmem>> -> memref<1664xi32, #tpu.memory_space<vmem>>
      %dma_wait3A_205 = arith.constant 0 : i32
      %dma_wait3A_206 = tpu.memref_slice %arg2[%dma_wait3A_194, %dma_wait3A_205] : memref<2x1600000xi32, #tpu.memory_space<hbm>> -> memref<1x1664xi32, #tpu.memory_space<hbm>>
      %dma_wait3A_207 = tpu.memref_squeeze %dma_wait3A_206 : memref<1x1664xi32, #tpu.memory_space<hbm>> -> memref<1664xi32, #tpu.memory_space<hbm>>
      tpu.wait_dma2 semaphore(%arg19 : memref<!tpu.dma_semaphore, #tpu.memory_space<semaphore_mem>>) src(%dma_wait3A_207 : memref<1664xi32, #tpu.memory_space<hbm>>) dst(%dma_wait3A_204 : memref<1664xi32, #tpu.memory_space<vmem>>)
      %dma_wait3A_208 = arith.constant 1 : i32
      %dma_wait3A_209 = arith.constant 1 : i32
      %dma_wait3A_210 = arith.constant 0 : i32
      %dma_wait3A_211 = tpu.memref_slice %arg7[%dma_wait3A_209, %dma_wait3A_210] : memref<2x1664xi32, #tpu.memory_space<vmem>> -> memref<1x1664xi32, #tpu.memory_space<vmem>>
      %dma_wait3A_212 = tpu.memref_squeeze %dma_wait3A_211 : memref<1x1664xi32, #tpu.memory_space<vmem>> -> memref<1664xi32, #tpu.memory_space<vmem>>
      %dma_wait3A_213 = arith.constant 0 : i32
      %dma_wait3A_214 = tpu.memref_slice %arg2[%dma_wait3A_208, %dma_wait3A_213] : memref<2x1600000xi32, #tpu.memory_space<hbm>> -> memref<1x1664xi32, #tpu.memory_space<hbm>>
      %dma_wait3A_215 = tpu.memref_squeeze %dma_wait3A_214 : memref<1x1664xi32, #tpu.memory_space<hbm>> -> memref<1664xi32, #tpu.memory_space<hbm>>
      %dma_wait3A_216 = arith.constant 0 : i32
      %dma_wait3A_217 = tpu.memref_slice %arg7[%dma_wait3A_209, %dma_wait3A_216] : memref<2x1664xi32, #tpu.memory_space<vmem>> -> memref<1x1664xi32, #tpu.memory_space<vmem>>
      %dma_wait3A_218 = tpu.memref_squeeze %dma_wait3A_217 : memref<1x1664xi32, #tpu.memory_space<vmem>> -> memref<1664xi32, #tpu.memory_space<vmem>>
      %dma_wait3A_219 = arith.constant 0 : i32
      %dma_wait3A_220 = tpu.memref_slice %arg2[%dma_wait3A_208, %dma_wait3A_219] : memref<2x1600000xi32, #tpu.memory_space<hbm>> -> memref<1x1664xi32, #tpu.memory_space<hbm>>
      %dma_wait3A_221 = tpu.memref_squeeze %dma_wait3A_220 : memref<1x1664xi32, #tpu.memory_space<hbm>> -> memref<1664xi32, #tpu.memory_space<hbm>>
      tpu.wait_dma2 semaphore(%arg19 : memref<!tpu.dma_semaphore, #tpu.memory_space<semaphore_mem>>) src(%dma_wait3A_221 : memref<1664xi32, #tpu.memory_space<hbm>>) dst(%dma_wait3A_218 : memref<1664xi32, #tpu.memory_space<vmem>>)
      %dma_start3A_222 = arith.constant 0 : i32
      %dma_start3A_223 = arith.constant 0 : i32
      %dma_start3A_224 = tpu.memref_slice %arg7[%dma_start3A_222, %dma_start3A_223] : memref<2x1664xi32, #tpu.memory_space<vmem>> -> memref<1x1664xi32, #tpu.memory_space<vmem>>
      %dma_start3A_225 = tpu.memref_squeeze %dma_start3A_224 : memref<1x1664xi32, #tpu.memory_space<vmem>> -> memref<1664xi32, #tpu.memory_space<vmem>>
      %dma_start3A_226 = arith.constant 0 : i32
      %dma_start3A_227 = arith.constant 0 : i32
      %dma_start3A_228 = tpu.memref_slice %arg4[%dma_start3A_226, %dma_start3A_227] : memref<50176x8xf32, #tpu.memory_space<hbm>> -> memref<50176x8xf32, #tpu.memory_space<hbm>>
      tpu.enqueue_indirect_dma source(%dma_start3A_228 : memref<50176x8xf32, #tpu.memory_space<hbm>>) target(%arg10 : memref<1664x8xf32, #tpu.memory_space<vmem>>) offsets(%dma_start3A_225 : memref<1664xi32, #tpu.memory_space<vmem>>) semaphore(%arg21 : memref<!tpu.dma_semaphore, #tpu.memory_space<semaphore_mem>>)
      %dma_start3A_229 = arith.constant 1 : i32
      %dma_start3A_230 = arith.constant 0 : i32
      %dma_start3A_231 = tpu.memref_slice %arg7[%dma_start3A_229, %dma_start3A_230] : memref<2x1664xi32, #tpu.memory_space<vmem>> -> memref<1x1664xi32, #tpu.memory_space<vmem>>
      %dma_start3A_232 = tpu.memref_squeeze %dma_start3A_231 : memref<1x1664xi32, #tpu.memory_space<vmem>> -> memref<1664xi32, #tpu.memory_space<vmem>>
      %dma_start3A_233 = arith.constant 0 : i32
      %dma_start3A_234 = arith.constant 0 : i32
      %dma_start3A_235 = tpu.memref_slice %arg4[%dma_start3A_233, %dma_start3A_234] : memref<50176x8xf32, #tpu.memory_space<hbm>> -> memref<50176x8xf32, #tpu.memory_space<hbm>>
      tpu.enqueue_indirect_dma source(%dma_start3A_235 : memref<50176x8xf32, #tpu.memory_space<hbm>>) target(%arg11 : memref<1664x8xf32, #tpu.memory_space<vmem>>) offsets(%dma_start3A_232 : memref<1664xi32, #tpu.memory_space<vmem>>) semaphore(%arg21 : memref<!tpu.dma_semaphore, #tpu.memory_space<semaphore_mem>>)
      %add3A_236 = arith.constant 1 : i32
      %add3A_237 = arith.addi %mul3A_193, %add3A_236 : i32
      %mul3A_238 = arith.constant 1664 : i32
      %mul3A_239 = arith.muli %add3A_237, %mul3A_238 : i32
      %add3A_240 = arith.addi %add3A_6, %mul3A_239 : i32
      %jit3A_241 = arith.constant 4 : i32
      %div3A_242 = arith.divsi %add3A_240, %jit3A_241 : i32
      %sign3A_243 = arith.constant 0 : i32
      %sign3A_244 = arith.cmpi sgt, %add3A_240, %sign3A_243 : i32
      %sign3A_245 = arith.extui %sign3A_244 : i1 to i32
      %sign3A_246 = arith.constant 0 : i32
      %sign3A_247 = arith.cmpi slt, %add3A_240, %sign3A_246 : i32
      %sign3A_248 = arith.extui %sign3A_247 : i1 to i32
      %sign3A_249 = arith.subi %sign3A_245, %sign3A_248 : i32
      %sign3A_250 = arith.constant 0 : i32
      %sign3A_251 = arith.cmpi sgt, %jit3A_241, %sign3A_250 : i32
      %sign3A_252 = arith.extui %sign3A_251 : i1 to i32
      %sign3A_253 = arith.constant 0 : i32
      %sign3A_254 = arith.cmpi slt, %jit3A_241, %sign3A_253 : i32
      %sign3A_255 = arith.extui %sign3A_254 : i1 to i32
      %sign3A_256 = arith.subi %sign3A_252, %sign3A_255 : i32
      %ne3A_257 = arith.cmpi ne, %sign3A_249, %sign3A_256 : i32
      %rem3A_258 = arith.remsi %add3A_240, %jit3A_241 : i32
      %ne3A_259 = arith.constant 0 : i32
      %ne3A_260 = arith.cmpi ne, %rem3A_258, %ne3A_259 : i32
      %and3A_261 = arith.andi %ne3A_257, %ne3A_260 : i1
      %sub3A_262 = arith.constant 1 : i32
      %sub3A_263 = arith.subi %div3A_242, %sub3A_262 : i32
      %select_n3A_264 = arith.select %and3A_261, %sub3A_263, %div3A_242 : i32
      %dma_start3A_265 = arith.constant 0 : i32
      %dma_start3A_266 = tpu.memref_slice %arg3[%select_n3A_264, %dma_start3A_265] : memref<400000x16xf32, #tpu.memory_space<hbm>> -> memref<416x16xf32, #tpu.memory_space<hbm>>
      %dma_start3A_267 = arith.constant 0 : i32
      %dma_start3A_268 = tpu.memref_slice %arg3[%select_n3A_264, %dma_start3A_267] : memref<400000x16xf32, #tpu.memory_space<hbm>> -> memref<416x16xf32, #tpu.memory_space<hbm>>
      tpu.enqueue_dma source(%dma_start3A_268 : memref<416x16xf32, #tpu.memory_space<hbm>>) target(%arg14 : memref<416x16xf32, #tpu.memory_space<vmem>>) target_semaphore(%arg23 : memref<!tpu.dma_semaphore, #tpu.memory_space<semaphore_mem>>)
      %add3A_269 = arith.constant 800000 : i32
      %add3A_270 = arith.addi %add3A_269, %add3A_240 : i32
      %jit3A_271 = arith.constant 4 : i32
      %div3A_272 = arith.divsi %add3A_270, %jit3A_271 : i32
      %sign3A_273 = arith.constant 0 : i32
      %sign3A_274 = arith.cmpi sgt, %add3A_270, %sign3A_273 : i32
      %sign3A_275 = arith.extui %sign3A_274 : i1 to i32
      %sign3A_276 = arith.constant 0 : i32
      %sign3A_277 = arith.cmpi slt, %add3A_270, %sign3A_276 : i32
      %sign3A_278 = arith.extui %sign3A_277 : i1 to i32
      %sign3A_279 = arith.subi %sign3A_275, %sign3A_278 : i32
      %sign3A_280 = arith.constant 0 : i32
      %sign3A_281 = arith.cmpi sgt, %jit3A_271, %sign3A_280 : i32
      %sign3A_282 = arith.extui %sign3A_281 : i1 to i32
      %sign3A_283 = arith.constant 0 : i32
      %sign3A_284 = arith.cmpi slt, %jit3A_271, %sign3A_283 : i32
      %sign3A_285 = arith.extui %sign3A_284 : i1 to i32
      %sign3A_286 = arith.subi %sign3A_282, %sign3A_285 : i32
      %ne3A_287 = arith.cmpi ne, %sign3A_279, %sign3A_286 : i32
      %rem3A_288 = arith.remsi %add3A_270, %jit3A_271 : i32
      %ne3A_289 = arith.constant 0 : i32
      %ne3A_290 = arith.cmpi ne, %rem3A_288, %ne3A_289 : i32
      %and3A_291 = arith.andi %ne3A_287, %ne3A_290 : i1
      %sub3A_292 = arith.constant 1 : i32
      %sub3A_293 = arith.subi %div3A_272, %sub3A_292 : i32
      %select_n3A_294 = arith.select %and3A_291, %sub3A_293, %div3A_272 : i32
      %dma_start3A_295 = arith.constant 0 : i32
      %dma_start3A_296 = tpu.memref_slice %arg3[%select_n3A_294, %dma_start3A_295] : memref<400000x16xf32, #tpu.memory_space<hbm>> -> memref<416x16xf32, #tpu.memory_space<hbm>>
      %dma_start3A_297 = arith.constant 0 : i32
      %dma_start3A_298 = tpu.memref_slice %arg3[%select_n3A_294, %dma_start3A_297] : memref<400000x16xf32, #tpu.memory_space<hbm>> -> memref<416x16xf32, #tpu.memory_space<hbm>>
      tpu.enqueue_dma source(%dma_start3A_298 : memref<416x16xf32, #tpu.memory_space<hbm>>) target(%arg15 : memref<416x16xf32, #tpu.memory_space<vmem>>) target_semaphore(%arg23 : memref<!tpu.dma_semaphore, #tpu.memory_space<semaphore_mem>>)
      %dma_wait3A_299 = arith.constant 0 : i32
      %dma_wait3A_300 = arith.constant 0 : i32
      %dma_wait3A_301 = tpu.memref_slice %arg6[%dma_wait3A_299, %dma_wait3A_300] : memref<2x1664xi32, #tpu.memory_space<vmem>> -> memref<1x1664xi32, #tpu.memory_space<vmem>>
      %dma_wait3A_302 = tpu.memref_squeeze %dma_wait3A_301 : memref<1x1664xi32, #tpu.memory_space<vmem>> -> memref<1664xi32, #tpu.memory_space<vmem>>
      %dma_wait3A_303 = arith.constant 0 : i32
      %dma_wait3A_304 = arith.constant 0 : i32
      %dma_wait3A_305 = tpu.memref_slice %arg4[%dma_wait3A_303, %dma_wait3A_304] : memref<50176x8xf32, #tpu.memory_space<hbm>> -> memref<50176x8xf32, #tpu.memory_space<hbm>>
      tpu.wait_indirect_dma semaphore(%arg20 : memref<!tpu.dma_semaphore, #tpu.memory_space<semaphore_mem>>) src(%dma_wait3A_305 : memref<50176x8xf32, #tpu.memory_space<hbm>>) dst(%arg8 : memref<1664x8xf32, #tpu.memory_space<vmem>>)
      %dma_wait3A_306 = arith.constant 1 : i32
      %dma_wait3A_307 = arith.constant 0 : i32
      %dma_wait3A_308 = tpu.memref_slice %arg6[%dma_wait3A_306, %dma_wait3A_307] : memref<2x1664xi32, #tpu.memory_space<vmem>> -> memref<1x1664xi32, #tpu.memory_space<vmem>>
      %dma_wait3A_309 = tpu.memref_squeeze %dma_wait3A_308 : memref<1x1664xi32, #tpu.memory_space<vmem>> -> memref<1664xi32, #tpu.memory_space<vmem>>
      %dma_wait3A_310 = arith.constant 0 : i32
      %dma_wait3A_311 = arith.constant 0 : i32
      %dma_wait3A_312 = tpu.memref_slice %arg4[%dma_wait3A_310, %dma_wait3A_311] : memref<50176x8xf32, #tpu.memory_space<hbm>> -> memref<50176x8xf32, #tpu.memory_space<hbm>>
      tpu.wait_indirect_dma semaphore(%arg20 : memref<!tpu.dma_semaphore, #tpu.memory_space<semaphore_mem>>) src(%dma_wait3A_312 : memref<50176x8xf32, #tpu.memory_space<hbm>>) dst(%arg9 : memref<1664x8xf32, #tpu.memory_space<vmem>>)
      %dma_wait3A_313 = arith.constant 0 : i32
      %dma_wait3A_314 = arith.constant 0 : i32
      %dma_wait3A_315 = tpu.memref_slice %arg3[%dma_wait3A_313, %dma_wait3A_314] : memref<400000x16xf32, #tpu.memory_space<hbm>> -> memref<416x16xf32, #tpu.memory_space<hbm>>
      %dma_wait3A_316 = arith.constant 0 : i32
      %dma_wait3A_317 = arith.constant 0 : i32
      %dma_wait3A_318 = tpu.memref_slice %arg3[%dma_wait3A_316, %dma_wait3A_317] : memref<400000x16xf32, #tpu.memory_space<hbm>> -> memref<416x16xf32, #tpu.memory_space<hbm>>
      tpu.wait_dma2 semaphore(%arg22 : memref<!tpu.dma_semaphore, #tpu.memory_space<semaphore_mem>>) src(%dma_wait3A_318 : memref<416x16xf32, #tpu.memory_space<hbm>>) dst(%arg12 : memref<416x16xf32, #tpu.memory_space<vmem>>)
      %dma_wait3A_319 = arith.constant 0 : i32
      %dma_wait3A_320 = arith.constant 0 : i32
      %dma_wait3A_321 = tpu.memref_slice %arg3[%dma_wait3A_319, %dma_wait3A_320] : memref<400000x16xf32, #tpu.memory_space<hbm>> -> memref<416x16xf32, #tpu.memory_space<hbm>>
      %dma_wait3A_322 = arith.constant 0 : i32
      %dma_wait3A_323 = arith.constant 0 : i32
      %dma_wait3A_324 = tpu.memref_slice %arg3[%dma_wait3A_322, %dma_wait3A_323] : memref<400000x16xf32, #tpu.memory_space<hbm>> -> memref<416x16xf32, #tpu.memory_space<hbm>>
      tpu.wait_dma2 semaphore(%arg22 : memref<!tpu.dma_semaphore, #tpu.memory_space<semaphore_mem>>) src(%dma_wait3A_324 : memref<416x16xf32, #tpu.memory_space<hbm>>) dst(%arg13 : memref<416x16xf32, #tpu.memory_space<vmem>>)
      %add3A_325 = arith.constant 2 : i32
      %add3A_326 = arith.addi %mul3A_193, %add3A_325 : i32
      %lt3A_327 = arith.constant 15 : i32
      %lt3A_328 = arith.cmpi slt, %add3A_326, %lt3A_327 : i32
      %convert_element_type3A_329 = arith.extui %lt3A_328 : i1 to i32
      %cond3A_330 = arith.constant 0 : i32
      %cond3A_331 = arith.cmpi ne, %convert_element_type3A_329, %cond3A_330 : i32
      scf.if %cond3A_331 {
        %add3A_557 = arith.constant 2 : i32
        %add3A_558 = arith.addi %mul3A_193, %add3A_557 : i32
        %mul3A_559 = arith.constant 1664 : i32
        %mul3A_560 = arith.muli %add3A_558, %mul3A_559 : i32
        %add3A_561 = arith.addi %add3A_6, %mul3A_560 : i32
        %dma_start3A_562 = arith.constant 0 : i32
        %dma_start3A_563 = arith.constant 0 : i32
        %dma_start3A_564 = arith.constant 0 : i32
        %dma_start3A_565 = tpu.memref_slice %arg6[%dma_start3A_563, %dma_start3A_564] : memref<2x1664xi32, #tpu.memory_space<vmem>> -> memref<1x1664xi32, #tpu.memory_space<vmem>>
        %dma_start3A_566 = tpu.memref_squeeze %dma_start3A_565 : memref<1x1664xi32, #tpu.memory_space<vmem>> -> memref<1664xi32, #tpu.memory_space<vmem>>
        %dma_start3A_567 = tpu.memref_slice %arg2[%dma_start3A_562, %add3A_561] : memref<2x1600000xi32, #tpu.memory_space<hbm>> -> memref<1x1664xi32, #tpu.memory_space<hbm>>
        %dma_start3A_568 = tpu.memref_squeeze %dma_start3A_567 : memref<1x1664xi32, #tpu.memory_space<hbm>> -> memref<1664xi32, #tpu.memory_space<hbm>>
        %dma_start3A_569 = arith.constant 0 : i32
        %dma_start3A_570 = tpu.memref_slice %arg6[%dma_start3A_563, %dma_start3A_569] : memref<2x1664xi32, #tpu.memory_space<vmem>> -> memref<1x1664xi32, #tpu.memory_space<vmem>>
        %dma_start3A_571 = tpu.memref_squeeze %dma_start3A_570 : memref<1x1664xi32, #tpu.memory_space<vmem>> -> memref<1664xi32, #tpu.memory_space<vmem>>
        %dma_start3A_572 = tpu.memref_slice %arg2[%dma_start3A_562, %add3A_561] : memref<2x1600000xi32, #tpu.memory_space<hbm>> -> memref<1x1664xi32, #tpu.memory_space<hbm>>
        %dma_start3A_573 = tpu.memref_squeeze %dma_start3A_572 : memref<1x1664xi32, #tpu.memory_space<hbm>> -> memref<1664xi32, #tpu.memory_space<hbm>>
        tpu.enqueue_dma source(%dma_start3A_573 : memref<1664xi32, #tpu.memory_space<hbm>>) target(%dma_start3A_571 : memref<1664xi32, #tpu.memory_space<vmem>>) target_semaphore(%arg19 : memref<!tpu.dma_semaphore, #tpu.memory_space<semaphore_mem>>)
        %dma_start3A_574 = arith.constant 1 : i32
        %dma_start3A_575 = arith.constant 1 : i32
        %dma_start3A_576 = arith.constant 0 : i32
        %dma_start3A_577 = tpu.memref_slice %arg6[%dma_start3A_575, %dma_start3A_576] : memref<2x1664xi32, #tpu.memory_space<vmem>> -> memref<1x1664xi32, #tpu.memory_space<vmem>>
        %dma_start3A_578 = tpu.memref_squeeze %dma_start3A_577 : memref<1x1664xi32, #tpu.memory_space<vmem>> -> memref<1664xi32, #tpu.memory_space<vmem>>
        %dma_start3A_579 = tpu.memref_slice %arg2[%dma_start3A_574, %add3A_561] : memref<2x1600000xi32, #tpu.memory_space<hbm>> -> memref<1x1664xi32, #tpu.memory_space<hbm>>
        %dma_start3A_580 = tpu.memref_squeeze %dma_start3A_579 : memref<1x1664xi32, #tpu.memory_space<hbm>> -> memref<1664xi32, #tpu.memory_space<hbm>>
        %dma_start3A_581 = arith.constant 0 : i32
        %dma_start3A_582 = tpu.memref_slice %arg6[%dma_start3A_575, %dma_start3A_581] : memref<2x1664xi32, #tpu.memory_space<vmem>> -> memref<1x1664xi32, #tpu.memory_space<vmem>>
        %dma_start3A_583 = tpu.memref_squeeze %dma_start3A_582 : memref<1x1664xi32, #tpu.memory_space<vmem>> -> memref<1664xi32, #tpu.memory_space<vmem>>
        %dma_start3A_584 = tpu.memref_slice %arg2[%dma_start3A_574, %add3A_561] : memref<2x1600000xi32, #tpu.memory_space<hbm>> -> memref<1x1664xi32, #tpu.memory_space<hbm>>
        %dma_start3A_585 = tpu.memref_squeeze %dma_start3A_584 : memref<1x1664xi32, #tpu.memory_space<hbm>> -> memref<1664xi32, #tpu.memory_space<hbm>>
        tpu.enqueue_dma source(%dma_start3A_585 : memref<1664xi32, #tpu.memory_space<hbm>>) target(%dma_start3A_583 : memref<1664xi32, #tpu.memory_space<vmem>>) target_semaphore(%arg19 : memref<!tpu.dma_semaphore, #tpu.memory_space<semaphore_mem>>)
      } else {
      }
      %gt3A = arith.constant 0 : i32
      %gt3A_332 = arith.cmpi sgt, %scan3A_191, %gt3A : i32
      %convert_element_type3A_333 = arith.extui %gt3A_332 : i1 to i32
      %cond3A_334 = arith.constant 0 : i32
      %cond3A_335 = arith.cmpi ne, %convert_element_type3A_333, %cond3A_334 : i32
      scf.if %cond3A_335 {
        %dma_wait3A_557 = arith.constant 0 : i32
        %dma_wait3A_558 = arith.constant 0 : i32
        %dma_wait3A_559 = tpu.memref_slice %arg5[%dma_wait3A_557, %dma_wait3A_558] : memref<200000x16xf32, #tpu.memory_space<hbm>> -> memref<416x16xf32, #tpu.memory_space<hbm>>
        %dma_wait3A_560 = arith.constant 0 : i32
        %dma_wait3A_561 = arith.constant 0 : i32
        %dma_wait3A_562 = tpu.memref_slice %arg5[%dma_wait3A_560, %dma_wait3A_561] : memref<200000x16xf32, #tpu.memory_space<hbm>> -> memref<416x16xf32, #tpu.memory_space<hbm>>
        tpu.wait_dma2 semaphore(%arg24 : memref<!tpu.dma_semaphore, #tpu.memory_space<semaphore_mem>>) src(%arg16 : memref<416x16xf32, #tpu.memory_space<vmem>>) dst(%dma_wait3A_562 : memref<416x16xf32, #tpu.memory_space<hbm>>)
      } else {
      }
      %scan3A_336 = arith.constant 0 : i32
      %scan3A_337 = arith.constant 0 : i32
      %scan3A_338 = arith.constant 416 : i32
      %scan3A_339 = arith.addi %scan3A_337, %scan3A_338 : i32
      %scan3A_340 = arith.constant 4 : i32
      scf.for %scan3A_557 = %scan3A_337 to %scan3A_339 step %scan3A_340  : i32 {
        %mul3A_558 = arith.constant 16 : i32
        %mul3A_559 = arith.muli %scan3A_557, %mul3A_558 : i32
        %iota3A = tpu.iota {dimensions = array<i32: 0>} : vector<16xi32>
        %add3A_560 = vector.broadcast %mul3A_559 : i32 to vector<16xi32>
        %add3A_561 = arith.addi %add3A_560, %iota3A : vector<16xi32>
        %shift_right_logical3A = arith.constant 9 : i32
        %shift_right_logical3A_562 = vector.broadcast %shift_right_logical3A : i32 to vector<16xi32>
        %shift_right_logical3A_563 = arith.shrui %add3A_561, %shift_right_logical3A_562 : vector<16xi32>
        %shift_left3A = arith.constant 7 : i32
        %shift_left3A_564 = vector.broadcast %shift_left3A : i32 to vector<16xi32>
        %shift_left3A_565 = arith.shli %shift_right_logical3A_563, %shift_left3A_564 : vector<16xi32>
        %and3A_566 = arith.constant 127 : i32
        %and3A_567 = vector.broadcast %and3A_566 : i32 to vector<16xi32>
        %and3A_568 = arith.andi %add3A_561, %and3A_567 : vector<16xi32>
        %or3A = arith.ori %shift_left3A_565, %and3A_568 : vector<16xi32>
        %shift_right_logical3A_569 = arith.constant 7 : i32
        %shift_right_logical3A_570 = vector.broadcast %shift_right_logical3A_569 : i32 to vector<16xi32>
        %shift_right_logical3A_571 = arith.shrui %add3A_561, %shift_right_logical3A_570 : vector<16xi32>
        %and3A_572 = arith.constant 3 : i32
        %and3A_573 = vector.broadcast %and3A_572 : i32 to vector<16xi32>
        %and3A_574 = arith.andi %shift_right_logical3A_571, %and3A_573 : vector<16xi32>
        %get3A = arith.index_cast %scan3A_557 : i32 to index
        %get3A_575 = arith.constant 0 : index
        %get3A_576 = tpu.vector_load %arg12[%get3A, %get3A_575] {strides = array<i32>} : memref<416x16xf32, #tpu.memory_space<vmem>>, vector<16xf32>,
        %get3A_577 = arith.index_cast %scan3A_557 : i32 to index
        %get3A_578 = arith.constant 0 : index
        %get3A_579 = tpu.vector_load %arg13[%get3A_577, %get3A_578] {strides = array<i32>} : memref<416x16xf32, #tpu.memory_space<vmem>>, vector<16xf32>,
        %gather3A = tpu.vector_load_idx %arg8[%or3A, %and3A_574] : memref<1664x8xf32, #tpu.memory_space<vmem>>[vector<16xi32>, vector<16xi32>], vector<16xf32>,
        %gather3A_580 = tpu.vector_load_idx %arg9[%or3A, %and3A_574] : memref<1664x8xf32, #tpu.memory_space<vmem>>[vector<16xi32>, vector<16xi32>], vector<16xf32>,
        %mul3A_581 = arith.mulf %get3A_576, %get3A_579 : vector<16xf32>
        %neg3A = arith.constant 0.000000e+00 : f32
        %neg3A_582 = vector.broadcast %neg3A : f32 to vector<16xf32>
        %neg3A_583 = arith.subf %neg3A_582, %mul3A_581 : vector<16xf32>
        %mul3A_584 = arith.mulf %neg3A_583, %gather3A : vector<16xf32>
        %mul3A_585 = arith.mulf %mul3A_584, %gather3A_580 : vector<16xf32>
        %swap3A = arith.index_cast %scan3A_557 : i32 to index
        %swap3A_586 = arith.constant 0 : index
        %swap3A_587 = tpu.vector_load %arg16[%swap3A, %swap3A_586] {strides = array<i32>} : memref<416x16xf32, #tpu.memory_space<vmem>>, vector<16xf32>,
        tpu.vector_store %arg16[%swap3A, %swap3A_586], %mul3A_585 {strides = array<i32>} : memref<416x16xf32, #tpu.memory_space<vmem>>, vector<16xf32>,
        %scan3A_588 = arith.constant 1 : i32
        %scan3A_589 = arith.addi %scan3A_557, %scan3A_588 : i32
        %mul3A_590 = arith.constant 16 : i32
        %mul3A_591 = arith.muli %scan3A_589, %mul3A_590 : i32
        %iota3A_592 = tpu.iota {dimensions = array<i32: 0>} : vector<16xi32>
        %add3A_593 = vector.broadcast %mul3A_591 : i32 to vector<16xi32>
        %add3A_594 = arith.addi %add3A_593, %iota3A_592 : vector<16xi32>
        %shift_right_logical3A_595 = arith.constant 9 : i32
        %shift_right_logical3A_596 = vector.broadcast %shift_right_logical3A_595 : i32 to vector<16xi32>
        %shift_right_logical3A_597 = arith.shrui %add3A_594, %shift_right_logical3A_596 : vector<16xi32>
        %shift_left3A_598 = arith.constant 7 : i32
        %shift_left3A_599 = vector.broadcast %shift_left3A_598 : i32 to vector<16xi32>
        %shift_left3A_600 = arith.shli %shift_right_logical3A_597, %shift_left3A_599 : vector<16xi32>
        %and3A_601 = arith.constant 127 : i32
        %and3A_602 = vector.broadcast %and3A_601 : i32 to vector<16xi32>
        %and3A_603 = arith.andi %add3A_594, %and3A_602 : vector<16xi32>
        %or3A_604 = arith.ori %shift_left3A_600, %and3A_603 : vector<16xi32>
        %shift_right_logical3A_605 = arith.constant 7 : i32
        %shift_right_logical3A_606 = vector.broadcast %shift_right_logical3A_605 : i32 to vector<16xi32>
        %shift_right_logical3A_607 = arith.shrui %add3A_594, %shift_right_logical3A_606 : vector<16xi32>
        %and3A_608 = arith.constant 3 : i32
        %and3A_609 = vector.broadcast %and3A_608 : i32 to vector<16xi32>
        %and3A_610 = arith.andi %shift_right_logical3A_607, %and3A_609 : vector<16xi32>
        %get3A_611 = arith.index_cast %scan3A_589 : i32 to index
        %get3A_612 = arith.constant 0 : index
        %get3A_613 = tpu.vector_load %arg12[%get3A_611, %get3A_612] {strides = array<i32>} : memref<416x16xf32, #tpu.memory_space<vmem>>, vector<16xf32>,
        %get3A_614 = arith.index_cast %scan3A_589 : i32 to index
        %get3A_615 = arith.constant 0 : index
        %get3A_616 = tpu.vector_load %arg13[%get3A_614, %get3A_615] {strides = array<i32>} : memref<416x16xf32, #tpu.memory_space<vmem>>, vector<16xf32>,
        %gather3A_617 = tpu.vector_load_idx %arg8[%or3A_604, %and3A_610] : memref<1664x8xf32, #tpu.memory_space<vmem>>[vector<16xi32>, vector<16xi32>], vector<16xf32>,
        %gather3A_618 = tpu.vector_load_idx %arg9[%or3A_604, %and3A_610] : memref<1664x8xf32, #tpu.memory_space<vmem>>[vector<16xi32>, vector<16xi32>], vector<16xf32>,
        %mul3A_619 = arith.mulf %get3A_613, %get3A_616 : vector<16xf32>
        %neg3A_620 = arith.constant 0.000000e+00 : f32
        %neg3A_621 = vector.broadcast %neg3A_620 : f32 to vector<16xf32>
        %neg3A_622 = arith.subf %neg3A_621, %mul3A_619 : vector<16xf32>
        %mul3A_623 = arith.mulf %neg3A_622, %gather3A_617 : vector<16xf32>
        %mul3A_624 = arith.mulf %mul3A_623, %gather3A_618 : vector<16xf32>
        %swap3A_625 = arith.index_cast %scan3A_589 : i32 to index
        %swap3A_626 = arith.constant 0 : index
        %swap3A_627 = tpu.vector_load %arg16[%swap3A_625, %swap3A_626] {strides = array<i32>} : memref<416x16xf32, #tpu.memory_space<vmem>>, vector<16xf32>,
        tpu.vector_store %arg16[%swap3A_625, %swap3A_626], %mul3A_624 {strides = array<i32>} : memref<416x16xf32, #tpu.memory_space<vmem>>, vector<16xf32>,
        %scan3A_628 = arith.constant 2 : i32
        %scan3A_629 = arith.addi %scan3A_557, %scan3A_628 : i32
        %mul3A_630 = arith.constant 16 : i32
        %mul3A_631 = arith.muli %scan3A_629, %mul3A_630 : i32
        %iota3A_632 = tpu.iota {dimensions = array<i32: 0>} : vector<16xi32>
        %add3A_633 = vector.broadcast %mul3A_631 : i32 to vector<16xi32>
        %add3A_634 = arith.addi %add3A_633, %iota3A_632 : vector<16xi32>
        %shift_right_logical3A_635 = arith.constant 9 : i32
        %shift_right_logical3A_636 = vector.broadcast %shift_right_logical3A_635 : i32 to vector<16xi32>
        %shift_right_logical3A_637 = arith.shrui %add3A_634, %shift_right_logical3A_636 : vector<16xi32>
        %shift_left3A_638 = arith.constant 7 : i32
        %shift_left3A_639 = vector.broadcast %shift_left3A_638 : i32 to vector<16xi32>
        %shift_left3A_640 = arith.shli %shift_right_logical3A_637, %shift_left3A_639 : vector<16xi32>
        %and3A_641 = arith.constant 127 : i32
        %and3A_642 = vector.broadcast %and3A_641 : i32 to vector<16xi32>
        %and3A_643 = arith.andi %add3A_634, %and3A_642 : vector<16xi32>
        %or3A_644 = arith.ori %shift_left3A_640, %and3A_643 : vector<16xi32>
        %shift_right_logical3A_645 = arith.constant 7 : i32
        %shift_right_logical3A_646 = vector.broadcast %shift_right_logical3A_645 : i32 to vector<16xi32>
        %shift_right_logical3A_647 = arith.shrui %add3A_634, %shift_right_logical3A_646 : vector<16xi32>
        %and3A_648 = arith.constant 3 : i32
        %and3A_649 = vector.broadcast %and3A_648 : i32 to vector<16xi32>
        %and3A_650 = arith.andi %shift_right_logical3A_647, %and3A_649 : vector<16xi32>
        %get3A_651 = arith.index_cast %scan3A_629 : i32 to index
        %get3A_652 = arith.constant 0 : index
        %get3A_653 = tpu.vector_load %arg12[%get3A_651, %get3A_652] {strides = array<i32>} : memref<416x16xf32, #tpu.memory_space<vmem>>, vector<16xf32>,
        %get3A_654 = arith.index_cast %scan3A_629 : i32 to index
        %get3A_655 = arith.constant 0 : index
        %get3A_656 = tpu.vector_load %arg13[%get3A_654, %get3A_655] {strides = array<i32>} : memref<416x16xf32, #tpu.memory_space<vmem>>, vector<16xf32>,
        %gather3A_657 = tpu.vector_load_idx %arg8[%or3A_644, %and3A_650] : memref<1664x8xf32, #tpu.memory_space<vmem>>[vector<16xi32>, vector<16xi32>], vector<16xf32>,
        %gather3A_658 = tpu.vector_load_idx %arg9[%or3A_644, %and3A_650] : memref<1664x8xf32, #tpu.memory_space<vmem>>[vector<16xi32>, vector<16xi32>], vector<16xf32>,
        %mul3A_659 = arith.mulf %get3A_653, %get3A_656 : vector<16xf32>
        %neg3A_660 = arith.constant 0.000000e+00 : f32
        %neg3A_661 = vector.broadcast %neg3A_660 : f32 to vector<16xf32>
        %neg3A_662 = arith.subf %neg3A_661, %mul3A_659 : vector<16xf32>
        %mul3A_663 = arith.mulf %neg3A_662, %gather3A_657 : vector<16xf32>
        %mul3A_664 = arith.mulf %mul3A_663, %gather3A_658 : vector<16xf32>
        %swap3A_665 = arith.index_cast %scan3A_629 : i32 to index
        %swap3A_666 = arith.constant 0 : index
        %swap3A_667 = tpu.vector_load %arg16[%swap3A_665, %swap3A_666] {strides = array<i32>} : memref<416x16xf32, #tpu.memory_space<vmem>>, vector<16xf32>,
        tpu.vector_store %arg16[%swap3A_665, %swap3A_666], %mul3A_664 {strides = array<i32>} : memref<416x16xf32, #tpu.memory_space<vmem>>, vector<16xf32>,
        %scan3A_668 = arith.constant 3 : i32
        %scan3A_669 = arith.addi %scan3A_557, %scan3A_668 : i32
        %mul3A_670 = arith.constant 16 : i32
        %mul3A_671 = arith.muli %scan3A_669, %mul3A_670 : i32
        %iota3A_672 = tpu.iota {dimensions = array<i32: 0>} : vector<16xi32>
        %add3A_673 = vector.broadcast %mul3A_671 : i32 to vector<16xi32>
        %add3A_674 = arith.addi %add3A_673, %iota3A_672 : vector<16xi32>
        %shift_right_logical3A_675 = arith.constant 9 : i32
        %shift_right_logical3A_676 = vector.broadcast %shift_right_logical3A_675 : i32 to vector<16xi32>
        %shift_right_logical3A_677 = arith.shrui %add3A_674, %shift_right_logical3A_676 : vector<16xi32>
        %shift_left3A_678 = arith.constant 7 : i32
        %shift_left3A_679 = vector.broadcast %shift_left3A_678 : i32 to vector<16xi32>
        %shift_left3A_680 = arith.shli %shift_right_logical3A_677, %shift_left3A_679 : vector<16xi32>
        %and3A_681 = arith.constant 127 : i32
        %and3A_682 = vector.broadcast %and3A_681 : i32 to vector<16xi32>
        %and3A_683 = arith.andi %add3A_674, %and3A_682 : vector<16xi32>
        %or3A_684 = arith.ori %shift_left3A_680, %and3A_683 : vector<16xi32>
        %shift_right_logical3A_685 = arith.constant 7 : i32
        %shift_right_logical3A_686 = vector.broadcast %shift_right_logical3A_685 : i32 to vector<16xi32>
        %shift_right_logical3A_687 = arith.shrui %add3A_674, %shift_right_logical3A_686 : vector<16xi32>
        %and3A_688 = arith.constant 3 : i32
        %and3A_689 = vector.broadcast %and3A_688 : i32 to vector<16xi32>
        %and3A_690 = arith.andi %shift_right_logical3A_687, %and3A_689 : vector<16xi32>
        %get3A_691 = arith.index_cast %scan3A_669 : i32 to index
        %get3A_692 = arith.constant 0 : index
        %get3A_693 = tpu.vector_load %arg12[%get3A_691, %get3A_692] {strides = array<i32>} : memref<416x16xf32, #tpu.memory_space<vmem>>, vector<16xf32>,
        %get3A_694 = arith.index_cast %scan3A_669 : i32 to index
        %get3A_695 = arith.constant 0 : index
        %get3A_696 = tpu.vector_load %arg13[%get3A_694, %get3A_695] {strides = array<i32>} : memref<416x16xf32, #tpu.memory_space<vmem>>, vector<16xf32>,
        %gather3A_697 = tpu.vector_load_idx %arg8[%or3A_684, %and3A_690] : memref<1664x8xf32, #tpu.memory_space<vmem>>[vector<16xi32>, vector<16xi32>], vector<16xf32>,
        %gather3A_698 = tpu.vector_load_idx %arg9[%or3A_684, %and3A_690] : memref<1664x8xf32, #tpu.memory_space<vmem>>[vector<16xi32>, vector<16xi32>], vector<16xf32>,
        %mul3A_699 = arith.mulf %get3A_693, %get3A_696 : vector<16xf32>
        %neg3A_700 = arith.constant 0.000000e+00 : f32
        %neg3A_701 = vector.broadcast %neg3A_700 : f32 to vector<16xf32>
        %neg3A_702 = arith.subf %neg3A_701, %mul3A_699 : vector<16xf32>
        %mul3A_703 = arith.mulf %neg3A_702, %gather3A_697 : vector<16xf32>
        %mul3A_704 = arith.mulf %mul3A_703, %gather3A_698 : vector<16xf32>
        %swap3A_705 = arith.index_cast %scan3A_669 : i32 to index
        %swap3A_706 = arith.constant 0 : index
        %swap3A_707 = tpu.vector_load %arg16[%swap3A_705, %swap3A_706] {strides = array<i32>} : memref<416x16xf32, #tpu.memory_space<vmem>>, vector<16xf32>,
        tpu.vector_store %arg16[%swap3A_705, %swap3A_706], %mul3A_704 {strides = array<i32>} : memref<416x16xf32, #tpu.memory_space<vmem>>, vector<16xf32>,
      }
      %scan3A_341 = arith.constant 416 : i32
      %mul3A_342 = arith.constant 1664 : i32
      %mul3A_343 = arith.muli %mul3A_193, %mul3A_342 : i32
      %add3A_344 = arith.addi %add3A_6, %mul3A_343 : i32
      %jit3A_345 = arith.constant 4 : i32
      %div3A_346 = arith.divsi %add3A_344, %jit3A_345 : i32
      %sign3A_347 = arith.constant 0 : i32
      %sign3A_348 = arith.cmpi sgt, %add3A_344, %sign3A_347 : i32
      %sign3A_349 = arith.extui %sign3A_348 : i1 to i32
      %sign3A_350 = arith.constant 0 : i32
      %sign3A_351 = arith.cmpi slt, %add3A_344, %sign3A_350 : i32
      %sign3A_352 = arith.extui %sign3A_351 : i1 to i32
      %sign3A_353 = arith.subi %sign3A_349, %sign3A_352 : i32
      %sign3A_354 = arith.constant 0 : i32
      %sign3A_355 = arith.cmpi sgt, %jit3A_345, %sign3A_354 : i32
      %sign3A_356 = arith.extui %sign3A_355 : i1 to i32
      %sign3A_357 = arith.constant 0 : i32
      %sign3A_358 = arith.cmpi slt, %jit3A_345, %sign3A_357 : i32
      %sign3A_359 = arith.extui %sign3A_358 : i1 to i32
      %sign3A_360 = arith.subi %sign3A_356, %sign3A_359 : i32
      %ne3A_361 = arith.cmpi ne, %sign3A_353, %sign3A_360 : i32
      %rem3A_362 = arith.remsi %add3A_344, %jit3A_345 : i32
      %ne3A_363 = arith.constant 0 : i32
      %ne3A_364 = arith.cmpi ne, %rem3A_362, %ne3A_363 : i32
      %and3A_365 = arith.andi %ne3A_361, %ne3A_364 : i1
      %sub3A_366 = arith.constant 1 : i32
      %sub3A_367 = arith.subi %div3A_346, %sub3A_366 : i32
      %select_n3A_368 = arith.select %and3A_365, %sub3A_367, %div3A_346 : i32
      %dma_start3A_369 = arith.constant 0 : i32
      %dma_start3A_370 = tpu.memref_slice %arg5[%select_n3A_368, %dma_start3A_369] : memref<200000x16xf32, #tpu.memory_space<hbm>> -> memref<416x16xf32, #tpu.memory_space<hbm>>
      %dma_start3A_371 = arith.constant 0 : i32
      %dma_start3A_372 = tpu.memref_slice %arg5[%select_n3A_368, %dma_start3A_371] : memref<200000x16xf32, #tpu.memory_space<hbm>> -> memref<416x16xf32, #tpu.memory_space<hbm>>
      tpu.enqueue_dma source(%arg16 : memref<416x16xf32, #tpu.memory_space<vmem>>) target(%dma_start3A_372 : memref<416x16xf32, #tpu.memory_space<hbm>>) target_semaphore(%arg24 : memref<!tpu.dma_semaphore, #tpu.memory_space<semaphore_mem>>)
      %mul3A_373 = arith.constant 2 : i32
      %mul3A_374 = arith.muli %mul3A_373, %scan3A_191 : i32
      %add3A_375 = arith.constant 1 : i32
      %add3A_376 = arith.addi %mul3A_374, %add3A_375 : i32
      %dma_wait3A_377 = arith.constant 0 : i32
      %dma_wait3A_378 = arith.constant 0 : i32
      %dma_wait3A_379 = arith.constant 0 : i32
      %dma_wait3A_380 = tpu.memref_slice %arg6[%dma_wait3A_378, %dma_wait3A_379] : memref<2x1664xi32, #tpu.memory_space<vmem>> -> memref<1x1664xi32, #tpu.memory_space<vmem>>
      %dma_wait3A_381 = tpu.memref_squeeze %dma_wait3A_380 : memref<1x1664xi32, #tpu.memory_space<vmem>> -> memref<1664xi32, #tpu.memory_space<vmem>>
      %dma_wait3A_382 = arith.constant 0 : i32
      %dma_wait3A_383 = tpu.memref_slice %arg2[%dma_wait3A_377, %dma_wait3A_382] : memref<2x1600000xi32, #tpu.memory_space<hbm>> -> memref<1x1664xi32, #tpu.memory_space<hbm>>
      %dma_wait3A_384 = tpu.memref_squeeze %dma_wait3A_383 : memref<1x1664xi32, #tpu.memory_space<hbm>> -> memref<1664xi32, #tpu.memory_space<hbm>>
      %dma_wait3A_385 = arith.constant 0 : i32
      %dma_wait3A_386 = tpu.memref_slice %arg6[%dma_wait3A_378, %dma_wait3A_385] : memref<2x1664xi32, #tpu.memory_space<vmem>> -> memref<1x1664xi32, #tpu.memory_space<vmem>>
      %dma_wait3A_387 = tpu.memref_squeeze %dma_wait3A_386 : memref<1x1664xi32, #tpu.memory_space<vmem>> -> memref<1664xi32, #tpu.memory_space<vmem>>
      %dma_wait3A_388 = arith.constant 0 : i32
      %dma_wait3A_389 = tpu.memref_slice %arg2[%dma_wait3A_377, %dma_wait3A_388] : memref<2x1600000xi32, #tpu.memory_space<hbm>> -> memref<1x1664xi32, #tpu.memory_space<hbm>>
      %dma_wait3A_390 = tpu.memref_squeeze %dma_wait3A_389 : memref<1x1664xi32, #tpu.memory_space<hbm>> -> memref<1664xi32, #tpu.memory_space<hbm>>
      tpu.wait_dma2 semaphore(%arg19 : memref<!tpu.dma_semaphore, #tpu.memory_space<semaphore_mem>>) src(%dma_wait3A_390 : memref<1664xi32, #tpu.memory_space<hbm>>) dst(%dma_wait3A_387 : memref<1664xi32, #tpu.memory_space<vmem>>)
      %dma_wait3A_391 = arith.constant 1 : i32
      %dma_wait3A_392 = arith.constant 1 : i32
      %dma_wait3A_393 = arith.constant 0 : i32
      %dma_wait3A_394 = tpu.memref_slice %arg6[%dma_wait3A_392, %dma_wait3A_393] : memref<2x1664xi32, #tpu.memory_space<vmem>> -> memref<1x1664xi32, #tpu.memory_space<vmem>>
      %dma_wait3A_395 = tpu.memref_squeeze %dma_wait3A_394 : memref<1x1664xi32, #tpu.memory_space<vmem>> -> memref<1664xi32, #tpu.memory_space<vmem>>
      %dma_wait3A_396 = arith.constant 0 : i32
      %dma_wait3A_397 = tpu.memref_slice %arg2[%dma_wait3A_391, %dma_wait3A_396] : memref<2x1600000xi32, #tpu.memory_space<hbm>> -> memref<1x1664xi32, #tpu.memory_space<hbm>>
      %dma_wait3A_398 = tpu.memref_squeeze %dma_wait3A_397 : memref<1x1664xi32, #tpu.memory_space<hbm>> -> memref<1664xi32, #tpu.memory_space<hbm>>
      %dma_wait3A_399 = arith.constant 0 : i32
      %dma_wait3A_400 = tpu.memref_slice %arg6[%dma_wait3A_392, %dma_wait3A_399] : memref<2x1664xi32, #tpu.memory_space<vmem>> -> memref<1x1664xi32, #tpu.memory_space<vmem>>
      %dma_wait3A_401 = tpu.memref_squeeze %dma_wait3A_400 : memref<1x1664xi32, #tpu.memory_space<vmem>> -> memref<1664xi32, #tpu.memory_space<vmem>>
      %dma_wait3A_402 = arith.constant 0 : i32
      %dma_wait3A_403 = tpu.memref_slice %arg2[%dma_wait3A_391, %dma_wait3A_402] : memref<2x1600000xi32, #tpu.memory_space<hbm>> -> memref<1x1664xi32, #tpu.memory_space<hbm>>
      %dma_wait3A_404 = tpu.memref_squeeze %dma_wait3A_403 : memref<1x1664xi32, #tpu.memory_space<hbm>> -> memref<1664xi32, #tpu.memory_space<hbm>>
      tpu.wait_dma2 semaphore(%arg19 : memref<!tpu.dma_semaphore, #tpu.memory_space<semaphore_mem>>) src(%dma_wait3A_404 : memref<1664xi32, #tpu.memory_space<hbm>>) dst(%dma_wait3A_401 : memref<1664xi32, #tpu.memory_space<vmem>>)
      %dma_start3A_405 = arith.constant 0 : i32
      %dma_start3A_406 = arith.constant 0 : i32
      %dma_start3A_407 = tpu.memref_slice %arg6[%dma_start3A_405, %dma_start3A_406] : memref<2x1664xi32, #tpu.memory_space<vmem>> -> memref<1x1664xi32, #tpu.memory_space<vmem>>
      %dma_start3A_408 = tpu.memref_squeeze %dma_start3A_407 : memref<1x1664xi32, #tpu.memory_space<vmem>> -> memref<1664xi32, #tpu.memory_space<vmem>>
      %dma_start3A_409 = arith.constant 0 : i32
      %dma_start3A_410 = arith.constant 0 : i32
      %dma_start3A_411 = tpu.memref_slice %arg4[%dma_start3A_409, %dma_start3A_410] : memref<50176x8xf32, #tpu.memory_space<hbm>> -> memref<50176x8xf32, #tpu.memory_space<hbm>>
      tpu.enqueue_indirect_dma source(%dma_start3A_411 : memref<50176x8xf32, #tpu.memory_space<hbm>>) target(%arg8 : memref<1664x8xf32, #tpu.memory_space<vmem>>) offsets(%dma_start3A_408 : memref<1664xi32, #tpu.memory_space<vmem>>) semaphore(%arg20 : memref<!tpu.dma_semaphore, #tpu.memory_space<semaphore_mem>>)
      %dma_start3A_412 = arith.constant 1 : i32
      %dma_start3A_413 = arith.constant 0 : i32
      %dma_start3A_414 = tpu.memref_slice %arg6[%dma_start3A_412, %dma_start3A_413] : memref<2x1664xi32, #tpu.memory_space<vmem>> -> memref<1x1664xi32, #tpu.memory_space<vmem>>
      %dma_start3A_415 = tpu.memref_squeeze %dma_start3A_414 : memref<1x1664xi32, #tpu.memory_space<vmem>> -> memref<1664xi32, #tpu.memory_space<vmem>>
      %dma_start3A_416 = arith.constant 0 : i32
      %dma_start3A_417 = arith.constant 0 : i32
      %dma_start3A_418 = tpu.memref_slice %arg4[%dma_start3A_416, %dma_start3A_417] : memref<50176x8xf32, #tpu.memory_space<hbm>> -> memref<50176x8xf32, #tpu.memory_space<hbm>>
      tpu.enqueue_indirect_dma source(%dma_start3A_418 : memref<50176x8xf32, #tpu.memory_space<hbm>>) target(%arg9 : memref<1664x8xf32, #tpu.memory_space<vmem>>) offsets(%dma_start3A_415 : memref<1664xi32, #tpu.memory_space<vmem>>) semaphore(%arg20 : memref<!tpu.dma_semaphore, #tpu.memory_space<semaphore_mem>>)
      %add3A_419 = arith.constant 1 : i32
      %add3A_420 = arith.addi %add3A_376, %add3A_419 : i32
      %mul3A_421 = arith.constant 1664 : i32
      %mul3A_422 = arith.muli %add3A_420, %mul3A_421 : i32
      %add3A_423 = arith.addi %add3A_6, %mul3A_422 : i32
      %jit3A_424 = arith.constant 4 : i32
      %div3A_425 = arith.divsi %add3A_423, %jit3A_424 : i32
      %sign3A_426 = arith.constant 0 : i32
      %sign3A_427 = arith.cmpi sgt, %add3A_423, %sign3A_426 : i32
      %sign3A_428 = arith.extui %sign3A_427 : i1 to i32
      %sign3A_429 = arith.constant 0 : i32
      %sign3A_430 = arith.cmpi slt, %add3A_423, %sign3A_429 : i32
      %sign3A_431 = arith.extui %sign3A_430 : i1 to i32
      %sign3A_432 = arith.subi %sign3A_428, %sign3A_431 : i32
      %sign3A_433 = arith.constant 0 : i32
      %sign3A_434 = arith.cmpi sgt, %jit3A_424, %sign3A_433 : i32
      %sign3A_435 = arith.extui %sign3A_434 : i1 to i32
      %sign3A_436 = arith.constant 0 : i32
      %sign3A_437 = arith.cmpi slt, %jit3A_424, %sign3A_436 : i32
      %sign3A_438 = arith.extui %sign3A_437 : i1 to i32
      %sign3A_439 = arith.subi %sign3A_435, %sign3A_438 : i32
      %ne3A_440 = arith.cmpi ne, %sign3A_432, %sign3A_439 : i32
      %rem3A_441 = arith.remsi %add3A_423, %jit3A_424 : i32
      %ne3A_442 = arith.constant 0 : i32
      %ne3A_443 = arith.cmpi ne, %rem3A_441, %ne3A_442 : i32
      %and3A_444 = arith.andi %ne3A_440, %ne3A_443 : i1
      %sub3A_445 = arith.constant 1 : i32
      %sub3A_446 = arith.subi %div3A_425, %sub3A_445 : i32
      %select_n3A_447 = arith.select %and3A_444, %sub3A_446, %div3A_425 : i32
      %dma_start3A_448 = arith.constant 0 : i32
      %dma_start3A_449 = tpu.memref_slice %arg3[%select_n3A_447, %dma_start3A_448] : memref<400000x16xf32, #tpu.memory_space<hbm>> -> memref<416x16xf32, #tpu.memory_space<hbm>>
      %dma_start3A_450 = arith.constant 0 : i32
      %dma_start3A_451 = tpu.memref_slice %arg3[%select_n3A_447, %dma_start3A_450] : memref<400000x16xf32, #tpu.memory_space<hbm>> -> memref<416x16xf32, #tpu.memory_space<hbm>>
      tpu.enqueue_dma source(%dma_start3A_451 : memref<416x16xf32, #tpu.memory_space<hbm>>) target(%arg12 : memref<416x16xf32, #tpu.memory_space<vmem>>) target_semaphore(%arg22 : memref<!tpu.dma_semaphore, #tpu.memory_space<semaphore_mem>>)
      %add3A_452 = arith.constant 800000 : i32
      %add3A_453 = arith.addi %add3A_452, %add3A_423 : i32
      %jit3A_454 = arith.constant 4 : i32
      %div3A_455 = arith.divsi %add3A_453, %jit3A_454 : i32
      %sign3A_456 = arith.constant 0 : i32
      %sign3A_457 = arith.cmpi sgt, %add3A_453, %sign3A_456 : i32
      %sign3A_458 = arith.extui %sign3A_457 : i1 to i32
      %sign3A_459 = arith.constant 0 : i32
      %sign3A_460 = arith.cmpi slt, %add3A_453, %sign3A_459 : i32
      %sign3A_461 = arith.extui %sign3A_460 : i1 to i32
      %sign3A_462 = arith.subi %sign3A_458, %sign3A_461 : i32
      %sign3A_463 = arith.constant 0 : i32
      %sign3A_464 = arith.cmpi sgt, %jit3A_454, %sign3A_463 : i32
      %sign3A_465 = arith.extui %sign3A_464 : i1 to i32
      %sign3A_466 = arith.constant 0 : i32
      %sign3A_467 = arith.cmpi slt, %jit3A_454, %sign3A_466 : i32
      %sign3A_468 = arith.extui %sign3A_467 : i1 to i32
      %sign3A_469 = arith.subi %sign3A_465, %sign3A_468 : i32
      %ne3A_470 = arith.cmpi ne, %sign3A_462, %sign3A_469 : i32
      %rem3A_471 = arith.remsi %add3A_453, %jit3A_454 : i32
      %ne3A_472 = arith.constant 0 : i32
      %ne3A_473 = arith.cmpi ne, %rem3A_471, %ne3A_472 : i32
      %and3A_474 = arith.andi %ne3A_470, %ne3A_473 : i1
      %sub3A_475 = arith.constant 1 : i32
      %sub3A_476 = arith.subi %div3A_455, %sub3A_475 : i32
      %select_n3A_477 = arith.select %and3A_474, %sub3A_476, %div3A_455 : i32
      %dma_start3A_478 = arith.constant 0 : i32
      %dma_start3A_479 = tpu.memref_slice %arg3[%select_n3A_477, %dma_start3A_478] : memref<400000x16xf32, #tpu.memory_space<hbm>> -> memref<416x16xf32, #tpu.memory_space<hbm>>
      %dma_start3A_480 = arith.constant 0 : i32
      %dma_start3A_481 = tpu.memref_slice %arg3[%select_n3A_477, %dma_start3A_480] : memref<400000x16xf32, #tpu.memory_space<hbm>> -> memref<416x16xf32, #tpu.memory_space<hbm>>
      tpu.enqueue_dma source(%dma_start3A_481 : memref<416x16xf32, #tpu.memory_space<hbm>>) target(%arg13 : memref<416x16xf32, #tpu.memory_space<vmem>>) target_semaphore(%arg22 : memref<!tpu.dma_semaphore, #tpu.memory_space<semaphore_mem>>)
      %dma_wait3A_482 = arith.constant 0 : i32
      %dma_wait3A_483 = arith.constant 0 : i32
      %dma_wait3A_484 = tpu.memref_slice %arg7[%dma_wait3A_482, %dma_wait3A_483] : memref<2x1664xi32, #tpu.memory_space<vmem>> -> memref<1x1664xi32, #tpu.memory_space<vmem>>
      %dma_wait3A_485 = tpu.memref_squeeze %dma_wait3A_484 : memref<1x1664xi32, #tpu.memory_space<vmem>> -> memref<1664xi32, #tpu.memory_space<vmem>>
      %dma_wait3A_486 = arith.constant 0 : i32
      %dma_wait3A_487 = arith.constant 0 : i32
      %dma_wait3A_488 = tpu.memref_slice %arg4[%dma_wait3A_486, %dma_wait3A_487] : memref<50176x8xf32, #tpu.memory_space<hbm>> -> memref<50176x8xf32, #tpu.memory_space<hbm>>
      tpu.wait_indirect_dma semaphore(%arg21 : memref<!tpu.dma_semaphore, #tpu.memory_space<semaphore_mem>>) src(%dma_wait3A_488 : memref<50176x8xf32, #tpu.memory_space<hbm>>) dst(%arg10 : memref<1664x8xf32, #tpu.memory_space<vmem>>)
      %dma_wait3A_489 = arith.constant 1 : i32
      %dma_wait3A_490 = arith.constant 0 : i32
      %dma_wait3A_491 = tpu.memref_slice %arg7[%dma_wait3A_489, %dma_wait3A_490] : memref<2x1664xi32, #tpu.memory_space<vmem>> -> memref<1x1664xi32, #tpu.memory_space<vmem>>
      %dma_wait3A_492 = tpu.memref_squeeze %dma_wait3A_491 : memref<1x1664xi32, #tpu.memory_space<vmem>> -> memref<1664xi32, #tpu.memory_space<vmem>>
      %dma_wait3A_493 = arith.constant 0 : i32
      %dma_wait3A_494 = arith.constant 0 : i32
      %dma_wait3A_495 = tpu.memref_slice %arg4[%dma_wait3A_493, %dma_wait3A_494] : memref<50176x8xf32, #tpu.memory_space<hbm>> -> memref<50176x8xf32, #tpu.memory_space<hbm>>
      tpu.wait_indirect_dma semaphore(%arg21 : memref<!tpu.dma_semaphore, #tpu.memory_space<semaphore_mem>>) src(%dma_wait3A_495 : memref<50176x8xf32, #tpu.memory_space<hbm>>) dst(%arg11 : memref<1664x8xf32, #tpu.memory_space<vmem>>)
      %dma_wait3A_496 = arith.constant 0 : i32
      %dma_wait3A_497 = arith.constant 0 : i32
      %dma_wait3A_498 = tpu.memref_slice %arg3[%dma_wait3A_496, %dma_wait3A_497] : memref<400000x16xf32, #tpu.memory_space<hbm>> -> memref<416x16xf32, #tpu.memory_space<hbm>>
      %dma_wait3A_499 = arith.constant 0 : i32
      %dma_wait3A_500 = arith.constant 0 : i32
      %dma_wait3A_501 = tpu.memref_slice %arg3[%dma_wait3A_499, %dma_wait3A_500] : memref<400000x16xf32, #tpu.memory_space<hbm>> -> memref<416x16xf32, #tpu.memory_space<hbm>>
      tpu.wait_dma2 semaphore(%arg23 : memref<!tpu.dma_semaphore, #tpu.memory_space<semaphore_mem>>) src(%dma_wait3A_501 : memref<416x16xf32, #tpu.memory_space<hbm>>) dst(%arg14 : memref<416x16xf32, #tpu.memory_space<vmem>>)
      %dma_wait3A_502 = arith.constant 0 : i32
      %dma_wait3A_503 = arith.constant 0 : i32
      %dma_wait3A_504 = tpu.memref_slice %arg3[%dma_wait3A_502, %dma_wait3A_503] : memref<400000x16xf32, #tpu.memory_space<hbm>> -> memref<416x16xf32, #tpu.memory_space<hbm>>
      %dma_wait3A_505 = arith.constant 0 : i32
      %dma_wait3A_506 = arith.constant 0 : i32
      %dma_wait3A_507 = tpu.memref_slice %arg3[%dma_wait3A_505, %dma_wait3A_506] : memref<400000x16xf32, #tpu.memory_space<hbm>> -> memref<416x16xf32, #tpu.memory_space<hbm>>
      tpu.wait_dma2 semaphore(%arg23 : memref<!tpu.dma_semaphore, #tpu.memory_space<semaphore_mem>>) src(%dma_wait3A_507 : memref<416x16xf32, #tpu.memory_space<hbm>>) dst(%arg15 : memref<416x16xf32, #tpu.memory_space<vmem>>)
      %add3A_508 = arith.constant 2 : i32
      %add3A_509 = arith.addi %add3A_376, %add3A_508 : i32
      %lt3A_510 = arith.constant 15 : i32
      %lt3A_511 = arith.cmpi slt, %add3A_509, %lt3A_510 : i32
      %convert_element_type3A_512 = arith.extui %lt3A_511 : i1 to i32
      %cond3A_513 = arith.constant 0 : i32
      %cond3A_514 = arith.cmpi ne, %convert_element_type3A_512, %cond3A_513 : i32
      scf.if %cond3A_514 {
        %add3A_557 = arith.constant 2 : i32
        %add3A_558 = arith.addi %add3A_376, %add3A_557 : i32
        %mul3A_559 = arith.constant 1664 : i32
        %mul3A_560 = arith.muli %add3A_558, %mul3A_559 : i32
        %add3A_561 = arith.addi %add3A_6, %mul3A_560 : i32
        %dma_start3A_562 = arith.constant 0 : i32
        %dma_start3A_563 = arith.constant 0 : i32
        %dma_start3A_564 = arith.constant 0 : i32
        %dma_start3A_565 = tpu.memref_slice %arg7[%dma_start3A_563, %dma_start3A_564] : memref<2x1664xi32, #tpu.memory_space<vmem>> -> memref<1x1664xi32, #tpu.memory_space<vmem>>
        %dma_start3A_566 = tpu.memref_squeeze %dma_start3A_565 : memref<1x1664xi32, #tpu.memory_space<vmem>> -> memref<1664xi32, #tpu.memory_space<vmem>>
        %dma_start3A_567 = tpu.memref_slice %arg2[%dma_start3A_562, %add3A_561] : memref<2x1600000xi32, #tpu.memory_space<hbm>> -> memref<1x1664xi32, #tpu.memory_space<hbm>>
        %dma_start3A_568 = tpu.memref_squeeze %dma_start3A_567 : memref<1x1664xi32, #tpu.memory_space<hbm>> -> memref<1664xi32, #tpu.memory_space<hbm>>
        %dma_start3A_569 = arith.constant 0 : i32
        %dma_start3A_570 = tpu.memref_slice %arg7[%dma_start3A_563, %dma_start3A_569] : memref<2x1664xi32, #tpu.memory_space<vmem>> -> memref<1x1664xi32, #tpu.memory_space<vmem>>
        %dma_start3A_571 = tpu.memref_squeeze %dma_start3A_570 : memref<1x1664xi32, #tpu.memory_space<vmem>> -> memref<1664xi32, #tpu.memory_space<vmem>>
        %dma_start3A_572 = tpu.memref_slice %arg2[%dma_start3A_562, %add3A_561] : memref<2x1600000xi32, #tpu.memory_space<hbm>> -> memref<1x1664xi32, #tpu.memory_space<hbm>>
        %dma_start3A_573 = tpu.memref_squeeze %dma_start3A_572 : memref<1x1664xi32, #tpu.memory_space<hbm>> -> memref<1664xi32, #tpu.memory_space<hbm>>
        tpu.enqueue_dma source(%dma_start3A_573 : memref<1664xi32, #tpu.memory_space<hbm>>) target(%dma_start3A_571 : memref<1664xi32, #tpu.memory_space<vmem>>) target_semaphore(%arg19 : memref<!tpu.dma_semaphore, #tpu.memory_space<semaphore_mem>>)
        %dma_start3A_574 = arith.constant 1 : i32
        %dma_start3A_575 = arith.constant 1 : i32
        %dma_start3A_576 = arith.constant 0 : i32
        %dma_start3A_577 = tpu.memref_slice %arg7[%dma_start3A_575, %dma_start3A_576] : memref<2x1664xi32, #tpu.memory_space<vmem>> -> memref<1x1664xi32, #tpu.memory_space<vmem>>
        %dma_start3A_578 = tpu.memref_squeeze %dma_start3A_577 : memref<1x1664xi32, #tpu.memory_space<vmem>> -> memref<1664xi32, #tpu.memory_space<vmem>>
        %dma_start3A_579 = tpu.memref_slice %arg2[%dma_start3A_574, %add3A_561] : memref<2x1600000xi32, #tpu.memory_space<hbm>> -> memref<1x1664xi32, #tpu.memory_space<hbm>>
        %dma_start3A_580 = tpu.memref_squeeze %dma_start3A_579 : memref<1x1664xi32, #tpu.memory_space<hbm>> -> memref<1664xi32, #tpu.memory_space<hbm>>
        %dma_start3A_581 = arith.constant 0 : i32
        %dma_start3A_582 = tpu.memref_slice %arg7[%dma_start3A_575, %dma_start3A_581] : memref<2x1664xi32, #tpu.memory_space<vmem>> -> memref<1x1664xi32, #tpu.memory_space<vmem>>
        %dma_start3A_583 = tpu.memref_squeeze %dma_start3A_582 : memref<1x1664xi32, #tpu.memory_space<vmem>> -> memref<1664xi32, #tpu.memory_space<vmem>>
        %dma_start3A_584 = tpu.memref_slice %arg2[%dma_start3A_574, %add3A_561] : memref<2x1600000xi32, #tpu.memory_space<hbm>> -> memref<1x1664xi32, #tpu.memory_space<hbm>>
        %dma_start3A_585 = tpu.memref_squeeze %dma_start3A_584 : memref<1x1664xi32, #tpu.memory_space<hbm>> -> memref<1664xi32, #tpu.memory_space<hbm>>
        tpu.enqueue_dma source(%dma_start3A_585 : memref<1664xi32, #tpu.memory_space<hbm>>) target(%dma_start3A_583 : memref<1664xi32, #tpu.memory_space<vmem>>) target_semaphore(%arg19 : memref<!tpu.dma_semaphore, #tpu.memory_space<semaphore_mem>>)
      } else {
      }
      %gt3A_515 = arith.constant 0 : i32
      %gt3A_516 = arith.cmpi sgt, %scan3A_191, %gt3A_515 : i32
      %convert_element_type3A_517 = arith.extui %gt3A_516 : i1 to i32
      %cond3A_518 = arith.constant 0 : i32
      %cond3A_519 = arith.cmpi ne, %convert_element_type3A_517, %cond3A_518 : i32
      scf.if %cond3A_519 {
        %dma_wait3A_557 = arith.constant 0 : i32
        %dma_wait3A_558 = arith.constant 0 : i32
        %dma_wait3A_559 = tpu.memref_slice %arg5[%dma_wait3A_557, %dma_wait3A_558] : memref<200000x16xf32, #tpu.memory_space<hbm>> -> memref<416x16xf32, #tpu.memory_space<hbm>>
        %dma_wait3A_560 = arith.constant 0 : i32
        %dma_wait3A_561 = arith.constant 0 : i32
        %dma_wait3A_562 = tpu.memref_slice %arg5[%dma_wait3A_560, %dma_wait3A_561] : memref<200000x16xf32, #tpu.memory_space<hbm>> -> memref<416x16xf32, #tpu.memory_space<hbm>>
        tpu.wait_dma2 semaphore(%arg24 : memref<!tpu.dma_semaphore, #tpu.memory_space<semaphore_mem>>) src(%arg17 : memref<416x16xf32, #tpu.memory_space<vmem>>) dst(%dma_wait3A_562 : memref<416x16xf32, #tpu.memory_space<hbm>>)
      } else {
      }
      %scan3A_520 = arith.constant 0 : i32
      %scan3A_521 = arith.constant 0 : i32
      %scan3A_522 = arith.constant 416 : i32
      %scan3A_523 = arith.addi %scan3A_521, %scan3A_522 : i32
      %scan3A_524 = arith.constant 4 : i32
      scf.for %scan3A_557 = %scan3A_521 to %scan3A_523 step %scan3A_524  : i32 {
        %mul3A_558 = arith.constant 16 : i32
        %mul3A_559 = arith.muli %scan3A_557, %mul3A_558 : i32
        %iota3A = tpu.iota {dimensions = array<i32: 0>} : vector<16xi32>
        %add3A_560 = vector.broadcast %mul3A_559 : i32 to vector<16xi32>
        %add3A_561 = arith.addi %add3A_560, %iota3A : vector<16xi32>
        %shift_right_logical3A = arith.constant 9 : i32
        %shift_right_logical3A_562 = vector.broadcast %shift_right_logical3A : i32 to vector<16xi32>
        %shift_right_logical3A_563 = arith.shrui %add3A_561, %shift_right_logical3A_562 : vector<16xi32>
        %shift_left3A = arith.constant 7 : i32
        %shift_left3A_564 = vector.broadcast %shift_left3A : i32 to vector<16xi32>
        %shift_left3A_565 = arith.shli %shift_right_logical3A_563, %shift_left3A_564 : vector<16xi32>
        %and3A_566 = arith.constant 127 : i32
        %and3A_567 = vector.broadcast %and3A_566 : i32 to vector<16xi32>
        %and3A_568 = arith.andi %add3A_561, %and3A_567 : vector<16xi32>
        %or3A = arith.ori %shift_left3A_565, %and3A_568 : vector<16xi32>
        %shift_right_logical3A_569 = arith.constant 7 : i32
        %shift_right_logical3A_570 = vector.broadcast %shift_right_logical3A_569 : i32 to vector<16xi32>
        %shift_right_logical3A_571 = arith.shrui %add3A_561, %shift_right_logical3A_570 : vector<16xi32>
        %and3A_572 = arith.constant 3 : i32
        %and3A_573 = vector.broadcast %and3A_572 : i32 to vector<16xi32>
        %and3A_574 = arith.andi %shift_right_logical3A_571, %and3A_573 : vector<16xi32>
        %get3A = arith.index_cast %scan3A_557 : i32 to index
        %get3A_575 = arith.constant 0 : index
        %get3A_576 = tpu.vector_load %arg14[%get3A, %get3A_575] {strides = array<i32>} : memref<416x16xf32, #tpu.memory_space<vmem>>, vector<16xf32>,
        %get3A_577 = arith.index_cast %scan3A_557 : i32 to index
        %get3A_578 = arith.constant 0 : index
        %get3A_579 = tpu.vector_load %arg15[%get3A_577, %get3A_578] {strides = array<i32>} : memref<416x16xf32, #tpu.memory_space<vmem>>, vector<16xf32>,
        %gather3A = tpu.vector_load_idx %arg10[%or3A, %and3A_574] : memref<1664x8xf32, #tpu.memory_space<vmem>>[vector<16xi32>, vector<16xi32>], vector<16xf32>,
        %gather3A_580 = tpu.vector_load_idx %arg11[%or3A, %and3A_574] : memref<1664x8xf32, #tpu.memory_space<vmem>>[vector<16xi32>, vector<16xi32>], vector<16xf32>,
        %mul3A_581 = arith.mulf %get3A_576, %get3A_579 : vector<16xf32>
        %neg3A = arith.constant 0.000000e+00 : f32
        %neg3A_582 = vector.broadcast %neg3A : f32 to vector<16xf32>
        %neg3A_583 = arith.subf %neg3A_582, %mul3A_581 : vector<16xf32>
        %mul3A_584 = arith.mulf %neg3A_583, %gather3A : vector<16xf32>
        %mul3A_585 = arith.mulf %mul3A_584, %gather3A_580 : vector<16xf32>
        %swap3A = arith.index_cast %scan3A_557 : i32 to index
        %swap3A_586 = arith.constant 0 : index
        %swap3A_587 = tpu.vector_load %arg17[%swap3A, %swap3A_586] {strides = array<i32>} : memref<416x16xf32, #tpu.memory_space<vmem>>, vector<16xf32>,
        tpu.vector_store %arg17[%swap3A, %swap3A_586], %mul3A_585 {strides = array<i32>} : memref<416x16xf32, #tpu.memory_space<vmem>>, vector<16xf32>,
        %scan3A_588 = arith.constant 1 : i32
        %scan3A_589 = arith.addi %scan3A_557, %scan3A_588 : i32
        %mul3A_590 = arith.constant 16 : i32
        %mul3A_591 = arith.muli %scan3A_589, %mul3A_590 : i32
        %iota3A_592 = tpu.iota {dimensions = array<i32: 0>} : vector<16xi32>
        %add3A_593 = vector.broadcast %mul3A_591 : i32 to vector<16xi32>
        %add3A_594 = arith.addi %add3A_593, %iota3A_592 : vector<16xi32>
        %shift_right_logical3A_595 = arith.constant 9 : i32
        %shift_right_logical3A_596 = vector.broadcast %shift_right_logical3A_595 : i32 to vector<16xi32>
        %shift_right_logical3A_597 = arith.shrui %add3A_594, %shift_right_logical3A_596 : vector<16xi32>
        %shift_left3A_598 = arith.constant 7 : i32
        %shift_left3A_599 = vector.broadcast %shift_left3A_598 : i32 to vector<16xi32>
        %shift_left3A_600 = arith.shli %shift_right_logical3A_597, %shift_left3A_599 : vector<16xi32>
        %and3A_601 = arith.constant 127 : i32
        %and3A_602 = vector.broadcast %and3A_601 : i32 to vector<16xi32>
        %and3A_603 = arith.andi %add3A_594, %and3A_602 : vector<16xi32>
        %or3A_604 = arith.ori %shift_left3A_600, %and3A_603 : vector<16xi32>
        %shift_right_logical3A_605 = arith.constant 7 : i32
        %shift_right_logical3A_606 = vector.broadcast %shift_right_logical3A_605 : i32 to vector<16xi32>
        %shift_right_logical3A_607 = arith.shrui %add3A_594, %shift_right_logical3A_606 : vector<16xi32>
        %and3A_608 = arith.constant 3 : i32
        %and3A_609 = vector.broadcast %and3A_608 : i32 to vector<16xi32>
        %and3A_610 = arith.andi %shift_right_logical3A_607, %and3A_609 : vector<16xi32>
        %get3A_611 = arith.index_cast %scan3A_589 : i32 to index
        %get3A_612 = arith.constant 0 : index
        %get3A_613 = tpu.vector_load %arg14[%get3A_611, %get3A_612] {strides = array<i32>} : memref<416x16xf32, #tpu.memory_space<vmem>>, vector<16xf32>,
        %get3A_614 = arith.index_cast %scan3A_589 : i32 to index
        %get3A_615 = arith.constant 0 : index
        %get3A_616 = tpu.vector_load %arg15[%get3A_614, %get3A_615] {strides = array<i32>} : memref<416x16xf32, #tpu.memory_space<vmem>>, vector<16xf32>,
        %gather3A_617 = tpu.vector_load_idx %arg10[%or3A_604, %and3A_610] : memref<1664x8xf32, #tpu.memory_space<vmem>>[vector<16xi32>, vector<16xi32>], vector<16xf32>,
        %gather3A_618 = tpu.vector_load_idx %arg11[%or3A_604, %and3A_610] : memref<1664x8xf32, #tpu.memory_space<vmem>>[vector<16xi32>, vector<16xi32>], vector<16xf32>,
        %mul3A_619 = arith.mulf %get3A_613, %get3A_616 : vector<16xf32>
        %neg3A_620 = arith.constant 0.000000e+00 : f32
        %neg3A_621 = vector.broadcast %neg3A_620 : f32 to vector<16xf32>
        %neg3A_622 = arith.subf %neg3A_621, %mul3A_619 : vector<16xf32>
        %mul3A_623 = arith.mulf %neg3A_622, %gather3A_617 : vector<16xf32>
        %mul3A_624 = arith.mulf %mul3A_623, %gather3A_618 : vector<16xf32>
        %swap3A_625 = arith.index_cast %scan3A_589 : i32 to index
        %swap3A_626 = arith.constant 0 : index
        %swap3A_627 = tpu.vector_load %arg17[%swap3A_625, %swap3A_626] {strides = array<i32>} : memref<416x16xf32, #tpu.memory_space<vmem>>, vector<16xf32>,
        tpu.vector_store %arg17[%swap3A_625, %swap3A_626], %mul3A_624 {strides = array<i32>} : memref<416x16xf32, #tpu.memory_space<vmem>>, vector<16xf32>,
        %scan3A_628 = arith.constant 2 : i32
        %scan3A_629 = arith.addi %scan3A_557, %scan3A_628 : i32
        %mul3A_630 = arith.constant 16 : i32
        %mul3A_631 = arith.muli %scan3A_629, %mul3A_630 : i32
        %iota3A_632 = tpu.iota {dimensions = array<i32: 0>} : vector<16xi32>
        %add3A_633 = vector.broadcast %mul3A_631 : i32 to vector<16xi32>
        %add3A_634 = arith.addi %add3A_633, %iota3A_632 : vector<16xi32>
        %shift_right_logical3A_635 = arith.constant 9 : i32
        %shift_right_logical3A_636 = vector.broadcast %shift_right_logical3A_635 : i32 to vector<16xi32>
        %shift_right_logical3A_637 = arith.shrui %add3A_634, %shift_right_logical3A_636 : vector<16xi32>
        %shift_left3A_638 = arith.constant 7 : i32
        %shift_left3A_639 = vector.broadcast %shift_left3A_638 : i32 to vector<16xi32>
        %shift_left3A_640 = arith.shli %shift_right_logical3A_637, %shift_left3A_639 : vector<16xi32>
        %and3A_641 = arith.constant 127 : i32
        %and3A_642 = vector.broadcast %and3A_641 : i32 to vector<16xi32>
        %and3A_643 = arith.andi %add3A_634, %and3A_642 : vector<16xi32>
        %or3A_644 = arith.ori %shift_left3A_640, %and3A_643 : vector<16xi32>
        %shift_right_logical3A_645 = arith.constant 7 : i32
        %shift_right_logical3A_646 = vector.broadcast %shift_right_logical3A_645 : i32 to vector<16xi32>
        %shift_right_logical3A_647 = arith.shrui %add3A_634, %shift_right_logical3A_646 : vector<16xi32>
        %and3A_648 = arith.constant 3 : i32
        %and3A_649 = vector.broadcast %and3A_648 : i32 to vector<16xi32>
        %and3A_650 = arith.andi %shift_right_logical3A_647, %and3A_649 : vector<16xi32>
        %get3A_651 = arith.index_cast %scan3A_629 : i32 to index
        %get3A_652 = arith.constant 0 : index
        %get3A_653 = tpu.vector_load %arg14[%get3A_651, %get3A_652] {strides = array<i32>} : memref<416x16xf32, #tpu.memory_space<vmem>>, vector<16xf32>,
        %get3A_654 = arith.index_cast %scan3A_629 : i32 to index
        %get3A_655 = arith.constant 0 : index
        %get3A_656 = tpu.vector_load %arg15[%get3A_654, %get3A_655] {strides = array<i32>} : memref<416x16xf32, #tpu.memory_space<vmem>>, vector<16xf32>,
        %gather3A_657 = tpu.vector_load_idx %arg10[%or3A_644, %and3A_650] : memref<1664x8xf32, #tpu.memory_space<vmem>>[vector<16xi32>, vector<16xi32>], vector<16xf32>,
        %gather3A_658 = tpu.vector_load_idx %arg11[%or3A_644, %and3A_650] : memref<1664x8xf32, #tpu.memory_space<vmem>>[vector<16xi32>, vector<16xi32>], vector<16xf32>,
        %mul3A_659 = arith.mulf %get3A_653, %get3A_656 : vector<16xf32>
        %neg3A_660 = arith.constant 0.000000e+00 : f32
        %neg3A_661 = vector.broadcast %neg3A_660 : f32 to vector<16xf32>
        %neg3A_662 = arith.subf %neg3A_661, %mul3A_659 : vector<16xf32>
        %mul3A_663 = arith.mulf %neg3A_662, %gather3A_657 : vector<16xf32>
        %mul3A_664 = arith.mulf %mul3A_663, %gather3A_658 : vector<16xf32>
        %swap3A_665 = arith.index_cast %scan3A_629 : i32 to index
        %swap3A_666 = arith.constant 0 : index
        %swap3A_667 = tpu.vector_load %arg17[%swap3A_665, %swap3A_666] {strides = array<i32>} : memref<416x16xf32, #tpu.memory_space<vmem>>, vector<16xf32>,
        tpu.vector_store %arg17[%swap3A_665, %swap3A_666], %mul3A_664 {strides = array<i32>} : memref<416x16xf32, #tpu.memory_space<vmem>>, vector<16xf32>,
        %scan3A_668 = arith.constant 3 : i32
        %scan3A_669 = arith.addi %scan3A_557, %scan3A_668 : i32
        %mul3A_670 = arith.constant 16 : i32
        %mul3A_671 = arith.muli %scan3A_669, %mul3A_670 : i32
        %iota3A_672 = tpu.iota {dimensions = array<i32: 0>} : vector<16xi32>
        %add3A_673 = vector.broadcast %mul3A_671 : i32 to vector<16xi32>
        %add3A_674 = arith.addi %add3A_673, %iota3A_672 : vector<16xi32>
        %shift_right_logical3A_675 = arith.constant 9 : i32
        %shift_right_logical3A_676 = vector.broadcast %shift_right_logical3A_675 : i32 to vector<16xi32>
        %shift_right_logical3A_677 = arith.shrui %add3A_674, %shift_right_logical3A_676 : vector<16xi32>
        %shift_left3A_678 = arith.constant 7 : i32
        %shift_left3A_679 = vector.broadcast %shift_left3A_678 : i32 to vector<16xi32>
        %shift_left3A_680 = arith.shli %shift_right_logical3A_677, %shift_left3A_679 : vector<16xi32>
        %and3A_681 = arith.constant 127 : i32
        %and3A_682 = vector.broadcast %and3A_681 : i32 to vector<16xi32>
        %and3A_683 = arith.andi %add3A_674, %and3A_682 : vector<16xi32>
        %or3A_684 = arith.ori %shift_left3A_680, %and3A_683 : vector<16xi32>
        %shift_right_logical3A_685 = arith.constant 7 : i32
        %shift_right_logical3A_686 = vector.broadcast %shift_right_logical3A_685 : i32 to vector<16xi32>
        %shift_right_logical3A_687 = arith.shrui %add3A_674, %shift_right_logical3A_686 : vector<16xi32>
        %and3A_688 = arith.constant 3 : i32
        %and3A_689 = vector.broadcast %and3A_688 : i32 to vector<16xi32>
        %and3A_690 = arith.andi %shift_right_logical3A_687, %and3A_689 : vector<16xi32>
        %get3A_691 = arith.index_cast %scan3A_669 : i32 to index
        %get3A_692 = arith.constant 0 : index
        %get3A_693 = tpu.vector_load %arg14[%get3A_691, %get3A_692] {strides = array<i32>} : memref<416x16xf32, #tpu.memory_space<vmem>>, vector<16xf32>,
        %get3A_694 = arith.index_cast %scan3A_669 : i32 to index
        %get3A_695 = arith.constant 0 : index
        %get3A_696 = tpu.vector_load %arg15[%get3A_694, %get3A_695] {strides = array<i32>} : memref<416x16xf32, #tpu.memory_space<vmem>>, vector<16xf32>,
        %gather3A_697 = tpu.vector_load_idx %arg10[%or3A_684, %and3A_690] : memref<1664x8xf32, #tpu.memory_space<vmem>>[vector<16xi32>, vector<16xi32>], vector<16xf32>,
        %gather3A_698 = tpu.vector_load_idx %arg11[%or3A_684, %and3A_690] : memref<1664x8xf32, #tpu.memory_space<vmem>>[vector<16xi32>, vector<16xi32>], vector<16xf32>,
        %mul3A_699 = arith.mulf %get3A_693, %get3A_696 : vector<16xf32>
        %neg3A_700 = arith.constant 0.000000e+00 : f32
        %neg3A_701 = vector.broadcast %neg3A_700 : f32 to vector<16xf32>
        %neg3A_702 = arith.subf %neg3A_701, %mul3A_699 : vector<16xf32>
        %mul3A_703 = arith.mulf %neg3A_702, %gather3A_697 : vector<16xf32>
        %mul3A_704 = arith.mulf %mul3A_703, %gather3A_698 : vector<16xf32>
        %swap3A_705 = arith.index_cast %scan3A_669 : i32 to index
        %swap3A_706 = arith.constant 0 : index
        %swap3A_707 = tpu.vector_load %arg17[%swap3A_705, %swap3A_706] {strides = array<i32>} : memref<416x16xf32, #tpu.memory_space<vmem>>, vector<16xf32>,
        tpu.vector_store %arg17[%swap3A_705, %swap3A_706], %mul3A_704 {strides = array<i32>} : memref<416x16xf32, #tpu.memory_space<vmem>>, vector<16xf32>,
      }
      %scan3A_525 = arith.constant 416 : i32
      %mul3A_526 = arith.constant 1664 : i32
      %mul3A_527 = arith.muli %add3A_376, %mul3A_526 : i32
      %add3A_528 = arith.addi %add3A_6, %mul3A_527 : i32
      %jit3A_529 = arith.constant 4 : i32
      %div3A_530 = arith.divsi %add3A_528, %jit3A_529 : i32
      %sign3A_531 = arith.constant 0 : i32
      %sign3A_532 = arith.cmpi sgt, %add3A_528, %sign3A_531 : i32
      %sign3A_533 = arith.extui %sign3A_532 : i1 to i32
      %sign3A_534 = arith.constant 0 : i32
      %sign3A_535 = arith.cmpi slt, %add3A_528, %sign3A_534 : i32
      %sign3A_536 = arith.extui %sign3A_535 : i1 to i32
      %sign3A_537 = arith.subi %sign3A_533, %sign3A_536 : i32
      %sign3A_538 = arith.constant 0 : i32
      %sign3A_539 = arith.cmpi sgt, %jit3A_529, %sign3A_538 : i32
      %sign3A_540 = arith.extui %sign3A_539 : i1 to i32
      %sign3A_541 = arith.constant 0 : i32
      %sign3A_542 = arith.cmpi slt, %jit3A_529, %sign3A_541 : i32
      %sign3A_543 = arith.extui %sign3A_542 : i1 to i32
      %sign3A_544 = arith.subi %sign3A_540, %sign3A_543 : i32
      %ne3A_545 = arith.cmpi ne, %sign3A_537, %sign3A_544 : i32
      %rem3A_546 = arith.remsi %add3A_528, %jit3A_529 : i32
      %ne3A_547 = arith.constant 0 : i32
      %ne3A_548 = arith.cmpi ne, %rem3A_546, %ne3A_547 : i32
      %and3A_549 = arith.andi %ne3A_545, %ne3A_548 : i1
      %sub3A_550 = arith.constant 1 : i32
      %sub3A_551 = arith.subi %div3A_530, %sub3A_550 : i32
      %select_n3A_552 = arith.select %and3A_549, %sub3A_551, %div3A_530 : i32
      %dma_start3A_553 = arith.constant 0 : i32
      %dma_start3A_554 = tpu.memref_slice %arg5[%select_n3A_552, %dma_start3A_553] : memref<200000x16xf32, #tpu.memory_space<hbm>> -> memref<416x16xf32, #tpu.memory_space<hbm>>
      %dma_start3A_555 = arith.constant 0 : i32
      %dma_start3A_556 = tpu.memref_slice %arg5[%select_n3A_552, %dma_start3A_555] : memref<200000x16xf32, #tpu.memory_space<hbm>> -> memref<416x16xf32, #tpu.memory_space<hbm>>
      tpu.enqueue_dma source(%arg17 : memref<416x16xf32, #tpu.memory_space<vmem>>) target(%dma_start3A_556 : memref<416x16xf32, #tpu.memory_space<hbm>>) target_semaphore(%arg24 : memref<!tpu.dma_semaphore, #tpu.memory_space<semaphore_mem>>)
    }
    %scan3A_103 = arith.constant 7 : i32
    %dma_wait3A = arith.constant 0 : i32
    %dma_wait3A_104 = arith.constant 0 : i32
    %dma_wait3A_105 = tpu.memref_slice %arg6[%dma_wait3A, %dma_wait3A_104] : memref<2x1664xi32, #tpu.memory_space<vmem>> -> memref<1x1664xi32, #tpu.memory_space<vmem>>
    %dma_wait3A_106 = tpu.memref_squeeze %dma_wait3A_105 : memref<1x1664xi32, #tpu.memory_space<vmem>> -> memref<1664xi32, #tpu.memory_space<vmem>>
    %dma_wait3A_107 = arith.constant 0 : i32
    %dma_wait3A_108 = arith.constant 0 : i32
    %dma_wait3A_109 = tpu.memref_slice %arg4[%dma_wait3A_107, %dma_wait3A_108] : memref<50176x8xf32, #tpu.memory_space<hbm>> -> memref<50176x8xf32, #tpu.memory_space<hbm>>
    tpu.wait_indirect_dma semaphore(%arg20 : memref<!tpu.dma_semaphore, #tpu.memory_space<semaphore_mem>>) src(%dma_wait3A_109 : memref<50176x8xf32, #tpu.memory_space<hbm>>) dst(%arg8 : memref<1664x8xf32, #tpu.memory_space<vmem>>)
    %dma_wait3A_110 = arith.constant 1 : i32
    %dma_wait3A_111 = arith.constant 0 : i32
    %dma_wait3A_112 = tpu.memref_slice %arg6[%dma_wait3A_110, %dma_wait3A_111] : memref<2x1664xi32, #tpu.memory_space<vmem>> -> memref<1x1664xi32, #tpu.memory_space<vmem>>
    %dma_wait3A_113 = tpu.memref_squeeze %dma_wait3A_112 : memref<1x1664xi32, #tpu.memory_space<vmem>> -> memref<1664xi32, #tpu.memory_space<vmem>>
    %dma_wait3A_114 = arith.constant 0 : i32
    %dma_wait3A_115 = arith.constant 0 : i32
    %dma_wait3A_116 = tpu.memref_slice %arg4[%dma_wait3A_114, %dma_wait3A_115] : memref<50176x8xf32, #tpu.memory_space<hbm>> -> memref<50176x8xf32, #tpu.memory_space<hbm>>
    tpu.wait_indirect_dma semaphore(%arg20 : memref<!tpu.dma_semaphore, #tpu.memory_space<semaphore_mem>>) src(%dma_wait3A_116 : memref<50176x8xf32, #tpu.memory_space<hbm>>) dst(%arg9 : memref<1664x8xf32, #tpu.memory_space<vmem>>)
    %dma_wait3A_117 = arith.constant 0 : i32
    %dma_wait3A_118 = arith.constant 0 : i32
    %dma_wait3A_119 = tpu.memref_slice %arg3[%dma_wait3A_117, %dma_wait3A_118] : memref<400000x16xf32, #tpu.memory_space<hbm>> -> memref<416x16xf32, #tpu.memory_space<hbm>>
    %dma_wait3A_120 = arith.constant 0 : i32
    %dma_wait3A_121 = arith.constant 0 : i32
    %dma_wait3A_122 = tpu.memref_slice %arg3[%dma_wait3A_120, %dma_wait3A_121] : memref<400000x16xf32, #tpu.memory_space<hbm>> -> memref<416x16xf32, #tpu.memory_space<hbm>>
    tpu.wait_dma2 semaphore(%arg22 : memref<!tpu.dma_semaphore, #tpu.memory_space<semaphore_mem>>) src(%dma_wait3A_122 : memref<416x16xf32, #tpu.memory_space<hbm>>) dst(%arg12 : memref<416x16xf32, #tpu.memory_space<vmem>>)
    %dma_wait3A_123 = arith.constant 0 : i32
    %dma_wait3A_124 = arith.constant 0 : i32
    %dma_wait3A_125 = tpu.memref_slice %arg3[%dma_wait3A_123, %dma_wait3A_124] : memref<400000x16xf32, #tpu.memory_space<hbm>> -> memref<416x16xf32, #tpu.memory_space<hbm>>
    %dma_wait3A_126 = arith.constant 0 : i32
    %dma_wait3A_127 = arith.constant 0 : i32
    %dma_wait3A_128 = tpu.memref_slice %arg3[%dma_wait3A_126, %dma_wait3A_127] : memref<400000x16xf32, #tpu.memory_space<hbm>> -> memref<416x16xf32, #tpu.memory_space<hbm>>
    tpu.wait_dma2 semaphore(%arg22 : memref<!tpu.dma_semaphore, #tpu.memory_space<semaphore_mem>>) src(%dma_wait3A_128 : memref<416x16xf32, #tpu.memory_space<hbm>>) dst(%arg13 : memref<416x16xf32, #tpu.memory_space<vmem>>)
    %dma_wait3A_129 = arith.constant 0 : i32
    %dma_wait3A_130 = arith.constant 0 : i32
    %dma_wait3A_131 = tpu.memref_slice %arg5[%dma_wait3A_129, %dma_wait3A_130] : memref<200000x16xf32, #tpu.memory_space<hbm>> -> memref<416x16xf32, #tpu.memory_space<hbm>>
    %dma_wait3A_132 = arith.constant 0 : i32
    %dma_wait3A_133 = arith.constant 0 : i32
    %dma_wait3A_134 = tpu.memref_slice %arg5[%dma_wait3A_132, %dma_wait3A_133] : memref<200000x16xf32, #tpu.memory_space<hbm>> -> memref<416x16xf32, #tpu.memory_space<hbm>>
    tpu.wait_dma2 semaphore(%arg24 : memref<!tpu.dma_semaphore, #tpu.memory_space<semaphore_mem>>) src(%arg16 : memref<416x16xf32, #tpu.memory_space<vmem>>) dst(%dma_wait3A_134 : memref<416x16xf32, #tpu.memory_space<hbm>>)
    %scan3A_135 = arith.constant 0 : i32
    %scan3A_136 = arith.constant 0 : i32
    %scan3A_137 = arith.constant 416 : i32
    %scan3A_138 = arith.addi %scan3A_136, %scan3A_137 : i32
    %scan3A_139 = arith.constant 4 : i32
    scf.for %scan3A_191 = %scan3A_136 to %scan3A_138 step %scan3A_139  : i32 {
      %mul3A_192 = arith.constant 16 : i32
      %mul3A_193 = arith.muli %scan3A_191, %mul3A_192 : i32
      %iota3A = tpu.iota {dimensions = array<i32: 0>} : vector<16xi32>
      %add3A_194 = vector.broadcast %mul3A_193 : i32 to vector<16xi32>
      %add3A_195 = arith.addi %add3A_194, %iota3A : vector<16xi32>
      %shift_right_logical3A = arith.constant 9 : i32
      %shift_right_logical3A_196 = vector.broadcast %shift_right_logical3A : i32 to vector<16xi32>
      %shift_right_logical3A_197 = arith.shrui %add3A_195, %shift_right_logical3A_196 : vector<16xi32>
      %shift_left3A = arith.constant 7 : i32
      %shift_left3A_198 = vector.broadcast %shift_left3A : i32 to vector<16xi32>
      %shift_left3A_199 = arith.shli %shift_right_logical3A_197, %shift_left3A_198 : vector<16xi32>
      %and3A_200 = arith.constant 127 : i32
      %and3A_201 = vector.broadcast %and3A_200 : i32 to vector<16xi32>
      %and3A_202 = arith.andi %add3A_195, %and3A_201 : vector<16xi32>
      %or3A = arith.ori %shift_left3A_199, %and3A_202 : vector<16xi32>
      %shift_right_logical3A_203 = arith.constant 7 : i32
      %shift_right_logical3A_204 = vector.broadcast %shift_right_logical3A_203 : i32 to vector<16xi32>
      %shift_right_logical3A_205 = arith.shrui %add3A_195, %shift_right_logical3A_204 : vector<16xi32>
      %and3A_206 = arith.constant 3 : i32
      %and3A_207 = vector.broadcast %and3A_206 : i32 to vector<16xi32>
      %and3A_208 = arith.andi %shift_right_logical3A_205, %and3A_207 : vector<16xi32>
      %get3A = arith.index_cast %scan3A_191 : i32 to index
      %get3A_209 = arith.constant 0 : index
      %get3A_210 = tpu.vector_load %arg12[%get3A, %get3A_209] {strides = array<i32>} : memref<416x16xf32, #tpu.memory_space<vmem>>, vector<16xf32>,
      %get3A_211 = arith.index_cast %scan3A_191 : i32 to index
      %get3A_212 = arith.constant 0 : index
      %get3A_213 = tpu.vector_load %arg13[%get3A_211, %get3A_212] {strides = array<i32>} : memref<416x16xf32, #tpu.memory_space<vmem>>, vector<16xf32>,
      %gather3A = tpu.vector_load_idx %arg8[%or3A, %and3A_208] : memref<1664x8xf32, #tpu.memory_space<vmem>>[vector<16xi32>, vector<16xi32>], vector<16xf32>,
      %gather3A_214 = tpu.vector_load_idx %arg9[%or3A, %and3A_208] : memref<1664x8xf32, #tpu.memory_space<vmem>>[vector<16xi32>, vector<16xi32>], vector<16xf32>,
      %mul3A_215 = arith.mulf %get3A_210, %get3A_213 : vector<16xf32>
      %neg3A = arith.constant 0.000000e+00 : f32
      %neg3A_216 = vector.broadcast %neg3A : f32 to vector<16xf32>
      %neg3A_217 = arith.subf %neg3A_216, %mul3A_215 : vector<16xf32>
      %mul3A_218 = arith.mulf %neg3A_217, %gather3A : vector<16xf32>
      %mul3A_219 = arith.mulf %mul3A_218, %gather3A_214 : vector<16xf32>
      %swap3A = arith.index_cast %scan3A_191 : i32 to index
      %swap3A_220 = arith.constant 0 : index
      %swap3A_221 = tpu.vector_load %arg16[%swap3A, %swap3A_220] {strides = array<i32>} : memref<416x16xf32, #tpu.memory_space<vmem>>, vector<16xf32>,
      tpu.vector_store %arg16[%swap3A, %swap3A_220], %mul3A_219 {strides = array<i32>} : memref<416x16xf32, #tpu.memory_space<vmem>>, vector<16xf32>,
      %scan3A_222 = arith.constant 1 : i32
      %scan3A_223 = arith.addi %scan3A_191, %scan3A_222 : i32
      %mul3A_224 = arith.constant 16 : i32
      %mul3A_225 = arith.muli %scan3A_223, %mul3A_224 : i32
      %iota3A_226 = tpu.iota {dimensions = array<i32: 0>} : vector<16xi32>
      %add3A_227 = vector.broadcast %mul3A_225 : i32 to vector<16xi32>
      %add3A_228 = arith.addi %add3A_227, %iota3A_226 : vector<16xi32>
      %shift_right_logical3A_229 = arith.constant 9 : i32
      %shift_right_logical3A_230 = vector.broadcast %shift_right_logical3A_229 : i32 to vector<16xi32>
      %shift_right_logical3A_231 = arith.shrui %add3A_228, %shift_right_logical3A_230 : vector<16xi32>
      %shift_left3A_232 = arith.constant 7 : i32
      %shift_left3A_233 = vector.broadcast %shift_left3A_232 : i32 to vector<16xi32>
      %shift_left3A_234 = arith.shli %shift_right_logical3A_231, %shift_left3A_233 : vector<16xi32>
      %and3A_235 = arith.constant 127 : i32
      %and3A_236 = vector.broadcast %and3A_235 : i32 to vector<16xi32>
      %and3A_237 = arith.andi %add3A_228, %and3A_236 : vector<16xi32>
      %or3A_238 = arith.ori %shift_left3A_234, %and3A_237 : vector<16xi32>
      %shift_right_logical3A_239 = arith.constant 7 : i32
      %shift_right_logical3A_240 = vector.broadcast %shift_right_logical3A_239 : i32 to vector<16xi32>
      %shift_right_logical3A_241 = arith.shrui %add3A_228, %shift_right_logical3A_240 : vector<16xi32>
      %and3A_242 = arith.constant 3 : i32
      %and3A_243 = vector.broadcast %and3A_242 : i32 to vector<16xi32>
      %and3A_244 = arith.andi %shift_right_logical3A_241, %and3A_243 : vector<16xi32>
      %get3A_245 = arith.index_cast %scan3A_223 : i32 to index
      %get3A_246 = arith.constant 0 : index
      %get3A_247 = tpu.vector_load %arg12[%get3A_245, %get3A_246] {strides = array<i32>} : memref<416x16xf32, #tpu.memory_space<vmem>>, vector<16xf32>,
      %get3A_248 = arith.index_cast %scan3A_223 : i32 to index
      %get3A_249 = arith.constant 0 : index
      %get3A_250 = tpu.vector_load %arg13[%get3A_248, %get3A_249] {strides = array<i32>} : memref<416x16xf32, #tpu.memory_space<vmem>>, vector<16xf32>,
      %gather3A_251 = tpu.vector_load_idx %arg8[%or3A_238, %and3A_244] : memref<1664x8xf32, #tpu.memory_space<vmem>>[vector<16xi32>, vector<16xi32>], vector<16xf32>,
      %gather3A_252 = tpu.vector_load_idx %arg9[%or3A_238, %and3A_244] : memref<1664x8xf32, #tpu.memory_space<vmem>>[vector<16xi32>, vector<16xi32>], vector<16xf32>,
      %mul3A_253 = arith.mulf %get3A_247, %get3A_250 : vector<16xf32>
      %neg3A_254 = arith.constant 0.000000e+00 : f32
      %neg3A_255 = vector.broadcast %neg3A_254 : f32 to vector<16xf32>
      %neg3A_256 = arith.subf %neg3A_255, %mul3A_253 : vector<16xf32>
      %mul3A_257 = arith.mulf %neg3A_256, %gather3A_251 : vector<16xf32>
      %mul3A_258 = arith.mulf %mul3A_257, %gather3A_252 : vector<16xf32>
      %swap3A_259 = arith.index_cast %scan3A_223 : i32 to index
      %swap3A_260 = arith.constant 0 : index
      %swap3A_261 = tpu.vector_load %arg16[%swap3A_259, %swap3A_260] {strides = array<i32>} : memref<416x16xf32, #tpu.memory_space<vmem>>, vector<16xf32>,
      tpu.vector_store %arg16[%swap3A_259, %swap3A_260], %mul3A_258 {strides = array<i32>} : memref<416x16xf32, #tpu.memory_space<vmem>>, vector<16xf32>,
      %scan3A_262 = arith.constant 2 : i32
      %scan3A_263 = arith.addi %scan3A_191, %scan3A_262 : i32
      %mul3A_264 = arith.constant 16 : i32
      %mul3A_265 = arith.muli %scan3A_263, %mul3A_264 : i32
      %iota3A_266 = tpu.iota {dimensions = array<i32: 0>} : vector<16xi32>
      %add3A_267 = vector.broadcast %mul3A_265 : i32 to vector<16xi32>
      %add3A_268 = arith.addi %add3A_267, %iota3A_266 : vector<16xi32>
      %shift_right_logical3A_269 = arith.constant 9 : i32
      %shift_right_logical3A_270 = vector.broadcast %shift_right_logical3A_269 : i32 to vector<16xi32>
      %shift_right_logical3A_271 = arith.shrui %add3A_268, %shift_right_logical3A_270 : vector<16xi32>
      %shift_left3A_272 = arith.constant 7 : i32
      %shift_left3A_273 = vector.broadcast %shift_left3A_272 : i32 to vector<16xi32>
      %shift_left3A_274 = arith.shli %shift_right_logical3A_271, %shift_left3A_273 : vector<16xi32>
      %and3A_275 = arith.constant 127 : i32
      %and3A_276 = vector.broadcast %and3A_275 : i32 to vector<16xi32>
      %and3A_277 = arith.andi %add3A_268, %and3A_276 : vector<16xi32>
      %or3A_278 = arith.ori %shift_left3A_274, %and3A_277 : vector<16xi32>
      %shift_right_logical3A_279 = arith.constant 7 : i32
      %shift_right_logical3A_280 = vector.broadcast %shift_right_logical3A_279 : i32 to vector<16xi32>
      %shift_right_logical3A_281 = arith.shrui %add3A_268, %shift_right_logical3A_280 : vector<16xi32>
      %and3A_282 = arith.constant 3 : i32
      %and3A_283 = vector.broadcast %and3A_282 : i32 to vector<16xi32>
      %and3A_284 = arith.andi %shift_right_logical3A_281, %and3A_283 : vector<16xi32>
      %get3A_285 = arith.index_cast %scan3A_263 : i32 to index
      %get3A_286 = arith.constant 0 : index
      %get3A_287 = tpu.vector_load %arg12[%get3A_285, %get3A_286] {strides = array<i32>} : memref<416x16xf32, #tpu.memory_space<vmem>>, vector<16xf32>,
      %get3A_288 = arith.index_cast %scan3A_263 : i32 to index
      %get3A_289 = arith.constant 0 : index
      %get3A_290 = tpu.vector_load %arg13[%get3A_288, %get3A_289] {strides = array<i32>} : memref<416x16xf32, #tpu.memory_space<vmem>>, vector<16xf32>,
      %gather3A_291 = tpu.vector_load_idx %arg8[%or3A_278, %and3A_284] : memref<1664x8xf32, #tpu.memory_space<vmem>>[vector<16xi32>, vector<16xi32>], vector<16xf32>,
      %gather3A_292 = tpu.vector_load_idx %arg9[%or3A_278, %and3A_284] : memref<1664x8xf32, #tpu.memory_space<vmem>>[vector<16xi32>, vector<16xi32>], vector<16xf32>,
      %mul3A_293 = arith.mulf %get3A_287, %get3A_290 : vector<16xf32>
      %neg3A_294 = arith.constant 0.000000e+00 : f32
      %neg3A_295 = vector.broadcast %neg3A_294 : f32 to vector<16xf32>
      %neg3A_296 = arith.subf %neg3A_295, %mul3A_293 : vector<16xf32>
      %mul3A_297 = arith.mulf %neg3A_296, %gather3A_291 : vector<16xf32>
      %mul3A_298 = arith.mulf %mul3A_297, %gather3A_292 : vector<16xf32>
      %swap3A_299 = arith.index_cast %scan3A_263 : i32 to index
      %swap3A_300 = arith.constant 0 : index
      %swap3A_301 = tpu.vector_load %arg16[%swap3A_299, %swap3A_300] {strides = array<i32>} : memref<416x16xf32, #tpu.memory_space<vmem>>, vector<16xf32>,
      tpu.vector_store %arg16[%swap3A_299, %swap3A_300], %mul3A_298 {strides = array<i32>} : memref<416x16xf32, #tpu.memory_space<vmem>>, vector<16xf32>,
      %scan3A_302 = arith.constant 3 : i32
      %scan3A_303 = arith.addi %scan3A_191, %scan3A_302 : i32
      %mul3A_304 = arith.constant 16 : i32
      %mul3A_305 = arith.muli %scan3A_303, %mul3A_304 : i32
      %iota3A_306 = tpu.iota {dimensions = array<i32: 0>} : vector<16xi32>
      %add3A_307 = vector.broadcast %mul3A_305 : i32 to vector<16xi32>
      %add3A_308 = arith.addi %add3A_307, %iota3A_306 : vector<16xi32>
      %shift_right_logical3A_309 = arith.constant 9 : i32
      %shift_right_logical3A_310 = vector.broadcast %shift_right_logical3A_309 : i32 to vector<16xi32>
      %shift_right_logical3A_311 = arith.shrui %add3A_308, %shift_right_logical3A_310 : vector<16xi32>
      %shift_left3A_312 = arith.constant 7 : i32
      %shift_left3A_313 = vector.broadcast %shift_left3A_312 : i32 to vector<16xi32>
      %shift_left3A_314 = arith.shli %shift_right_logical3A_311, %shift_left3A_313 : vector<16xi32>
      %and3A_315 = arith.constant 127 : i32
      %and3A_316 = vector.broadcast %and3A_315 : i32 to vector<16xi32>
      %and3A_317 = arith.andi %add3A_308, %and3A_316 : vector<16xi32>
      %or3A_318 = arith.ori %shift_left3A_314, %and3A_317 : vector<16xi32>
      %shift_right_logical3A_319 = arith.constant 7 : i32
      %shift_right_logical3A_320 = vector.broadcast %shift_right_logical3A_319 : i32 to vector<16xi32>
      %shift_right_logical3A_321 = arith.shrui %add3A_308, %shift_right_logical3A_320 : vector<16xi32>
      %and3A_322 = arith.constant 3 : i32
      %and3A_323 = vector.broadcast %and3A_322 : i32 to vector<16xi32>
      %and3A_324 = arith.andi %shift_right_logical3A_321, %and3A_323 : vector<16xi32>
      %get3A_325 = arith.index_cast %scan3A_303 : i32 to index
      %get3A_326 = arith.constant 0 : index
      %get3A_327 = tpu.vector_load %arg12[%get3A_325, %get3A_326] {strides = array<i32>} : memref<416x16xf32, #tpu.memory_space<vmem>>, vector<16xf32>,
      %get3A_328 = arith.index_cast %scan3A_303 : i32 to index
      %get3A_329 = arith.constant 0 : index
      %get3A_330 = tpu.vector_load %arg13[%get3A_328, %get3A_329] {strides = array<i32>} : memref<416x16xf32, #tpu.memory_space<vmem>>, vector<16xf32>,
      %gather3A_331 = tpu.vector_load_idx %arg8[%or3A_318, %and3A_324] : memref<1664x8xf32, #tpu.memory_space<vmem>>[vector<16xi32>, vector<16xi32>], vector<16xf32>,
      %gather3A_332 = tpu.vector_load_idx %arg9[%or3A_318, %and3A_324] : memref<1664x8xf32, #tpu.memory_space<vmem>>[vector<16xi32>, vector<16xi32>], vector<16xf32>,
      %mul3A_333 = arith.mulf %get3A_327, %get3A_330 : vector<16xf32>
      %neg3A_334 = arith.constant 0.000000e+00 : f32
      %neg3A_335 = vector.broadcast %neg3A_334 : f32 to vector<16xf32>
      %neg3A_336 = arith.subf %neg3A_335, %mul3A_333 : vector<16xf32>
      %mul3A_337 = arith.mulf %neg3A_336, %gather3A_331 : vector<16xf32>
      %mul3A_338 = arith.mulf %mul3A_337, %gather3A_332 : vector<16xf32>
      %swap3A_339 = arith.index_cast %scan3A_303 : i32 to index
      %swap3A_340 = arith.constant 0 : index
      %swap3A_341 = tpu.vector_load %arg16[%swap3A_339, %swap3A_340] {strides = array<i32>} : memref<416x16xf32, #tpu.memory_space<vmem>>, vector<16xf32>,
      tpu.vector_store %arg16[%swap3A_339, %swap3A_340], %mul3A_338 {strides = array<i32>} : memref<416x16xf32, #tpu.memory_space<vmem>>, vector<16xf32>,
    }
    %scan3A_140 = arith.constant 416 : i32
    %dma_wait3A_141 = arith.constant 0 : i32
    %dma_wait3A_142 = arith.constant 0 : i32
    %dma_wait3A_143 = tpu.memref_slice %arg5[%dma_wait3A_141, %dma_wait3A_142] : memref<200000x16xf32, #tpu.memory_space<hbm>> -> memref<416x16xf32, #tpu.memory_space<hbm>>
    %dma_wait3A_144 = arith.constant 0 : i32
    %dma_wait3A_145 = arith.constant 0 : i32
    %dma_wait3A_146 = tpu.memref_slice %arg5[%dma_wait3A_144, %dma_wait3A_145] : memref<200000x16xf32, #tpu.memory_space<hbm>> -> memref<416x16xf32, #tpu.memory_space<hbm>>
    tpu.wait_dma2 semaphore(%arg24 : memref<!tpu.dma_semaphore, #tpu.memory_space<semaphore_mem>>) src(%arg17 : memref<416x16xf32, #tpu.memory_space<vmem>>) dst(%dma_wait3A_146 : memref<416x16xf32, #tpu.memory_space<hbm>>)
    %add3A_147 = arith.constant 23296 : i32
    %add3A_148 = arith.addi %add3A_6, %add3A_147 : i32
    %jit3A_149 = arith.constant 4 : i32
    %div3A_150 = arith.divsi %add3A_148, %jit3A_149 : i32
    %sign3A_151 = arith.constant 0 : i32
    %sign3A_152 = arith.cmpi sgt, %add3A_148, %sign3A_151 : i32
    %sign3A_153 = arith.extui %sign3A_152 : i1 to i32
    %sign3A_154 = arith.constant 0 : i32
    %sign3A_155 = arith.cmpi slt, %add3A_148, %sign3A_154 : i32
    %sign3A_156 = arith.extui %sign3A_155 : i1 to i32
    %sign3A_157 = arith.subi %sign3A_153, %sign3A_156 : i32
    %sign3A_158 = arith.constant 0 : i32
    %sign3A_159 = arith.cmpi sgt, %jit3A_149, %sign3A_158 : i32
    %sign3A_160 = arith.extui %sign3A_159 : i1 to i32
    %sign3A_161 = arith.constant 0 : i32
    %sign3A_162 = arith.cmpi slt, %jit3A_149, %sign3A_161 : i32
    %sign3A_163 = arith.extui %sign3A_162 : i1 to i32
    %sign3A_164 = arith.subi %sign3A_160, %sign3A_163 : i32
    %ne3A_165 = arith.cmpi ne, %sign3A_157, %sign3A_164 : i32
    %rem3A_166 = arith.remsi %add3A_148, %jit3A_149 : i32
    %ne3A_167 = arith.constant 0 : i32
    %ne3A_168 = arith.cmpi ne, %rem3A_166, %ne3A_167 : i32
    %and3A_169 = arith.andi %ne3A_165, %ne3A_168 : i1
    %sub3A_170 = arith.constant 1 : i32
    %sub3A_171 = arith.subi %div3A_150, %sub3A_170 : i32
    %select_n3A_172 = arith.select %and3A_169, %sub3A_171, %div3A_150 : i32
    %dma_start3A_173 = arith.constant 0 : i32
    %dma_start3A_174 = tpu.memref_slice %arg5[%select_n3A_172, %dma_start3A_173] : memref<200000x16xf32, #tpu.memory_space<hbm>> -> memref<416x16xf32, #tpu.memory_space<hbm>>
    %dma_start3A_175 = arith.constant 0 : i32
    %dma_start3A_176 = tpu.memref_slice %arg5[%select_n3A_172, %dma_start3A_175] : memref<200000x16xf32, #tpu.memory_space<hbm>> -> memref<416x16xf32, #tpu.memory_space<hbm>>
    tpu.enqueue_dma source(%arg16 : memref<416x16xf32, #tpu.memory_space<vmem>>) target(%dma_start3A_176 : memref<416x16xf32, #tpu.memory_space<hbm>>) target_semaphore(%arg24 : memref<!tpu.dma_semaphore, #tpu.memory_space<semaphore_mem>>)
    %add3A_177 = arith.constant 24960 : i32
    %add3A_178 = arith.addi %add3A_6, %add3A_177 : i32
    %lt3A = arith.constant 8 : i32
    %lt3A_179 = arith.cmpi slt, %add3A, %lt3A : i32
    %convert_element_type3A = arith.extui %lt3A_179 : i1 to i32
    %cond3A = arith.constant 0 : i32
    %cond3A_180 = arith.cmpi ne, %convert_element_type3A, %cond3A : i32
    scf.if %cond3A_180 {
      %run_scoped3A_191 = arith.constant 0 : i32
      %run_scoped3A_192 = arith.constant 0 : i32
      "tpu.region"() ({
        %run_scoped3A_323 = tpu.sem_alloc : memref<!tpu.dma_semaphore, #tpu.memory_space<semaphore_mem>>
        %dma_start3A_324 = arith.constant 0 : i32
        %dma_start3A_325 = tpu.memref_slice %arg18[%run_scoped3A_192, %dma_start3A_324] : memref<2x64xi32, #tpu.memory_space<vmem>> -> memref<1x64xi32, #tpu.memory_space<vmem>>
        %dma_start3A_326 = tpu.memref_squeeze %dma_start3A_325 : memref<1x64xi32, #tpu.memory_space<vmem>> -> memref<64xi32, #tpu.memory_space<vmem>>
        %dma_start3A_327 = arith.constant 0 : i32
        %dma_start3A_328 = tpu.memref_slice %dma_start3A_326[%dma_start3A_327] : memref<64xi32, #tpu.memory_space<vmem>> -> memref<64xi32, #tpu.memory_space<vmem>>
        %dma_start3A_329 = tpu.memref_slice %arg2[%run_scoped3A_191, %add3A_178] : memref<2x1600000xi32, #tpu.memory_space<hbm>> -> memref<1x64xi32, #tpu.memory_space<hbm>>
        %dma_start3A_330 = tpu.memref_squeeze %dma_start3A_329 : memref<1x64xi32, #tpu.memory_space<hbm>> -> memref<64xi32, #tpu.memory_space<hbm>>
        %dma_start3A_331 = arith.constant 0 : i32
        %dma_start3A_332 = tpu.memref_slice %arg18[%run_scoped3A_192, %dma_start3A_331] : memref<2x64xi32, #tpu.memory_space<vmem>> -> memref<1x64xi32, #tpu.memory_space<vmem>>
        %dma_start3A_333 = tpu.memref_squeeze %dma_start3A_332 : memref<1x64xi32, #tpu.memory_space<vmem>> -> memref<64xi32, #tpu.memory_space<vmem>>
        %dma_start3A_334 = arith.constant 0 : i32
        %dma_start3A_335 = tpu.memref_slice %dma_start3A_333[%dma_start3A_334] : memref<64xi32, #tpu.memory_space<vmem>> -> memref<64xi32, #tpu.memory_space<vmem>>
        %dma_start3A_336 = tpu.memref_slice %arg2[%run_scoped3A_191, %add3A_178] : memref<2x1600000xi32, #tpu.memory_space<hbm>> -> memref<1x64xi32, #tpu.memory_space<hbm>>
        %dma_start3A_337 = tpu.memref_squeeze %dma_start3A_336 : memref<1x64xi32, #tpu.memory_space<hbm>> -> memref<64xi32, #tpu.memory_space<hbm>>
        tpu.enqueue_dma source(%dma_start3A_337 : memref<64xi32, #tpu.memory_space<hbm>>) target(%dma_start3A_335 : memref<64xi32, #tpu.memory_space<vmem>>) target_semaphore(%run_scoped3A_323 : memref<!tpu.dma_semaphore, #tpu.memory_space<semaphore_mem>>)
        %dma_wait3A_338 = arith.constant 0 : i32
        %dma_wait3A_339 = tpu.memref_slice %arg18[%run_scoped3A_192, %dma_wait3A_338] : memref<2x64xi32, #tpu.memory_space<vmem>> -> memref<1x64xi32, #tpu.memory_space<vmem>>
        %dma_wait3A_340 = tpu.memref_squeeze %dma_wait3A_339 : memref<1x64xi32, #tpu.memory_space<vmem>> -> memref<64xi32, #tpu.memory_space<vmem>>
        %dma_wait3A_341 = arith.constant 0 : i32
        %dma_wait3A_342 = tpu.memref_slice %dma_wait3A_340[%dma_wait3A_341] : memref<64xi32, #tpu.memory_space<vmem>> -> memref<64xi32, #tpu.memory_space<vmem>>
        %dma_wait3A_343 = tpu.memref_slice %arg2[%run_scoped3A_191, %add3A_178] : memref<2x1600000xi32, #tpu.memory_space<hbm>> -> memref<1x64xi32, #tpu.memory_space<hbm>>
        %dma_wait3A_344 = tpu.memref_squeeze %dma_wait3A_343 : memref<1x64xi32, #tpu.memory_space<hbm>> -> memref<64xi32, #tpu.memory_space<hbm>>
        %dma_wait3A_345 = arith.constant 0 : i32
        %dma_wait3A_346 = tpu.memref_slice %arg18[%run_scoped3A_192, %dma_wait3A_345] : memref<2x64xi32, #tpu.memory_space<vmem>> -> memref<1x64xi32, #tpu.memory_space<vmem>>
        %dma_wait3A_347 = tpu.memref_squeeze %dma_wait3A_346 : memref<1x64xi32, #tpu.memory_space<vmem>> -> memref<64xi32, #tpu.memory_space<vmem>>
        %dma_wait3A_348 = arith.constant 0 : i32
        %dma_wait3A_349 = tpu.memref_slice %dma_wait3A_347[%dma_wait3A_348] : memref<64xi32, #tpu.memory_space<vmem>> -> memref<64xi32, #tpu.memory_space<vmem>>
        %dma_wait3A_350 = tpu.memref_slice %arg2[%run_scoped3A_191, %add3A_178] : memref<2x1600000xi32, #tpu.memory_space<hbm>> -> memref<1x64xi32, #tpu.memory_space<hbm>>
        %dma_wait3A_351 = tpu.memref_squeeze %dma_wait3A_350 : memref<1x64xi32, #tpu.memory_space<hbm>> -> memref<64xi32, #tpu.memory_space<hbm>>
        tpu.wait_dma2 semaphore(%run_scoped3A_323 : memref<!tpu.dma_semaphore, #tpu.memory_space<semaphore_mem>>) src(%dma_wait3A_351 : memref<64xi32, #tpu.memory_space<hbm>>) dst(%dma_wait3A_349 : memref<64xi32, #tpu.memory_space<vmem>>)
        tpu.yield
      }) : () -> ()
      %run_scoped3A_193 = arith.constant 1 : i32
      %run_scoped3A_194 = arith.constant 1 : i32
      "tpu.region"() ({
        %run_scoped3A_323 = tpu.sem_alloc : memref<!tpu.dma_semaphore, #tpu.memory_space<semaphore_mem>>
        %dma_start3A_324 = arith.constant 0 : i32
        %dma_start3A_325 = tpu.memref_slice %arg18[%run_scoped3A_194, %dma_start3A_324] : memref<2x64xi32, #tpu.memory_space<vmem>> -> memref<1x64xi32, #tpu.memory_space<vmem>>
        %dma_start3A_326 = tpu.memref_squeeze %dma_start3A_325 : memref<1x64xi32, #tpu.memory_space<vmem>> -> memref<64xi32, #tpu.memory_space<vmem>>
        %dma_start3A_327 = arith.constant 0 : i32
        %dma_start3A_328 = tpu.memref_slice %dma_start3A_326[%dma_start3A_327] : memref<64xi32, #tpu.memory_space<vmem>> -> memref<64xi32, #tpu.memory_space<vmem>>
        %dma_start3A_329 = tpu.memref_slice %arg2[%run_scoped3A_193, %add3A_178] : memref<2x1600000xi32, #tpu.memory_space<hbm>> -> memref<1x64xi32, #tpu.memory_space<hbm>>
        %dma_start3A_330 = tpu.memref_squeeze %dma_start3A_329 : memref<1x64xi32, #tpu.memory_space<hbm>> -> memref<64xi32, #tpu.memory_space<hbm>>
        %dma_start3A_331 = arith.constant 0 : i32
        %dma_start3A_332 = tpu.memref_slice %arg18[%run_scoped3A_194, %dma_start3A_331] : memref<2x64xi32, #tpu.memory_space<vmem>> -> memref<1x64xi32, #tpu.memory_space<vmem>>
        %dma_start3A_333 = tpu.memref_squeeze %dma_start3A_332 : memref<1x64xi32, #tpu.memory_space<vmem>> -> memref<64xi32, #tpu.memory_space<vmem>>
        %dma_start3A_334 = arith.constant 0 : i32
        %dma_start3A_335 = tpu.memref_slice %dma_start3A_333[%dma_start3A_334] : memref<64xi32, #tpu.memory_space<vmem>> -> memref<64xi32, #tpu.memory_space<vmem>>
        %dma_start3A_336 = tpu.memref_slice %arg2[%run_scoped3A_193, %add3A_178] : memref<2x1600000xi32, #tpu.memory_space<hbm>> -> memref<1x64xi32, #tpu.memory_space<hbm>>
        %dma_start3A_337 = tpu.memref_squeeze %dma_start3A_336 : memref<1x64xi32, #tpu.memory_space<hbm>> -> memref<64xi32, #tpu.memory_space<hbm>>
        tpu.enqueue_dma source(%dma_start3A_337 : memref<64xi32, #tpu.memory_space<hbm>>) target(%dma_start3A_335 : memref<64xi32, #tpu.memory_space<vmem>>) target_semaphore(%run_scoped3A_323 : memref<!tpu.dma_semaphore, #tpu.memory_space<semaphore_mem>>)
        %dma_wait3A_338 = arith.constant 0 : i32
        %dma_wait3A_339 = tpu.memref_slice %arg18[%run_scoped3A_194, %dma_wait3A_338] : memref<2x64xi32, #tpu.memory_space<vmem>> -> memref<1x64xi32, #tpu.memory_space<vmem>>
        %dma_wait3A_340 = tpu.memref_squeeze %dma_wait3A_339 : memref<1x64xi32, #tpu.memory_space<vmem>> -> memref<64xi32, #tpu.memory_space<vmem>>
        %dma_wait3A_341 = arith.constant 0 : i32
        %dma_wait3A_342 = tpu.memref_slice %dma_wait3A_340[%dma_wait3A_341] : memref<64xi32, #tpu.memory_space<vmem>> -> memref<64xi32, #tpu.memory_space<vmem>>
        %dma_wait3A_343 = tpu.memref_slice %arg2[%run_scoped3A_193, %add3A_178] : memref<2x1600000xi32, #tpu.memory_space<hbm>> -> memref<1x64xi32, #tpu.memory_space<hbm>>
        %dma_wait3A_344 = tpu.memref_squeeze %dma_wait3A_343 : memref<1x64xi32, #tpu.memory_space<hbm>> -> memref<64xi32, #tpu.memory_space<hbm>>
        %dma_wait3A_345 = arith.constant 0 : i32
        %dma_wait3A_346 = tpu.memref_slice %arg18[%run_scoped3A_194, %dma_wait3A_345] : memref<2x64xi32, #tpu.memory_space<vmem>> -> memref<1x64xi32, #tpu.memory_space<vmem>>
        %dma_wait3A_347 = tpu.memref_squeeze %dma_wait3A_346 : memref<1x64xi32, #tpu.memory_space<vmem>> -> memref<64xi32, #tpu.memory_space<vmem>>
        %dma_wait3A_348 = arith.constant 0 : i32
        %dma_wait3A_349 = tpu.memref_slice %dma_wait3A_347[%dma_wait3A_348] : memref<64xi32, #tpu.memory_space<vmem>> -> memref<64xi32, #tpu.memory_space<vmem>>
        %dma_wait3A_350 = tpu.memref_slice %arg2[%run_scoped3A_193, %add3A_178] : memref<2x1600000xi32, #tpu.memory_space<hbm>> -> memref<1x64xi32, #tpu.memory_space<hbm>>
        %dma_wait3A_351 = tpu.memref_squeeze %dma_wait3A_350 : memref<1x64xi32, #tpu.memory_space<hbm>> -> memref<64xi32, #tpu.memory_space<hbm>>
        tpu.wait_dma2 semaphore(%run_scoped3A_323 : memref<!tpu.dma_semaphore, #tpu.memory_space<semaphore_mem>>) src(%dma_wait3A_351 : memref<64xi32, #tpu.memory_space<hbm>>) dst(%dma_wait3A_349 : memref<64xi32, #tpu.memory_space<vmem>>)
        tpu.yield
      }) : () -> ()
      %dma_start3A_195 = arith.constant 0 : i32
      %dma_start3A_196 = arith.constant 0 : i32
      %dma_start3A_197 = arith.constant 0 : i32
      %dma_start3A_198 = tpu.memref_slice %arg10[%dma_start3A_196, %dma_start3A_197] : memref<1664x8xf32, #tpu.memory_space<vmem>> -> memref<64x8xf32, #tpu.memory_space<vmem>>
      %dma_start3A_199 = arith.constant 0 : i32
      %dma_start3A_200 = tpu.memref_slice %arg18[%dma_start3A_195, %dma_start3A_199] : memref<2x64xi32, #tpu.memory_space<vmem>> -> memref<1x64xi32, #tpu.memory_space<vmem>>
      %dma_start3A_201 = tpu.memref_squeeze %dma_start3A_200 : memref<1x64xi32, #tpu.memory_space<vmem>> -> memref<64xi32, #tpu.memory_space<vmem>>
      %dma_start3A_202 = arith.constant 0 : i32
      %dma_start3A_203 = tpu.memref_slice %dma_start3A_201[%dma_start3A_202] : memref<64xi32, #tpu.memory_space<vmem>> -> memref<64xi32, #tpu.memory_space<vmem>>
      %dma_start3A_204 = arith.constant 0 : i32
      %dma_start3A_205 = arith.constant 0 : i32
      %dma_start3A_206 = tpu.memref_slice %arg4[%dma_start3A_204, %dma_start3A_205] : memref<50176x8xf32, #tpu.memory_space<hbm>> -> memref<50176x8xf32, #tpu.memory_space<hbm>>
      tpu.enqueue_indirect_dma source(%dma_start3A_206 : memref<50176x8xf32, #tpu.memory_space<hbm>>) target(%dma_start3A_198 : memref<64x8xf32, #tpu.memory_space<vmem>>) offsets(%dma_start3A_203 : memref<64xi32, #tpu.memory_space<vmem>>) semaphore(%arg21 : memref<!tpu.dma_semaphore, #tpu.memory_space<semaphore_mem>>)
      %dma_wait3A_207 = arith.constant 0 : i32
      %dma_wait3A_208 = arith.constant 0 : i32
      %dma_wait3A_209 = arith.constant 0 : i32
      %dma_wait3A_210 = tpu.memref_slice %arg10[%dma_wait3A_208, %dma_wait3A_209] : memref<1664x8xf32, #tpu.memory_space<vmem>> -> memref<64x8xf32, #tpu.memory_space<vmem>>
      %dma_wait3A_211 = arith.constant 0 : i32
      %dma_wait3A_212 = tpu.memref_slice %arg18[%dma_wait3A_207, %dma_wait3A_211] : memref<2x64xi32, #tpu.memory_space<vmem>> -> memref<1x64xi32, #tpu.memory_space<vmem>>
      %dma_wait3A_213 = tpu.memref_squeeze %dma_wait3A_212 : memref<1x64xi32, #tpu.memory_space<vmem>> -> memref<64xi32, #tpu.memory_space<vmem>>
      %dma_wait3A_214 = arith.constant 0 : i32
      %dma_wait3A_215 = tpu.memref_slice %dma_wait3A_213[%dma_wait3A_214] : memref<64xi32, #tpu.memory_space<vmem>> -> memref<64xi32, #tpu.memory_space<vmem>>
      %dma_wait3A_216 = arith.constant 0 : i32
      %dma_wait3A_217 = arith.constant 0 : i32
      %dma_wait3A_218 = tpu.memref_slice %arg4[%dma_wait3A_216, %dma_wait3A_217] : memref<50176x8xf32, #tpu.memory_space<hbm>> -> memref<50176x8xf32, #tpu.memory_space<hbm>>
      tpu.wait_indirect_dma semaphore(%arg21 : memref<!tpu.dma_semaphore, #tpu.memory_space<semaphore_mem>>) src(%dma_wait3A_218 : memref<50176x8xf32, #tpu.memory_space<hbm>>) dst(%dma_wait3A_210 : memref<64x8xf32, #tpu.memory_space<vmem>>)
      %dma_start3A_219 = arith.constant 1 : i32
      %dma_start3A_220 = arith.constant 0 : i32
      %dma_start3A_221 = arith.constant 0 : i32
      %dma_start3A_222 = tpu.memref_slice %arg11[%dma_start3A_220, %dma_start3A_221] : memref<1664x8xf32, #tpu.memory_space<vmem>> -> memref<64x8xf32, #tpu.memory_space<vmem>>
      %dma_start3A_223 = arith.constant 0 : i32
      %dma_start3A_224 = tpu.memref_slice %arg18[%dma_start3A_219, %dma_start3A_223] : memref<2x64xi32, #tpu.memory_space<vmem>> -> memref<1x64xi32, #tpu.memory_space<vmem>>
      %dma_start3A_225 = tpu.memref_squeeze %dma_start3A_224 : memref<1x64xi32, #tpu.memory_space<vmem>> -> memref<64xi32, #tpu.memory_space<vmem>>
      %dma_start3A_226 = arith.constant 0 : i32
      %dma_start3A_227 = tpu.memref_slice %dma_start3A_225[%dma_start3A_226] : memref<64xi32, #tpu.memory_space<vmem>> -> memref<64xi32, #tpu.memory_space<vmem>>
      %dma_start3A_228 = arith.constant 0 : i32
      %dma_start3A_229 = arith.constant 0 : i32
      %dma_start3A_230 = tpu.memref_slice %arg4[%dma_start3A_228, %dma_start3A_229] : memref<50176x8xf32, #tpu.memory_space<hbm>> -> memref<50176x8xf32, #tpu.memory_space<hbm>>
      tpu.enqueue_indirect_dma source(%dma_start3A_230 : memref<50176x8xf32, #tpu.memory_space<hbm>>) target(%dma_start3A_222 : memref<64x8xf32, #tpu.memory_space<vmem>>) offsets(%dma_start3A_227 : memref<64xi32, #tpu.memory_space<vmem>>) semaphore(%arg21 : memref<!tpu.dma_semaphore, #tpu.memory_space<semaphore_mem>>)
      %dma_wait3A_231 = arith.constant 1 : i32
      %dma_wait3A_232 = arith.constant 0 : i32
      %dma_wait3A_233 = arith.constant 0 : i32
      %dma_wait3A_234 = tpu.memref_slice %arg11[%dma_wait3A_232, %dma_wait3A_233] : memref<1664x8xf32, #tpu.memory_space<vmem>> -> memref<64x8xf32, #tpu.memory_space<vmem>>
      %dma_wait3A_235 = arith.constant 0 : i32
      %dma_wait3A_236 = tpu.memref_slice %arg18[%dma_wait3A_231, %dma_wait3A_235] : memref<2x64xi32, #tpu.memory_space<vmem>> -> memref<1x64xi32, #tpu.memory_space<vmem>>
      %dma_wait3A_237 = tpu.memref_squeeze %dma_wait3A_236 : memref<1x64xi32, #tpu.memory_space<vmem>> -> memref<64xi32, #tpu.memory_space<vmem>>
      %dma_wait3A_238 = arith.constant 0 : i32
      %dma_wait3A_239 = tpu.memref_slice %dma_wait3A_237[%dma_wait3A_238] : memref<64xi32, #tpu.memory_space<vmem>> -> memref<64xi32, #tpu.memory_space<vmem>>
      %dma_wait3A_240 = arith.constant 0 : i32
      %dma_wait3A_241 = arith.constant 0 : i32
      %dma_wait3A_242 = tpu.memref_slice %arg4[%dma_wait3A_240, %dma_wait3A_241] : memref<50176x8xf32, #tpu.memory_space<hbm>> -> memref<50176x8xf32, #tpu.memory_space<hbm>>
      tpu.wait_indirect_dma semaphore(%arg21 : memref<!tpu.dma_semaphore, #tpu.memory_space<semaphore_mem>>) src(%dma_wait3A_242 : memref<50176x8xf32, #tpu.memory_space<hbm>>) dst(%dma_wait3A_234 : memref<64x8xf32, #tpu.memory_space<vmem>>)
      %jit3A_243 = arith.constant 4 : i32
      %div3A_244 = arith.divsi %add3A_178, %jit3A_243 : i32
      %sign3A_245 = arith.constant 0 : i32
      %sign3A_246 = arith.cmpi sgt, %add3A_178, %sign3A_245 : i32
      %sign3A_247 = arith.extui %sign3A_246 : i1 to i32
      %sign3A_248 = arith.constant 0 : i32
      %sign3A_249 = arith.cmpi slt, %add3A_178, %sign3A_248 : i32
      %sign3A_250 = arith.extui %sign3A_249 : i1 to i32
      %sign3A_251 = arith.subi %sign3A_247, %sign3A_250 : i32
      %sign3A_252 = arith.constant 0 : i32
      %sign3A_253 = arith.cmpi sgt, %jit3A_243, %sign3A_252 : i32
      %sign3A_254 = arith.extui %sign3A_253 : i1 to i32
      %sign3A_255 = arith.constant 0 : i32
      %sign3A_256 = arith.cmpi slt, %jit3A_243, %sign3A_255 : i32
      %sign3A_257 = arith.extui %sign3A_256 : i1 to i32
      %sign3A_258 = arith.subi %sign3A_254, %sign3A_257 : i32
      %ne3A_259 = arith.cmpi ne, %sign3A_251, %sign3A_258 : i32
      %rem3A_260 = arith.remsi %add3A_178, %jit3A_243 : i32
      %ne3A_261 = arith.constant 0 : i32
      %ne3A_262 = arith.cmpi ne, %rem3A_260, %ne3A_261 : i32
      %and3A_263 = arith.andi %ne3A_259, %ne3A_262 : i1
      %sub3A_264 = arith.constant 1 : i32
      %sub3A_265 = arith.subi %div3A_244, %sub3A_264 : i32
      %select_n3A_266 = arith.select %and3A_263, %sub3A_265, %div3A_244 : i32
      "tpu.region"() ({
        %run_scoped3A_323 = tpu.sem_alloc : memref<!tpu.dma_semaphore, #tpu.memory_space<semaphore_mem>>
        %dma_start3A_324 = arith.constant 0 : i32
        %dma_start3A_325 = arith.constant 0 : i32
        %dma_start3A_326 = tpu.memref_slice %arg14[%dma_start3A_324, %dma_start3A_325] : memref<416x16xf32, #tpu.memory_space<vmem>> -> memref<16x16xf32, #tpu.memory_space<vmem>>
        %dma_start3A_327 = arith.constant 0 : i32
        %dma_start3A_328 = tpu.memref_slice %arg3[%select_n3A_266, %dma_start3A_327] : memref<400000x16xf32, #tpu.memory_space<hbm>> -> memref<16x16xf32, #tpu.memory_space<hbm>>
        %dma_start3A_329 = arith.constant 0 : i32
        %dma_start3A_330 = arith.constant 0 : i32
        %dma_start3A_331 = tpu.memref_slice %arg14[%dma_start3A_329, %dma_start3A_330] : memref<416x16xf32, #tpu.memory_space<vmem>> -> memref<16x16xf32, #tpu.memory_space<vmem>>
        %dma_start3A_332 = arith.constant 0 : i32
        %dma_start3A_333 = tpu.memref_slice %arg3[%select_n3A_266, %dma_start3A_332] : memref<400000x16xf32, #tpu.memory_space<hbm>> -> memref<16x16xf32, #tpu.memory_space<hbm>>
        tpu.enqueue_dma source(%dma_start3A_333 : memref<16x16xf32, #tpu.memory_space<hbm>>) target(%dma_start3A_331 : memref<16x16xf32, #tpu.memory_space<vmem>>) target_semaphore(%run_scoped3A_323 : memref<!tpu.dma_semaphore, #tpu.memory_space<semaphore_mem>>)
        %dma_wait3A_334 = arith.constant 0 : i32
        %dma_wait3A_335 = arith.constant 0 : i32
        %dma_wait3A_336 = tpu.memref_slice %arg14[%dma_wait3A_334, %dma_wait3A_335] : memref<416x16xf32, #tpu.memory_space<vmem>> -> memref<16x16xf32, #tpu.memory_space<vmem>>
        %dma_wait3A_337 = arith.constant 0 : i32
        %dma_wait3A_338 = tpu.memref_slice %arg3[%select_n3A_266, %dma_wait3A_337] : memref<400000x16xf32, #tpu.memory_space<hbm>> -> memref<16x16xf32, #tpu.memory_space<hbm>>
        %dma_wait3A_339 = arith.constant 0 : i32
        %dma_wait3A_340 = arith.constant 0 : i32
        %dma_wait3A_341 = tpu.memref_slice %arg14[%dma_wait3A_339, %dma_wait3A_340] : memref<416x16xf32, #tpu.memory_space<vmem>> -> memref<16x16xf32, #tpu.memory_space<vmem>>
        %dma_wait3A_342 = arith.constant 0 : i32
        %dma_wait3A_343 = tpu.memref_slice %arg3[%select_n3A_266, %dma_wait3A_342] : memref<400000x16xf32, #tpu.memory_space<hbm>> -> memref<16x16xf32, #tpu.memory_space<hbm>>
        tpu.wait_dma2 semaphore(%run_scoped3A_323 : memref<!tpu.dma_semaphore, #tpu.memory_space<semaphore_mem>>) src(%dma_wait3A_343 : memref<16x16xf32, #tpu.memory_space<hbm>>) dst(%dma_wait3A_341 : memref<16x16xf32, #tpu.memory_space<vmem>>)
        tpu.yield
      }) : () -> ()
      %add3A_267 = arith.constant 800000 : i32
      %add3A_268 = arith.addi %add3A_267, %add3A_178 : i32
      %jit3A_269 = arith.constant 4 : i32
      %div3A_270 = arith.divsi %add3A_268, %jit3A_269 : i32
      %sign3A_271 = arith.constant 0 : i32
      %sign3A_272 = arith.cmpi sgt, %add3A_268, %sign3A_271 : i32
      %sign3A_273 = arith.extui %sign3A_272 : i1 to i32
      %sign3A_274 = arith.constant 0 : i32
      %sign3A_275 = arith.cmpi slt, %add3A_268, %sign3A_274 : i32
      %sign3A_276 = arith.extui %sign3A_275 : i1 to i32
      %sign3A_277 = arith.subi %sign3A_273, %sign3A_276 : i32
      %sign3A_278 = arith.constant 0 : i32
      %sign3A_279 = arith.cmpi sgt, %jit3A_269, %sign3A_278 : i32
      %sign3A_280 = arith.extui %sign3A_279 : i1 to i32
      %sign3A_281 = arith.constant 0 : i32
      %sign3A_282 = arith.cmpi slt, %jit3A_269, %sign3A_281 : i32
      %sign3A_283 = arith.extui %sign3A_282 : i1 to i32
      %sign3A_284 = arith.subi %sign3A_280, %sign3A_283 : i32
      %ne3A_285 = arith.cmpi ne, %sign3A_277, %sign3A_284 : i32
      %rem3A_286 = arith.remsi %add3A_268, %jit3A_269 : i32
      %ne3A_287 = arith.constant 0 : i32
      %ne3A_288 = arith.cmpi ne, %rem3A_286, %ne3A_287 : i32
      %and3A_289 = arith.andi %ne3A_285, %ne3A_288 : i1
      %sub3A_290 = arith.constant 1 : i32
      %sub3A_291 = arith.subi %div3A_270, %sub3A_290 : i32
      %select_n3A_292 = arith.select %and3A_289, %sub3A_291, %div3A_270 : i32
      "tpu.region"() ({
        %run_scoped3A_323 = tpu.sem_alloc : memref<!tpu.dma_semaphore, #tpu.memory_space<semaphore_mem>>
        %dma_start3A_324 = arith.constant 0 : i32
        %dma_start3A_325 = arith.constant 0 : i32
        %dma_start3A_326 = tpu.memref_slice %arg15[%dma_start3A_324, %dma_start3A_325] : memref<416x16xf32, #tpu.memory_space<vmem>> -> memref<16x16xf32, #tpu.memory_space<vmem>>
        %dma_start3A_327 = arith.constant 0 : i32
        %dma_start3A_328 = tpu.memref_slice %arg3[%select_n3A_292, %dma_start3A_327] : memref<400000x16xf32, #tpu.memory_space<hbm>> -> memref<16x16xf32, #tpu.memory_space<hbm>>
        %dma_start3A_329 = arith.constant 0 : i32
        %dma_start3A_330 = arith.constant 0 : i32
        %dma_start3A_331 = tpu.memref_slice %arg15[%dma_start3A_329, %dma_start3A_330] : memref<416x16xf32, #tpu.memory_space<vmem>> -> memref<16x16xf32, #tpu.memory_space<vmem>>
        %dma_start3A_332 = arith.constant 0 : i32
        %dma_start3A_333 = tpu.memref_slice %arg3[%select_n3A_292, %dma_start3A_332] : memref<400000x16xf32, #tpu.memory_space<hbm>> -> memref<16x16xf32, #tpu.memory_space<hbm>>
        tpu.enqueue_dma source(%dma_start3A_333 : memref<16x16xf32, #tpu.memory_space<hbm>>) target(%dma_start3A_331 : memref<16x16xf32, #tpu.memory_space<vmem>>) target_semaphore(%run_scoped3A_323 : memref<!tpu.dma_semaphore, #tpu.memory_space<semaphore_mem>>)
        %dma_wait3A_334 = arith.constant 0 : i32
        %dma_wait3A_335 = arith.constant 0 : i32
        %dma_wait3A_336 = tpu.memref_slice %arg15[%dma_wait3A_334, %dma_wait3A_335] : memref<416x16xf32, #tpu.memory_space<vmem>> -> memref<16x16xf32, #tpu.memory_space<vmem>>
        %dma_wait3A_337 = arith.constant 0 : i32
        %dma_wait3A_338 = tpu.memref_slice %arg3[%select_n3A_292, %dma_wait3A_337] : memref<400000x16xf32, #tpu.memory_space<hbm>> -> memref<16x16xf32, #tpu.memory_space<hbm>>
        %dma_wait3A_339 = arith.constant 0 : i32
        %dma_wait3A_340 = arith.constant 0 : i32
        %dma_wait3A_341 = tpu.memref_slice %arg15[%dma_wait3A_339, %dma_wait3A_340] : memref<416x16xf32, #tpu.memory_space<vmem>> -> memref<16x16xf32, #tpu.memory_space<vmem>>
        %dma_wait3A_342 = arith.constant 0 : i32
        %dma_wait3A_343 = tpu.memref_slice %arg3[%select_n3A_292, %dma_wait3A_342] : memref<400000x16xf32, #tpu.memory_space<hbm>> -> memref<16x16xf32, #tpu.memory_space<hbm>>
        tpu.wait_dma2 semaphore(%run_scoped3A_323 : memref<!tpu.dma_semaphore, #tpu.memory_space<semaphore_mem>>) src(%dma_wait3A_343 : memref<16x16xf32, #tpu.memory_space<hbm>>) dst(%dma_wait3A_341 : memref<16x16xf32, #tpu.memory_space<vmem>>)
        tpu.yield
      }) : () -> ()
      %scan3A_293 = arith.constant 0 : i32
      %scan3A_294 = arith.constant 0 : i32
      %scan3A_295 = arith.constant 16 : i32
      %scan3A_296 = arith.addi %scan3A_294, %scan3A_295 : i32
      %scan3A_297 = arith.constant 4 : i32
      scf.for %scan3A_323 = %scan3A_294 to %scan3A_296 step %scan3A_297  : i32 {
        %mul3A_324 = arith.constant 16 : i32
        %mul3A_325 = arith.muli %scan3A_323, %mul3A_324 : i32
        %iota3A = tpu.iota {dimensions = array<i32: 0>} : vector<16xi32>
        %add3A_326 = vector.broadcast %mul3A_325 : i32 to vector<16xi32>
        %add3A_327 = arith.addi %add3A_326, %iota3A : vector<16xi32>
        %shift_right_logical3A = arith.constant 2 : i32
        %shift_right_logical3A_328 = vector.broadcast %shift_right_logical3A : i32 to vector<16xi32>
        %shift_right_logical3A_329 = arith.shrui %add3A_327, %shift_right_logical3A_328 : vector<16xi32>
        %and3A_330 = arith.constant 3 : i32
        %and3A_331 = vector.broadcast %and3A_330 : i32 to vector<16xi32>
        %and3A_332 = arith.andi %add3A_327, %and3A_331 : vector<16xi32>
        %get3A = arith.index_cast %scan3A_323 : i32 to index
        %get3A_333 = arith.constant 0 : index
        %get3A_334 = tpu.vector_load %arg14[%get3A, %get3A_333] {strides = array<i32>} : memref<416x16xf32, #tpu.memory_space<vmem>>, vector<16xf32>,
        %get3A_335 = arith.index_cast %scan3A_323 : i32 to index
        %get3A_336 = arith.constant 0 : index
        %get3A_337 = tpu.vector_load %arg15[%get3A_335, %get3A_336] {strides = array<i32>} : memref<416x16xf32, #tpu.memory_space<vmem>>, vector<16xf32>,
        %gather3A = tpu.vector_load_idx %arg10[%shift_right_logical3A_329, %and3A_332] : memref<1664x8xf32, #tpu.memory_space<vmem>>[vector<16xi32>, vector<16xi32>], vector<16xf32>,
        %gather3A_338 = tpu.vector_load_idx %arg11[%shift_right_logical3A_329, %and3A_332] : memref<1664x8xf32, #tpu.memory_space<vmem>>[vector<16xi32>, vector<16xi32>], vector<16xf32>,
        %mul3A_339 = arith.mulf %get3A_334, %get3A_337 : vector<16xf32>
        %neg3A = arith.constant 0.000000e+00 : f32
        %neg3A_340 = vector.broadcast %neg3A : f32 to vector<16xf32>
        %neg3A_341 = arith.subf %neg3A_340, %mul3A_339 : vector<16xf32>
        %mul3A_342 = arith.mulf %neg3A_341, %gather3A : vector<16xf32>
        %mul3A_343 = arith.mulf %mul3A_342, %gather3A_338 : vector<16xf32>
        %swap3A = arith.index_cast %scan3A_323 : i32 to index
        %swap3A_344 = arith.constant 0 : index
        %swap3A_345 = tpu.vector_load %arg17[%swap3A, %swap3A_344] {strides = array<i32>} : memref<416x16xf32, #tpu.memory_space<vmem>>, vector<16xf32>,
        tpu.vector_store %arg17[%swap3A, %swap3A_344], %mul3A_343 {strides = array<i32>} : memref<416x16xf32, #tpu.memory_space<vmem>>, vector<16xf32>,
        %scan3A_346 = arith.constant 1 : i32
        %scan3A_347 = arith.addi %scan3A_323, %scan3A_346 : i32
        %mul3A_348 = arith.constant 16 : i32
        %mul3A_349 = arith.muli %scan3A_347, %mul3A_348 : i32
        %iota3A_350 = tpu.iota {dimensions = array<i32: 0>} : vector<16xi32>
        %add3A_351 = vector.broadcast %mul3A_349 : i32 to vector<16xi32>
        %add3A_352 = arith.addi %add3A_351, %iota3A_350 : vector<16xi32>
        %shift_right_logical3A_353 = arith.constant 2 : i32
        %shift_right_logical3A_354 = vector.broadcast %shift_right_logical3A_353 : i32 to vector<16xi32>
        %shift_right_logical3A_355 = arith.shrui %add3A_352, %shift_right_logical3A_354 : vector<16xi32>
        %and3A_356 = arith.constant 3 : i32
        %and3A_357 = vector.broadcast %and3A_356 : i32 to vector<16xi32>
        %and3A_358 = arith.andi %add3A_352, %and3A_357 : vector<16xi32>
        %get3A_359 = arith.index_cast %scan3A_347 : i32 to index
        %get3A_360 = arith.constant 0 : index
        %get3A_361 = tpu.vector_load %arg14[%get3A_359, %get3A_360] {strides = array<i32>} : memref<416x16xf32, #tpu.memory_space<vmem>>, vector<16xf32>,
        %get3A_362 = arith.index_cast %scan3A_347 : i32 to index
        %get3A_363 = arith.constant 0 : index
        %get3A_364 = tpu.vector_load %arg15[%get3A_362, %get3A_363] {strides = array<i32>} : memref<416x16xf32, #tpu.memory_space<vmem>>, vector<16xf32>,
        %gather3A_365 = tpu.vector_load_idx %arg10[%shift_right_logical3A_355, %and3A_358] : memref<1664x8xf32, #tpu.memory_space<vmem>>[vector<16xi32>, vector<16xi32>], vector<16xf32>,
        %gather3A_366 = tpu.vector_load_idx %arg11[%shift_right_logical3A_355, %and3A_358] : memref<1664x8xf32, #tpu.memory_space<vmem>>[vector<16xi32>, vector<16xi32>], vector<16xf32>,
        %mul3A_367 = arith.mulf %get3A_361, %get3A_364 : vector<16xf32>
        %neg3A_368 = arith.constant 0.000000e+00 : f32
        %neg3A_369 = vector.broadcast %neg3A_368 : f32 to vector<16xf32>
        %neg3A_370 = arith.subf %neg3A_369, %mul3A_367 : vector<16xf32>
        %mul3A_371 = arith.mulf %neg3A_370, %gather3A_365 : vector<16xf32>
        %mul3A_372 = arith.mulf %mul3A_371, %gather3A_366 : vector<16xf32>
        %swap3A_373 = arith.index_cast %scan3A_347 : i32 to index
        %swap3A_374 = arith.constant 0 : index
        %swap3A_375 = tpu.vector_load %arg17[%swap3A_373, %swap3A_374] {strides = array<i32>} : memref<416x16xf32, #tpu.memory_space<vmem>>, vector<16xf32>,
        tpu.vector_store %arg17[%swap3A_373, %swap3A_374], %mul3A_372 {strides = array<i32>} : memref<416x16xf32, #tpu.memory_space<vmem>>, vector<16xf32>,
        %scan3A_376 = arith.constant 2 : i32
        %scan3A_377 = arith.addi %scan3A_323, %scan3A_376 : i32
        %mul3A_378 = arith.constant 16 : i32
        %mul3A_379 = arith.muli %scan3A_377, %mul3A_378 : i32
        %iota3A_380 = tpu.iota {dimensions = array<i32: 0>} : vector<16xi32>
        %add3A_381 = vector.broadcast %mul3A_379 : i32 to vector<16xi32>
        %add3A_382 = arith.addi %add3A_381, %iota3A_380 : vector<16xi32>
        %shift_right_logical3A_383 = arith.constant 2 : i32
        %shift_right_logical3A_384 = vector.broadcast %shift_right_logical3A_383 : i32 to vector<16xi32>
        %shift_right_logical3A_385 = arith.shrui %add3A_382, %shift_right_logical3A_384 : vector<16xi32>
        %and3A_386 = arith.constant 3 : i32
        %and3A_387 = vector.broadcast %and3A_386 : i32 to vector<16xi32>
        %and3A_388 = arith.andi %add3A_382, %and3A_387 : vector<16xi32>
        %get3A_389 = arith.index_cast %scan3A_377 : i32 to index
        %get3A_390 = arith.constant 0 : index
        %get3A_391 = tpu.vector_load %arg14[%get3A_389, %get3A_390] {strides = array<i32>} : memref<416x16xf32, #tpu.memory_space<vmem>>, vector<16xf32>,
        %get3A_392 = arith.index_cast %scan3A_377 : i32 to index
        %get3A_393 = arith.constant 0 : index
        %get3A_394 = tpu.vector_load %arg15[%get3A_392, %get3A_393] {strides = array<i32>} : memref<416x16xf32, #tpu.memory_space<vmem>>, vector<16xf32>,
        %gather3A_395 = tpu.vector_load_idx %arg10[%shift_right_logical3A_385, %and3A_388] : memref<1664x8xf32, #tpu.memory_space<vmem>>[vector<16xi32>, vector<16xi32>], vector<16xf32>,
        %gather3A_396 = tpu.vector_load_idx %arg11[%shift_right_logical3A_385, %and3A_388] : memref<1664x8xf32, #tpu.memory_space<vmem>>[vector<16xi32>, vector<16xi32>], vector<16xf32>,
        %mul3A_397 = arith.mulf %get3A_391, %get3A_394 : vector<16xf32>
        %neg3A_398 = arith.constant 0.000000e+00 : f32
        %neg3A_399 = vector.broadcast %neg3A_398 : f32 to vector<16xf32>
        %neg3A_400 = arith.subf %neg3A_399, %mul3A_397 : vector<16xf32>
        %mul3A_401 = arith.mulf %neg3A_400, %gather3A_395 : vector<16xf32>
        %mul3A_402 = arith.mulf %mul3A_401, %gather3A_396 : vector<16xf32>
        %swap3A_403 = arith.index_cast %scan3A_377 : i32 to index
        %swap3A_404 = arith.constant 0 : index
        %swap3A_405 = tpu.vector_load %arg17[%swap3A_403, %swap3A_404] {strides = array<i32>} : memref<416x16xf32, #tpu.memory_space<vmem>>, vector<16xf32>,
        tpu.vector_store %arg17[%swap3A_403, %swap3A_404], %mul3A_402 {strides = array<i32>} : memref<416x16xf32, #tpu.memory_space<vmem>>, vector<16xf32>,
        %scan3A_406 = arith.constant 3 : i32
        %scan3A_407 = arith.addi %scan3A_323, %scan3A_406 : i32
        %mul3A_408 = arith.constant 16 : i32
        %mul3A_409 = arith.muli %scan3A_407, %mul3A_408 : i32
        %iota3A_410 = tpu.iota {dimensions = array<i32: 0>} : vector<16xi32>
        %add3A_411 = vector.broadcast %mul3A_409 : i32 to vector<16xi32>
        %add3A_412 = arith.addi %add3A_411, %iota3A_410 : vector<16xi32>
        %shift_right_logical3A_413 = arith.constant 2 : i32
        %shift_right_logical3A_414 = vector.broadcast %shift_right_logical3A_413 : i32 to vector<16xi32>
        %shift_right_logical3A_415 = arith.shrui %add3A_412, %shift_right_logical3A_414 : vector<16xi32>
        %and3A_416 = arith.constant 3 : i32
        %and3A_417 = vector.broadcast %and3A_416 : i32 to vector<16xi32>
        %and3A_418 = arith.andi %add3A_412, %and3A_417 : vector<16xi32>
        %get3A_419 = arith.index_cast %scan3A_407 : i32 to index
        %get3A_420 = arith.constant 0 : index
        %get3A_421 = tpu.vector_load %arg14[%get3A_419, %get3A_420] {strides = array<i32>} : memref<416x16xf32, #tpu.memory_space<vmem>>, vector<16xf32>,
        %get3A_422 = arith.index_cast %scan3A_407 : i32 to index
        %get3A_423 = arith.constant 0 : index
        %get3A_424 = tpu.vector_load %arg15[%get3A_422, %get3A_423] {strides = array<i32>} : memref<416x16xf32, #tpu.memory_space<vmem>>, vector<16xf32>,
        %gather3A_425 = tpu.vector_load_idx %arg10[%shift_right_logical3A_415, %and3A_418] : memref<1664x8xf32, #tpu.memory_space<vmem>>[vector<16xi32>, vector<16xi32>], vector<16xf32>,
        %gather3A_426 = tpu.vector_load_idx %arg11[%shift_right_logical3A_415, %and3A_418] : memref<1664x8xf32, #tpu.memory_space<vmem>>[vector<16xi32>, vector<16xi32>], vector<16xf32>,
        %mul3A_427 = arith.mulf %get3A_421, %get3A_424 : vector<16xf32>
        %neg3A_428 = arith.constant 0.000000e+00 : f32
        %neg3A_429 = vector.broadcast %neg3A_428 : f32 to vector<16xf32>
        %neg3A_430 = arith.subf %neg3A_429, %mul3A_427 : vector<16xf32>
        %mul3A_431 = arith.mulf %neg3A_430, %gather3A_425 : vector<16xf32>
        %mul3A_432 = arith.mulf %mul3A_431, %gather3A_426 : vector<16xf32>
        %swap3A_433 = arith.index_cast %scan3A_407 : i32 to index
        %swap3A_434 = arith.constant 0 : index
        %swap3A_435 = tpu.vector_load %arg17[%swap3A_433, %swap3A_434] {strides = array<i32>} : memref<416x16xf32, #tpu.memory_space<vmem>>, vector<16xf32>,
        tpu.vector_store %arg17[%swap3A_433, %swap3A_434], %mul3A_432 {strides = array<i32>} : memref<416x16xf32, #tpu.memory_space<vmem>>, vector<16xf32>,
      }
      %scan3A_298 = arith.constant 16 : i32
      %jit3A_299 = arith.constant 4 : i32
      %div3A_300 = arith.divsi %add3A_178, %jit3A_299 : i32
      %sign3A_301 = arith.constant 0 : i32
      %sign3A_302 = arith.cmpi sgt, %add3A_178, %sign3A_301 : i32
      %sign3A_303 = arith.extui %sign3A_302 : i1 to i32
      %sign3A_304 = arith.constant 0 : i32
      %sign3A_305 = arith.cmpi slt, %add3A_178, %sign3A_304 : i32
      %sign3A_306 = arith.extui %sign3A_305 : i1 to i32
      %sign3A_307 = arith.subi %sign3A_303, %sign3A_306 : i32
      %sign3A_308 = arith.constant 0 : i32
      %sign3A_309 = arith.cmpi sgt, %jit3A_299, %sign3A_308 : i32
      %sign3A_310 = arith.extui %sign3A_309 : i1 to i32
      %sign3A_311 = arith.constant 0 : i32
      %sign3A_312 = arith.cmpi slt, %jit3A_299, %sign3A_311 : i32
      %sign3A_313 = arith.extui %sign3A_312 : i1 to i32
      %sign3A_314 = arith.subi %sign3A_310, %sign3A_313 : i32
      %ne3A_315 = arith.cmpi ne, %sign3A_307, %sign3A_314 : i32
      %rem3A_316 = arith.remsi %add3A_178, %jit3A_299 : i32
      %ne3A_317 = arith.constant 0 : i32
      %ne3A_318 = arith.cmpi ne, %rem3A_316, %ne3A_317 : i32
      %and3A_319 = arith.andi %ne3A_315, %ne3A_318 : i1
      %sub3A_320 = arith.constant 1 : i32
      %sub3A_321 = arith.subi %div3A_300, %sub3A_320 : i32
      %select_n3A_322 = arith.select %and3A_319, %sub3A_321, %div3A_300 : i32
      "tpu.region"() ({
        %run_scoped3A_323 = tpu.sem_alloc : memref<!tpu.dma_semaphore, #tpu.memory_space<semaphore_mem>>
        %dma_start3A_324 = arith.constant 0 : i32
        %dma_start3A_325 = arith.constant 0 : i32
        %dma_start3A_326 = tpu.memref_slice %arg17[%dma_start3A_324, %dma_start3A_325] : memref<416x16xf32, #tpu.memory_space<vmem>> -> memref<16x16xf32, #tpu.memory_space<vmem>>
        %dma_start3A_327 = arith.constant 0 : i32
        %dma_start3A_328 = tpu.memref_slice %arg5[%select_n3A_322, %dma_start3A_327] : memref<200000x16xf32, #tpu.memory_space<hbm>> -> memref<16x16xf32, #tpu.memory_space<hbm>>
        %dma_start3A_329 = arith.constant 0 : i32
        %dma_start3A_330 = tpu.memref_slice %arg5[%select_n3A_322, %dma_start3A_329] : memref<200000x16xf32, #tpu.memory_space<hbm>> -> memref<16x16xf32, #tpu.memory_space<hbm>>
        %dma_start3A_331 = arith.constant 0 : i32
        %dma_start3A_332 = arith.constant 0 : i32
        %dma_start3A_333 = tpu.memref_slice %arg17[%dma_start3A_331, %dma_start3A_332] : memref<416x16xf32, #tpu.memory_space<vmem>> -> memref<16x16xf32, #tpu.memory_space<vmem>>
        tpu.enqueue_dma source(%dma_start3A_333 : memref<16x16xf32, #tpu.memory_space<vmem>>) target(%dma_start3A_330 : memref<16x16xf32, #tpu.memory_space<hbm>>) target_semaphore(%run_scoped3A_323 : memref<!tpu.dma_semaphore, #tpu.memory_space<semaphore_mem>>)
        %dma_wait3A_334 = arith.constant 0 : i32
        %dma_wait3A_335 = arith.constant 0 : i32
        %dma_wait3A_336 = tpu.memref_slice %arg17[%dma_wait3A_334, %dma_wait3A_335] : memref<416x16xf32, #tpu.memory_space<vmem>> -> memref<16x16xf32, #tpu.memory_space<vmem>>
        %dma_wait3A_337 = arith.constant 0 : i32
        %dma_wait3A_338 = tpu.memref_slice %arg5[%select_n3A_322, %dma_wait3A_337] : memref<200000x16xf32, #tpu.memory_space<hbm>> -> memref<16x16xf32, #tpu.memory_space<hbm>>
        %dma_wait3A_339 = arith.constant 0 : i32
        %dma_wait3A_340 = tpu.memref_slice %arg5[%select_n3A_322, %dma_wait3A_339] : memref<200000x16xf32, #tpu.memory_space<hbm>> -> memref<16x16xf32, #tpu.memory_space<hbm>>
        %dma_wait3A_341 = arith.constant 0 : i32
        %dma_wait3A_342 = arith.constant 0 : i32
        %dma_wait3A_343 = tpu.memref_slice %arg17[%dma_wait3A_341, %dma_wait3A_342] : memref<416x16xf32, #tpu.memory_space<vmem>> -> memref<16x16xf32, #tpu.memory_space<vmem>>
        tpu.wait_dma2 semaphore(%run_scoped3A_323 : memref<!tpu.dma_semaphore, #tpu.memory_space<semaphore_mem>>) src(%dma_wait3A_343 : memref<16x16xf32, #tpu.memory_space<vmem>>) dst(%dma_wait3A_340 : memref<16x16xf32, #tpu.memory_space<hbm>>)
        tpu.yield
      }) : () -> ()
    } else {
    }
    %ge3A = arith.constant 8 : i32
    %ge3A_181 = arith.cmpi sge, %add3A, %ge3A : i32
    %convert_element_type3A_182 = arith.extui %ge3A_181 : i1 to i32
    %cond3A_183 = arith.constant 0 : i32
    %cond3A_184 = arith.cmpi ne, %convert_element_type3A_182, %cond3A_183 : i32
    scf.if %cond3A_184 {
      %run_scoped3A_191 = arith.constant 0 : i32
      %run_scoped3A_192 = arith.constant 0 : i32
      "tpu.region"() ({
        %run_scoped3A_323 = tpu.sem_alloc : memref<!tpu.dma_semaphore, #tpu.memory_space<semaphore_mem>>
        %dma_start3A_324 = arith.constant 0 : i32
        %dma_start3A_325 = tpu.memref_slice %arg18[%run_scoped3A_192, %dma_start3A_324] : memref<2x64xi32, #tpu.memory_space<vmem>> -> memref<1x64xi32, #tpu.memory_space<vmem>>
        %dma_start3A_326 = tpu.memref_squeeze %dma_start3A_325 : memref<1x64xi32, #tpu.memory_space<vmem>> -> memref<64xi32, #tpu.memory_space<vmem>>
        %dma_start3A_327 = arith.constant 0 : i32
        %dma_start3A_328 = tpu.memref_slice %dma_start3A_326[%dma_start3A_327] : memref<64xi32, #tpu.memory_space<vmem>> -> memref<32xi32, #tpu.memory_space<vmem>>
        %dma_start3A_329 = tpu.memref_slice %arg2[%run_scoped3A_191, %add3A_178] : memref<2x1600000xi32, #tpu.memory_space<hbm>> -> memref<1x32xi32, #tpu.memory_space<hbm>>
        %dma_start3A_330 = tpu.memref_squeeze %dma_start3A_329 : memref<1x32xi32, #tpu.memory_space<hbm>> -> memref<32xi32, #tpu.memory_space<hbm>>
        %dma_start3A_331 = arith.constant 0 : i32
        %dma_start3A_332 = tpu.memref_slice %arg18[%run_scoped3A_192, %dma_start3A_331] : memref<2x64xi32, #tpu.memory_space<vmem>> -> memref<1x64xi32, #tpu.memory_space<vmem>>
        %dma_start3A_333 = tpu.memref_squeeze %dma_start3A_332 : memref<1x64xi32, #tpu.memory_space<vmem>> -> memref<64xi32, #tpu.memory_space<vmem>>
        %dma_start3A_334 = arith.constant 0 : i32
        %dma_start3A_335 = tpu.memref_slice %dma_start3A_333[%dma_start3A_334] : memref<64xi32, #tpu.memory_space<vmem>> -> memref<32xi32, #tpu.memory_space<vmem>>
        %dma_start3A_336 = tpu.memref_slice %arg2[%run_scoped3A_191, %add3A_178] : memref<2x1600000xi32, #tpu.memory_space<hbm>> -> memref<1x32xi32, #tpu.memory_space<hbm>>
        %dma_start3A_337 = tpu.memref_squeeze %dma_start3A_336 : memref<1x32xi32, #tpu.memory_space<hbm>> -> memref<32xi32, #tpu.memory_space<hbm>>
        tpu.enqueue_dma source(%dma_start3A_337 : memref<32xi32, #tpu.memory_space<hbm>>) target(%dma_start3A_335 : memref<32xi32, #tpu.memory_space<vmem>>) target_semaphore(%run_scoped3A_323 : memref<!tpu.dma_semaphore, #tpu.memory_space<semaphore_mem>>)
        %dma_wait3A_338 = arith.constant 0 : i32
        %dma_wait3A_339 = tpu.memref_slice %arg18[%run_scoped3A_192, %dma_wait3A_338] : memref<2x64xi32, #tpu.memory_space<vmem>> -> memref<1x64xi32, #tpu.memory_space<vmem>>
        %dma_wait3A_340 = tpu.memref_squeeze %dma_wait3A_339 : memref<1x64xi32, #tpu.memory_space<vmem>> -> memref<64xi32, #tpu.memory_space<vmem>>
        %dma_wait3A_341 = arith.constant 0 : i32
        %dma_wait3A_342 = tpu.memref_slice %dma_wait3A_340[%dma_wait3A_341] : memref<64xi32, #tpu.memory_space<vmem>> -> memref<32xi32, #tpu.memory_space<vmem>>
        %dma_wait3A_343 = tpu.memref_slice %arg2[%run_scoped3A_191, %add3A_178] : memref<2x1600000xi32, #tpu.memory_space<hbm>> -> memref<1x32xi32, #tpu.memory_space<hbm>>
        %dma_wait3A_344 = tpu.memref_squeeze %dma_wait3A_343 : memref<1x32xi32, #tpu.memory_space<hbm>> -> memref<32xi32, #tpu.memory_space<hbm>>
        %dma_wait3A_345 = arith.constant 0 : i32
        %dma_wait3A_346 = tpu.memref_slice %arg18[%run_scoped3A_192, %dma_wait3A_345] : memref<2x64xi32, #tpu.memory_space<vmem>> -> memref<1x64xi32, #tpu.memory_space<vmem>>
        %dma_wait3A_347 = tpu.memref_squeeze %dma_wait3A_346 : memref<1x64xi32, #tpu.memory_space<vmem>> -> memref<64xi32, #tpu.memory_space<vmem>>
        %dma_wait3A_348 = arith.constant 0 : i32
        %dma_wait3A_349 = tpu.memref_slice %dma_wait3A_347[%dma_wait3A_348] : memref<64xi32, #tpu.memory_space<vmem>> -> memref<32xi32, #tpu.memory_space<vmem>>
        %dma_wait3A_350 = tpu.memref_slice %arg2[%run_scoped3A_191, %add3A_178] : memref<2x1600000xi32, #tpu.memory_space<hbm>> -> memref<1x32xi32, #tpu.memory_space<hbm>>
        %dma_wait3A_351 = tpu.memref_squeeze %dma_wait3A_350 : memref<1x32xi32, #tpu.memory_space<hbm>> -> memref<32xi32, #tpu.memory_space<hbm>>
        tpu.wait_dma2 semaphore(%run_scoped3A_323 : memref<!tpu.dma_semaphore, #tpu.memory_space<semaphore_mem>>) src(%dma_wait3A_351 : memref<32xi32, #tpu.memory_space<hbm>>) dst(%dma_wait3A_349 : memref<32xi32, #tpu.memory_space<vmem>>)
        tpu.yield
      }) : () -> ()
      %run_scoped3A_193 = arith.constant 1 : i32
      %run_scoped3A_194 = arith.constant 1 : i32
      "tpu.region"() ({
        %run_scoped3A_323 = tpu.sem_alloc : memref<!tpu.dma_semaphore, #tpu.memory_space<semaphore_mem>>
        %dma_start3A_324 = arith.constant 0 : i32
        %dma_start3A_325 = tpu.memref_slice %arg18[%run_scoped3A_194, %dma_start3A_324] : memref<2x64xi32, #tpu.memory_space<vmem>> -> memref<1x64xi32, #tpu.memory_space<vmem>>
        %dma_start3A_326 = tpu.memref_squeeze %dma_start3A_325 : memref<1x64xi32, #tpu.memory_space<vmem>> -> memref<64xi32, #tpu.memory_space<vmem>>
        %dma_start3A_327 = arith.constant 0 : i32
        %dma_start3A_328 = tpu.memref_slice %dma_start3A_326[%dma_start3A_327] : memref<64xi32, #tpu.memory_space<vmem>> -> memref<32xi32, #tpu.memory_space<vmem>>
        %dma_start3A_329 = tpu.memref_slice %arg2[%run_scoped3A_193, %add3A_178] : memref<2x1600000xi32, #tpu.memory_space<hbm>> -> memref<1x32xi32, #tpu.memory_space<hbm>>
        %dma_start3A_330 = tpu.memref_squeeze %dma_start3A_329 : memref<1x32xi32, #tpu.memory_space<hbm>> -> memref<32xi32, #tpu.memory_space<hbm>>
        %dma_start3A_331 = arith.constant 0 : i32
        %dma_start3A_332 = tpu.memref_slice %arg18[%run_scoped3A_194, %dma_start3A_331] : memref<2x64xi32, #tpu.memory_space<vmem>> -> memref<1x64xi32, #tpu.memory_space<vmem>>
        %dma_start3A_333 = tpu.memref_squeeze %dma_start3A_332 : memref<1x64xi32, #tpu.memory_space<vmem>> -> memref<64xi32, #tpu.memory_space<vmem>>
        %dma_start3A_334 = arith.constant 0 : i32
        %dma_start3A_335 = tpu.memref_slice %dma_start3A_333[%dma_start3A_334] : memref<64xi32, #tpu.memory_space<vmem>> -> memref<32xi32, #tpu.memory_space<vmem>>
        %dma_start3A_336 = tpu.memref_slice %arg2[%run_scoped3A_193, %add3A_178] : memref<2x1600000xi32, #tpu.memory_space<hbm>> -> memref<1x32xi32, #tpu.memory_space<hbm>>
        %dma_start3A_337 = tpu.memref_squeeze %dma_start3A_336 : memref<1x32xi32, #tpu.memory_space<hbm>> -> memref<32xi32, #tpu.memory_space<hbm>>
        tpu.enqueue_dma source(%dma_start3A_337 : memref<32xi32, #tpu.memory_space<hbm>>) target(%dma_start3A_335 : memref<32xi32, #tpu.memory_space<vmem>>) target_semaphore(%run_scoped3A_323 : memref<!tpu.dma_semaphore, #tpu.memory_space<semaphore_mem>>)
        %dma_wait3A_338 = arith.constant 0 : i32
        %dma_wait3A_339 = tpu.memref_slice %arg18[%run_scoped3A_194, %dma_wait3A_338] : memref<2x64xi32, #tpu.memory_space<vmem>> -> memref<1x64xi32, #tpu.memory_space<vmem>>
        %dma_wait3A_340 = tpu.memref_squeeze %dma_wait3A_339 : memref<1x64xi32, #tpu.memory_space<vmem>> -> memref<64xi32, #tpu.memory_space<vmem>>
        %dma_wait3A_341 = arith.constant 0 : i32
        %dma_wait3A_342 = tpu.memref_slice %dma_wait3A_340[%dma_wait3A_341] : memref<64xi32, #tpu.memory_space<vmem>> -> memref<32xi32, #tpu.memory_space<vmem>>
        %dma_wait3A_343 = tpu.memref_slice %arg2[%run_scoped3A_193, %add3A_178] : memref<2x1600000xi32, #tpu.memory_space<hbm>> -> memref<1x32xi32, #tpu.memory_space<hbm>>
        %dma_wait3A_344 = tpu.memref_squeeze %dma_wait3A_343 : memref<1x32xi32, #tpu.memory_space<hbm>> -> memref<32xi32, #tpu.memory_space<hbm>>
        %dma_wait3A_345 = arith.constant 0 : i32
        %dma_wait3A_346 = tpu.memref_slice %arg18[%run_scoped3A_194, %dma_wait3A_345] : memref<2x64xi32, #tpu.memory_space<vmem>> -> memref<1x64xi32, #tpu.memory_space<vmem>>
        %dma_wait3A_347 = tpu.memref_squeeze %dma_wait3A_346 : memref<1x64xi32, #tpu.memory_space<vmem>> -> memref<64xi32, #tpu.memory_space<vmem>>
        %dma_wait3A_348 = arith.constant 0 : i32
        %dma_wait3A_349 = tpu.memref_slice %dma_wait3A_347[%dma_wait3A_348] : memref<64xi32, #tpu.memory_space<vmem>> -> memref<32xi32, #tpu.memory_space<vmem>>
        %dma_wait3A_350 = tpu.memref_slice %arg2[%run_scoped3A_193, %add3A_178] : memref<2x1600000xi32, #tpu.memory_space<hbm>> -> memref<1x32xi32, #tpu.memory_space<hbm>>
        %dma_wait3A_351 = tpu.memref_squeeze %dma_wait3A_350 : memref<1x32xi32, #tpu.memory_space<hbm>> -> memref<32xi32, #tpu.memory_space<hbm>>
        tpu.wait_dma2 semaphore(%run_scoped3A_323 : memref<!tpu.dma_semaphore, #tpu.memory_space<semaphore_mem>>) src(%dma_wait3A_351 : memref<32xi32, #tpu.memory_space<hbm>>) dst(%dma_wait3A_349 : memref<32xi32, #tpu.memory_space<vmem>>)
        tpu.yield
      }) : () -> ()
      %dma_start3A_195 = arith.constant 0 : i32
      %dma_start3A_196 = arith.constant 0 : i32
      %dma_start3A_197 = arith.constant 0 : i32
      %dma_start3A_198 = tpu.memref_slice %arg10[%dma_start3A_196, %dma_start3A_197] : memref<1664x8xf32, #tpu.memory_space<vmem>> -> memref<32x8xf32, #tpu.memory_space<vmem>>
      %dma_start3A_199 = arith.constant 0 : i32
      %dma_start3A_200 = tpu.memref_slice %arg18[%dma_start3A_195, %dma_start3A_199] : memref<2x64xi32, #tpu.memory_space<vmem>> -> memref<1x64xi32, #tpu.memory_space<vmem>>
      %dma_start3A_201 = tpu.memref_squeeze %dma_start3A_200 : memref<1x64xi32, #tpu.memory_space<vmem>> -> memref<64xi32, #tpu.memory_space<vmem>>
      %dma_start3A_202 = arith.constant 0 : i32
      %dma_start3A_203 = tpu.memref_slice %dma_start3A_201[%dma_start3A_202] : memref<64xi32, #tpu.memory_space<vmem>> -> memref<32xi32, #tpu.memory_space<vmem>>
      %dma_start3A_204 = arith.constant 0 : i32
      %dma_start3A_205 = arith.constant 0 : i32
      %dma_start3A_206 = tpu.memref_slice %arg4[%dma_start3A_204, %dma_start3A_205] : memref<50176x8xf32, #tpu.memory_space<hbm>> -> memref<50176x8xf32, #tpu.memory_space<hbm>>
      tpu.enqueue_indirect_dma source(%dma_start3A_206 : memref<50176x8xf32, #tpu.memory_space<hbm>>) target(%dma_start3A_198 : memref<32x8xf32, #tpu.memory_space<vmem>>) offsets(%dma_start3A_203 : memref<32xi32, #tpu.memory_space<vmem>>) semaphore(%arg21 : memref<!tpu.dma_semaphore, #tpu.memory_space<semaphore_mem>>)
      %dma_wait3A_207 = arith.constant 0 : i32
      %dma_wait3A_208 = arith.constant 0 : i32
      %dma_wait3A_209 = arith.constant 0 : i32
      %dma_wait3A_210 = tpu.memref_slice %arg10[%dma_wait3A_208, %dma_wait3A_209] : memref<1664x8xf32, #tpu.memory_space<vmem>> -> memref<32x8xf32, #tpu.memory_space<vmem>>
      %dma_wait3A_211 = arith.constant 0 : i32
      %dma_wait3A_212 = tpu.memref_slice %arg18[%dma_wait3A_207, %dma_wait3A_211] : memref<2x64xi32, #tpu.memory_space<vmem>> -> memref<1x64xi32, #tpu.memory_space<vmem>>
      %dma_wait3A_213 = tpu.memref_squeeze %dma_wait3A_212 : memref<1x64xi32, #tpu.memory_space<vmem>> -> memref<64xi32, #tpu.memory_space<vmem>>
      %dma_wait3A_214 = arith.constant 0 : i32
      %dma_wait3A_215 = tpu.memref_slice %dma_wait3A_213[%dma_wait3A_214] : memref<64xi32, #tpu.memory_space<vmem>> -> memref<32xi32, #tpu.memory_space<vmem>>
      %dma_wait3A_216 = arith.constant 0 : i32
      %dma_wait3A_217 = arith.constant 0 : i32
      %dma_wait3A_218 = tpu.memref_slice %arg4[%dma_wait3A_216, %dma_wait3A_217] : memref<50176x8xf32, #tpu.memory_space<hbm>> -> memref<50176x8xf32, #tpu.memory_space<hbm>>
      tpu.wait_indirect_dma semaphore(%arg21 : memref<!tpu.dma_semaphore, #tpu.memory_space<semaphore_mem>>) src(%dma_wait3A_218 : memref<50176x8xf32, #tpu.memory_space<hbm>>) dst(%dma_wait3A_210 : memref<32x8xf32, #tpu.memory_space<vmem>>)
      %dma_start3A_219 = arith.constant 1 : i32
      %dma_start3A_220 = arith.constant 0 : i32
      %dma_start3A_221 = arith.constant 0 : i32
      %dma_start3A_222 = tpu.memref_slice %arg11[%dma_start3A_220, %dma_start3A_221] : memref<1664x8xf32, #tpu.memory_space<vmem>> -> memref<32x8xf32, #tpu.memory_space<vmem>>
      %dma_start3A_223 = arith.constant 0 : i32
      %dma_start3A_224 = tpu.memref_slice %arg18[%dma_start3A_219, %dma_start3A_223] : memref<2x64xi32, #tpu.memory_space<vmem>> -> memref<1x64xi32, #tpu.memory_space<vmem>>
      %dma_start3A_225 = tpu.memref_squeeze %dma_start3A_224 : memref<1x64xi32, #tpu.memory_space<vmem>> -> memref<64xi32, #tpu.memory_space<vmem>>
      %dma_start3A_226 = arith.constant 0 : i32
      %dma_start3A_227 = tpu.memref_slice %dma_start3A_225[%dma_start3A_226] : memref<64xi32, #tpu.memory_space<vmem>> -> memref<32xi32, #tpu.memory_space<vmem>>
      %dma_start3A_228 = arith.constant 0 : i32
      %dma_start3A_229 = arith.constant 0 : i32
      %dma_start3A_230 = tpu.memref_slice %arg4[%dma_start3A_228, %dma_start3A_229] : memref<50176x8xf32, #tpu.memory_space<hbm>> -> memref<50176x8xf32, #tpu.memory_space<hbm>>
      tpu.enqueue_indirect_dma source(%dma_start3A_230 : memref<50176x8xf32, #tpu.memory_space<hbm>>) target(%dma_start3A_222 : memref<32x8xf32, #tpu.memory_space<vmem>>) offsets(%dma_start3A_227 : memref<32xi32, #tpu.memory_space<vmem>>) semaphore(%arg21 : memref<!tpu.dma_semaphore, #tpu.memory_space<semaphore_mem>>)
      %dma_wait3A_231 = arith.constant 1 : i32
      %dma_wait3A_232 = arith.constant 0 : i32
      %dma_wait3A_233 = arith.constant 0 : i32
      %dma_wait3A_234 = tpu.memref_slice %arg11[%dma_wait3A_232, %dma_wait3A_233] : memref<1664x8xf32, #tpu.memory_space<vmem>> -> memref<32x8xf32, #tpu.memory_space<vmem>>
      %dma_wait3A_235 = arith.constant 0 : i32
      %dma_wait3A_236 = tpu.memref_slice %arg18[%dma_wait3A_231, %dma_wait3A_235] : memref<2x64xi32, #tpu.memory_space<vmem>> -> memref<1x64xi32, #tpu.memory_space<vmem>>
      %dma_wait3A_237 = tpu.memref_squeeze %dma_wait3A_236 : memref<1x64xi32, #tpu.memory_space<vmem>> -> memref<64xi32, #tpu.memory_space<vmem>>
      %dma_wait3A_238 = arith.constant 0 : i32
      %dma_wait3A_239 = tpu.memref_slice %dma_wait3A_237[%dma_wait3A_238] : memref<64xi32, #tpu.memory_space<vmem>> -> memref<32xi32, #tpu.memory_space<vmem>>
      %dma_wait3A_240 = arith.constant 0 : i32
      %dma_wait3A_241 = arith.constant 0 : i32
      %dma_wait3A_242 = tpu.memref_slice %arg4[%dma_wait3A_240, %dma_wait3A_241] : memref<50176x8xf32, #tpu.memory_space<hbm>> -> memref<50176x8xf32, #tpu.memory_space<hbm>>
      tpu.wait_indirect_dma semaphore(%arg21 : memref<!tpu.dma_semaphore, #tpu.memory_space<semaphore_mem>>) src(%dma_wait3A_242 : memref<50176x8xf32, #tpu.memory_space<hbm>>) dst(%dma_wait3A_234 : memref<32x8xf32, #tpu.memory_space<vmem>>)
      %jit3A_243 = arith.constant 4 : i32
      %div3A_244 = arith.divsi %add3A_178, %jit3A_243 : i32
      %sign3A_245 = arith.constant 0 : i32
      %sign3A_246 = arith.cmpi sgt, %add3A_178, %sign3A_245 : i32
      %sign3A_247 = arith.extui %sign3A_246 : i1 to i32
      %sign3A_248 = arith.constant 0 : i32
      %sign3A_249 = arith.cmpi slt, %add3A_178, %sign3A_248 : i32
      %sign3A_250 = arith.extui %sign3A_249 : i1 to i32
      %sign3A_251 = arith.subi %sign3A_247, %sign3A_250 : i32
      %sign3A_252 = arith.constant 0 : i32
      %sign3A_253 = arith.cmpi sgt, %jit3A_243, %sign3A_252 : i32
      %sign3A_254 = arith.extui %sign3A_253 : i1 to i32
      %sign3A_255 = arith.constant 0 : i32
      %sign3A_256 = arith.cmpi slt, %jit3A_243, %sign3A_255 : i32
      %sign3A_257 = arith.extui %sign3A_256 : i1 to i32
      %sign3A_258 = arith.subi %sign3A_254, %sign3A_257 : i32
      %ne3A_259 = arith.cmpi ne, %sign3A_251, %sign3A_258 : i32
      %rem3A_260 = arith.remsi %add3A_178, %jit3A_243 : i32
      %ne3A_261 = arith.constant 0 : i32
      %ne3A_262 = arith.cmpi ne, %rem3A_260, %ne3A_261 : i32
      %and3A_263 = arith.andi %ne3A_259, %ne3A_262 : i1
      %sub3A_264 = arith.constant 1 : i32
      %sub3A_265 = arith.subi %div3A_244, %sub3A_264 : i32
      %select_n3A_266 = arith.select %and3A_263, %sub3A_265, %div3A_244 : i32
      "tpu.region"() ({
        %run_scoped3A_323 = tpu.sem_alloc : memref<!tpu.dma_semaphore, #tpu.memory_space<semaphore_mem>>
        %dma_start3A_324 = arith.constant 0 : i32
        %dma_start3A_325 = arith.constant 0 : i32
        %dma_start3A_326 = tpu.memref_slice %arg14[%dma_start3A_324, %dma_start3A_325] : memref<416x16xf32, #tpu.memory_space<vmem>> -> memref<8x16xf32, #tpu.memory_space<vmem>>
        %dma_start3A_327 = arith.constant 0 : i32
        %dma_start3A_328 = tpu.memref_slice %arg3[%select_n3A_266, %dma_start3A_327] : memref<400000x16xf32, #tpu.memory_space<hbm>> -> memref<8x16xf32, #tpu.memory_space<hbm>>
        %dma_start3A_329 = arith.constant 0 : i32
        %dma_start3A_330 = arith.constant 0 : i32
        %dma_start3A_331 = tpu.memref_slice %arg14[%dma_start3A_329, %dma_start3A_330] : memref<416x16xf32, #tpu.memory_space<vmem>> -> memref<8x16xf32, #tpu.memory_space<vmem>>
        %dma_start3A_332 = arith.constant 0 : i32
        %dma_start3A_333 = tpu.memref_slice %arg3[%select_n3A_266, %dma_start3A_332] : memref<400000x16xf32, #tpu.memory_space<hbm>> -> memref<8x16xf32, #tpu.memory_space<hbm>>
        tpu.enqueue_dma source(%dma_start3A_333 : memref<8x16xf32, #tpu.memory_space<hbm>>) target(%dma_start3A_331 : memref<8x16xf32, #tpu.memory_space<vmem>>) target_semaphore(%run_scoped3A_323 : memref<!tpu.dma_semaphore, #tpu.memory_space<semaphore_mem>>)
        %dma_wait3A_334 = arith.constant 0 : i32
        %dma_wait3A_335 = arith.constant 0 : i32
        %dma_wait3A_336 = tpu.memref_slice %arg14[%dma_wait3A_334, %dma_wait3A_335] : memref<416x16xf32, #tpu.memory_space<vmem>> -> memref<8x16xf32, #tpu.memory_space<vmem>>
        %dma_wait3A_337 = arith.constant 0 : i32
        %dma_wait3A_338 = tpu.memref_slice %arg3[%select_n3A_266, %dma_wait3A_337] : memref<400000x16xf32, #tpu.memory_space<hbm>> -> memref<8x16xf32, #tpu.memory_space<hbm>>
        %dma_wait3A_339 = arith.constant 0 : i32
        %dma_wait3A_340 = arith.constant 0 : i32
        %dma_wait3A_341 = tpu.memref_slice %arg14[%dma_wait3A_339, %dma_wait3A_340] : memref<416x16xf32, #tpu.memory_space<vmem>> -> memref<8x16xf32, #tpu.memory_space<vmem>>
        %dma_wait3A_342 = arith.constant 0 : i32
        %dma_wait3A_343 = tpu.memref_slice %arg3[%select_n3A_266, %dma_wait3A_342] : memref<400000x16xf32, #tpu.memory_space<hbm>> -> memref<8x16xf32, #tpu.memory_space<hbm>>
        tpu.wait_dma2 semaphore(%run_scoped3A_323 : memref<!tpu.dma_semaphore, #tpu.memory_space<semaphore_mem>>) src(%dma_wait3A_343 : memref<8x16xf32, #tpu.memory_space<hbm>>) dst(%dma_wait3A_341 : memref<8x16xf32, #tpu.memory_space<vmem>>)
        tpu.yield
      }) : () -> ()
      %add3A_267 = arith.constant 800000 : i32
      %add3A_268 = arith.addi %add3A_267, %add3A_178 : i32
      %jit3A_269 = arith.constant 4 : i32
      %div3A_270 = arith.divsi %add3A_268, %jit3A_269 : i32
      %sign3A_271 = arith.constant 0 : i32
      %sign3A_272 = arith.cmpi sgt, %add3A_268, %sign3A_271 : i32
      %sign3A_273 = arith.extui %sign3A_272 : i1 to i32
      %sign3A_274 = arith.constant 0 : i32
      %sign3A_275 = arith.cmpi slt, %add3A_268, %sign3A_274 : i32
      %sign3A_276 = arith.extui %sign3A_275 : i1 to i32
      %sign3A_277 = arith.subi %sign3A_273, %sign3A_276 : i32
      %sign3A_278 = arith.constant 0 : i32
      %sign3A_279 = arith.cmpi sgt, %jit3A_269, %sign3A_278 : i32
      %sign3A_280 = arith.extui %sign3A_279 : i1 to i32
      %sign3A_281 = arith.constant 0 : i32
      %sign3A_282 = arith.cmpi slt, %jit3A_269, %sign3A_281 : i32
      %sign3A_283 = arith.extui %sign3A_282 : i1 to i32
      %sign3A_284 = arith.subi %sign3A_280, %sign3A_283 : i32
      %ne3A_285 = arith.cmpi ne, %sign3A_277, %sign3A_284 : i32
      %rem3A_286 = arith.remsi %add3A_268, %jit3A_269 : i32
      %ne3A_287 = arith.constant 0 : i32
      %ne3A_288 = arith.cmpi ne, %rem3A_286, %ne3A_287 : i32
      %and3A_289 = arith.andi %ne3A_285, %ne3A_288 : i1
      %sub3A_290 = arith.constant 1 : i32
      %sub3A_291 = arith.subi %div3A_270, %sub3A_290 : i32
      %select_n3A_292 = arith.select %and3A_289, %sub3A_291, %div3A_270 : i32
      "tpu.region"() ({
        %run_scoped3A_323 = tpu.sem_alloc : memref<!tpu.dma_semaphore, #tpu.memory_space<semaphore_mem>>
        %dma_start3A_324 = arith.constant 0 : i32
        %dma_start3A_325 = arith.constant 0 : i32
        %dma_start3A_326 = tpu.memref_slice %arg15[%dma_start3A_324, %dma_start3A_325] : memref<416x16xf32, #tpu.memory_space<vmem>> -> memref<8x16xf32, #tpu.memory_space<vmem>>
        %dma_start3A_327 = arith.constant 0 : i32
        %dma_start3A_328 = tpu.memref_slice %arg3[%select_n3A_292, %dma_start3A_327] : memref<400000x16xf32, #tpu.memory_space<hbm>> -> memref<8x16xf32, #tpu.memory_space<hbm>>
        %dma_start3A_329 = arith.constant 0 : i32
        %dma_start3A_330 = arith.constant 0 : i32
        %dma_start3A_331 = tpu.memref_slice %arg15[%dma_start3A_329, %dma_start3A_330] : memref<416x16xf32, #tpu.memory_space<vmem>> -> memref<8x16xf32, #tpu.memory_space<vmem>>
        %dma_start3A_332 = arith.constant 0 : i32
        %dma_start3A_333 = tpu.memref_slice %arg3[%select_n3A_292, %dma_start3A_332] : memref<400000x16xf32, #tpu.memory_space<hbm>> -> memref<8x16xf32, #tpu.memory_space<hbm>>
        tpu.enqueue_dma source(%dma_start3A_333 : memref<8x16xf32, #tpu.memory_space<hbm>>) target(%dma_start3A_331 : memref<8x16xf32, #tpu.memory_space<vmem>>) target_semaphore(%run_scoped3A_323 : memref<!tpu.dma_semaphore, #tpu.memory_space<semaphore_mem>>)
        %dma_wait3A_334 = arith.constant 0 : i32
        %dma_wait3A_335 = arith.constant 0 : i32
        %dma_wait3A_336 = tpu.memref_slice %arg15[%dma_wait3A_334, %dma_wait3A_335] : memref<416x16xf32, #tpu.memory_space<vmem>> -> memref<8x16xf32, #tpu.memory_space<vmem>>
        %dma_wait3A_337 = arith.constant 0 : i32
        %dma_wait3A_338 = tpu.memref_slice %arg3[%select_n3A_292, %dma_wait3A_337] : memref<400000x16xf32, #tpu.memory_space<hbm>> -> memref<8x16xf32, #tpu.memory_space<hbm>>
        %dma_wait3A_339 = arith.constant 0 : i32
        %dma_wait3A_340 = arith.constant 0 : i32
        %dma_wait3A_341 = tpu.memref_slice %arg15[%dma_wait3A_339, %dma_wait3A_340] : memref<416x16xf32, #tpu.memory_space<vmem>> -> memref<8x16xf32, #tpu.memory_space<vmem>>
        %dma_wait3A_342 = arith.constant 0 : i32
        %dma_wait3A_343 = tpu.memref_slice %arg3[%select_n3A_292, %dma_wait3A_342] : memref<400000x16xf32, #tpu.memory_space<hbm>> -> memref<8x16xf32, #tpu.memory_space<hbm>>
        tpu.wait_dma2 semaphore(%run_scoped3A_323 : memref<!tpu.dma_semaphore, #tpu.memory_space<semaphore_mem>>) src(%dma_wait3A_343 : memref<8x16xf32, #tpu.memory_space<hbm>>) dst(%dma_wait3A_341 : memref<8x16xf32, #tpu.memory_space<vmem>>)
        tpu.yield
      }) : () -> ()
      %scan3A_293 = arith.constant 0 : i32
      %scan3A_294 = arith.constant 0 : i32
      %scan3A_295 = arith.constant 8 : i32
      %scan3A_296 = arith.addi %scan3A_294, %scan3A_295 : i32
      %scan3A_297 = arith.constant 4 : i32
      scf.for %scan3A_323 = %scan3A_294 to %scan3A_296 step %scan3A_297  : i32 {
        %mul3A_324 = arith.constant 16 : i32
        %mul3A_325 = arith.muli %scan3A_323, %mul3A_324 : i32
        %iota3A = tpu.iota {dimensions = array<i32: 0>} : vector<16xi32>
        %add3A_326 = vector.broadcast %mul3A_325 : i32 to vector<16xi32>
        %add3A_327 = arith.addi %add3A_326, %iota3A : vector<16xi32>
        %shift_right_logical3A = arith.constant 2 : i32
        %shift_right_logical3A_328 = vector.broadcast %shift_right_logical3A : i32 to vector<16xi32>
        %shift_right_logical3A_329 = arith.shrui %add3A_327, %shift_right_logical3A_328 : vector<16xi32>
        %and3A_330 = arith.constant 3 : i32
        %and3A_331 = vector.broadcast %and3A_330 : i32 to vector<16xi32>
        %and3A_332 = arith.andi %add3A_327, %and3A_331 : vector<16xi32>
        %get3A = arith.index_cast %scan3A_323 : i32 to index
        %get3A_333 = arith.constant 0 : index
        %get3A_334 = tpu.vector_load %arg14[%get3A, %get3A_333] {strides = array<i32>} : memref<416x16xf32, #tpu.memory_space<vmem>>, vector<16xf32>,
        %get3A_335 = arith.index_cast %scan3A_323 : i32 to index
        %get3A_336 = arith.constant 0 : index
        %get3A_337 = tpu.vector_load %arg15[%get3A_335, %get3A_336] {strides = array<i32>} : memref<416x16xf32, #tpu.memory_space<vmem>>, vector<16xf32>,
        %gather3A = tpu.vector_load_idx %arg10[%shift_right_logical3A_329, %and3A_332] : memref<1664x8xf32, #tpu.memory_space<vmem>>[vector<16xi32>, vector<16xi32>], vector<16xf32>,
        %gather3A_338 = tpu.vector_load_idx %arg11[%shift_right_logical3A_329, %and3A_332] : memref<1664x8xf32, #tpu.memory_space<vmem>>[vector<16xi32>, vector<16xi32>], vector<16xf32>,
        %mul3A_339 = arith.mulf %get3A_334, %get3A_337 : vector<16xf32>
        %neg3A = arith.constant 0.000000e+00 : f32
        %neg3A_340 = vector.broadcast %neg3A : f32 to vector<16xf32>
        %neg3A_341 = arith.subf %neg3A_340, %mul3A_339 : vector<16xf32>
        %mul3A_342 = arith.mulf %neg3A_341, %gather3A : vector<16xf32>
        %mul3A_343 = arith.mulf %mul3A_342, %gather3A_338 : vector<16xf32>
        %swap3A = arith.index_cast %scan3A_323 : i32 to index
        %swap3A_344 = arith.constant 0 : index
        %swap3A_345 = tpu.vector_load %arg17[%swap3A, %swap3A_344] {strides = array<i32>} : memref<416x16xf32, #tpu.memory_space<vmem>>, vector<16xf32>,
        tpu.vector_store %arg17[%swap3A, %swap3A_344], %mul3A_343 {strides = array<i32>} : memref<416x16xf32, #tpu.memory_space<vmem>>, vector<16xf32>,
        %scan3A_346 = arith.constant 1 : i32
        %scan3A_347 = arith.addi %scan3A_323, %scan3A_346 : i32
        %mul3A_348 = arith.constant 16 : i32
        %mul3A_349 = arith.muli %scan3A_347, %mul3A_348 : i32
        %iota3A_350 = tpu.iota {dimensions = array<i32: 0>} : vector<16xi32>
        %add3A_351 = vector.broadcast %mul3A_349 : i32 to vector<16xi32>
        %add3A_352 = arith.addi %add3A_351, %iota3A_350 : vector<16xi32>
        %shift_right_logical3A_353 = arith.constant 2 : i32
        %shift_right_logical3A_354 = vector.broadcast %shift_right_logical3A_353 : i32 to vector<16xi32>
        %shift_right_logical3A_355 = arith.shrui %add3A_352, %shift_right_logical3A_354 : vector<16xi32>
        %and3A_356 = arith.constant 3 : i32
        %and3A_357 = vector.broadcast %and3A_356 : i32 to vector<16xi32>
        %and3A_358 = arith.andi %add3A_352, %and3A_357 : vector<16xi32>
        %get3A_359 = arith.index_cast %scan3A_347 : i32 to index
        %get3A_360 = arith.constant 0 : index
        %get3A_361 = tpu.vector_load %arg14[%get3A_359, %get3A_360] {strides = array<i32>} : memref<416x16xf32, #tpu.memory_space<vmem>>, vector<16xf32>,
        %get3A_362 = arith.index_cast %scan3A_347 : i32 to index
        %get3A_363 = arith.constant 0 : index
        %get3A_364 = tpu.vector_load %arg15[%get3A_362, %get3A_363] {strides = array<i32>} : memref<416x16xf32, #tpu.memory_space<vmem>>, vector<16xf32>,
        %gather3A_365 = tpu.vector_load_idx %arg10[%shift_right_logical3A_355, %and3A_358] : memref<1664x8xf32, #tpu.memory_space<vmem>>[vector<16xi32>, vector<16xi32>], vector<16xf32>,
        %gather3A_366 = tpu.vector_load_idx %arg11[%shift_right_logical3A_355, %and3A_358] : memref<1664x8xf32, #tpu.memory_space<vmem>>[vector<16xi32>, vector<16xi32>], vector<16xf32>,
        %mul3A_367 = arith.mulf %get3A_361, %get3A_364 : vector<16xf32>
        %neg3A_368 = arith.constant 0.000000e+00 : f32
        %neg3A_369 = vector.broadcast %neg3A_368 : f32 to vector<16xf32>
        %neg3A_370 = arith.subf %neg3A_369, %mul3A_367 : vector<16xf32>
        %mul3A_371 = arith.mulf %neg3A_370, %gather3A_365 : vector<16xf32>
        %mul3A_372 = arith.mulf %mul3A_371, %gather3A_366 : vector<16xf32>
        %swap3A_373 = arith.index_cast %scan3A_347 : i32 to index
        %swap3A_374 = arith.constant 0 : index
        %swap3A_375 = tpu.vector_load %arg17[%swap3A_373, %swap3A_374] {strides = array<i32>} : memref<416x16xf32, #tpu.memory_space<vmem>>, vector<16xf32>,
        tpu.vector_store %arg17[%swap3A_373, %swap3A_374], %mul3A_372 {strides = array<i32>} : memref<416x16xf32, #tpu.memory_space<vmem>>, vector<16xf32>,
        %scan3A_376 = arith.constant 2 : i32
        %scan3A_377 = arith.addi %scan3A_323, %scan3A_376 : i32
        %mul3A_378 = arith.constant 16 : i32
        %mul3A_379 = arith.muli %scan3A_377, %mul3A_378 : i32
        %iota3A_380 = tpu.iota {dimensions = array<i32: 0>} : vector<16xi32>
        %add3A_381 = vector.broadcast %mul3A_379 : i32 to vector<16xi32>
        %add3A_382 = arith.addi %add3A_381, %iota3A_380 : vector<16xi32>
        %shift_right_logical3A_383 = arith.constant 2 : i32
        %shift_right_logical3A_384 = vector.broadcast %shift_right_logical3A_383 : i32 to vector<16xi32>
        %shift_right_logical3A_385 = arith.shrui %add3A_382, %shift_right_logical3A_384 : vector<16xi32>
        %and3A_386 = arith.constant 3 : i32
        %and3A_387 = vector.broadcast %and3A_386 : i32 to vector<16xi32>
        %and3A_388 = arith.andi %add3A_382, %and3A_387 : vector<16xi32>
        %get3A_389 = arith.index_cast %scan3A_377 : i32 to index
        %get3A_390 = arith.constant 0 : index
        %get3A_391 = tpu.vector_load %arg14[%get3A_389, %get3A_390] {strides = array<i32>} : memref<416x16xf32, #tpu.memory_space<vmem>>, vector<16xf32>,
        %get3A_392 = arith.index_cast %scan3A_377 : i32 to index
        %get3A_393 = arith.constant 0 : index
        %get3A_394 = tpu.vector_load %arg15[%get3A_392, %get3A_393] {strides = array<i32>} : memref<416x16xf32, #tpu.memory_space<vmem>>, vector<16xf32>,
        %gather3A_395 = tpu.vector_load_idx %arg10[%shift_right_logical3A_385, %and3A_388] : memref<1664x8xf32, #tpu.memory_space<vmem>>[vector<16xi32>, vector<16xi32>], vector<16xf32>,
        %gather3A_396 = tpu.vector_load_idx %arg11[%shift_right_logical3A_385, %and3A_388] : memref<1664x8xf32, #tpu.memory_space<vmem>>[vector<16xi32>, vector<16xi32>], vector<16xf32>,
        %mul3A_397 = arith.mulf %get3A_391, %get3A_394 : vector<16xf32>
        %neg3A_398 = arith.constant 0.000000e+00 : f32
        %neg3A_399 = vector.broadcast %neg3A_398 : f32 to vector<16xf32>
        %neg3A_400 = arith.subf %neg3A_399, %mul3A_397 : vector<16xf32>
        %mul3A_401 = arith.mulf %neg3A_400, %gather3A_395 : vector<16xf32>
        %mul3A_402 = arith.mulf %mul3A_401, %gather3A_396 : vector<16xf32>
        %swap3A_403 = arith.index_cast %scan3A_377 : i32 to index
        %swap3A_404 = arith.constant 0 : index
        %swap3A_405 = tpu.vector_load %arg17[%swap3A_403, %swap3A_404] {strides = array<i32>} : memref<416x16xf32, #tpu.memory_space<vmem>>, vector<16xf32>,
        tpu.vector_store %arg17[%swap3A_403, %swap3A_404], %mul3A_402 {strides = array<i32>} : memref<416x16xf32, #tpu.memory_space<vmem>>, vector<16xf32>,
        %scan3A_406 = arith.constant 3 : i32
        %scan3A_407 = arith.addi %scan3A_323, %scan3A_406 : i32
        %mul3A_408 = arith.constant 16 : i32
        %mul3A_409 = arith.muli %scan3A_407, %mul3A_408 : i32
        %iota3A_410 = tpu.iota {dimensions = array<i32: 0>} : vector<16xi32>
        %add3A_411 = vector.broadcast %mul3A_409 : i32 to vector<16xi32>
        %add3A_412 = arith.addi %add3A_411, %iota3A_410 : vector<16xi32>
        %shift_right_logical3A_413 = arith.constant 2 : i32
        %shift_right_logical3A_414 = vector.broadcast %shift_right_logical3A_413 : i32 to vector<16xi32>
        %shift_right_logical3A_415 = arith.shrui %add3A_412, %shift_right_logical3A_414 : vector<16xi32>
        %and3A_416 = arith.constant 3 : i32
        %and3A_417 = vector.broadcast %and3A_416 : i32 to vector<16xi32>
        %and3A_418 = arith.andi %add3A_412, %and3A_417 : vector<16xi32>
        %get3A_419 = arith.index_cast %scan3A_407 : i32 to index
        %get3A_420 = arith.constant 0 : index
        %get3A_421 = tpu.vector_load %arg14[%get3A_419, %get3A_420] {strides = array<i32>} : memref<416x16xf32, #tpu.memory_space<vmem>>, vector<16xf32>,
        %get3A_422 = arith.index_cast %scan3A_407 : i32 to index
        %get3A_423 = arith.constant 0 : index
        %get3A_424 = tpu.vector_load %arg15[%get3A_422, %get3A_423] {strides = array<i32>} : memref<416x16xf32, #tpu.memory_space<vmem>>, vector<16xf32>,
        %gather3A_425 = tpu.vector_load_idx %arg10[%shift_right_logical3A_415, %and3A_418] : memref<1664x8xf32, #tpu.memory_space<vmem>>[vector<16xi32>, vector<16xi32>], vector<16xf32>,
        %gather3A_426 = tpu.vector_load_idx %arg11[%shift_right_logical3A_415, %and3A_418] : memref<1664x8xf32, #tpu.memory_space<vmem>>[vector<16xi32>, vector<16xi32>], vector<16xf32>,
        %mul3A_427 = arith.mulf %get3A_421, %get3A_424 : vector<16xf32>
        %neg3A_428 = arith.constant 0.000000e+00 : f32
        %neg3A_429 = vector.broadcast %neg3A_428 : f32 to vector<16xf32>
        %neg3A_430 = arith.subf %neg3A_429, %mul3A_427 : vector<16xf32>
        %mul3A_431 = arith.mulf %neg3A_430, %gather3A_425 : vector<16xf32>
        %mul3A_432 = arith.mulf %mul3A_431, %gather3A_426 : vector<16xf32>
        %swap3A_433 = arith.index_cast %scan3A_407 : i32 to index
        %swap3A_434 = arith.constant 0 : index
        %swap3A_435 = tpu.vector_load %arg17[%swap3A_433, %swap3A_434] {strides = array<i32>} : memref<416x16xf32, #tpu.memory_space<vmem>>, vector<16xf32>,
        tpu.vector_store %arg17[%swap3A_433, %swap3A_434], %mul3A_432 {strides = array<i32>} : memref<416x16xf32, #tpu.memory_space<vmem>>, vector<16xf32>,
      }
      %scan3A_298 = arith.constant 8 : i32
      %jit3A_299 = arith.constant 4 : i32
      %div3A_300 = arith.divsi %add3A_178, %jit3A_299 : i32
      %sign3A_301 = arith.constant 0 : i32
      %sign3A_302 = arith.cmpi sgt, %add3A_178, %sign3A_301 : i32
      %sign3A_303 = arith.extui %sign3A_302 : i1 to i32
      %sign3A_304 = arith.constant 0 : i32
      %sign3A_305 = arith.cmpi slt, %add3A_178, %sign3A_304 : i32
      %sign3A_306 = arith.extui %sign3A_305 : i1 to i32
      %sign3A_307 = arith.subi %sign3A_303, %sign3A_306 : i32
      %sign3A_308 = arith.constant 0 : i32
      %sign3A_309 = arith.cmpi sgt, %jit3A_299, %sign3A_308 : i32
      %sign3A_310 = arith.extui %sign3A_309 : i1 to i32
      %sign3A_311 = arith.constant 0 : i32
      %sign3A_312 = arith.cmpi slt, %jit3A_299, %sign3A_311 : i32
      %sign3A_313 = arith.extui %sign3A_312 : i1 to i32
      %sign3A_314 = arith.subi %sign3A_310, %sign3A_313 : i32
      %ne3A_315 = arith.cmpi ne, %sign3A_307, %sign3A_314 : i32
      %rem3A_316 = arith.remsi %add3A_178, %jit3A_299 : i32
      %ne3A_317 = arith.constant 0 : i32
      %ne3A_318 = arith.cmpi ne, %rem3A_316, %ne3A_317 : i32
      %and3A_319 = arith.andi %ne3A_315, %ne3A_318 : i1
      %sub3A_320 = arith.constant 1 : i32
      %sub3A_321 = arith.subi %div3A_300, %sub3A_320 : i32
      %select_n3A_322 = arith.select %and3A_319, %sub3A_321, %div3A_300 : i32
      "tpu.region"() ({
        %run_scoped3A_323 = tpu.sem_alloc : memref<!tpu.dma_semaphore, #tpu.memory_space<semaphore_mem>>
        %dma_start3A_324 = arith.constant 0 : i32
        %dma_start3A_325 = arith.constant 0 : i32
        %dma_start3A_326 = tpu.memref_slice %arg17[%dma_start3A_324, %dma_start3A_325] : memref<416x16xf32, #tpu.memory_space<vmem>> -> memref<8x16xf32, #tpu.memory_space<vmem>>
        %dma_start3A_327 = arith.constant 0 : i32
        %dma_start3A_328 = tpu.memref_slice %arg5[%select_n3A_322, %dma_start3A_327] : memref<200000x16xf32, #tpu.memory_space<hbm>> -> memref<8x16xf32, #tpu.memory_space<hbm>>
        %dma_start3A_329 = arith.constant 0 : i32
        %dma_start3A_330 = tpu.memref_slice %arg5[%select_n3A_322, %dma_start3A_329] : memref<200000x16xf32, #tpu.memory_space<hbm>> -> memref<8x16xf32, #tpu.memory_space<hbm>>
        %dma_start3A_331 = arith.constant 0 : i32
        %dma_start3A_332 = arith.constant 0 : i32
        %dma_start3A_333 = tpu.memref_slice %arg17[%dma_start3A_331, %dma_start3A_332] : memref<416x16xf32, #tpu.memory_space<vmem>> -> memref<8x16xf32, #tpu.memory_space<vmem>>
        tpu.enqueue_dma source(%dma_start3A_333 : memref<8x16xf32, #tpu.memory_space<vmem>>) target(%dma_start3A_330 : memref<8x16xf32, #tpu.memory_space<hbm>>) target_semaphore(%run_scoped3A_323 : memref<!tpu.dma_semaphore, #tpu.memory_space<semaphore_mem>>)
        %dma_wait3A_334 = arith.constant 0 : i32
        %dma_wait3A_335 = arith.constant 0 : i32
        %dma_wait3A_336 = tpu.memref_slice %arg17[%dma_wait3A_334, %dma_wait3A_335] : memref<416x16xf32, #tpu.memory_space<vmem>> -> memref<8x16xf32, #tpu.memory_space<vmem>>
        %dma_wait3A_337 = arith.constant 0 : i32
        %dma_wait3A_338 = tpu.memref_slice %arg5[%select_n3A_322, %dma_wait3A_337] : memref<200000x16xf32, #tpu.memory_space<hbm>> -> memref<8x16xf32, #tpu.memory_space<hbm>>
        %dma_wait3A_339 = arith.constant 0 : i32
        %dma_wait3A_340 = tpu.memref_slice %arg5[%select_n3A_322, %dma_wait3A_339] : memref<200000x16xf32, #tpu.memory_space<hbm>> -> memref<8x16xf32, #tpu.memory_space<hbm>>
        %dma_wait3A_341 = arith.constant 0 : i32
        %dma_wait3A_342 = arith.constant 0 : i32
        %dma_wait3A_343 = tpu.memref_slice %arg17[%dma_wait3A_341, %dma_wait3A_342] : memref<416x16xf32, #tpu.memory_space<vmem>> -> memref<8x16xf32, #tpu.memory_space<vmem>>
        tpu.wait_dma2 semaphore(%run_scoped3A_323 : memref<!tpu.dma_semaphore, #tpu.memory_space<semaphore_mem>>) src(%dma_wait3A_343 : memref<8x16xf32, #tpu.memory_space<vmem>>) dst(%dma_wait3A_340 : memref<8x16xf32, #tpu.memory_space<hbm>>)
        tpu.yield
      }) : () -> ()
    } else {
    }
    %dma_wait3A_185 = arith.constant 0 : i32
    %dma_wait3A_186 = arith.constant 0 : i32
    %dma_wait3A_187 = tpu.memref_slice %arg5[%dma_wait3A_185, %dma_wait3A_186] : memref<200000x16xf32, #tpu.memory_space<hbm>> -> memref<416x16xf32, #tpu.memory_space<hbm>>
    %dma_wait3A_188 = arith.constant 0 : i32
    %dma_wait3A_189 = arith.constant 0 : i32
    %dma_wait3A_190 = tpu.memref_slice %arg5[%dma_wait3A_188, %dma_wait3A_189] : memref<200000x16xf32, #tpu.memory_space<hbm>> -> memref<416x16xf32, #tpu.memory_space<hbm>>
    tpu.wait_dma2 semaphore(%arg24 : memref<!tpu.dma_semaphore, #tpu.memory_space<semaphore_mem>>) src(%arg16 : memref<416x16xf32, #tpu.memory_space<vmem>>) dst(%dma_wait3A_190 : memref<416x16xf32, #tpu.memory_space<hbm>>)
    return
  }
}

#map = affine_map<(d0, d1) -> (0, 0, 0)>
#map1 = affine_map<(d0, d1) -> (0, 0)>
module attributes {stable_mosaic.version = 14 : i64} {
  func.func @_norm_body(%arg0: i32, %arg1: i32, %arg2: memref<2x50176x4xf32, #tpu.memory_space<hbm>>, %arg3: memref<50176x8xf32, #tpu.memory_space<hbm>>, %arg4: memref<1568x128xf32, #tpu.memory_space<hbm>>, %arg5: memref<1664x4xf32, #tpu.memory_space<vmem>>, %arg6: memref<1664x4xf32, #tpu.memory_space<vmem>>, %arg7: memref<1664x8xf32, #tpu.memory_space<vmem>>, %arg8: memref<52x128xf32, #tpu.memory_space<vmem>>) attributes {dimension_semantics = [#tpu.dimension_semantics<core_parallel>, #tpu.dimension_semantics<subcore_parallel>], iteration_bounds = array<i64: 2, 16>, scalar_prefetch = 0 : i64, scratch_operands = 4 : i64, tpu.core_type = #tpu.core_type<sc_vector_subcore>, window_params = [{transform_indices = #map}, {transform_indices = #map1}, {transform_indices = #map1}]} {
    %mul3A = arith.constant 2 : i32
    %mul3A_0 = arith.muli %arg1, %mul3A : i32
    %add3A = arith.addi %mul3A_0, %arg0 : i32
    %mul3A_1 = arith.constant 12 : i32
    %mul3A_2 = arith.muli %add3A, %mul3A_1 : i32
    %min3A = arith.constant 8 : i32
    %min3A_3 = arith.minsi %add3A, %min3A : i32
    %add3A_4 = arith.addi %mul3A_2, %min3A_3 : i32
    %lt3A = arith.constant 8 : i32
    %lt3A_5 = arith.cmpi slt, %add3A, %lt3A : i32
    %jit3A = arith.constant 1 : i32
    %jit3A_6 = arith.constant 0 : i32
    %select_n3A = arith.select %lt3A_5, %jit3A, %jit3A_6 : i32
    %add3A_7 = arith.constant 12 : i32
    %add3A_8 = arith.addi %add3A_7, %select_n3A : i32
    %mul3A_9 = arith.constant 128 : i32
    %mul3A_10 = arith.muli %add3A_4, %mul3A_9 : i32
    %mul3A_11 = arith.constant 128 : i32
    %mul3A_12 = arith.muli %add3A_8, %mul3A_11 : i32
    %run_scoped3A = arith.constant 0 : i32
    "tpu.region"() ({
      %run_scoped3A_49 = tpu.sem_alloc : memref<!tpu.dma_semaphore, #tpu.memory_space<semaphore_mem>>
      %dma_start3A = arith.constant 0 : i32
      %dma_start3A_50 = arith.constant 0 : i32
      %dma_start3A_51 = tpu.memref_slice %arg5[%dma_start3A, %dma_start3A_50] <%mul3A_12> : memref<1664x4xf32, #tpu.memory_space<vmem>> -> memref<?x4xf32, #tpu.memory_space<vmem>>
      %dma_start3A_52 = arith.constant 0 : i32
      %dma_start3A_53 = tpu.memref_slice %arg2[%run_scoped3A, %mul3A_10, %dma_start3A_52] <%mul3A_12> : memref<2x50176x4xf32, #tpu.memory_space<hbm>> -> memref<1x?x4xf32, #tpu.memory_space<hbm>>
      %dma_start3A_54 = tpu.memref_squeeze %dma_start3A_53 : memref<1x?x4xf32, #tpu.memory_space<hbm>> -> memref<?x4xf32, #tpu.memory_space<hbm>>
      %dma_start3A_55 = arith.constant 0 : i32
      %dma_start3A_56 = arith.constant 0 : i32
      %dma_start3A_57 = tpu.memref_slice %arg5[%dma_start3A_55, %dma_start3A_56] <%mul3A_12> : memref<1664x4xf32, #tpu.memory_space<vmem>> -> memref<?x4xf32, #tpu.memory_space<vmem>>
      %dma_start3A_58 = arith.constant 0 : i32
      %dma_start3A_59 = tpu.memref_slice %arg2[%run_scoped3A, %mul3A_10, %dma_start3A_58] <%mul3A_12> : memref<2x50176x4xf32, #tpu.memory_space<hbm>> -> memref<1x?x4xf32, #tpu.memory_space<hbm>>
      %dma_start3A_60 = tpu.memref_squeeze %dma_start3A_59 : memref<1x?x4xf32, #tpu.memory_space<hbm>> -> memref<?x4xf32, #tpu.memory_space<hbm>>
      tpu.enqueue_dma source(%dma_start3A_60 : memref<?x4xf32, #tpu.memory_space<hbm>>) target(%dma_start3A_57 : memref<?x4xf32, #tpu.memory_space<vmem>>) target_semaphore(%run_scoped3A_49 : memref<!tpu.dma_semaphore, #tpu.memory_space<semaphore_mem>>)
      %dma_wait3A = arith.constant 0 : i32
      %dma_wait3A_61 = arith.constant 0 : i32
      %dma_wait3A_62 = tpu.memref_slice %arg5[%dma_wait3A, %dma_wait3A_61] <%mul3A_12> : memref<1664x4xf32, #tpu.memory_space<vmem>> -> memref<?x4xf32, #tpu.memory_space<vmem>>
      %dma_wait3A_63 = arith.constant 0 : i32
      %dma_wait3A_64 = tpu.memref_slice %arg2[%run_scoped3A, %mul3A_10, %dma_wait3A_63] <%mul3A_12> : memref<2x50176x4xf32, #tpu.memory_space<hbm>> -> memref<1x?x4xf32, #tpu.memory_space<hbm>>
      %dma_wait3A_65 = tpu.memref_squeeze %dma_wait3A_64 : memref<1x?x4xf32, #tpu.memory_space<hbm>> -> memref<?x4xf32, #tpu.memory_space<hbm>>
      %dma_wait3A_66 = arith.constant 0 : i32
      %dma_wait3A_67 = arith.constant 0 : i32
      %dma_wait3A_68 = tpu.memref_slice %arg5[%dma_wait3A_66, %dma_wait3A_67] <%mul3A_12> : memref<1664x4xf32, #tpu.memory_space<vmem>> -> memref<?x4xf32, #tpu.memory_space<vmem>>
      %dma_wait3A_69 = arith.constant 0 : i32
      %dma_wait3A_70 = tpu.memref_slice %arg2[%run_scoped3A, %mul3A_10, %dma_wait3A_69] <%mul3A_12> : memref<2x50176x4xf32, #tpu.memory_space<hbm>> -> memref<1x?x4xf32, #tpu.memory_space<hbm>>
      %dma_wait3A_71 = tpu.memref_squeeze %dma_wait3A_70 : memref<1x?x4xf32, #tpu.memory_space<hbm>> -> memref<?x4xf32, #tpu.memory_space<hbm>>
      tpu.wait_dma2 semaphore(%run_scoped3A_49 : memref<!tpu.dma_semaphore, #tpu.memory_space<semaphore_mem>>) src(%dma_wait3A_71 : memref<?x4xf32, #tpu.memory_space<hbm>>) dst(%dma_wait3A_68 : memref<?x4xf32, #tpu.memory_space<vmem>>)
      tpu.yield
    }) : () -> ()
    %run_scoped3A_13 = arith.constant 1 : i32
    "tpu.region"() ({
      %run_scoped3A_49 = tpu.sem_alloc : memref<!tpu.dma_semaphore, #tpu.memory_space<semaphore_mem>>
      %dma_start3A = arith.constant 0 : i32
      %dma_start3A_50 = arith.constant 0 : i32
      %dma_start3A_51 = tpu.memref_slice %arg6[%dma_start3A, %dma_start3A_50] <%mul3A_12> : memref<1664x4xf32, #tpu.memory_space<vmem>> -> memref<?x4xf32, #tpu.memory_space<vmem>>
      %dma_start3A_52 = arith.constant 0 : i32
      %dma_start3A_53 = tpu.memref_slice %arg2[%run_scoped3A_13, %mul3A_10, %dma_start3A_52] <%mul3A_12> : memref<2x50176x4xf32, #tpu.memory_space<hbm>> -> memref<1x?x4xf32, #tpu.memory_space<hbm>>
      %dma_start3A_54 = tpu.memref_squeeze %dma_start3A_53 : memref<1x?x4xf32, #tpu.memory_space<hbm>> -> memref<?x4xf32, #tpu.memory_space<hbm>>
      %dma_start3A_55 = arith.constant 0 : i32
      %dma_start3A_56 = arith.constant 0 : i32
      %dma_start3A_57 = tpu.memref_slice %arg6[%dma_start3A_55, %dma_start3A_56] <%mul3A_12> : memref<1664x4xf32, #tpu.memory_space<vmem>> -> memref<?x4xf32, #tpu.memory_space<vmem>>
      %dma_start3A_58 = arith.constant 0 : i32
      %dma_start3A_59 = tpu.memref_slice %arg2[%run_scoped3A_13, %mul3A_10, %dma_start3A_58] <%mul3A_12> : memref<2x50176x4xf32, #tpu.memory_space<hbm>> -> memref<1x?x4xf32, #tpu.memory_space<hbm>>
      %dma_start3A_60 = tpu.memref_squeeze %dma_start3A_59 : memref<1x?x4xf32, #tpu.memory_space<hbm>> -> memref<?x4xf32, #tpu.memory_space<hbm>>
      tpu.enqueue_dma source(%dma_start3A_60 : memref<?x4xf32, #tpu.memory_space<hbm>>) target(%dma_start3A_57 : memref<?x4xf32, #tpu.memory_space<vmem>>) target_semaphore(%run_scoped3A_49 : memref<!tpu.dma_semaphore, #tpu.memory_space<semaphore_mem>>)
      %dma_wait3A = arith.constant 0 : i32
      %dma_wait3A_61 = arith.constant 0 : i32
      %dma_wait3A_62 = tpu.memref_slice %arg6[%dma_wait3A, %dma_wait3A_61] <%mul3A_12> : memref<1664x4xf32, #tpu.memory_space<vmem>> -> memref<?x4xf32, #tpu.memory_space<vmem>>
      %dma_wait3A_63 = arith.constant 0 : i32
      %dma_wait3A_64 = tpu.memref_slice %arg2[%run_scoped3A_13, %mul3A_10, %dma_wait3A_63] <%mul3A_12> : memref<2x50176x4xf32, #tpu.memory_space<hbm>> -> memref<1x?x4xf32, #tpu.memory_space<hbm>>
      %dma_wait3A_65 = tpu.memref_squeeze %dma_wait3A_64 : memref<1x?x4xf32, #tpu.memory_space<hbm>> -> memref<?x4xf32, #tpu.memory_space<hbm>>
      %dma_wait3A_66 = arith.constant 0 : i32
      %dma_wait3A_67 = arith.constant 0 : i32
      %dma_wait3A_68 = tpu.memref_slice %arg6[%dma_wait3A_66, %dma_wait3A_67] <%mul3A_12> : memref<1664x4xf32, #tpu.memory_space<vmem>> -> memref<?x4xf32, #tpu.memory_space<vmem>>
      %dma_wait3A_69 = arith.constant 0 : i32
      %dma_wait3A_70 = tpu.memref_slice %arg2[%run_scoped3A_13, %mul3A_10, %dma_wait3A_69] <%mul3A_12> : memref<2x50176x4xf32, #tpu.memory_space<hbm>> -> memref<1x?x4xf32, #tpu.memory_space<hbm>>
      %dma_wait3A_71 = tpu.memref_squeeze %dma_wait3A_70 : memref<1x?x4xf32, #tpu.memory_space<hbm>> -> memref<?x4xf32, #tpu.memory_space<hbm>>
      tpu.wait_dma2 semaphore(%run_scoped3A_49 : memref<!tpu.dma_semaphore, #tpu.memory_space<semaphore_mem>>) src(%dma_wait3A_71 : memref<?x4xf32, #tpu.memory_space<hbm>>) dst(%dma_wait3A_68 : memref<?x4xf32, #tpu.memory_space<vmem>>)
      tpu.yield
    }) : () -> ()
    %mul3A_14 = arith.constant 4 : i32
    %mul3A_15 = arith.muli %mul3A_12, %mul3A_14 : i32
    %jit3A_16 = arith.constant 16 : i32
    %div3A = arith.divsi %mul3A_15, %jit3A_16 : i32
    %sign3A = arith.constant 0 : i32
    %sign3A_17 = arith.cmpi sgt, %mul3A_15, %sign3A : i32
    %sign3A_18 = arith.extui %sign3A_17 : i1 to i32
    %sign3A_19 = arith.constant 0 : i32
    %sign3A_20 = arith.cmpi slt, %mul3A_15, %sign3A_19 : i32
    %sign3A_21 = arith.extui %sign3A_20 : i1 to i32
    %sign3A_22 = arith.subi %sign3A_18, %sign3A_21 : i32
    %sign3A_23 = arith.constant 0 : i32
    %sign3A_24 = arith.cmpi sgt, %jit3A_16, %sign3A_23 : i32
    %sign3A_25 = arith.extui %sign3A_24 : i1 to i32
    %sign3A_26 = arith.constant 0 : i32
    %sign3A_27 = arith.cmpi slt, %jit3A_16, %sign3A_26 : i32
    %sign3A_28 = arith.extui %sign3A_27 : i1 to i32
    %sign3A_29 = arith.subi %sign3A_25, %sign3A_28 : i32
    %ne3A = arith.cmpi ne, %sign3A_22, %sign3A_29 : i32
    %rem3A = arith.remsi %mul3A_15, %jit3A_16 : i32
    %ne3A_30 = arith.constant 0 : i32
    %ne3A_31 = arith.cmpi ne, %rem3A, %ne3A_30 : i32
    %and3A = arith.andi %ne3A, %ne3A_31 : i1
    %sub3A = arith.constant 1 : i32
    %sub3A_32 = arith.subi %div3A, %sub3A : i32
    %select_n3A_33 = arith.select %and3A, %sub3A_32, %div3A : i32
    %while3A = arith.constant 0 : i32
    %while3A_34 = arith.constant 0 : i32
    %while3A_35 = arith.subi %select_n3A_33, %while3A_34 : i32
    %while3A_36 = arith.addi %while3A_34, %while3A_35 : i32
    %while3A_37 = arith.constant 1 : i32
    %while3A_38 = arith.divsi %while3A_35, %while3A_37 : i32
    %while3A_39 = arith.muli %while3A_38, %while3A_37 : i32
    %while3A_40 = arith.addi %while3A_34, %while3A_39 : i32
    %while3A_41 = arith.constant 1 : i32
    scf.for %while3A_49 = %while3A_34 to %while3A_40 step %while3A_41  : i32 {
      %mul3A_50 = arith.constant 16 : i32
      %mul3A_51 = arith.muli %while3A_49, %mul3A_50 : i32
      %iota3A = tpu.iota {dimensions = array<i32: 0>} : vector<16xi32>
      %add3A_52 = vector.broadcast %mul3A_51 : i32 to vector<16xi32>
      %add3A_53 = arith.addi %add3A_52, %iota3A : vector<16xi32>
      %shift_right_logical3A = arith.constant 9 : i32
      %shift_right_logical3A_54 = vector.broadcast %shift_right_logical3A : i32 to vector<16xi32>
      %shift_right_logical3A_55 = arith.shrui %add3A_53, %shift_right_logical3A_54 : vector<16xi32>
      %shift_left3A = arith.constant 7 : i32
      %shift_left3A_56 = vector.broadcast %shift_left3A : i32 to vector<16xi32>
      %shift_left3A_57 = arith.shli %shift_right_logical3A_55, %shift_left3A_56 : vector<16xi32>
      %and3A_58 = arith.constant 127 : i32
      %and3A_59 = vector.broadcast %and3A_58 : i32 to vector<16xi32>
      %and3A_60 = arith.andi %add3A_53, %and3A_59 : vector<16xi32>
      %or3A = arith.ori %shift_left3A_57, %and3A_60 : vector<16xi32>
      %shift_right_logical3A_61 = arith.constant 7 : i32
      %shift_right_logical3A_62 = vector.broadcast %shift_right_logical3A_61 : i32 to vector<16xi32>
      %shift_right_logical3A_63 = arith.shrui %add3A_53, %shift_right_logical3A_62 : vector<16xi32>
      %and3A_64 = arith.constant 3 : i32
      %and3A_65 = vector.broadcast %and3A_64 : i32 to vector<16xi32>
      %and3A_66 = arith.andi %shift_right_logical3A_63, %and3A_65 : vector<16xi32>
      %mul3A_67 = arith.constant 16 : i32
      %mul3A_68 = arith.muli %while3A_49, %mul3A_67 : i32
      %iota3A_69 = tpu.iota {dimensions = array<i32: 0>} : vector<16xi32>
      %add3A_70 = vector.broadcast %mul3A_68 : i32 to vector<16xi32>
      %add3A_71 = arith.addi %add3A_70, %iota3A_69 : vector<16xi32>
      %shift_right_logical3A_72 = arith.constant 7 : i32
      %shift_right_logical3A_73 = vector.broadcast %shift_right_logical3A_72 : i32 to vector<16xi32>
      %shift_right_logical3A_74 = arith.shrui %add3A_71, %shift_right_logical3A_73 : vector<16xi32>
      %and3A_75 = arith.constant 127 : i32
      %and3A_76 = vector.broadcast %and3A_75 : i32 to vector<16xi32>
      %and3A_77 = arith.andi %add3A_71, %and3A_76 : vector<16xi32>
      %gather3A = tpu.vector_load_idx %arg5[%or3A, %and3A_66] : memref<1664x4xf32, #tpu.memory_space<vmem>>[vector<16xi32>, vector<16xi32>], vector<16xf32>,
      %gather3A_78 = tpu.vector_load_idx %arg6[%or3A, %and3A_66] : memref<1664x4xf32, #tpu.memory_space<vmem>>[vector<16xi32>, vector<16xi32>], vector<16xf32>,
      %add3A_79 = arith.addf %gather3A, %gather3A_78 : vector<16xf32>
      %add3A_80 = arith.constant 1.000000e+00 : f32
      %add3A_81 = vector.broadcast %add3A_80 : f32 to vector<16xf32>
      %add3A_82 = arith.addf %add3A_79, %add3A_81 : vector<16xf32>
      %bitcast3A = vector.bitcast %add3A_82 : vector<16xf32> to vector<16xi32>
      %shift_right_logical3A_83 = arith.constant 1 : i32
      %shift_right_logical3A_84 = vector.broadcast %shift_right_logical3A_83 : i32 to vector<16xi32>
      %shift_right_logical3A_85 = arith.shrui %bitcast3A, %shift_right_logical3A_84 : vector<16xi32>
      %sub3A_86 = arith.constant 1597463007 : i32
      %sub3A_87 = vector.broadcast %sub3A_86 : i32 to vector<16xi32>
      %sub3A_88 = arith.subi %sub3A_87, %shift_right_logical3A_85 : vector<16xi32>
      %bitcast3A_89 = vector.bitcast %sub3A_88 : vector<16xi32> to vector<16xf32>
      %mul3A_90 = arith.constant 5.000000e-01 : f32
      %mul3A_91 = vector.broadcast %mul3A_90 : f32 to vector<16xf32>
      %mul3A_92 = arith.mulf %add3A_82, %mul3A_91 : vector<16xf32>
      %mul3A_93 = arith.mulf %mul3A_92, %bitcast3A_89 : vector<16xf32>
      %mul3A_94 = arith.mulf %mul3A_93, %bitcast3A_89 : vector<16xf32>
      %sub3A_95 = arith.constant 1.500000e+00 : f32
      %sub3A_96 = vector.broadcast %sub3A_95 : f32 to vector<16xf32>
      %sub3A_97 = arith.subf %sub3A_96, %mul3A_94 : vector<16xf32>
      %mul3A_98 = arith.mulf %bitcast3A_89, %sub3A_97 : vector<16xf32>
      %mul3A_99 = arith.mulf %mul3A_92, %mul3A_98 : vector<16xf32>
      %mul3A_100 = arith.mulf %mul3A_99, %mul3A_98 : vector<16xf32>
      %sub3A_101 = arith.constant 1.500000e+00 : f32
      %sub3A_102 = vector.broadcast %sub3A_101 : f32 to vector<16xf32>
      %sub3A_103 = arith.subf %sub3A_102, %mul3A_100 : vector<16xf32>
      %mul3A_104 = arith.mulf %mul3A_98, %sub3A_103 : vector<16xf32>
      %mul3A_105 = arith.mulf %mul3A_92, %mul3A_104 : vector<16xf32>
      %mul3A_106 = arith.mulf %mul3A_105, %mul3A_104 : vector<16xf32>
      %sub3A_107 = arith.constant 1.500000e+00 : f32
      %sub3A_108 = vector.broadcast %sub3A_107 : f32 to vector<16xf32>
      %sub3A_109 = arith.subf %sub3A_108, %mul3A_106 : vector<16xf32>
      %mul3A_110 = arith.mulf %mul3A_104, %sub3A_109 : vector<16xf32>
      tpu.vector_store_idx %arg7[%or3A, %and3A_66], %mul3A_110 : memref<1664x8xf32, #tpu.memory_space<vmem>>[vector<16xi32>, vector<16xi32>], vector<16xf32>,
      %div3A_111 = arith.divf %add3A_79, %add3A_82 : vector<16xf32>
      tpu.vector_store_idx %arg8[%shift_right_logical3A_74, %and3A_77], %div3A_111 : memref<52x128xf32, #tpu.memory_space<vmem>>[vector<16xi32>, vector<16xi32>], vector<16xf32>,
    }
    %while3A_42 = arith.constant 1 : i32
    scf.for %while3A_49 = %while3A_40 to %while3A_36 step %while3A_42  : i32 {
      %mul3A_50 = arith.constant 16 : i32
      %mul3A_51 = arith.muli %while3A_49, %mul3A_50 : i32
      %iota3A = tpu.iota {dimensions = array<i32: 0>} : vector<16xi32>
      %add3A_52 = vector.broadcast %mul3A_51 : i32 to vector<16xi32>
      %add3A_53 = arith.addi %add3A_52, %iota3A : vector<16xi32>
      %shift_right_logical3A = arith.constant 9 : i32
      %shift_right_logical3A_54 = vector.broadcast %shift_right_logical3A : i32 to vector<16xi32>
      %shift_right_logical3A_55 = arith.shrui %add3A_53, %shift_right_logical3A_54 : vector<16xi32>
      %shift_left3A = arith.constant 7 : i32
      %shift_left3A_56 = vector.broadcast %shift_left3A : i32 to vector<16xi32>
      %shift_left3A_57 = arith.shli %shift_right_logical3A_55, %shift_left3A_56 : vector<16xi32>
      %and3A_58 = arith.constant 127 : i32
      %and3A_59 = vector.broadcast %and3A_58 : i32 to vector<16xi32>
      %and3A_60 = arith.andi %add3A_53, %and3A_59 : vector<16xi32>
      %or3A = arith.ori %shift_left3A_57, %and3A_60 : vector<16xi32>
      %shift_right_logical3A_61 = arith.constant 7 : i32
      %shift_right_logical3A_62 = vector.broadcast %shift_right_logical3A_61 : i32 to vector<16xi32>
      %shift_right_logical3A_63 = arith.shrui %add3A_53, %shift_right_logical3A_62 : vector<16xi32>
      %and3A_64 = arith.constant 3 : i32
      %and3A_65 = vector.broadcast %and3A_64 : i32 to vector<16xi32>
      %and3A_66 = arith.andi %shift_right_logical3A_63, %and3A_65 : vector<16xi32>
      %mul3A_67 = arith.constant 16 : i32
      %mul3A_68 = arith.muli %while3A_49, %mul3A_67 : i32
      %iota3A_69 = tpu.iota {dimensions = array<i32: 0>} : vector<16xi32>
      %add3A_70 = vector.broadcast %mul3A_68 : i32 to vector<16xi32>
      %add3A_71 = arith.addi %add3A_70, %iota3A_69 : vector<16xi32>
      %shift_right_logical3A_72 = arith.constant 7 : i32
      %shift_right_logical3A_73 = vector.broadcast %shift_right_logical3A_72 : i32 to vector<16xi32>
      %shift_right_logical3A_74 = arith.shrui %add3A_71, %shift_right_logical3A_73 : vector<16xi32>
      %and3A_75 = arith.constant 127 : i32
      %and3A_76 = vector.broadcast %and3A_75 : i32 to vector<16xi32>
      %and3A_77 = arith.andi %add3A_71, %and3A_76 : vector<16xi32>
      %gather3A = tpu.vector_load_idx %arg5[%or3A, %and3A_66] : memref<1664x4xf32, #tpu.memory_space<vmem>>[vector<16xi32>, vector<16xi32>], vector<16xf32>,
      %gather3A_78 = tpu.vector_load_idx %arg6[%or3A, %and3A_66] : memref<1664x4xf32, #tpu.memory_space<vmem>>[vector<16xi32>, vector<16xi32>], vector<16xf32>,
      %add3A_79 = arith.addf %gather3A, %gather3A_78 : vector<16xf32>
      %add3A_80 = arith.constant 1.000000e+00 : f32
      %add3A_81 = vector.broadcast %add3A_80 : f32 to vector<16xf32>
      %add3A_82 = arith.addf %add3A_79, %add3A_81 : vector<16xf32>
      %bitcast3A = vector.bitcast %add3A_82 : vector<16xf32> to vector<16xi32>
      %shift_right_logical3A_83 = arith.constant 1 : i32
      %shift_right_logical3A_84 = vector.broadcast %shift_right_logical3A_83 : i32 to vector<16xi32>
      %shift_right_logical3A_85 = arith.shrui %bitcast3A, %shift_right_logical3A_84 : vector<16xi32>
      %sub3A_86 = arith.constant 1597463007 : i32
      %sub3A_87 = vector.broadcast %sub3A_86 : i32 to vector<16xi32>
      %sub3A_88 = arith.subi %sub3A_87, %shift_right_logical3A_85 : vector<16xi32>
      %bitcast3A_89 = vector.bitcast %sub3A_88 : vector<16xi32> to vector<16xf32>
      %mul3A_90 = arith.constant 5.000000e-01 : f32
      %mul3A_91 = vector.broadcast %mul3A_90 : f32 to vector<16xf32>
      %mul3A_92 = arith.mulf %add3A_82, %mul3A_91 : vector<16xf32>
      %mul3A_93 = arith.mulf %mul3A_92, %bitcast3A_89 : vector<16xf32>
      %mul3A_94 = arith.mulf %mul3A_93, %bitcast3A_89 : vector<16xf32>
      %sub3A_95 = arith.constant 1.500000e+00 : f32
      %sub3A_96 = vector.broadcast %sub3A_95 : f32 to vector<16xf32>
      %sub3A_97 = arith.subf %sub3A_96, %mul3A_94 : vector<16xf32>
      %mul3A_98 = arith.mulf %bitcast3A_89, %sub3A_97 : vector<16xf32>
      %mul3A_99 = arith.mulf %mul3A_92, %mul3A_98 : vector<16xf32>
      %mul3A_100 = arith.mulf %mul3A_99, %mul3A_98 : vector<16xf32>
      %sub3A_101 = arith.constant 1.500000e+00 : f32
      %sub3A_102 = vector.broadcast %sub3A_101 : f32 to vector<16xf32>
      %sub3A_103 = arith.subf %sub3A_102, %mul3A_100 : vector<16xf32>
      %mul3A_104 = arith.mulf %mul3A_98, %sub3A_103 : vector<16xf32>
      %mul3A_105 = arith.mulf %mul3A_92, %mul3A_104 : vector<16xf32>
      %mul3A_106 = arith.mulf %mul3A_105, %mul3A_104 : vector<16xf32>
      %sub3A_107 = arith.constant 1.500000e+00 : f32
      %sub3A_108 = vector.broadcast %sub3A_107 : f32 to vector<16xf32>
      %sub3A_109 = arith.subf %sub3A_108, %mul3A_106 : vector<16xf32>
      %mul3A_110 = arith.mulf %mul3A_104, %sub3A_109 : vector<16xf32>
      tpu.vector_store_idx %arg7[%or3A, %and3A_66], %mul3A_110 : memref<1664x8xf32, #tpu.memory_space<vmem>>[vector<16xi32>, vector<16xi32>], vector<16xf32>,
      %div3A_111 = arith.divf %add3A_79, %add3A_82 : vector<16xf32>
      tpu.vector_store_idx %arg8[%shift_right_logical3A_74, %and3A_77], %div3A_111 : memref<52x128xf32, #tpu.memory_space<vmem>>[vector<16xi32>, vector<16xi32>], vector<16xf32>,
    }
    "tpu.region"() ({
      %run_scoped3A_49 = tpu.sem_alloc : memref<!tpu.dma_semaphore, #tpu.memory_space<semaphore_mem>>
      %dma_start3A = arith.constant 0 : i32
      %dma_start3A_50 = arith.constant 0 : i32
      %dma_start3A_51 = tpu.memref_slice %arg7[%dma_start3A, %dma_start3A_50] <%mul3A_12> : memref<1664x8xf32, #tpu.memory_space<vmem>> -> memref<?x8xf32, #tpu.memory_space<vmem>>
      %dma_start3A_52 = arith.constant 0 : i32
      %dma_start3A_53 = tpu.memref_slice %arg3[%mul3A_10, %dma_start3A_52] <%mul3A_12> : memref<50176x8xf32, #tpu.memory_space<hbm>> -> memref<?x8xf32, #tpu.memory_space<hbm>>
      %dma_start3A_54 = arith.constant 0 : i32
      %dma_start3A_55 = tpu.memref_slice %arg3[%mul3A_10, %dma_start3A_54] <%mul3A_12> : memref<50176x8xf32, #tpu.memory_space<hbm>> -> memref<?x8xf32, #tpu.memory_space<hbm>>
      %dma_start3A_56 = arith.constant 0 : i32
      %dma_start3A_57 = arith.constant 0 : i32
      %dma_start3A_58 = tpu.memref_slice %arg7[%dma_start3A_56, %dma_start3A_57] <%mul3A_12> : memref<1664x8xf32, #tpu.memory_space<vmem>> -> memref<?x8xf32, #tpu.memory_space<vmem>>
      tpu.enqueue_dma source(%dma_start3A_58 : memref<?x8xf32, #tpu.memory_space<vmem>>) target(%dma_start3A_55 : memref<?x8xf32, #tpu.memory_space<hbm>>) target_semaphore(%run_scoped3A_49 : memref<!tpu.dma_semaphore, #tpu.memory_space<semaphore_mem>>)
      %dma_wait3A = arith.constant 0 : i32
      %dma_wait3A_59 = arith.constant 0 : i32
      %dma_wait3A_60 = tpu.memref_slice %arg7[%dma_wait3A, %dma_wait3A_59] <%mul3A_12> : memref<1664x8xf32, #tpu.memory_space<vmem>> -> memref<?x8xf32, #tpu.memory_space<vmem>>
      %dma_wait3A_61 = arith.constant 0 : i32
      %dma_wait3A_62 = tpu.memref_slice %arg3[%mul3A_10, %dma_wait3A_61] <%mul3A_12> : memref<50176x8xf32, #tpu.memory_space<hbm>> -> memref<?x8xf32, #tpu.memory_space<hbm>>
      %dma_wait3A_63 = arith.constant 0 : i32
      %dma_wait3A_64 = tpu.memref_slice %arg3[%mul3A_10, %dma_wait3A_63] <%mul3A_12> : memref<50176x8xf32, #tpu.memory_space<hbm>> -> memref<?x8xf32, #tpu.memory_space<hbm>>
      %dma_wait3A_65 = arith.constant 0 : i32
      %dma_wait3A_66 = arith.constant 0 : i32
      %dma_wait3A_67 = tpu.memref_slice %arg7[%dma_wait3A_65, %dma_wait3A_66] <%mul3A_12> : memref<1664x8xf32, #tpu.memory_space<vmem>> -> memref<?x8xf32, #tpu.memory_space<vmem>>
      tpu.wait_dma2 semaphore(%run_scoped3A_49 : memref<!tpu.dma_semaphore, #tpu.memory_space<semaphore_mem>>) src(%dma_wait3A_67 : memref<?x8xf32, #tpu.memory_space<vmem>>) dst(%dma_wait3A_64 : memref<?x8xf32, #tpu.memory_space<hbm>>)
      tpu.yield
    }) : () -> ()
    %mul3A_43 = arith.constant 4 : i32
    %mul3A_44 = arith.muli %add3A_8, %mul3A_43 : i32
    %mul3A_45 = arith.constant 4 : i32
    %mul3A_46 = arith.muli %add3A_4, %mul3A_45 : i32
    %mul3A_47 = arith.constant 4 : i32
    %mul3A_48 = arith.muli %add3A_8, %mul3A_47 : i32
    "tpu.region"() ({
      %run_scoped3A_49 = tpu.sem_alloc : memref<!tpu.dma_semaphore, #tpu.memory_space<semaphore_mem>>
      %dma_start3A = arith.constant 0 : i32
      %dma_start3A_50 = arith.constant 0 : i32
      %dma_start3A_51 = tpu.memref_slice %arg8[%dma_start3A, %dma_start3A_50] <%mul3A_44> : memref<52x128xf32, #tpu.memory_space<vmem>> -> memref<?x128xf32, #tpu.memory_space<vmem>>
      %dma_start3A_52 = arith.constant 0 : i32
      %dma_start3A_53 = tpu.memref_slice %arg4[%mul3A_46, %dma_start3A_52] <%mul3A_48> : memref<1568x128xf32, #tpu.memory_space<hbm>> -> memref<?x128xf32, #tpu.memory_space<hbm>>
      %dma_start3A_54 = arith.constant 0 : i32
      %dma_start3A_55 = tpu.memref_slice %arg4[%mul3A_46, %dma_start3A_54] <%mul3A_48> : memref<1568x128xf32, #tpu.memory_space<hbm>> -> memref<?x128xf32, #tpu.memory_space<hbm>>
      %dma_start3A_56 = arith.constant 0 : i32
      %dma_start3A_57 = arith.constant 0 : i32
      %dma_start3A_58 = tpu.memref_slice %arg8[%dma_start3A_56, %dma_start3A_57] <%mul3A_44> : memref<52x128xf32, #tpu.memory_space<vmem>> -> memref<?x128xf32, #tpu.memory_space<vmem>>
      tpu.enqueue_dma source(%dma_start3A_58 : memref<?x128xf32, #tpu.memory_space<vmem>>) target(%dma_start3A_55 : memref<?x128xf32, #tpu.memory_space<hbm>>) target_semaphore(%run_scoped3A_49 : memref<!tpu.dma_semaphore, #tpu.memory_space<semaphore_mem>>)
      %dma_wait3A = arith.constant 0 : i32
      %dma_wait3A_59 = arith.constant 0 : i32
      %dma_wait3A_60 = tpu.memref_slice %arg8[%dma_wait3A, %dma_wait3A_59] <%mul3A_44> : memref<52x128xf32, #tpu.memory_space<vmem>> -> memref<?x128xf32, #tpu.memory_space<vmem>>
      %dma_wait3A_61 = arith.constant 0 : i32
      %dma_wait3A_62 = tpu.memref_slice %arg4[%mul3A_46, %dma_wait3A_61] <%mul3A_48> : memref<1568x128xf32, #tpu.memory_space<hbm>> -> memref<?x128xf32, #tpu.memory_space<hbm>>
      %dma_wait3A_63 = arith.constant 0 : i32
      %dma_wait3A_64 = tpu.memref_slice %arg4[%mul3A_46, %dma_wait3A_63] <%mul3A_48> : memref<1568x128xf32, #tpu.memory_space<hbm>> -> memref<?x128xf32, #tpu.memory_space<hbm>>
      %dma_wait3A_65 = arith.constant 0 : i32
      %dma_wait3A_66 = arith.constant 0 : i32
      %dma_wait3A_67 = tpu.memref_slice %arg8[%dma_wait3A_65, %dma_wait3A_66] <%mul3A_44> : memref<52x128xf32, #tpu.memory_space<vmem>> -> memref<?x128xf32, #tpu.memory_space<vmem>>
      tpu.wait_dma2 semaphore(%run_scoped3A_49 : memref<!tpu.dma_semaphore, #tpu.memory_space<semaphore_mem>>) src(%dma_wait3A_67 : memref<?x128xf32, #tpu.memory_space<vmem>>) dst(%dma_wait3A_64 : memref<?x128xf32, #tpu.memory_space<hbm>>)
      tpu.yield
    }) : () -> ()
    return
  }
}

</mosaic_0001>

<sc_bundles>
// kernel: kernel.11.cloned.1.call-start
scs
__scs_entry_jumppad:
0x0: {  	(pc) =	sbr.rel $0x88, $3  }
0x1: {  	(tag) =	ssettag $0x0;
	lr =	simm.s32 $0x1  }
0x2: {  	[smem:$0x3F9F] =	sst lr;
	_ =	strace $0xD0000000  }
0x3: {  	_ = 	snop  }
0x4: {  	_ = 	snop  }
0x5: {  	_ = 	snop  }
0x6: {  	_ = 	snop  }
0x7: {  	_ = 	snop  }
__scs_overlays_trampoline_lowered:
0x8: {  	[smem:$0x3FAE] =	sst s0  }
0x9: {  	[smem:$0x3FAF] =	sst s1  }
0xa: {  	[smem:$0x3FB0] =	sst s2  }
0xb: {  	[smem:$0x3FB1] =	sst s3  }
0xc: {  	[smem:$0x3FB2] =	sst s4  }
0xd: {  	[smem:$0x3FB3] =	sst s5  }
0xe: {  	[smem:$0x3FB4] =	sst s6  }
0xf: {  	[smem:$0x3FB5] =	sst s7  }
0x10: {  	[smem:$0x3FB6] =	sst s8  }
0x11: {  	[smem:$0x3FB7] =	sst s9;
	s0 =	simm.s32 @!p0 $0x0  }
0x12: {  	s1 =	sld [smem:$0x3F9D];
	s0 =	simm.s32 @p0 $0x1  }
0x13: {  	[smem:$0x3FB8] =	sst s0;
	s0 =	simm.s32 @!p1 $0x0  }
0x14: {  	s2 =	sld [smem:$0x3F9C];
	s0 =	simm.s32 @p1 $0x1  }
0x15: {  	[smem:$0x3FB9] =	sst s0;
	s0 =	simm.s32 @!p2 $0x0  }
0x16: {  	s3 =	sld [smem:$0x3FDB];
	s0 =	simm.s32 @p2 $0x1  }
0x17: {  	s4 =	simm.s32 $0x1BF5;
	[smem:$0x3FBB] =	sst s0  }
0x18: {  	s0 =	sld [smem:$0x3F9E];
	_ =	swait.ge [sflag:s4], $0x0  }
0x19: {  	s7 =	sld [smem:$0x3F9F]  }
0x1a: {  	s8 =	sadd.s32 $0xFFFFE003, lr  }
0x1b: {  	s9 =	sadd.s32 $0xFFFFFEF7, lr;
	s5 =	simm.s32 $0xFFFFFFFF;
	p2 =	slt.u32 s8, $0xFFFFF086  }
0x1c: {  	p1 =	slt.u32 s9, $0xF7A;
	s5 =	simm.s32 @!p2 $0x0  }
0x1d: {  	s5 =	simm.s32 @p1 $0x1;
	p0 =	seq.s32 s7, s2  }
0x1e: {  	s7 =	smul.u32 @!p0 $0xF7A, s2;
	p2 =	seq.s32 @!p0 s5, $0x0  }
0x1f: {  	s9 =	smul.u32 $0xF7A, s1;
	s8 =	simm.s32 @!p0 $0x1BF5;
	p2 =	por !p2, p0  }
0x20: {  	[sflag:s8] =	ssyncset.s32 @!p0 $0xFFFFF086;
	s6 =	sadd.s32 @!p0 s3, s7;
	s7 =	simm.s32 @!p0 $0x108  }
0x21: {  	s3 =	sadd.s32 s3, s9;
	s6 =	sadd.s32 @!p0 $0x88, s6;
	s7 =	simm.s32 @p2 $0x1082  }
0x22: {  	[simem:s7], [sflag:s8] =	dma.local @!p0 [hbm:s6], $0xF7A  }
0x23: {  	s9 =	sor.u32 $0xD0000000, s2;
	s6 =	simm.s32 $0x108;
	_ =	swait.ge @!p0 [sflag:s8], $0x0  }
0x24: {  	s3 =	sadd.s32 $0x88, s3;
	s6 =	simm.s32 @!p1 $0x1082;
	[sflag:s4] =	ssyncset.s32 $0xFFFFF086  }
0x25: {  	[simem:s6], [sflag:s4] =	dma.local [hbm:s3], $0xF7A  }
0x26: {  	[smem:$0x3F9F] =	sst s1;
	(tag) =	ssettag s2;
	_ =	strace s9  }
0x27: {  	s1 =	sld [smem:$0x3FAF]  }
0x28: {  	s2 =	sld [smem:$0x3FB0]  }
0x29: {  	s4 =	sld [smem:$0x3FB2]  }
0x2a: {  	p0 =	seq.s32 s5, $0x0;
	s5 =	sld [smem:$0x3FB3]  }
0x2b: {  	s6 =	sld [smem:$0x3FB4]  }
0x2c: {  	s7 =	sld [smem:$0x3FB5]  }
0x2d: {  	s3 =	simm.s32 $0x108;
	s8 =	sld [smem:$0x3FB6]  }
0x2e: {  	s3 =	simm.s32 @!p0 $0x1082;
	s9 =	sld [smem:$0x3FB7]  }
0x2f: {  	lr =	sadd.s32 s0, s3;
	s0 =	sld [smem:$0x3FAE]  }
0x30: {  	s3 =	sld [smem:$0x3FB1]  }
0x31: {  	[smem:$0x3FBA] =	sst s10  }
0x32: {  	s10 =	sld [smem:$0x3FB8];
	_ =	sdelay $0x3  }
0x33: {  	p0 =	seq.s32 s10, $0x1;
	s10 =	sld [smem:$0x3FBA];
	_ =	sdelay $0x3  }
0x34: {  	[smem:$0x3FBA] =	sst s10  }
0x35: {  	s10 =	sld [smem:$0x3FB9];
	_ =	sdelay $0x3  }
0x36: {  	p1 =	seq.s32 s10, $0x1;
	s10 =	sld [smem:$0x3FBA];
	_ =	sdelay $0x3  }
0x37: {  	[smem:$0x3FBA] =	sst s10  }
0x38: {  	s10 =	sld [smem:$0x3FBB]  }
0x39: {  	_ = 	snop;
	(pc) =	sbr.ind lr, $3  }
0x3a: {  	_ = 	snop  }
0x3b: {  	_ = 	snop  }
0x3c: {  	p2 =	seq.s32 s10, $0x1;
	s10 =	sld [smem:$0x3FBA]  }
0x3d: {  	_ =	shalt  }
0x3e: {  	_ =	shalt  }
0x3f: {  	_ =	shalt  }
0x40: {  	_ =	shalt  }
0x41: {  	_ =	shalt  }
0x42: {  	_ =	shalt  }
0x43: {  	_ =	shalt  }
0x44: {  	_ =	shalt  }
0x45: {  	_ =	shalt  }
0x46: {  	_ =	shalt  }
0x47: {  	_ =	shalt  }
0x48: {  	_ =	shalt  }
0x49: {  	_ =	shalt  }
0x4a: {  	_ =	shalt  }
0x4b: {  	_ =	shalt  }
0x4c: {  	_ =	shalt  }
0x4d: {  	_ =	shalt  }
0x4e: {  	_ =	shalt  }
0x4f: {  	_ =	shalt  }
0x50: {  	_ =	shalt  }
0x51: {  	_ =	shalt  }
0x52: {  	_ =	shalt  }
0x53: {  	_ =	shalt  }
0x54: {  	_ =	shalt  }
0x55: {  	_ =	shalt  }
0x56: {  	_ =	shalt  }
0x57: {  	_ =	shalt  }
0x58: {  	_ =	shalt  }
0x59: {  	_ =	shalt  }
0x5a: {  	_ =	shalt  }
0x5b: {  	_ =	shalt  }
0x5c: {  	_ =	shalt  }
0x5d: {  	_ =	shalt  }
0x5e: {  	_ =	shalt  }
0x5f: {  	_ =	shalt  }
0x60: {  	_ =	shalt  }
0x61: {  	_ =	shalt  }
0x62: {  	_ =	shalt  }
0x63: {  	_ =	shalt  }
0x64: {  	_ =	shalt  }
0x65: {  	_ =	shalt  }
0x66: {  	_ =	shalt  }
0x67: {  	_ =	shalt  }
0x68: {  	_ =	shalt  }
0x69: {  	_ =	shalt  }
0x6a: {  	_ =	shalt  }
0x6b: {  	_ =	shalt  }
0x6c: {  	_ =	shalt  }
0x6d: {  	_ =	shalt  }
0x6e: {  	_ =	shalt  }
0x6f: {  	_ =	shalt  }
0x70: {  	_ =	shalt  }
0x71: {  	_ =	shalt  }
0x72: {  	_ =	shalt  }
0x73: {  	_ =	shalt  }
0x74: {  	_ =	shalt  }
0x75: {  	_ =	shalt  }
0x76: {  	_ =	shalt  }
0x77: {  	_ =	shalt  }
0x78: {  	_ =	shalt  }
0x79: {  	_ =	shalt  }
0x7a: {  	_ =	shalt  }
0x7b: {  	_ =	shalt  }
0x7c: {  	_ =	shalt  }
0x7d: {  	_ =	shalt  }
0x7e: {  	_ =	shalt  }
0x7f: {  	_ =	shalt  }
0x80: {  	_ =	shalt  }
0x81: {  	_ =	shalt  }
0x82: {  	_ =	shalt  }
0x83: {  	_ =	shalt  }
0x84: {  	_ =	shalt  }
0x85: {  	_ =	shalt  }
0x86: {  	_ =	shalt  }
0x87: {  	_ =	shalt  }
.Lfunc_end0:
.L_simem_size_0:
called_computation.2_lowered:
.L_overlay_start_0:
0x88: {  	s2 =	sld [smem:$0x3FD9]  }
0x89: {  	s3 =	sld [smem:$0x3FFE];
	_ =	sdelay $0x1  }
0x8a: {  	s1 =	srdreg.scid  }
0x8b: {  	s0 =	sand.u32 $0x1, s1  }
0x8c: {  	s17 =	sshll.u32 s0, $0xA;
	s2 =	sadd.s32 s3, s2  }
0x8d: {  	s2 =	sadd.s32 s2, s17  }
0x8e: {  	[smem:$0x3FC6] =	sst s2  }
0x8f: {  	_ = 	snop  }
0x90: {  	s2 =	sld [smem:$0x3FD0];
	(tm) =	ssettm $0x1  }
0x91: {  	s18 =	sld [smem:$0x3FFB];
	_ =	sdelay $0x3  }
0x92: {  	_ =	strace s18  }
0x93: {  	s3 =	sld [smem:$0x3FFC];
	_ =	sdelay $0x3  }
0x94: {  	_ =	strace s3  }
0x95: {  	s3 =	sld [smem:$0x3FFD];
	_ =	sdelay $0x3  }
0x96: {  	_ =	strace s3  }
0x97: {  	_ =	strace $0x8FFFFFFF  }
0x98: {  	s19 =	sld [smem:$0x3FDB];
	_ =	sdelay $0x1  }
0x99: {  	s4 =	simm.s32 $_scs_section_size  }
0x9a: {  	s5 =	simm.s32 $_size__tile_overlayer_lowered;
	s6 =	simm.s32 $_tile_overlayer_lowered  }
0x9b: {  	s22 =	simm.s32 $0x1BFF;
	s21 =	sshll.u32 s6, $0x1;
	s3 =	sadd.s32 s4, s19  }
0x9c: {  	s7 =	simm.s32 $0x0;
	s20 =	sshll.u32 s5, $0x1;
	s5 =	sadd.s32 s21, s3  }
0x9d: {  	[timem:s7], [sflag:s22] =	dma.local [hbm:s5], s20  }
0x9e: {  	_ =	swait.ge [sflag:s22], s20  }
0x9f: {  	s4 =	ssub.s32 $0x0, s20;
	[sflag:s22] =	ssyncset.done $0x0  }
0xa0: {  	[sflag:s22] =	ssyncadd.s32 s4;
	_ =	sdelay $0x1  }
0xa1: {  	s23 =	simm.s32 $0x1B8B  }
0xa2: {  	_ =	swait.ge [sflag:s23], $0x1  }
0xa3: {  	[sflag:s23] =	ssyncset.done $0x0  }
0xa4: {  	s25 =	simm.s32 $0x1B8E;
	s24 =	sld [smem:$0x3FFE];
	[sflag:s23] =	ssyncadd.s32 $0xFFFFFFFF  }
0xa5: {  	s26 =	simm.s32 $execute0_lowered;
	[smem:$0x3FD2] =	sst s25  }
0xa6: {  	s5 =	sshll.u32 s26, $0x1;
	_ =	strace $0x8000004C;
	[dreg:$0x1] =	wrdreg $0xFFFFFFFF  }
0xa7: {  	s28 =	simm.s32 $_size_execute0_lowered;
	s3 =	sadd.s32 s3, s5;
	[dreg:$0x0] =	wrdreg $0x0  }
0xa8: {  	s5 =	sshll.u32 s28, $0x1;
	[dreg:$0x2] =	wrdreg s3  }
0xa9: {  	[dreg:$0x3] =	wrdreg s5  }
0xaa: {  	[dreg:$0x4] =	wrdreg $0xC0  }
0xab: {  	_ =	task [dreg:s7], $0x5FFFF  }
0xac: {  	[dreg:$0x1] =	wrdreg $0xFFFFFFFF  }
0xad: {  	[dreg:$0x0] =	wrdreg $0x60  }
0xae: {  	[dreg:$0x2] =	wrdreg s2  }
0xaf: {  	[dreg:$0x3] =	wrdreg s24  }
0xb0: {  	[dreg:$0x4] =	wrdreg $0x9  }
0xb1: {  	_ =	task.clear_ibuf [dreg:s7], $0x5FFFF;
	_ =	strace $0x9000004C  }
0xb2: {  	s29 =	simm.s32 $0x9;
	_ =	strace $0x8000004E  }
0xb3: {  	_ =	swait.ge [sflag:s29], $0x1  }
0xb4: {  	[sflag:s29] =	ssyncadd.s32 $0xFFFFFFFF  }
0xb5: {  	_ =	strace $0x9000004E  }
0xb6: {  	_ =	sfence  }
0xb7: {  	s30 =	sld [smem:$0x0];
	_ =	sdelay $0x2  }
0xb8: {  	s31 =	sshll.u32 s1, $0xD;
	s1 =	sshrl.u32 s1, $0x2  }
0xb9: {  	s3 =	sand.u32 $0x4000, s31;
	s1 =	sadd.s32 s1, s30  }
0xba: {  	s0 =	sor.u32 s3, s0;
	s1 =	sshll.u32 s1, $0x11  }
0xbb: {  	s0 =	sor.u32 s1, s0  }
0xbc: {  	s0 =	sadd.s32 $0x8F2B, s0  }
0xbd: {  	[sflag:s0] =	ssyncadd.remote.s32 $0x1  }
0xbe: {  	_ =	sfence.sel $0xFFFF  }
0xbf: {  	[dreg:$0x0] =	wrdreg $0xFFFFFFFF;
	(pc) =	sbr.abs _section_cstart, $3  }
0xc0: {  	[dreg:$0x1] =	wrdreg $0xFFFFFFFF  }
0xc1: {  	_ =	task.clear_ibuf [dreg:s7], $0x2FFFF;
	_ =	strace $0x9FFFFFFF  }
0xc2: {  	(tm) =	ssettm $0x7FFFFFFF  }
0xc3: {  	_ =	shalt  }
tec
execute0_lowered:
.L_overlay_start_1:
0x0: {  	(tag) =	ssettag $0x1  }
0x1: {  	s1 =	rddreg [dreg:$0x0]  }
0x2: {  	s0 =	rddreg [dreg:$0x1];
	s3 =	simm.s32 $0x0  }
0x3: {  	s2 =	srdreg.scid;
	s9 =	stileid.u32;
	s28 =	simm.s32 $0x4E00  }
0x4: {  	s17 =	simm.s32 $0x2;
	s18 =	simm.s32 $0x4;
	[smem:$0x7FF] =	sst s3  }
0x5: {  	s2 =	sand.u32 $0x1, s2;
	s4 =	sshll.u32 s9, $0x1;
	p0 =	sgt.u32 s9, $0x3  }
0x6: {  	_ =	strace $0x8000004D;
	s5 =	sor.u32 s2, s4;
	s4 =	sadd.s32 $0x1200, s0  }
0x7: {  	s2 =	ssub.s32 $0x2, s2;
	s7 =	smul.u32 $0x61A0, s5;
	s6 =	smin.u32 s5, $0x8  }
0x8: {  	s5 =	sadd.s32 $0xE3200, s0;
	s19 =	sshrl.u32 s2, $0x1;
	s8 =	sshll.u32 s6, $0x5  }
0x9: {  	s6 =	sadd.s32 $0xEF600, s0;
	s0 =	ssub.s32 s2, s19;
	s7 =	sadd.s32 s7, s8  }
0xa: {  	s0 =	smax.u32 s0, $0x1;
	s20 =	sshrl.u32 s7, $0x3;
	s8 =	sshrl.u32 s7, $0x1  }
0xb: {  	s10 =	sadd.s32 $0x680, s7;
	s15 =	sadd.s32 $0xD00, s7;
	s16 =	sadd.s32 $0x1380, s7  }
0xc: {  	s25 =	sadd.s32 $0x6180, s7;
	[dreg:$0xf] =	wrdreg s0;
	s11 =	sadd.s32 s1, s20  }
0xd: {  	s12 =	sadd.s32 s4, s8;
	s22 =	sshrl.u32 s10, $0x3;
	s24 =	sadd.s32 s6, s8  }
0xe: {  	s26 =	sshrl.u32 s25, $0x3;
	s8 =	sshrl.u32 s25, $0x1;
	[dreg:$0x3] =	wrdreg s11  }
0xf: {  	s25 =	simm.s32 $0x680;
	s2 =	sadd.s32 $0x30D40, s11;
	[dreg:$0x4] =	wrdreg s12  }
0x10: {  	s20 =	simm.s32 $0x3;
	s21 =	sadd.s32 $0x61A80, s12;
	[dreg:$0x5] =	wrdreg s2  }
0x11: {  	s23 =	sadd.s32 $0x30E10, s11;
	s29 =	sadd.s32 $0x31970, s11;
	[dreg:$0x6] =	wrdreg s21  }
0x12: {  	s30 =	sand.u32 $0x1FFFFFF0, s8;
	s31 =	sadd.s32 $0x64B40, s12;
	[dreg:$0x8] =	wrdreg s23  }
0x13: {  	s11 =	simm.s32 $0x8200;
	s12 =	simm.s32 $0xB600;
	[dreg:$0xb] =	wrdreg s29  }
0x14: {  	s2 =	sadd.s32 s1, s22;
	s8 =	sadd.s32 s4, s30;
	[dreg:$0xd] =	wrdreg s31  }
.Ltmp0:
0x15: {  	s21 =	simm.s32 $0x5;
	[dreg:$0x7] =	wrdreg s2;
	(pc) =	sbr.rel .LBB2_1-.Ltmp0, $4  }
0x16: {  	s23 =	simm.s32 $0x6;
	s2 =	sadd.s32 $0x2D80, s24;
	[dreg:$0xc] =	wrdreg s8  }
0x17: {  	s24 =	simm.s32 $0x7;
	[dreg:$0x9] =	wrdreg s2;
	s2 =	sadd.s32 s1, s26  }
0x18: {  	v0 =	vlaneseq.u32;
	s8 =	simm.s32 $0x0;
	[dreg:$0xa] =	wrdreg s2;
	s2 =	sadd.s32 s6, s30  }
0x19: {  	v1 =	vmul.u32 $0x2, v0;
	v2 =	vand.u32 $0x3, v0;
	s26 =	simm.s32 $0x1A00;
	[dreg:$0xe] =	wrdreg s2;
	s2 =	simm.s32 $0x1  }
.LBB2_16:
0x1a: {  	_ =	swait.ge [sflag:s23], $0x1A00  }
0x1b: {  	s8 =	sadd.s32 $0x1, s8;
	s0 =	rddreg [dreg:$0xf]  }
0x1c: {  	p1 =	sne.s32 s8, s0  }
.Ltmp1:
0x1d: {  	_ = 	snop;
	(pc) =	sbr.rel @!p1 .LBB2_17-.Ltmp1, $3  }
0x1e: {  	_ =	sdelay $0x1  }
0x1f: {  	[sflag:s23] =	ssyncset.done $0x0  }
0x20: {  	[sflag:s23] =	ssyncadd.s32 $0xFFFFE600  }
.LBB2_1:
0x21: {  	[dreg:$0x10] =	wrdreg s8  }
0x22: {  	s0 =	rddreg [dreg:$0x3]  }
0x23: {  	[tilespmem:s3], [sflag:$0x7] =	stream.linear.gather [hbm4b:s0+s3], $0x680, $0x38;
	[tilespmem:$0x18680] =	vst v63  }
0x24: {  	_ =	swait.ge [sflag:s24], $0x680  }
0x25: {  	[sflag:s24] =	ssyncset.done $0x0  }
0x26: {  	s9 =	rddreg [dreg:$0x5];
	[sflag:s24] =	ssyncadd.s32 $0xFFFFF980  }
0x27: {  	[tilespmem:s25], [sflag:$0x7] =	stream.linear.gather [hbm4b:s9+s3], $0x680, $0x38;
	[tilespmem:$0x18680] =	vst v63  }
0x28: {  	_ =	swait.ge [sflag:s24], $0x680  }
0x29: {  	[sflag:s24] =	ssyncset.done $0x0  }
0x2a: {  	[sflag:s24] =	ssyncadd.s32 $0xFFFFF980  }
0x2b: {  	[tilespmem:s26], [sflag:$0x2] =	stream.indirect.gather [hbm4b:s5+s25], $0x8, s3, s25, $0xb8;
	[tilespmem:$0x18680] =	vst v63  }
0x2c: {  	_ = 	snop  }
0x2d: {  	[tilespmem:s28], [sflag:$0x2] =	stream.indirect.gather [hbm4b:s5+s25], $0x8, s25, s25, $0xb8;
	[tilespmem:$0x18680] =	vst v63  }
0x2e: {  	s14 =	simm.s32 $0xEA00;
	s13 =	rddreg [dreg:$0x4]  }
0x2f: {  	[tilespmem:s14], [sflag:$0x4] =	stream.linear.gather [hbm4b:s13+s3], $0x1A00, $0x38;
	[tilespmem:$0x18680] =	vst v63  }
0x30: {  	s22 =	simm.s32 $0x10400;
	s19 =	rddreg [dreg:$0x6]  }
0x31: {  	[tilespmem:s22], [sflag:$0x4] =	stream.linear.gather [hbm4b:s19+s3], $0x1A00, $0x38;
	[tilespmem:$0x18680] =	vst v63  }
0x32: {  	s29 =	simm.s32 $0xD00;
	s24 =	rddreg [dreg:$0x7]  }
0x33: {  	[tilespmem:s29], [sflag:$0x1] =	stream.linear.gather [hbm4b:s24+s3], $0x680, $0x38;
	[tilespmem:$0x18680] =	vst v63  }
0x34: {  	s31 =	simm.s32 $0x1380;
	s8 =	simm.s32 $0x0;
	s30 =	rddreg [dreg:$0x8]  }
0x35: {  	[tilespmem:s31], [sflag:$0x1] =	stream.linear.gather [hbm4b:s30+s3], $0x680, $0x38;
	[tilespmem:$0x18680] =	vst v63  }
.LBB2_2:
0x36: {  	_ =	swait.ge [sflag:s2], $0x680  }
0x37: {  	[sflag:s2] =	ssyncset.done $0x0  }
0x38: {  	[sflag:s2] =	ssyncadd.s32 $0xFFFFF980  }
0x39: {  	s24 =	smul.u32 $0xD00, s8;
	_ =	swait.ge [sflag:s2], $0x680  }
0x3a: {  	[sflag:s2] =	ssyncset.done $0x0  }
0x3b: {  	s0 =	simm.s32 $0xD00;
	s9 =	sadd.s32 s24, s10;
	[sflag:s2] =	ssyncadd.s32 $0xFFFFF980  }
0x3c: {  	[tilespmem:s11], [sflag:$0x3] =	stream.indirect.gather [hbm4b:s5+s25], $0x8, s0, s25, $0xb8;
	[tilespmem:$0x18680] =	vst v63  }
0x3d: {  	s22 =	simm.s32 $0x1380;
	s9 =	sshrl.u32 s9, $0x1  }
0x3e: {  	[tilespmem:s12], [sflag:$0x3] =	stream.indirect.gather [hbm4b:s5+s25], $0x8, s22, s25, $0xb8;
	[tilespmem:$0x18680] =	vst v63  }
0x3f: {  	s13 =	simm.s32 $0x11E00;
	s0 =	sadd.s32 s4, s9  }
0x40: {  	[tilespmem:s13], [sflag:$0x5] =	stream.linear.gather [hbm4b:s0+s3], $0x1A00, $0x38;
	[tilespmem:$0x18680] =	vst v63  }
0x41: {  	s13 =	sand.u32 $0x1FFFFFFF, s9  }
0x42: {  	s0 =	sadd.s32 s4, s13  }
0x43: {  	s14 =	simm.s32 $0x13800;
	s0 =	sadd.s32 $0x61A80, s0  }
0x44: {  	[tilespmem:s14], [sflag:$0x5] =	stream.linear.gather [hbm4b:s0+s3], $0x1A00, $0x38;
	[tilespmem:$0x18680] =	vst v63  }
0x45: {  	_ =	swait.ge [sflag:s17], $0x3400  }
0x46: {  	[sflag:s17] =	ssyncset.done $0x0  }
0x47: {  	[sflag:s17] =	ssyncadd.s32 $0xFFFFCC00  }
0x48: {  	_ =	swait.ge [sflag:s17], $0x3400  }
0x49: {  	[sflag:s17] =	ssyncset.done $0x0  }
0x4a: {  	[sflag:s17] =	ssyncadd.s32 $0xFFFFCC00  }
0x4b: {  	_ =	swait.ge [sflag:s18], $0x1A00  }
0x4c: {  	[sflag:s18] =	ssyncset.done $0x0  }
0x4d: {  	[sflag:s18] =	ssyncadd.s32 $0xFFFFE600  }
0x4e: {  	s29 =	sadd.s32 s24, s15;
	_ =	swait.ge [sflag:s18], $0x1A00  }
0x4f: {  	p1 =	seq.s32 s8, $0x0;
	s19 =	sshrl.u32 s29, $0x3;
	[sflag:s18] =	ssyncset.done $0x0  }
0x50: {  	s22 =	simm.s32 $0x0;
	s0 =	sadd.s32 s1, s19;
	[sflag:s18] =	ssyncadd.s32 $0xFFFFE600  }
0x51: {  	[tilespmem:s3], [sflag:$0x1] =	stream.linear.gather [hbm4b:s0+s3], $0x680, $0x38;
	[tilespmem:$0x18680] =	vst v63  }
0x52: {  	v3 =	vmov s22;
	s13 =	simm.s32 @!p1 $0x6;
	s0 =	sadd.s32 $0x30D40, s0  }
0x53: {  	v4 =	vor.u32 s22, v0;
	v5 =	vshrl.u32 v3, $0x2;
	[tilespmem:s25], [sflag:$0x1] =	stream.linear.gather [hbm4b:s0+s3], $0x680, $0x38;
	[tilespmem:$0x18680] =	vst v63  }
0x54: {  	v4 =	vand.u32 $0x4F, v4;
	v5 =	vand.u32 $0x780, v5;
	_ =	swait.ge @!p1 [sflag:s13], $0x1A00  }
0x55: {  	v3 =	vshrl.u32 v3, $0x7;
	v4 =	vor.u32 v4, v5;
	[sflag:s13] =	ssyncset.done @!p1 $0x0  }
0x56: {  	v3 =	vand.u32 $0x3, v3;
	v4 =	vshll.u32 v4, $0x3;
	s0 =	simm.s32 $0xEA20;
	[sflag:s13] =	ssyncadd.s32 @!p1 $0xFFFFE600  }
0x57: {  	s31 =	simm.s32 $0x10420;
	v3 =	vor.u32 v3, v4;
	v4 =	vld [tilespmem:s0+$0xFFFFFFE0]  }
0x58: {  	v5 =	vld [tilespmem:s31+$0xFFFFFFE0];
	_ =	sdelay $0x3  }
0x59: {  	v6 =	vld.idx.msk [tilespmem:v3+s26+$0x0], $0xffff  }
0x5a: {  	v4 =	vmul.f32 v5, v4  }
0x5b: {  	v3 =	vld.idx.msk [tilespmem:v3+s28+$0x0], $0xffff  }
0x5c: {  	v4 =	vsub.f32 $0.0e+00, v4  }
0x5d: {  	s14 =	simm.s32 $0x10  }
0x5e: {  	v5 =	vmov s14;
	v4 =	vmul.f32 v4, v6  }
0x5f: {  	v7 =	vshrl.u32 v5, $0x2;
	v6 =	vor.u32 s14, v0  }
0x60: {  	v7 =	vand.u32 $0x780, v7;
	v6 =	vand.u32 $0x5F, v6;
	v3 =	vmul.f32 v4, v3  }
0x61: {  	s30 =	simm.s32 $0x15220;
	v4 =	vshrl.u32 v5, $0x7;
	v5 =	vor.u32 v6, v7  }
0x62: {  	v4 =	vand.u32 $0x3, v4;
	v5 =	vshll.u32 v5, $0x3;
	[tilespmem:s30+$0xFFFFFFE0] =	vst v3  }
0x63: {  	v3 =	vor.u32 v4, v5;
	v4 =	vld [tilespmem:s0+$0xFFFFFFF0]  }
0x64: {  	v5 =	vld [tilespmem:s31+$0xFFFFFFF0];
	_ =	sdelay $0x3  }
0x65: {  	v6 =	vld.idx.msk [tilespmem:v3+s26+$0x0], $0xffff  }
0x66: {  	v4 =	vmul.f32 v5, v4  }
0x67: {  	v3 =	vld.idx.msk [tilespmem:v3+s28+$0x0], $0xffff  }
0x68: {  	v4 =	vsub.f32 $0.0e+00, v4  }
0x69: {  	s19 =	simm.s32 $0x20  }
0x6a: {  	v5 =	vmov s19;
	v4 =	vmul.f32 v4, v6  }
0x6b: {  	v7 =	vshrl.u32 v5, $0x2;
	v6 =	vor.u32 s19, v0  }
0x6c: {  	v7 =	vand.u32 $0x780, v7;
	v6 =	vand.u32 $0x6F, v6;
	v3 =	vmul.f32 v4, v3  }
0x6d: {  	v4 =	vshrl.u32 v5, $0x7;
	v5 =	vor.u32 v6, v7  }
0x6e: {  	v4 =	vand.u32 $0x3, v4;
	v5 =	vshll.u32 v5, $0x3;
	[tilespmem:s30+$0xFFFFFFF0] =	vst v3  }
0x6f: {  	v3 =	vor.u32 v4, v5;
	v4 =	vld [tilespmem:s0+$0x0]  }
0x70: {  	v5 =	vld [tilespmem:s31+$0x0];
	_ =	sdelay $0x3  }
0x71: {  	v6 =	vld.idx.msk [tilespmem:v3+s26+$0x0], $0xffff  }
0x72: {  	v4 =	vmul.f32 v5, v4  }
0x73: {  	v3 =	vld.idx.msk [tilespmem:v3+s28+$0x0], $0xffff  }
0x74: {  	v4 =	vsub.f32 $0.0e+00, v4;
	_ =	sdelay $0x1  }
0x75: {  	v4 =	vmul.f32 v4, v6  }
0x76: {  	s22 =	simm.s32 $0x30  }
0x77: {  	v3 =	vmul.f32 v4, v3;
	v4 =	vmov s22  }
0x78: {  	v5 =	vor.u32 s22, v0;
	v6 =	vshrl.u32 v4, $0x2  }
0x79: {  	v5 =	vand.u32 $0x7F, v5;
	[tilespmem:s30+$0x0] =	vst v3;
	v3 =	vand.u32 $0x780, v6  }
0x7a: {  	v4 =	vshrl.u32 v4, $0x7;
	v3 =	vor.u32 v5, v3  }
0x7b: {  	v4 =	vand.u32 $0x3, v4;
	v3 =	vshll.u32 v3, $0x3  }
0x7c: {  	v6 =	vld [tilespmem:s0+$0x10];
	v3 =	vor.u32 v4, v3  }
0x7d: {  	v5 =	vld [tilespmem:s31+$0x10];
	_ =	sdelay $0x3  }
0x7e: {  	v4 =	vld.idx.msk [tilespmem:v3+s26+$0x0], $0xffff  }
0x7f: {  	v5 =	vmul.f32 v5, v6  }
0x80: {  	s13 =	simm.s32 $0x40;
	v3 =	vld.idx.msk [tilespmem:v3+s28+$0x0], $0xffff  }
0x81: {  	v9 =	vmov s13;
	v6 =	vsub.f32 $0.0e+00, v5  }
0x82: {  	v8 =	vshrl.u32 v9, $0x2;
	s14 =	simm.s32 $0x15220;
	s19 =	simm.s32 $0x4;
	v7 =	vor.u32 s13, v0;
	s0 =	simm.s32 $0xEA60;
	v5 =	vshrl.u32 v9, $0x7  }
.LBB2_3:
0x83: {  	s19 =	sadd.s32 $0x4, s19;
	v8 =	vand.u32 $0x780, v8;
	v7 =	vand.u32 $0x4F, v7;
	v4 =	vmul.f32 v6, v4;
	s30 =	sadd.s32 $0x40, s30;
	s31 =	sadd.s32 $0x40, s31  }
0x84: {  	p1 =	slt.u32 s19, $0x19C;
	v6 =	vor.u32 v7, v8  }
0x85: {  	v5 =	vand.u32 $0x3, v5;
	v6 =	vshll.u32 v6, $0x3;
	v3 =	vmul.f32 v4, v3  }
0x86: {  	v4 =	vor.u32 v5, v6  }
0x87: {  	[tilespmem:s14+$0x10] =	vst v3;
	s14 =	smov.u32 s30  }
0x88: {  	v3 =	vld [tilespmem:s0+$0xFFFFFFE0]  }
0x89: {  	v5 =	vld [tilespmem:s31+$0xFFFFFFE0];
	_ =	sdelay $0x1  }
0x8a: {  	v6 =	vld.idx.msk [tilespmem:v4+s26+$0x0], $0xffff;
	_ =	sdelay $0x2  }
0x8b: {  	v4 =	vld.idx.msk [tilespmem:v4+s28+$0x0], $0xffff;
	v3 =	vmul.f32 v5, v3;
	_ =	sdelay $0x1  }
0x8c: {  	s22 =	sadd.s32 $0x10, s13;
	v3 =	vsub.f32 $0.0e+00, v3  }
0x8d: {  	v7 =	vor.u32 s22, v0;
	v5 =	vmov s22  }
0x8e: {  	v3 =	vmul.f32 v3, v6;
	v6 =	vshrl.u32 v5, $0x2;
	v5 =	vshrl.u32 v5, $0x7  }
0x8f: {  	v7 =	vand.u32 $0x5F, v7;
	v6 =	vand.u32 $0x780, v6  }
0x90: {  	v3 =	vmul.f32 v3, v4;
	v4 =	vor.u32 v7, v6  }
0x91: {  	v5 =	vand.u32 $0x3, v5;
	v4 =	vshll.u32 v4, $0x3  }
0x92: {  	[tilespmem:s30+$0xFFFFFFE0] =	vst v3;
	v3 =	vor.u32 v5, v4  }
0x93: {  	v4 =	vld [tilespmem:s0+$0xFFFFFFF0]  }
0x94: {  	v5 =	vld [tilespmem:s31+$0xFFFFFFF0];
	_ =	sdelay $0x2  }
0x95: {  	v6 =	vld.idx.msk [tilespmem:v3+s26+$0x0], $0xffff;
	_ =	sdelay $0x1  }
0x96: {  	v3 =	vld.idx.msk [tilespmem:v3+s28+$0x0], $0xffff;
	v4 =	vmul.f32 v5, v4;
	_ =	sdelay $0x1  }
0x97: {  	s22 =	sadd.s32 $0x20, s13;
	v4 =	vsub.f32 $0.0e+00, v4  }
0x98: {  	v7 =	vor.u32 s22, v0;
	v5 =	vmov s22  }
0x99: {  	v4 =	vmul.f32 v4, v6;
	v6 =	vshrl.u32 v5, $0x2;
	v5 =	vshrl.u32 v5, $0x7  }
0x9a: {  	v7 =	vand.u32 $0x6F, v7;
	v6 =	vand.u32 $0x780, v6  }
0x9b: {  	v3 =	vmul.f32 v4, v3;
	v4 =	vor.u32 v7, v6  }
0x9c: {  	v5 =	vand.u32 $0x3, v5;
	v4 =	vshll.u32 v4, $0x3  }
0x9d: {  	[tilespmem:s30+$0xFFFFFFF0] =	vst v3;
	v3 =	vor.u32 v5, v4  }
0x9e: {  	v4 =	vld [tilespmem:s0+$0x0]  }
0x9f: {  	v5 =	vld [tilespmem:s31+$0x0];
	_ =	sdelay $0x2  }
0xa0: {  	v6 =	vld.idx.msk [tilespmem:v3+s26+$0x0], $0xffff;
	_ =	sdelay $0x1  }
0xa1: {  	s22 =	sadd.s32 $0x30, s13;
	v3 =	vld.idx.msk [tilespmem:v3+s28+$0x0], $0xffff;
	v4 =	vmul.f32 v5, v4  }
0xa2: {  	v7 =	vor.u32 s22, v0;
	v5 =	vmov s22  }
0xa3: {  	v8 =	vshrl.u32 v5, $0x2;
	v5 =	vshrl.u32 v5, $0x7;
	v4 =	vsub.f32 $0.0e+00, v4  }
0xa4: {  	v7 =	vand.u32 $0x7F, v7;
	v8 =	vand.u32 $0x780, v8  }
0xa5: {  	v4 =	vmul.f32 v4, v6;
	v6 =	vor.u32 v7, v8  }
0xa6: {  	v5 =	vand.u32 $0x3, v5;
	v6 =	vshll.u32 v6, $0x3  }
0xa7: {  	v3 =	vmul.f32 v4, v3;
	v5 =	vor.u32 v5, v6;
	_ =	sdelay $0x1  }
0xa8: {  	[tilespmem:s30+$0x0] =	vst v3  }
0xa9: {  	v6 =	vld [tilespmem:s0+$0x10]  }
0xaa: {  	v7 =	vld [tilespmem:s31+$0x10]  }
0xab: {  	v4 =	vld.idx.msk [tilespmem:v5+s26+$0x0], $0xffff  }
0xac: {  	v3 =	vld.idx.msk [tilespmem:v5+s28+$0x0], $0xffff;
	_ =	sdelay $0x1  }
.Ltmp2:
0xad: {  	(pc) =	sbr.rel @p1 .LBB2_3-.Ltmp2, $4  }
0xae: {  	v5 =	vmul.f32 v7, v6  }
0xaf: {  	s13 =	sadd.s32 $0x40, s13  }
0xb0: {  	v9 =	vmov s13;
	v6 =	vsub.f32 $0.0e+00, v5  }
0xb1: {  	v8 =	vshrl.u32 v9, $0x2;
	s0 =	sadd.s32 $0x40, s0;
	v7 =	vor.u32 s13, v0;
	v5 =	vshrl.u32 v9, $0x7  }
0xb2: {  	v4 =	vmul.f32 v6, v4;
	_ =	sdelay $0x1  }
0xb3: {  	v6 =	vand.u32 $0x780, v8;
	v7 =	vand.u32 $0x4F, v7;
	v3 =	vmul.f32 v4, v3  }
0xb4: {  	v4 =	vor.u32 v7, v6  }
0xb5: {  	v5 =	vand.u32 $0x3, v5;
	v4 =	vshll.u32 v4, $0x3;
	[tilespmem:s14+$0x10] =	vst v3  }
0xb6: {  	s14 =	sadd.s32 $0x40, s31;
	v3 =	vor.u32 v5, v4;
	v4 =	vld [tilespmem:s0+$0xFFFFFFE0]  }
0xb7: {  	v5 =	vld [tilespmem:s14+$0xFFFFFFE0];
	_ =	sdelay $0x3  }
0xb8: {  	v6 =	vld.idx.msk [tilespmem:v3+s26+$0x0], $0xffff  }
0xb9: {  	v4 =	vmul.f32 v5, v4  }
0xba: {  	v3 =	vld.idx.msk [tilespmem:v3+s28+$0x0], $0xffff  }
0xbb: {  	v4 =	vsub.f32 $0.0e+00, v4  }
0xbc: {  	s19 =	sadd.s32 $0x10, s13  }
0xbd: {  	v5 =	vmov s19;
	v4 =	vmul.f32 v4, v6  }
0xbe: {  	v7 =	vshrl.u32 v5, $0x2;
	v6 =	vor.u32 s19, v0  }
0xbf: {  	v7 =	vand.u32 $0x780, v7;
	v6 =	vand.u32 $0x5F, v6;
	v3 =	vmul.f32 v4, v3  }
0xc0: {  	s30 =	sadd.s32 $0x40, s30;
	v4 =	vshrl.u32 v5, $0x7;
	v5 =	vor.u32 v6, v7  }
0xc1: {  	v4 =	vand.u32 $0x3, v4;
	v5 =	vshll.u32 v5, $0x3;
	[tilespmem:s30+$0xFFFFFFE0] =	vst v3  }
0xc2: {  	v3 =	vor.u32 v4, v5;
	v4 =	vld [tilespmem:s0+$0xFFFFFFF0]  }
0xc3: {  	v5 =	vld [tilespmem:s14+$0xFFFFFFF0];
	_ =	sdelay $0x3  }
0xc4: {  	v6 =	vld.idx.msk [tilespmem:v3+s26+$0x0], $0xffff  }
0xc5: {  	v4 =	vmul.f32 v5, v4  }
0xc6: {  	v3 =	vld.idx.msk [tilespmem:v3+s28+$0x0], $0xffff  }
0xc7: {  	v4 =	vsub.f32 $0.0e+00, v4  }
0xc8: {  	s22 =	sadd.s32 $0x20, s13  }
0xc9: {  	v5 =	vmov s22;
	v4 =	vmul.f32 v4, v6  }
0xca: {  	v7 =	vshrl.u32 v5, $0x2;
	v6 =	vor.u32 s22, v0  }
0xcb: {  	v7 =	vand.u32 $0x780, v7;
	v6 =	vand.u32 $0x6F, v6;
	v3 =	vmul.f32 v4, v3  }
0xcc: {  	v4 =	vshrl.u32 v5, $0x7;
	v5 =	vor.u32 v6, v7  }
0xcd: {  	v4 =	vand.u32 $0x3, v4;
	v5 =	vshll.u32 v5, $0x3;
	[tilespmem:s30+$0xFFFFFFF0] =	vst v3  }
0xce: {  	v3 =	vor.u32 v4, v5;
	v4 =	vld [tilespmem:s0+$0x0]  }
0xcf: {  	v5 =	vld [tilespmem:s14+$0x0];
	_ =	sdelay $0x3  }
0xd0: {  	v6 =	vld.idx.msk [tilespmem:v3+s26+$0x0], $0xffff  }
0xd1: {  	v4 =	vmul.f32 v5, v4  }
0xd2: {  	v3 =	vld.idx.msk [tilespmem:v3+s28+$0x0], $0xffff  }
0xd3: {  	v4 =	vsub.f32 $0.0e+00, v4  }
0xd4: {  	s31 =	sadd.s32 $0x30, s13  }
0xd5: {  	v5 =	vmov s31;
	v4 =	vmul.f32 v4, v6  }
0xd6: {  	v7 =	vshrl.u32 v5, $0x2;
	v6 =	vor.u32 s31, v0  }
0xd7: {  	v7 =	vand.u32 $0x780, v7;
	v6 =	vand.u32 $0x7F, v6;
	v3 =	vmul.f32 v4, v3  }
0xd8: {  	v4 =	vshrl.u32 v5, $0x7;
	v5 =	vor.u32 v6, v7  }
0xd9: {  	v4 =	vand.u32 $0x3, v4;
	v5 =	vshll.u32 v5, $0x3;
	[tilespmem:s30+$0x0] =	vst v3  }
0xda: {  	v3 =	vor.u32 v4, v5;
	v4 =	vld [tilespmem:s0+$0x10]  }
0xdb: {  	v5 =	vld [tilespmem:s14+$0x10];
	_ =	sdelay $0x3  }
0xdc: {  	v6 =	vld.idx.msk [tilespmem:v3+s26+$0x0], $0xffff  }
0xdd: {  	v4 =	vmul.f32 v5, v4  }
0xde: {  	v3 =	vld.idx.msk [tilespmem:v3+s28+$0x0], $0xffff  }
0xdf: {  	v4 =	vsub.f32 $0.0e+00, v4;
	_ =	sdelay $0x1  }
0xe0: {  	v4 =	vmul.f32 v4, v6;
	_ =	sdelay $0x1  }
0xe1: {  	s14 =	sadd.s32 s7, s24;
	v3 =	vmul.f32 v4, v3  }
0xe2: {  	s0 =	sshrl.u32 s14, $0x1  }
0xe3: {  	s19 =	simm.s32 $0x15200;
	s0 =	sadd.s32 s6, s0;
	[tilespmem:s30+$0x10] =	vst v3  }
0xe4: {  	[hbm4b:s0+s3] =	stream.linear.scatter [tilespmem:s19], [sflag:$0x6], $0x1A00, $0x38;
	[tilespmem:$0x18680] =	vst v63  }
0xe5: {  	_ =	swait.ge [sflag:s2], $0x680  }
0xe6: {  	[sflag:s2] =	ssyncset.done $0x0  }
0xe7: {  	[sflag:s2] =	ssyncadd.s32 $0xFFFFF980  }
0xe8: {  	_ =	swait.ge [sflag:s2], $0x680  }
0xe9: {  	[sflag:s2] =	ssyncset.done $0x0  }
0xea: {  	s22 =	sshrl.u32 s29, $0x1;
	[sflag:s2] =	ssyncadd.s32 $0xFFFFF980  }
0xeb: {  	[tilespmem:s26], [sflag:$0x2] =	stream.indirect.gather [hbm4b:s5+s25], $0x8, s3, s25, $0xb8;
	[tilespmem:$0x18680] =	vst v63  }
0xec: {  	s30 =	sand.u32 $0x1FFFFFF0, s22;
	s0 =	sand.u32 $0x1FFFFFFF, s22  }
0xed: {  	[tilespmem:s28], [sflag:$0x2] =	stream.indirect.gather [hbm4b:s5+s25], $0x8, s25, s25, $0xb8;
	[tilespmem:$0x18680] =	vst v63  }
0xee: {  	s31 =	simm.s32 $0xEA00;
	s13 =	sadd.s32 s4, s30;
	s0 =	sadd.s32 s4, s0  }
0xef: {  	[tilespmem:s31], [sflag:$0x4] =	stream.linear.gather [hbm4b:s13+s3], $0x1A00, $0x38;
	[tilespmem:$0x18680] =	vst v63  }
0xf0: {  	s14 =	simm.s32 $0x10400;
	s0 =	sadd.s32 $0x61A80, s0  }
0xf1: {  	[tilespmem:s14], [sflag:$0x4] =	stream.linear.gather [hbm4b:s0+s3], $0x1A00, $0x38;
	[tilespmem:$0x18680] =	vst v63  }
0xf2: {  	_ =	swait.ge [sflag:s20], $0x3400  }
0xf3: {  	[sflag:s20] =	ssyncset.done $0x0  }
0xf4: {  	[sflag:s20] =	ssyncadd.s32 $0xFFFFCC00  }
0xf5: {  	_ =	swait.ge [sflag:s20], $0x3400  }
0xf6: {  	[sflag:s20] =	ssyncset.done $0x0  }
0xf7: {  	[sflag:s20] =	ssyncadd.s32 $0xFFFFCC00  }
0xf8: {  	_ =	swait.ge [sflag:s21], $0x1A00  }
0xf9: {  	[sflag:s21] =	ssyncset.done $0x0  }
0xfa: {  	p1 =	seq.s32 s8, $0x6;
	[sflag:s21] =	ssyncadd.s32 $0xFFFFE600  }
0xfb: {  	p2 =	seq.s32 @!p1 s8, $0x0;
	s0 =	sadd.s32 @!p1 s24, s16;
	_ =	swait.ge [sflag:s21], $0x1A00  }
0xfc: {  	s13 =	simm.s32 @!p1 $0x0;
	s0 =	sshrl.u32 @!p1 s0, $0x3;
	[sflag:s21] =	ssyncset.done $0x0  }
0xfd: {  	s14 =	simm.s32 @!p1 $0xD00;
	s0 =	sadd.s32 @!p1 s1, s0;
	[sflag:s21] =	ssyncadd.s32 $0xFFFFE600  }
0xfe: {  	[tilespmem:s14], [sflag:$0x1] =	stream.linear.gather @!p1 [hbm4b:s0+s13], $0x680, $0x38;
	[tilespmem:$0x18680] =	vst v63  }
0xff: {  	s19 =	simm.s32 $0x0;
	s0 =	sadd.s32 @!p1 $0x30D40, s0;
	s14 =	simm.s32 @!p1 $0x1380  }
0x100: {  	v3 =	vmov s19;
	[tilespmem:s14], [sflag:$0x1] =	stream.linear.gather @!p1 [hbm4b:s0+s13], $0x680, $0x38;
	[tilespmem:$0x18680] =	vst v63  }
0x101: {  	v4 =	vor.u32 s19, v0;
	v5 =	vshrl.u32 v3, $0x2;
	p1 =	por p1, !p2  }
0x102: {  	v4 =	vand.u32 $0x4F, v4;
	v5 =	vand.u32 $0x780, v5;
	_ =	swait.ge @p1 [sflag:s23], $0x1A00  }
0x103: {  	v3 =	vshrl.u32 v3, $0x7;
	v4 =	vor.u32 v4, v5;
	[sflag:s23] =	ssyncset.done @p1 $0x0  }
0x104: {  	s22 =	simm.s32 $0x11E20;
	v3 =	vand.u32 $0x3, v3;
	v4 =	vshll.u32 v4, $0x3;
	[sflag:s23] =	ssyncadd.s32 @p1 $0xFFFFE600  }
0x105: {  	s29 =	simm.s32 $0x13820;
	v3 =	vor.u32 v3, v4;
	v4 =	vld [tilespmem:s22+$0xFFFFFFE0]  }
0x106: {  	v5 =	vld [tilespmem:s29+$0xFFFFFFE0];
	_ =	sdelay $0x3  }
0x107: {  	v6 =	vld.idx.msk [tilespmem:v3+s11+$0x0], $0xffff  }
0x108: {  	v4 =	vmul.f32 v5, v4  }
0x109: {  	v3 =	vld.idx.msk [tilespmem:v3+s12+$0x0], $0xffff  }
0x10a: {  	v4 =	vsub.f32 $0.0e+00, v4  }
0x10b: {  	s24 =	simm.s32 $0x10  }
0x10c: {  	v5 =	vmov s24;
	v4 =	vmul.f32 v4, v6  }
0x10d: {  	v7 =	vshrl.u32 v5, $0x2;
	v6 =	vor.u32 s24, v0  }
0x10e: {  	v7 =	vand.u32 $0x780, v7;
	v6 =	vand.u32 $0x5F, v6;
	v3 =	vmul.f32 v4, v3  }
0x10f: {  	s24 =	simm.s32 $0x16C20;
	v4 =	vshrl.u32 v5, $0x7;
	v5 =	vor.u32 v6, v7  }
0x110: {  	v4 =	vand.u32 $0x3, v4;
	v5 =	vshll.u32 v5, $0x3;
	[tilespmem:s24+$0xFFFFFFE0] =	vst v3  }
0x111: {  	v3 =	vor.u32 v4, v5;
	v4 =	vld [tilespmem:s22+$0xFFFFFFF0]  }
0x112: {  	v5 =	vld [tilespmem:s29+$0xFFFFFFF0];
	_ =	sdelay $0x3  }
0x113: {  	v6 =	vld.idx.msk [tilespmem:v3+s11+$0x0], $0xffff  }
0x114: {  	v4 =	vmul.f32 v5, v4  }
0x115: {  	v3 =	vld.idx.msk [tilespmem:v3+s12+$0x0], $0xffff  }
0x116: {  	v4 =	vsub.f32 $0.0e+00, v4  }
0x117: {  	s30 =	simm.s32 $0x20  }
0x118: {  	v5 =	vmov s30;
	v4 =	vmul.f32 v4, v6  }
0x119: {  	v7 =	vshrl.u32 v5, $0x2;
	v6 =	vor.u32 s30, v0  }
0x11a: {  	v7 =	vand.u32 $0x780, v7;
	v6 =	vand.u32 $0x6F, v6;
	v3 =	vmul.f32 v4, v3  }
0x11b: {  	v4 =	vshrl.u32 v5, $0x7;
	v5 =	vor.u32 v6, v7  }
0x11c: {  	v4 =	vand.u32 $0x3, v4;
	v5 =	vshll.u32 v5, $0x3;
	[tilespmem:s24+$0xFFFFFFF0] =	vst v3  }
0x11d: {  	v3 =	vor.u32 v4, v5;
	v4 =	vld [tilespmem:s22+$0x0]  }
0x11e: {  	v5 =	vld [tilespmem:s29+$0x0];
	_ =	sdelay $0x3  }
0x11f: {  	v6 =	vld.idx.msk [tilespmem:v3+s11+$0x0], $0xffff  }
0x120: {  	v4 =	vmul.f32 v5, v4  }
0x121: {  	v3 =	vld.idx.msk [tilespmem:v3+s12+$0x0], $0xffff  }
0x122: {  	v4 =	vsub.f32 $0.0e+00, v4;
	_ =	sdelay $0x1  }
0x123: {  	v4 =	vmul.f32 v4, v6  }
0x124: {  	s31 =	simm.s32 $0x30  }
0x125: {  	v3 =	vmul.f32 v4, v3;
	v4 =	vmov s31  }
0x126: {  	v5 =	vor.u32 s31, v0;
	v6 =	vshrl.u32 v4, $0x2  }
0x127: {  	v5 =	vand.u32 $0x7F, v5;
	[tilespmem:s24+$0x0] =	vst v3;
	v3 =	vand.u32 $0x780, v6  }
0x128: {  	v4 =	vshrl.u32 v4, $0x7;
	v3 =	vor.u32 v5, v3  }
0x129: {  	v4 =	vand.u32 $0x3, v4;
	v3 =	vshll.u32 v3, $0x3  }
0x12a: {  	v6 =	vld [tilespmem:s22+$0x10];
	v3 =	vor.u32 v4, v3  }
0x12b: {  	v5 =	vld [tilespmem:s29+$0x10];
	_ =	sdelay $0x3  }
0x12c: {  	v4 =	vld.idx.msk [tilespmem:v3+s11+$0x0], $0xffff  }
0x12d: {  	v5 =	vmul.f32 v5, v6  }
0x12e: {  	s13 =	simm.s32 $0x40;
	v3 =	vld.idx.msk [tilespmem:v3+s12+$0x0], $0xffff  }
0x12f: {  	v9 =	vmov s13;
	v6 =	vsub.f32 $0.0e+00, v5  }
0x130: {  	s19 =	simm.s32 $0x4;
	s0 =	simm.s32 $0x11E60;
	s14 =	simm.s32 $0x16C20;
	v8 =	vshrl.u32 v9, $0x2;
	v7 =	vor.u32 s13, v0;
	v5 =	vshrl.u32 v9, $0x7  }
.LBB2_5:
0x131: {  	s19 =	sadd.s32 $0x4, s19;
	v8 =	vand.u32 $0x780, v8;
	v7 =	vand.u32 $0x4F, v7;
	v4 =	vmul.f32 v6, v4;
	s24 =	sadd.s32 $0x40, s24;
	s29 =	sadd.s32 $0x40, s29  }
0x132: {  	p1 =	slt.u32 s19, $0x19C;
	v6 =	vor.u32 v7, v8  }
0x133: {  	v5 =	vand.u32 $0x3, v5;
	v6 =	vshll.u32 v6, $0x3;
	v3 =	vmul.f32 v4, v3  }
0x134: {  	v4 =	vor.u32 v5, v6  }
0x135: {  	[tilespmem:s14+$0x10] =	vst v3;
	s14 =	smov.u32 s24  }
0x136: {  	v3 =	vld [tilespmem:s0+$0xFFFFFFE0]  }
0x137: {  	v5 =	vld [tilespmem:s29+$0xFFFFFFE0];
	_ =	sdelay $0x1  }
0x138: {  	v6 =	vld.idx.msk [tilespmem:v4+s11+$0x0], $0xffff;
	_ =	sdelay $0x2  }
0x139: {  	v4 =	vld.idx.msk [tilespmem:v4+s12+$0x0], $0xffff;
	v3 =	vmul.f32 v5, v3;
	_ =	sdelay $0x1  }
0x13a: {  	s22 =	sadd.s32 $0x10, s13;
	v3 =	vsub.f32 $0.0e+00, v3  }
0x13b: {  	v7 =	vor.u32 s22, v0;
	v5 =	vmov s22  }
0x13c: {  	v3 =	vmul.f32 v3, v6;
	v6 =	vshrl.u32 v5, $0x2;
	v5 =	vshrl.u32 v5, $0x7  }
0x13d: {  	v7 =	vand.u32 $0x5F, v7;
	v6 =	vand.u32 $0x780, v6  }
0x13e: {  	v3 =	vmul.f32 v3, v4;
	v4 =	vor.u32 v7, v6  }
0x13f: {  	v5 =	vand.u32 $0x3, v5;
	v4 =	vshll.u32 v4, $0x3  }
0x140: {  	[tilespmem:s24+$0xFFFFFFE0] =	vst v3;
	v3 =	vor.u32 v5, v4  }
0x141: {  	v4 =	vld [tilespmem:s0+$0xFFFFFFF0]  }
0x142: {  	v5 =	vld [tilespmem:s29+$0xFFFFFFF0];
	_ =	sdelay $0x2  }
0x143: {  	v6 =	vld.idx.msk [tilespmem:v3+s11+$0x0], $0xffff;
	_ =	sdelay $0x1  }
0x144: {  	v3 =	vld.idx.msk [tilespmem:v3+s12+$0x0], $0xffff;
	v4 =	vmul.f32 v5, v4;
	_ =	sdelay $0x1  }
0x145: {  	s22 =	sadd.s32 $0x20, s13;
	v4 =	vsub.f32 $0.0e+00, v4  }
0x146: {  	v7 =	vor.u32 s22, v0;
	v5 =	vmov s22  }
0x147: {  	v4 =	vmul.f32 v4, v6;
	v6 =	vshrl.u32 v5, $0x2;
	v5 =	vshrl.u32 v5, $0x7  }
0x148: {  	v7 =	vand.u32 $0x6F, v7;
	v6 =	vand.u32 $0x780, v6  }
0x149: {  	v3 =	vmul.f32 v4, v3;
	v4 =	vor.u32 v7, v6  }
0x14a: {  	v5 =	vand.u32 $0x3, v5;
	v4 =	vshll.u32 v4, $0x3  }
0x14b: {  	[tilespmem:s24+$0xFFFFFFF0] =	vst v3;
	v3 =	vor.u32 v5, v4  }
0x14c: {  	v4 =	vld [tilespmem:s0+$0x0]  }
0x14d: {  	v5 =	vld [tilespmem:s29+$0x0];
	_ =	sdelay $0x2  }
0x14e: {  	v6 =	vld.idx.msk [tilespmem:v3+s11+$0x0], $0xffff;
	_ =	sdelay $0x1  }
0x14f: {  	s22 =	sadd.s32 $0x30, s13;
	v3 =	vld.idx.msk [tilespmem:v3+s12+$0x0], $0xffff;
	v4 =	vmul.f32 v5, v4  }
0x150: {  	v7 =	vor.u32 s22, v0;
	v5 =	vmov s22  }
0x151: {  	v8 =	vshrl.u32 v5, $0x2;
	v5 =	vshrl.u32 v5, $0x7;
	v4 =	vsub.f32 $0.0e+00, v4  }
0x152: {  	v7 =	vand.u32 $0x7F, v7;
	v8 =	vand.u32 $0x780, v8  }
0x153: {  	v4 =	vmul.f32 v4, v6;
	v6 =	vor.u32 v7, v8  }
0x154: {  	v5 =	vand.u32 $0x3, v5;
	v6 =	vshll.u32 v6, $0x3  }
0x155: {  	v3 =	vmul.f32 v4, v3;
	v5 =	vor.u32 v5, v6;
	_ =	sdelay $0x1  }
0x156: {  	[tilespmem:s24+$0x0] =	vst v3  }
0x157: {  	v6 =	vld [tilespmem:s0+$0x10]  }
0x158: {  	v7 =	vld [tilespmem:s29+$0x10]  }
0x159: {  	v4 =	vld.idx.msk [tilespmem:v5+s11+$0x0], $0xffff  }
0x15a: {  	v3 =	vld.idx.msk [tilespmem:v5+s12+$0x0], $0xffff;
	_ =	sdelay $0x1  }
.Ltmp3:
0x15b: {  	(pc) =	sbr.rel @p1 .LBB2_5-.Ltmp3, $4  }
0x15c: {  	v5 =	vmul.f32 v7, v6  }
0x15d: {  	s13 =	sadd.s32 $0x40, s13  }
0x15e: {  	v9 =	vmov s13;
	v6 =	vsub.f32 $0.0e+00, v5  }
0x15f: {  	v8 =	vshrl.u32 v9, $0x2;
	s0 =	sadd.s32 $0x40, s0;
	v7 =	vor.u32 s13, v0;
	v5 =	vshrl.u32 v9, $0x7  }
0x160: {  	v4 =	vmul.f32 v6, v4;
	_ =	sdelay $0x1  }
0x161: {  	v35 =	vand.u32 $0x780, v8;
	v7 =	vand.u32 $0x4F, v7;
	v3 =	vmul.f32 v4, v3  }
0x162: {  	v36 =	vor.u32 v7, v35  }
0x163: {  	v5 =	vand.u32 $0x3, v5;
	v4 =	vshll.u32 v36, $0x3;
	[tilespmem:s14+$0x10] =	vst v3  }
0x164: {  	s31 =	sadd.s32 $0x40, s29;
	v3 =	vor.u32 v5, v4;
	v37 =	vld [tilespmem:s0+$0xFFFFFFE0]  }
0x165: {  	v38 =	vld [tilespmem:s31+$0xFFFFFFE0];
	_ =	sdelay $0x3  }
0x166: {  	v39 =	vld.idx.msk [tilespmem:v3+s11+$0x0], $0xffff  }
0x167: {  	v4 =	vmul.f32 v38, v37  }
0x168: {  	v3 =	vld.idx.msk [tilespmem:v3+s12+$0x0], $0xffff  }
0x169: {  	v4 =	vsub.f32 $0.0e+00, v4  }
0x16a: {  	s19 =	sadd.s32 $0x10, s13  }
0x16b: {  	v40 =	vmov s19;
	v4 =	vmul.f32 v4, v39  }
0x16c: {  	v41 =	vor.u32 s19, v0;
	v42 =	vshrl.u32 v40, $0x2  }
0x16d: {  	v6 =	vand.u32 $0x5F, v41;
	v7 =	vand.u32 $0x780, v42;
	v3 =	vmul.f32 v4, v3  }
0x16e: {  	s24 =	sadd.s32 $0x40, s24;
	v43 =	vshrl.u32 v40, $0x7;
	v44 =	vor.u32 v6, v7  }
0x16f: {  	v5 =	vshll.u32 v44, $0x3;
	v4 =	vand.u32 $0x3, v43;
	[tilespmem:s24+$0xFFFFFFE0] =	vst v3  }
0x170: {  	v3 =	vor.u32 v4, v5;
	v45 =	vld [tilespmem:s0+$0xFFFFFFF0]  }
0x171: {  	v46 =	vld [tilespmem:s31+$0xFFFFFFF0];
	_ =	sdelay $0x3  }
0x172: {  	v47 =	vld.idx.msk [tilespmem:v3+s11+$0x0], $0xffff  }
0x173: {  	v4 =	vmul.f32 v46, v45  }
0x174: {  	v3 =	vld.idx.msk [tilespmem:v3+s12+$0x0], $0xffff  }
0x175: {  	v4 =	vsub.f32 $0.0e+00, v4  }
0x176: {  	s22 =	sadd.s32 $0x20, s13  }
0x177: {  	v48 =	vmov s22;
	v4 =	vmul.f32 v4, v47  }
0x178: {  	v49 =	vor.u32 s22, v0;
	v50 =	vshrl.u32 v48, $0x2  }
0x179: {  	v7 =	vand.u32 $0x780, v50;
	v6 =	vand.u32 $0x6F, v49;
	v3 =	vmul.f32 v4, v3  }
0x17a: {  	v51 =	vshrl.u32 v48, $0x7;
	v52 =	vor.u32 v6, v7  }
0x17b: {  	v5 =	vshll.u32 v52, $0x3;
	v4 =	vand.u32 $0x3, v51;
	[tilespmem:s24+$0xFFFFFFF0] =	vst v3  }
0x17c: {  	v3 =	vor.u32 v4, v5;
	v53 =	vld [tilespmem:s0+$0x0]  }
0x17d: {  	v54 =	vld [tilespmem:s31+$0x0];
	_ =	sdelay $0x3  }
0x17e: {  	v55 =	vld.idx.msk [tilespmem:v3+s11+$0x0], $0xffff  }
0x17f: {  	v4 =	vmul.f32 v54, v53  }
0x180: {  	v3 =	vld.idx.msk [tilespmem:v3+s12+$0x0], $0xffff  }
0x181: {  	v4 =	vsub.f32 $0.0e+00, v4  }
0x182: {  	s29 =	sadd.s32 $0x30, s13  }
0x183: {  	v56 =	vmov s29;
	v4 =	vmul.f32 v4, v55  }
0x184: {  	v57 =	vor.u32 s29, v0;
	v58 =	vshrl.u32 v56, $0x2  }
0x185: {  	v7 =	vand.u32 $0x780, v58;
	v6 =	vand.u32 $0x7F, v57;
	v3 =	vmul.f32 v4, v3  }
0x186: {  	v59 =	vshrl.u32 v56, $0x7;
	v60 =	vor.u32 v6, v7  }
0x187: {  	v5 =	vshll.u32 v60, $0x3;
	v4 =	vand.u32 $0x3, v59;
	[tilespmem:s24+$0x0] =	vst v3  }
0x188: {  	v3 =	vor.u32 v4, v5;
	v61 =	vld [tilespmem:s0+$0x10]  }
0x189: {  	v62 =	vld [tilespmem:s31+$0x10];
	_ =	sdelay $0x3  }
0x18a: {  	v63 =	vld.idx.msk [tilespmem:v3+s11+$0x0], $0xffff  }
0x18b: {  	v4 =	vmul.f32 v62, v61  }
0x18c: {  	v3 =	vld.idx.msk [tilespmem:v3+s12+$0x0], $0xffff  }
0x18d: {  	v4 =	vsub.f32 $0.0e+00, v4  }
0x18e: {  	s8 =	sadd.s32 $0x1, s8  }
0x18f: {  	p1 =	sne.s32 s8, $0x7;
	v4 =	vmul.f32 v4, v63  }
.Ltmp4:
0x190: {  	_ = 	snop;
	(pc) =	sbr.rel @p1 .LBB2_2-.Ltmp4, $3  }
0x191: {  	v3 =	vmul.f32 v4, v3;
	_ =	sdelay $0x1  }
0x192: {  	s30 =	sadd.s32 s6, s9;
	s31 =	simm.s32 $0x16C00;
	[tilespmem:s24+$0x10] =	vst v3  }
0x193: {  	[hbm4b:s30+s3] =	stream.linear.scatter [tilespmem:s31], [sflag:$0x6], $0x1A00, $0x38;
	[tilespmem:$0x18680] =	vst v63  }
0x194: {  	_ =	swait.ge [sflag:s17], $0x3400  }
0x195: {  	[sflag:s17] =	ssyncset.done $0x0  }
0x196: {  	[sflag:s17] =	ssyncadd.s32 $0xFFFFCC00  }
0x197: {  	_ =	swait.ge [sflag:s17], $0x3400  }
0x198: {  	[sflag:s17] =	ssyncset.done $0x0  }
0x199: {  	[sflag:s17] =	ssyncadd.s32 $0xFFFFCC00  }
0x19a: {  	_ =	swait.ge [sflag:s18], $0x1A00  }
0x19b: {  	[sflag:s18] =	ssyncset.done $0x0  }
0x19c: {  	[sflag:s18] =	ssyncadd.s32 $0xFFFFE600  }
0x19d: {  	s0 =	simm.s32 $0x0;
	_ =	swait.ge [sflag:s18], $0x1A00  }
0x19e: {  	v3 =	vmov s0;
	[sflag:s18] =	ssyncset.done $0x0  }
0x19f: {  	v4 =	vor.u32 s0, v0;
	v5 =	vshrl.u32 v3, $0x2;
	[sflag:s18] =	ssyncadd.s32 $0xFFFFE600  }
0x1a0: {  	v4 =	vand.u32 $0x4F, v4;
	v5 =	vand.u32 $0x780, v5;
	_ =	swait.ge [sflag:s23], $0x1A00  }
0x1a1: {  	v3 =	vshrl.u32 v3, $0x7;
	v4 =	vor.u32 v4, v5;
	[sflag:s23] =	ssyncset.done $0x0  }
0x1a2: {  	s30 =	simm.s32 $0xEA20;
	v3 =	vand.u32 $0x3, v3;
	v4 =	vshll.u32 v4, $0x3;
	[sflag:s23] =	ssyncadd.s32 $0xFFFFE600  }
0x1a3: {  	s9 =	simm.s32 $0x10420;
	v3 =	vor.u32 v3, v4;
	v4 =	vld [tilespmem:s30+$0xFFFFFFE0]  }
0x1a4: {  	v5 =	vld [tilespmem:s9+$0xFFFFFFE0];
	_ =	sdelay $0x3  }
0x1a5: {  	v6 =	vld.idx.msk [tilespmem:v3+s26+$0x0], $0xffff  }
0x1a6: {  	v4 =	vmul.f32 v5, v4  }
0x1a7: {  	v3 =	vld.idx.msk [tilespmem:v3+s28+$0x0], $0xffff  }
0x1a8: {  	v4 =	vsub.f32 $0.0e+00, v4  }
0x1a9: {  	s8 =	simm.s32 $0x10  }
0x1aa: {  	v5 =	vmov s8;
	v4 =	vmul.f32 v4, v6  }
0x1ab: {  	v7 =	vshrl.u32 v5, $0x2;
	v6 =	vor.u32 s8, v0  }
0x1ac: {  	v7 =	vand.u32 $0x780, v7;
	v6 =	vand.u32 $0x5F, v6;
	v3 =	vmul.f32 v4, v3  }
0x1ad: {  	s8 =	simm.s32 $0x15220;
	v4 =	vshrl.u32 v5, $0x7;
	v5 =	vor.u32 v6, v7  }
0x1ae: {  	v4 =	vand.u32 $0x3, v4;
	v5 =	vshll.u32 v5, $0x3;
	[tilespmem:s8+$0xFFFFFFE0] =	vst v3  }
0x1af: {  	v3 =	vor.u32 v4, v5;
	v4 =	vld [tilespmem:s30+$0xFFFFFFF0]  }
0x1b0: {  	v5 =	vld [tilespmem:s9+$0xFFFFFFF0];
	_ =	sdelay $0x3  }
0x1b1: {  	v6 =	vld.idx.msk [tilespmem:v3+s26+$0x0], $0xffff  }
0x1b2: {  	v4 =	vmul.f32 v5, v4  }
0x1b3: {  	v3 =	vld.idx.msk [tilespmem:v3+s28+$0x0], $0xffff  }
0x1b4: {  	v4 =	vsub.f32 $0.0e+00, v4  }
0x1b5: {  	s13 =	simm.s32 $0x20  }
0x1b6: {  	v5 =	vmov s13;
	v4 =	vmul.f32 v4, v6  }
0x1b7: {  	v7 =	vshrl.u32 v5, $0x2;
	v6 =	vor.u32 s13, v0  }
0x1b8: {  	v7 =	vand.u32 $0x780, v7;
	v6 =	vand.u32 $0x6F, v6;
	v3 =	vmul.f32 v4, v3  }
0x1b9: {  	v4 =	vshrl.u32 v5, $0x7;
	v5 =	vor.u32 v6, v7  }
0x1ba: {  	v4 =	vand.u32 $0x3, v4;
	v5 =	vshll.u32 v5, $0x3;
	[tilespmem:s8+$0xFFFFFFF0] =	vst v3  }
0x1bb: {  	v3 =	vor.u32 v4, v5;
	v4 =	vld [tilespmem:s30+$0x0]  }
0x1bc: {  	v5 =	vld [tilespmem:s9+$0x0];
	_ =	sdelay $0x3  }
0x1bd: {  	v6 =	vld.idx.msk [tilespmem:v3+s26+$0x0], $0xffff  }
0x1be: {  	v4 =	vmul.f32 v5, v4  }
0x1bf: {  	v3 =	vld.idx.msk [tilespmem:v3+s28+$0x0], $0xffff  }
0x1c0: {  	v4 =	vsub.f32 $0.0e+00, v4;
	_ =	sdelay $0x1  }
0x1c1: {  	v4 =	vmul.f32 v4, v6  }
0x1c2: {  	s31 =	simm.s32 $0x30  }
0x1c3: {  	v3 =	vmul.f32 v4, v3;
	v4 =	vmov s31  }
0x1c4: {  	v5 =	vor.u32 s31, v0;
	v6 =	vshrl.u32 v4, $0x2  }
0x1c5: {  	v5 =	vand.u32 $0x7F, v5;
	[tilespmem:s8+$0x0] =	vst v3;
	v3 =	vand.u32 $0x780, v6  }
0x1c6: {  	v4 =	vshrl.u32 v4, $0x7;
	v3 =	vor.u32 v5, v3  }
0x1c7: {  	v4 =	vand.u32 $0x3, v4;
	v3 =	vshll.u32 v3, $0x3  }
0x1c8: {  	v6 =	vld [tilespmem:s30+$0x10];
	v3 =	vor.u32 v4, v3  }
0x1c9: {  	v5 =	vld [tilespmem:s9+$0x10];
	_ =	sdelay $0x3  }
0x1ca: {  	v4 =	vld.idx.msk [tilespmem:v3+s26+$0x0], $0xffff  }
0x1cb: {  	v5 =	vmul.f32 v5, v6  }
0x1cc: {  	s13 =	simm.s32 $0x40;
	v3 =	vld.idx.msk [tilespmem:v3+s28+$0x0], $0xffff  }
0x1cd: {  	v9 =	vmov s13;
	v6 =	vsub.f32 $0.0e+00, v5  }
0x1ce: {  	s19 =	simm.s32 $0x4;
	s14 =	simm.s32 $0x15220;
	s0 =	simm.s32 $0xEA60;
	v7 =	vor.u32 s13, v0;
	v8 =	vshrl.u32 v9, $0x2;
	v5 =	vshrl.u32 v9, $0x7  }
.LBB2_8:
0x1cf: {  	s19 =	sadd.s32 $0x4, s19;
	v8 =	vand.u32 $0x780, v8;
	v7 =	vand.u32 $0x4F, v7;
	v4 =	vmul.f32 v6, v4;
	s8 =	sadd.s32 $0x40, s8;
	s9 =	sadd.s32 $0x40, s9  }
0x1d0: {  	p1 =	slt.u32 s19, $0x19C;
	v6 =	vor.u32 v7, v8  }
0x1d1: {  	v5 =	vand.u32 $0x3, v5;
	v6 =	vshll.u32 v6, $0x3;
	v3 =	vmul.f32 v4, v3  }
0x1d2: {  	v4 =	vor.u32 v5, v6  }
0x1d3: {  	[tilespmem:s14+$0x10] =	vst v3;
	s14 =	smov.u32 s8  }
0x1d4: {  	v3 =	vld [tilespmem:s0+$0xFFFFFFE0]  }
0x1d5: {  	v5 =	vld [tilespmem:s9+$0xFFFFFFE0];
	_ =	sdelay $0x1  }
0x1d6: {  	v6 =	vld.idx.msk [tilespmem:v4+s26+$0x0], $0xffff;
	_ =	sdelay $0x2  }
0x1d7: {  	v4 =	vld.idx.msk [tilespmem:v4+s28+$0x0], $0xffff;
	v3 =	vmul.f32 v5, v3;
	_ =	sdelay $0x1  }
0x1d8: {  	s22 =	sadd.s32 $0x10, s13;
	v3 =	vsub.f32 $0.0e+00, v3  }
0x1d9: {  	v7 =	vor.u32 s22, v0;
	v5 =	vmov s22  }
0x1da: {  	v3 =	vmul.f32 v3, v6;
	v6 =	vshrl.u32 v5, $0x2;
	v5 =	vshrl.u32 v5, $0x7  }
0x1db: {  	v7 =	vand.u32 $0x5F, v7;
	v6 =	vand.u32 $0x780, v6  }
0x1dc: {  	v3 =	vmul.f32 v3, v4;
	v4 =	vor.u32 v7, v6  }
0x1dd: {  	v5 =	vand.u32 $0x3, v5;
	v4 =	vshll.u32 v4, $0x3  }
0x1de: {  	[tilespmem:s8+$0xFFFFFFE0] =	vst v3;
	v3 =	vor.u32 v5, v4  }
0x1df: {  	v4 =	vld [tilespmem:s0+$0xFFFFFFF0]  }
0x1e0: {  	v5 =	vld [tilespmem:s9+$0xFFFFFFF0];
	_ =	sdelay $0x2  }
0x1e1: {  	v6 =	vld.idx.msk [tilespmem:v3+s26+$0x0], $0xffff;
	_ =	sdelay $0x1  }
0x1e2: {  	v3 =	vld.idx.msk [tilespmem:v3+s28+$0x0], $0xffff;
	v4 =	vmul.f32 v5, v4;
	_ =	sdelay $0x1  }
0x1e3: {  	s22 =	sadd.s32 $0x20, s13;
	v4 =	vsub.f32 $0.0e+00, v4  }
0x1e4: {  	v7 =	vor.u32 s22, v0;
	v5 =	vmov s22  }
0x1e5: {  	v4 =	vmul.f32 v4, v6;
	v6 =	vshrl.u32 v5, $0x2;
	v5 =	vshrl.u32 v5, $0x7  }
0x1e6: {  	v7 =	vand.u32 $0x6F, v7;
	v6 =	vand.u32 $0x780, v6  }
0x1e7: {  	v3 =	vmul.f32 v4, v3;
	v4 =	vor.u32 v7, v6  }
0x1e8: {  	v5 =	vand.u32 $0x3, v5;
	v4 =	vshll.u32 v4, $0x3  }
0x1e9: {  	[tilespmem:s8+$0xFFFFFFF0] =	vst v3;
	v3 =	vor.u32 v5, v4  }
0x1ea: {  	v4 =	vld [tilespmem:s0+$0x0]  }
0x1eb: {  	v5 =	vld [tilespmem:s9+$0x0];
	_ =	sdelay $0x2  }
0x1ec: {  	v6 =	vld.idx.msk [tilespmem:v3+s26+$0x0], $0xffff;
	_ =	sdelay $0x1  }
0x1ed: {  	s22 =	sadd.s32 $0x30, s13;
	v3 =	vld.idx.msk [tilespmem:v3+s28+$0x0], $0xffff;
	v4 =	vmul.f32 v5, v4  }
0x1ee: {  	v7 =	vor.u32 s22, v0;
	v5 =	vmov s22  }
0x1ef: {  	v8 =	vshrl.u32 v5, $0x2;
	v5 =	vshrl.u32 v5, $0x7;
	v4 =	vsub.f32 $0.0e+00, v4  }
0x1f0: {  	v7 =	vand.u32 $0x7F, v7;
	v8 =	vand.u32 $0x780, v8  }
0x1f1: {  	v4 =	vmul.f32 v4, v6;
	v6 =	vor.u32 v7, v8  }
0x1f2: {  	v5 =	vand.u32 $0x3, v5;
	v6 =	vshll.u32 v6, $0x3  }
0x1f3: {  	v3 =	vmul.f32 v4, v3;
	v5 =	vor.u32 v5, v6;
	_ =	sdelay $0x1  }
0x1f4: {  	[tilespmem:s8+$0x0] =	vst v3  }
0x1f5: {  	v6 =	vld [tilespmem:s0+$0x10]  }
0x1f6: {  	v7 =	vld [tilespmem:s9+$0x10]  }
0x1f7: {  	v4 =	vld.idx.msk [tilespmem:v5+s26+$0x0], $0xffff  }
0x1f8: {  	v3 =	vld.idx.msk [tilespmem:v5+s28+$0x0], $0xffff;
	_ =	sdelay $0x1  }
.Ltmp5:
0x1f9: {  	(pc) =	sbr.rel @p1 .LBB2_8-.Ltmp5, $4  }
0x1fa: {  	v5 =	vmul.f32 v7, v6  }
0x1fb: {  	s13 =	sadd.s32 $0x40, s13  }
0x1fc: {  	v9 =	vmov s13;
	v6 =	vsub.f32 $0.0e+00, v5  }
0x1fd: {  	v8 =	vshrl.u32 v9, $0x2;
	s0 =	sadd.s32 $0x40, s0;
	v7 =	vor.u32 s13, v0;
	v5 =	vshrl.u32 v9, $0x7  }
0x1fe: {  	v4 =	vmul.f32 v6, v4;
	_ =	sdelay $0x1  }
0x1ff: {  	v35 =	vand.u32 $0x780, v8;
	v7 =	vand.u32 $0x4F, v7;
	v3 =	vmul.f32 v4, v3  }
0x200: {  	v36 =	vor.u32 v7, v35  }
0x201: {  	v5 =	vand.u32 $0x3, v5;
	v4 =	vshll.u32 v36, $0x3;
	[tilespmem:s14+$0x10] =	vst v3  }
0x202: {  	s9 =	sadd.s32 $0x40, s9;
	v3 =	vor.u32 v5, v4;
	v37 =	vld [tilespmem:s0+$0xFFFFFFE0]  }
0x203: {  	v38 =	vld [tilespmem:s9+$0xFFFFFFE0];
	_ =	sdelay $0x3  }
0x204: {  	v39 =	vld.idx.msk [tilespmem:v3+s26+$0x0], $0xffff  }
0x205: {  	v4 =	vmul.f32 v38, v37  }
0x206: {  	v3 =	vld.idx.msk [tilespmem:v3+s28+$0x0], $0xffff  }
0x207: {  	v4 =	vsub.f32 $0.0e+00, v4  }
0x208: {  	s22 =	sadd.s32 $0x10, s13  }
0x209: {  	v40 =	vmov s22;
	v4 =	vmul.f32 v4, v39  }
0x20a: {  	v41 =	vor.u32 s22, v0;
	v42 =	vshrl.u32 v40, $0x2  }
0x20b: {  	v6 =	vand.u32 $0x5F, v41;
	v7 =	vand.u32 $0x780, v42;
	v3 =	vmul.f32 v4, v3  }
0x20c: {  	s8 =	sadd.s32 $0x40, s8;
	v43 =	vshrl.u32 v40, $0x7;
	v44 =	vor.u32 v6, v7  }
0x20d: {  	v5 =	vshll.u32 v44, $0x3;
	v4 =	vand.u32 $0x3, v43;
	[tilespmem:s8+$0xFFFFFFE0] =	vst v3  }
0x20e: {  	v3 =	vor.u32 v4, v5;
	v45 =	vld [tilespmem:s0+$0xFFFFFFF0]  }
0x20f: {  	v46 =	vld [tilespmem:s9+$0xFFFFFFF0];
	_ =	sdelay $0x3  }
0x210: {  	v47 =	vld.idx.msk [tilespmem:v3+s26+$0x0], $0xffff  }
0x211: {  	v4 =	vmul.f32 v46, v45  }
0x212: {  	v3 =	vld.idx.msk [tilespmem:v3+s28+$0x0], $0xffff  }
0x213: {  	v4 =	vsub.f32 $0.0e+00, v4  }
0x214: {  	s24 =	sadd.s32 $0x20, s13  }
0x215: {  	v48 =	vmov s24;
	v4 =	vmul.f32 v4, v47  }
0x216: {  	v49 =	vor.u32 s24, v0;
	v50 =	vshrl.u32 v48, $0x2  }
0x217: {  	v7 =	vand.u32 $0x780, v50;
	v6 =	vand.u32 $0x6F, v49;
	v3 =	vmul.f32 v4, v3  }
0x218: {  	v51 =	vshrl.u32 v48, $0x7;
	v52 =	vor.u32 v6, v7  }
0x219: {  	v5 =	vshll.u32 v52, $0x3;
	v4 =	vand.u32 $0x3, v51;
	[tilespmem:s8+$0xFFFFFFF0] =	vst v3  }
0x21a: {  	v3 =	vor.u32 v4, v5;
	v53 =	vld [tilespmem:s0+$0x0]  }
0x21b: {  	v54 =	vld [tilespmem:s9+$0x0];
	_ =	sdelay $0x3  }
0x21c: {  	v55 =	vld.idx.msk [tilespmem:v3+s26+$0x0], $0xffff  }
0x21d: {  	v4 =	vmul.f32 v54, v53  }
0x21e: {  	v3 =	vld.idx.msk [tilespmem:v3+s28+$0x0], $0xffff  }
0x21f: {  	v4 =	vsub.f32 $0.0e+00, v4  }
0x220: {  	s29 =	sadd.s32 $0x30, s13  }
0x221: {  	v56 =	vmov s29;
	v4 =	vmul.f32 v4, v55  }
0x222: {  	v57 =	vor.u32 s29, v0;
	v58 =	vshrl.u32 v56, $0x2  }
0x223: {  	v7 =	vand.u32 $0x780, v58;
	v6 =	vand.u32 $0x7F, v57;
	v3 =	vmul.f32 v4, v3  }
0x224: {  	v59 =	vshrl.u32 v56, $0x7;
	v60 =	vor.u32 v6, v7  }
0x225: {  	v5 =	vshll.u32 v60, $0x3;
	v4 =	vand.u32 $0x3, v59;
	[tilespmem:s8+$0x0] =	vst v3  }
0x226: {  	v3 =	vor.u32 v4, v5;
	v61 =	vld [tilespmem:s0+$0x10]  }
0x227: {  	v62 =	vld [tilespmem:s9+$0x10];
	_ =	sdelay $0x3  }
0x228: {  	v63 =	vld.idx.msk [tilespmem:v3+s26+$0x0], $0xffff  }
0x229: {  	v4 =	vmul.f32 v62, v61  }
0x22a: {  	v3 =	vld.idx.msk [tilespmem:v3+s28+$0x0], $0xffff  }
0x22b: {  	v4 =	vsub.f32 $0.0e+00, v4;
	_ =	sdelay $0x1  }
0x22c: {  	v4 =	vmul.f32 v4, v63;
	_ =	sdelay $0x1  }
0x22d: {  	v3 =	vmul.f32 v4, v3;
	_ =	sdelay $0x1  }
.Ltmp6:
0x22e: {  	[tilespmem:s8+$0x10] =	vst v3;
	(pc) =	sbr.rel @p0 .LBB2_13-.Ltmp6, $4  }
0x22f: {  	_ =	swait.ge [sflag:s23], $0x1A00  }
0x230: {  	s31 =	simm.s32 $0x15200;
	s24 =	simm.s32 $0x7;
	[sflag:s23] =	ssyncset.done $0x0  }
0x231: {  	s0 =	simm.s32 $0x0;
	s30 =	rddreg [dreg:$0x9];
	[sflag:s23] =	ssyncadd.s32 $0xFFFFE600  }
0x232: {  	[hbm4b:s30+s3] =	stream.linear.scatter [tilespmem:s31], [sflag:$0x6], $0x1A00, $0x38;
	[tilespmem:$0x18680] =	vst v63  }
0x233: {  	s8 =	rddreg [dreg:$0xa];
	s9 =	simm.s32 $0x18600  }
0x234: {  	[tilespmem:s9], [sflag:$0x7] =	stream.linear.gather [hbm4b:s8+s0], $0x40, $0x38;
	[tilespmem:$0x18680] =	vst v63  }
0x235: {  	_ =	swait.ge [sflag:s24], $0x40  }
0x236: {  	[sflag:s24] =	ssyncset.done $0x0  }
0x237: {  	s13 =	simm.s32 $0x18640;
	s30 =	rddreg [dreg:$0xb];
	[sflag:s24] =	ssyncadd.s32 $0xFFFFFFC0  }
0x238: {  	[tilespmem:s13], [sflag:$0x7] =	stream.linear.gather [hbm4b:s30+s0], $0x40, $0x38;
	[tilespmem:$0x18680] =	vst v63  }
0x239: {  	_ =	swait.ge [sflag:s24], $0x40  }
0x23a: {  	[sflag:s24] =	ssyncset.done $0x0  }
0x23b: {  	s31 =	simm.s32 $0x40;
	[sflag:s24] =	ssyncadd.s32 $0xFFFFFFC0  }
0x23c: {  	[tilespmem:s11], [sflag:$0x3] =	stream.indirect.gather [hbm4b:s5+s31], $0x8, s9, s31, $0xb8;
	[tilespmem:$0x18680] =	vst v63  }
0x23d: {  	_ =	swait.ge [sflag:s20], $0x200  }
0x23e: {  	[sflag:s20] =	ssyncset.done $0x0  }
0x23f: {  	[sflag:s20] =	ssyncadd.s32 $0xFFFFFE00  }
0x240: {  	[tilespmem:s12], [sflag:$0x3] =	stream.indirect.gather [hbm4b:s5+s31], $0x8, s13, s31, $0xb8;
	[tilespmem:$0x18680] =	vst v63  }
0x241: {  	_ =	swait.ge [sflag:s20], $0x200  }
0x242: {  	[sflag:s20] =	ssyncset.done $0x0  }
0x243: {  	s13 =	simm.s32 $0x11E00;
	s9 =	rddreg [dreg:$0xc];
	[sflag:s20] =	ssyncadd.s32 $0xFFFFFE00  }
0x244: {  	[tilespmem:s13], [sflag:$0x7] =	stream.linear.gather [hbm4b:s9+s0], $0x100, $0x38;
	[tilespmem:$0x18680] =	vst v63  }
0x245: {  	_ =	swait.ge [sflag:s24], $0x100  }
0x246: {  	[sflag:s24] =	ssyncset.done $0x0  }
0x247: {  	s19 =	simm.s32 $0x13800;
	s14 =	rddreg [dreg:$0xd];
	[sflag:s24] =	ssyncadd.s32 $0xFFFFFF00  }
0x248: {  	v3 =	vmov s0;
	[tilespmem:s19], [sflag:$0x7] =	stream.linear.gather [hbm4b:s14+s0], $0x100, $0x38;
	[tilespmem:$0x18680] =	vst v63  }
0x249: {  	v3 =	vshll.u32 v3, $0x1;
	_ =	swait.ge [sflag:s24], $0x100  }
0x24a: {  	v3 =	vor.u32 v1, v3;
	[sflag:s24] =	ssyncset.done $0x0  }
0x24b: {  	s22 =	simm.s32 $0x11E20;
	v3 =	vand.u32 $0x198, v3;
	[sflag:s24] =	ssyncadd.s32 $0xFFFFFF00  }
0x24c: {  	s8 =	simm.s32 $0x13820;
	v3 =	vor.u32 v2, v3;
	v4 =	vld [tilespmem:s22+$0xFFFFFFE0]  }
0x24d: {  	v5 =	vld [tilespmem:s8+$0xFFFFFFE0];
	_ =	sdelay $0x3  }
0x24e: {  	v6 =	vld.idx.msk [tilespmem:v3+s11+$0x0], $0xffff  }
0x24f: {  	v4 =	vmul.f32 v5, v4  }
0x250: {  	v3 =	vld.idx.msk [tilespmem:v3+s12+$0x0], $0xffff  }
0x251: {  	v4 =	vsub.f32 $0.0e+00, v4;
	_ =	sdelay $0x1  }
0x252: {  	s29 =	simm.s32 $0x10;
	v4 =	vmul.f32 v4, v6  }
0x253: {  	v5 =	vmov s29  }
0x254: {  	v5 =	vshll.u32 v5, $0x1;
	v3 =	vmul.f32 v4, v3  }
0x255: {  	s0 =	simm.s32 $0x16C20;
	v4 =	vor.u32 v1, v5  }
0x256: {  	v4 =	vand.u32 $0x7FFFFFF8, v4;
	[tilespmem:s0+$0xFFFFFFE0] =	vst v3  }
0x257: {  	v3 =	vor.u32 v2, v4;
	v4 =	vld [tilespmem:s22+$0xFFFFFFF0]  }
0x258: {  	v5 =	vld [tilespmem:s8+$0xFFFFFFF0];
	_ =	sdelay $0x3  }
0x259: {  	v6 =	vld.idx.msk [tilespmem:v3+s11+$0x0], $0xffff  }
0x25a: {  	v4 =	vmul.f32 v5, v4  }
0x25b: {  	v3 =	vld.idx.msk [tilespmem:v3+s12+$0x0], $0xffff  }
0x25c: {  	v4 =	vsub.f32 $0.0e+00, v4;
	_ =	sdelay $0x1  }
0x25d: {  	s30 =	simm.s32 $0x20;
	v4 =	vmul.f32 v4, v6  }
0x25e: {  	v5 =	vmov s30  }
0x25f: {  	v5 =	vshll.u32 v5, $0x1;
	v3 =	vmul.f32 v4, v3  }
0x260: {  	v4 =	vor.u32 v1, v5  }
0x261: {  	v4 =	vand.u32 $0x7FFFFFF8, v4;
	[tilespmem:s0+$0xFFFFFFF0] =	vst v3  }
0x262: {  	v3 =	vor.u32 v2, v4;
	v4 =	vld [tilespmem:s22+$0x0]  }
0x263: {  	v5 =	vld [tilespmem:s8+$0x0];
	_ =	sdelay $0x3  }
0x264: {  	v6 =	vld.idx.msk [tilespmem:v3+s11+$0x0], $0xffff  }
0x265: {  	v4 =	vmul.f32 v5, v4  }
0x266: {  	v3 =	vld.idx.msk [tilespmem:v3+s12+$0x0], $0xffff  }
0x267: {  	v4 =	vsub.f32 $0.0e+00, v4;
	_ =	sdelay $0x1  }
0x268: {  	v4 =	vmul.f32 v4, v6  }
0x269: {  	s31 =	simm.s32 $0x30  }
0x26a: {  	v3 =	vmul.f32 v4, v3;
	v4 =	vmov s31  }
0x26b: {  	v4 =	vshll.u32 v4, $0x1  }
0x26c: {  	[tilespmem:s0+$0x0] =	vst v3;
	v3 =	vor.u32 v1, v4  }
0x26d: {  	v4 =	vld [tilespmem:s22+$0x10];
	v3 =	vand.u32 $0x7FFFFFF8, v3  }
0x26e: {  	v5 =	vld [tilespmem:s8+$0x10];
	v3 =	vor.u32 v2, v3;
	_ =	sdelay $0x4  }
0x26f: {  	v5 =	vmul.f32 v5, v4;
	v4 =	vld.idx.msk [tilespmem:v3+s11+$0x0], $0xffff;
	_ =	sdelay $0x1  }
0x270: {  	v3 =	vld.idx.msk [tilespmem:v3+s12+$0x0], $0xffff  }
0x271: {  	s13 =	simm.s32 $0x40;
	v5 =	vsub.f32 $0.0e+00, v5  }
0x272: {  	s9 =	simm.s32 $0x11E60;
	s19 =	simm.s32 $0x4;
	s14 =	simm.s32 $0x16C20;
	v6 =	vmov s13  }
.LBB2_11:
0x273: {  	s19 =	sadd.s32 $0x4, s19;
	v6 =	vshll.u32 v6, $0x1;
	v4 =	vmul.f32 v5, v4;
	s0 =	sadd.s32 $0x40, s0;
	s8 =	sadd.s32 $0x40, s8  }
0x274: {  	p1 =	slt.u32 s19, $0xC;
	v5 =	vor.u32 v1, v6  }
0x275: {  	v5 =	vand.u32 $0x198, v5;
	v3 =	vmul.f32 v4, v3  }
0x276: {  	v4 =	vor.u32 v2, v5  }
0x277: {  	[tilespmem:s14+$0x10] =	vst v3;
	s14 =	smov.u32 s0  }
0x278: {  	v3 =	vld [tilespmem:s9+$0xFFFFFFE0]  }
0x279: {  	v5 =	vld [tilespmem:s8+$0xFFFFFFE0];
	_ =	sdelay $0x1  }
0x27a: {  	v6 =	vld.idx.msk [tilespmem:v4+s11+$0x0], $0xffff;
	_ =	sdelay $0x2  }
0x27b: {  	v4 =	vld.idx.msk [tilespmem:v4+s12+$0x0], $0xffff;
	v3 =	vmul.f32 v5, v3;
	_ =	sdelay $0x1  }
0x27c: {  	v3 =	vsub.f32 $0.0e+00, v3  }
0x27d: {  	s22 =	sadd.s32 $0x10, s13  }
0x27e: {  	v5 =	vmov s22;
	v3 =	vmul.f32 v3, v6  }
0x27f: {  	v5 =	vshll.u32 v5, $0x1  }
0x280: {  	v3 =	vmul.f32 v3, v4;
	v4 =	vor.u32 v1, v5  }
0x281: {  	v4 =	vand.u32 $0x7FFFFFF8, v4  }
0x282: {  	[tilespmem:s0+$0xFFFFFFE0] =	vst v3;
	v3 =	vor.u32 v2, v4  }
0x283: {  	v4 =	vld [tilespmem:s9+$0xFFFFFFF0]  }
0x284: {  	v5 =	vld [tilespmem:s8+$0xFFFFFFF0];
	_ =	sdelay $0x2  }
0x285: {  	v6 =	vld.idx.msk [tilespmem:v3+s11+$0x0], $0xffff;
	_ =	sdelay $0x1  }
0x286: {  	v3 =	vld.idx.msk [tilespmem:v3+s12+$0x0], $0xffff;
	v4 =	vmul.f32 v5, v4;
	_ =	sdelay $0x1  }
0x287: {  	v4 =	vsub.f32 $0.0e+00, v4  }
0x288: {  	s22 =	sadd.s32 $0x20, s13  }
0x289: {  	v5 =	vmov s22;
	v4 =	vmul.f32 v4, v6  }
0x28a: {  	v5 =	vshll.u32 v5, $0x1  }
0x28b: {  	v3 =	vmul.f32 v4, v3;
	v4 =	vor.u32 v1, v5  }
0x28c: {  	v4 =	vand.u32 $0x7FFFFFF8, v4  }
0x28d: {  	[tilespmem:s0+$0xFFFFFFF0] =	vst v3;
	v3 =	vor.u32 v2, v4  }
0x28e: {  	v4 =	vld [tilespmem:s9+$0x0]  }
0x28f: {  	v5 =	vld [tilespmem:s8+$0x0];
	_ =	sdelay $0x2  }
0x290: {  	v6 =	vld.idx.msk [tilespmem:v3+s11+$0x0], $0xffff;
	_ =	sdelay $0x1  }
0x291: {  	v3 =	vld.idx.msk [tilespmem:v3+s12+$0x0], $0xffff;
	v4 =	vmul.f32 v5, v4  }
0x292: {  	s22 =	sadd.s32 $0x30, s13  }
0x293: {  	v5 =	vmov s22;
	v4 =	vsub.f32 $0.0e+00, v4  }
0x294: {  	v5 =	vshll.u32 v5, $0x1  }
0x295: {  	v5 =	vor.u32 v1, v5;
	v4 =	vmul.f32 v4, v6  }
0x296: {  	v5 =	vand.u32 $0x7FFFFFF8, v5  }
0x297: {  	v5 =	vor.u32 v2, v5;
	v3 =	vmul.f32 v4, v3;
	_ =	sdelay $0x1  }
0x298: {  	[tilespmem:s0+$0x0] =	vst v3  }
0x299: {  	v6 =	vld [tilespmem:s9+$0x10]  }
0x29a: {  	v7 =	vld [tilespmem:s8+$0x10]  }
0x29b: {  	v4 =	vld.idx.msk [tilespmem:v5+s11+$0x0], $0xffff  }
0x29c: {  	v3 =	vld.idx.msk [tilespmem:v5+s12+$0x0], $0xffff;
	_ =	sdelay $0x1  }
.Ltmp7:
0x29d: {  	(pc) =	sbr.rel @p1 .LBB2_11-.Ltmp7, $3  }
0x29e: {  	v5 =	vmul.f32 v7, v6;
	_ =	sdelay $0x1  }
0x29f: {  	s13 =	sadd.s32 $0x40, s13;
	v5 =	vsub.f32 $0.0e+00, v5  }
0x2a0: {  	s9 =	sadd.s32 $0x40, s9;
	v6 =	vmov s13  }
0x2a1: {  	v4 =	vmul.f32 v5, v4;
	_ =	sdelay $0x1  }
0x2a2: {  	v44 =	vshll.u32 v6, $0x1;
	v3 =	vmul.f32 v4, v3  }
0x2a3: {  	v45 =	vor.u32 v1, v44  }
0x2a4: {  	v4 =	vand.u32 $0x198, v45;
	[tilespmem:s14+$0x10] =	vst v3  }
0x2a5: {  	s8 =	sadd.s32 $0x40, s8;
	v3 =	vor.u32 v2, v4;
	v46 =	vld [tilespmem:s9+$0xFFFFFFE0]  }
0x2a6: {  	v47 =	vld [tilespmem:s8+$0xFFFFFFE0];
	_ =	sdelay $0x3  }
0x2a7: {  	v48 =	vld.idx.msk [tilespmem:v3+s11+$0x0], $0xffff  }
0x2a8: {  	v4 =	vmul.f32 v47, v46  }
0x2a9: {  	v3 =	vld.idx.msk [tilespmem:v3+s12+$0x0], $0xffff  }
0x2aa: {  	v4 =	vsub.f32 $0.0e+00, v4;
	_ =	sdelay $0x1  }
0x2ab: {  	s19 =	sadd.s32 $0x10, s13;
	v4 =	vmul.f32 v4, v48  }
0x2ac: {  	v49 =	vmov s19  }
0x2ad: {  	v5 =	vshll.u32 v49, $0x1;
	v3 =	vmul.f32 v4, v3  }
0x2ae: {  	s0 =	sadd.s32 $0x40, s0;
	v50 =	vor.u32 v1, v5  }
0x2af: {  	v4 =	vand.u32 $0x7FFFFFF8, v50;
	[tilespmem:s0+$0xFFFFFFE0] =	vst v3  }
0x2b0: {  	v3 =	vor.u32 v2, v4;
	v51 =	vld [tilespmem:s9+$0xFFFFFFF0]  }
0x2b1: {  	v52 =	vld [tilespmem:s8+$0xFFFFFFF0];
	_ =	sdelay $0x3  }
0x2b2: {  	v53 =	vld.idx.msk [tilespmem:v3+s11+$0x0], $0xffff  }
0x2b3: {  	v4 =	vmul.f32 v52, v51  }
0x2b4: {  	v3 =	vld.idx.msk [tilespmem:v3+s12+$0x0], $0xffff  }
0x2b5: {  	v4 =	vsub.f32 $0.0e+00, v4;
	_ =	sdelay $0x1  }
0x2b6: {  	s22 =	sadd.s32 $0x20, s13;
	v4 =	vmul.f32 v4, v53  }
0x2b7: {  	v54 =	vmov s22  }
0x2b8: {  	v5 =	vshll.u32 v54, $0x1;
	v3 =	vmul.f32 v4, v3  }
0x2b9: {  	v55 =	vor.u32 v1, v5  }
0x2ba: {  	v4 =	vand.u32 $0x7FFFFFF8, v55;
	[tilespmem:s0+$0xFFFFFFF0] =	vst v3  }
0x2bb: {  	v3 =	vor.u32 v2, v4;
	v56 =	vld [tilespmem:s9+$0x0]  }
0x2bc: {  	v57 =	vld [tilespmem:s8+$0x0];
	_ =	sdelay $0x3  }
0x2bd: {  	v58 =	vld.idx.msk [tilespmem:v3+s11+$0x0], $0xffff  }
0x2be: {  	v4 =	vmul.f32 v57, v56  }
0x2bf: {  	v3 =	vld.idx.msk [tilespmem:v3+s12+$0x0], $0xffff  }
0x2c0: {  	v4 =	vsub.f32 $0.0e+00, v4;
	_ =	sdelay $0x1  }
0x2c1: {  	s29 =	sadd.s32 $0x30, s13;
	v4 =	vmul.f32 v4, v58  }
0x2c2: {  	v59 =	vmov s29  }
0x2c3: {  	v5 =	vshll.u32 v59, $0x1;
	v3 =	vmul.f32 v4, v3  }
0x2c4: {  	v60 =	vor.u32 v1, v5  }
0x2c5: {  	v4 =	vand.u32 $0x7FFFFFF8, v60;
	[tilespmem:s0+$0x0] =	vst v3  }
0x2c6: {  	v3 =	vor.u32 v2, v4;
	v61 =	vld [tilespmem:s9+$0x10]  }
0x2c7: {  	v62 =	vld [tilespmem:s8+$0x10];
	_ =	sdelay $0x3  }
0x2c8: {  	v63 =	vld.idx.msk [tilespmem:v3+s11+$0x0], $0xffff  }
0x2c9: {  	v4 =	vmul.f32 v62, v61  }
0x2ca: {  	v3 =	vld.idx.msk [tilespmem:v3+s12+$0x0], $0xffff  }
0x2cb: {  	v4 =	vsub.f32 $0.0e+00, v4;
	_ =	sdelay $0x1  }
0x2cc: {  	v4 =	vmul.f32 v4, v63;
	_ =	sdelay $0x1  }
0x2cd: {  	v3 =	vmul.f32 v4, v3;
	_ =	sdelay $0x1  }
.Ltmp8:
0x2ce: {  	s30 =	rddreg [dreg:$0xe];
	s31 =	simm.s32 $0x16C00;
	[tilespmem:s0+$0x10] =	vst v3;
	(pc) =	sbr.rel .LBB2_16-.Ltmp8, $4  }
0x2cf: {  	[hbm4b:s30+s3] =	stream.linear.scatter [tilespmem:s31], [sflag:$0x7], $0x100, $0x38;
	[tilespmem:$0x18680] =	vst v63  }
0x2d0: {  	_ =	swait.ge [sflag:s24], $0x100  }
0x2d1: {  	[sflag:s24] =	ssyncset.done $0x0  }
0x2d2: {  	s8 =	rddreg [dreg:$0x10];
	[sflag:s24] =	ssyncadd.s32 $0xFFFFFF00  }
.LBB2_13:
0x2d3: {  	s8 =	rddreg [dreg:$0xa];
	s9 =	simm.s32 $0x18600  }
0x2d4: {  	[tilespmem:s9], [sflag:$0x7] =	stream.linear.gather [hbm4b:s8+s0], $0x20, $0x38;
	[tilespmem:$0x18680] =	vst v63  }
0x2d5: {  	_ =	swait.ge [sflag:s24], $0x20  }
0x2d6: {  	[sflag:s24] =	ssyncset.done $0x0  }
0x2d7: {  	s13 =	simm.s32 $0x18640;
	s14 =	rddreg [dreg:$0xb];
	[sflag:s24] =	ssyncadd.s32 $0xFFFFFFE0  }
0x2d8: {  	[tilespmem:s13], [sflag:$0x7] =	stream.linear.gather [hbm4b:s14+s0], $0x20, $0x38;
	[tilespmem:$0x18680] =	vst v63  }
0x2d9: {  	_ =	swait.ge [sflag:s24], $0x20  }
0x2da: {  	[sflag:s24] =	ssyncset.done $0x0  }
0x2db: {  	s19 =	simm.s32 $0x20;
	[sflag:s24] =	ssyncadd.s32 $0xFFFFFFE0  }
0x2dc: {  	[tilespmem:s11], [sflag:$0x3] =	stream.indirect.gather [hbm4b:s5+s19], $0x8, s9, s19, $0xb8;
	[tilespmem:$0x18680] =	vst v63  }
0x2dd: {  	_ =	swait.ge [sflag:s20], $0x100  }
0x2de: {  	[sflag:s20] =	ssyncset.done $0x0  }
0x2df: {  	[sflag:s20] =	ssyncadd.s32 $0xFFFFFF00  }
0x2e0: {  	[tilespmem:s12], [sflag:$0x3] =	stream.indirect.gather [hbm4b:s5+s19], $0x8, s13, s19, $0xb8;
	[tilespmem:$0x18680] =	vst v63  }
0x2e1: {  	_ =	swait.ge [sflag:s20], $0x100  }
0x2e2: {  	[sflag:s20] =	ssyncset.done $0x0  }
0x2e3: {  	s29 =	simm.s32 $0x11E00;
	s22 =	rddreg [dreg:$0xc];
	[sflag:s20] =	ssyncadd.s32 $0xFFFFFF00  }
0x2e4: {  	[tilespmem:s29], [sflag:$0x7] =	stream.linear.gather [hbm4b:s22+s0], $0x80, $0x38;
	[tilespmem:$0x18680] =	vst v63  }
0x2e5: {  	_ =	swait.ge [sflag:s24], $0x80  }
0x2e6: {  	[sflag:s24] =	ssyncset.done $0x0  }
0x2e7: {  	s31 =	simm.s32 $0x13800;
	s30 =	rddreg [dreg:$0xd];
	[sflag:s24] =	ssyncadd.s32 $0xFFFFFF80  }
0x2e8: {  	[tilespmem:s31], [sflag:$0x7] =	stream.linear.gather [hbm4b:s30+s0], $0x80, $0x38;
	[tilespmem:$0x18680] =	vst v63  }
0x2e9: {  	_ =	swait.ge [sflag:s24], $0x80  }
0x2ea: {  	[sflag:s24] =	ssyncset.done $0x0  }
0x2eb: {  	p1 =	por $0x1, $0x1;
	[sflag:s24] =	ssyncadd.s32 $0xFFFFFF80  }
.LBB2_14:
0x2ec: {  	v3 =	vmov s0  }
0x2ed: {  	v3 =	vshll.u32 v3, $0x1  }
0x2ee: {  	v3 =	vor.u32 v1, v3  }
0x2ef: {  	v3 =	vand.u32 $0x98, v3  }
0x2f0: {  	v4 =	vld [tilespmem:s0+$0x11E00];
	v3 =	vor.u32 v2, v3  }
0x2f1: {  	v5 =	vld [tilespmem:s0+$0x13800];
	_ =	sdelay $0x3  }
0x2f2: {  	v6 =	vld.idx.msk [tilespmem:v3+s11+$0x0], $0xffff  }
0x2f3: {  	v4 =	vmul.f32 v5, v4  }
0x2f4: {  	v3 =	vld.idx.msk [tilespmem:v3+s12+$0x0], $0xffff  }
0x2f5: {  	v4 =	vsub.f32 $0.0e+00, v4;
	_ =	sdelay $0x1  }
0x2f6: {  	s8 =	sor.u32 $0x10, s0;
	v4 =	vmul.f32 v4, v6  }
0x2f7: {  	v49 =	vmov s8  }
0x2f8: {  	v50 =	vshll.u32 v49, $0x1;
	v3 =	vmul.f32 v4, v3  }
0x2f9: {  	v4 =	vor.u32 v1, v50  }
0x2fa: {  	[tilespmem:s0+$0x16C00] =	vst v3;
	v3 =	vand.u32 $0x7FFFFFF8, v4  }
0x2fb: {  	v51 =	vld [tilespmem:s0+$0x11E10];
	v3 =	vor.u32 v2, v3  }
0x2fc: {  	v52 =	vld [tilespmem:s0+$0x13810];
	_ =	sdelay $0x3  }
0x2fd: {  	v53 =	vld.idx.msk [tilespmem:v3+s11+$0x0], $0xffff  }
0x2fe: {  	v4 =	vmul.f32 v52, v51  }
0x2ff: {  	v3 =	vld.idx.msk [tilespmem:v3+s12+$0x0], $0xffff  }
0x300: {  	v4 =	vsub.f32 $0.0e+00, v4;
	_ =	sdelay $0x1  }
0x301: {  	s30 =	sor.u32 $0x20, s0;
	v4 =	vmul.f32 v4, v53  }
0x302: {  	v54 =	vmov s30  }
0x303: {  	v55 =	vshll.u32 v54, $0x1;
	v3 =	vmul.f32 v4, v3  }
0x304: {  	v4 =	vor.u32 v1, v55  }
0x305: {  	[tilespmem:s0+$0x16C10] =	vst v3;
	v3 =	vand.u32 $0x7FFFFFF8, v4  }
0x306: {  	v56 =	vld [tilespmem:s0+$0x11E20];
	v3 =	vor.u32 v2, v3  }
0x307: {  	v57 =	vld [tilespmem:s0+$0x13820];
	_ =	sdelay $0x3  }
0x308: {  	v58 =	vld.idx.msk [tilespmem:v3+s11+$0x0], $0xffff  }
0x309: {  	v4 =	vmul.f32 v57, v56  }
0x30a: {  	v3 =	vld.idx.msk [tilespmem:v3+s12+$0x0], $0xffff  }
0x30b: {  	v4 =	vsub.f32 $0.0e+00, v4;
	_ =	sdelay $0x1  }
0x30c: {  	s31 =	sor.u32 $0x30, s0;
	v4 =	vmul.f32 v4, v58  }
0x30d: {  	v59 =	vmov s31  }
0x30e: {  	v60 =	vshll.u32 v59, $0x1;
	v3 =	vmul.f32 v4, v3  }
0x30f: {  	v4 =	vor.u32 v1, v60  }
0x310: {  	[tilespmem:s0+$0x16C20] =	vst v3;
	v3 =	vand.u32 $0x7FFFFFF8, v4  }
0x311: {  	v61 =	vld [tilespmem:s0+$0x11E30];
	v3 =	vor.u32 v2, v3  }
0x312: {  	v62 =	vld [tilespmem:s0+$0x13830];
	_ =	sdelay $0x3  }
0x313: {  	v63 =	vld.idx.msk [tilespmem:v3+s11+$0x0], $0xffff  }
0x314: {  	v4 =	vmul.f32 v62, v61  }
0x315: {  	v3 =	vld.idx.msk [tilespmem:v3+s12+$0x0], $0xffff  }
0x316: {  	v4 =	vsub.f32 $0.0e+00, v4  }
0x317: {  	p2 =	por p1, p1  }
.Ltmp9:
0x318: {  	v4 =	vmul.f32 v4, v63;
	(pc) =	sbr.rel @p2 .LBB2_14-.Ltmp9, $3  }
0x319: {  	_ = 	snop  }
0x31a: {  	v3 =	vmul.f32 v4, v3;
	_ =	sdelay $0x1  }
0x31b: {  	p1 =	por $0x0, $0x0;
	[tilespmem:s0+$0x16C30] =	vst v3;
	s0 =	simm.s32 $0x40  }
.Ltmp10:
0x31c: {  	s0 =	rddreg [dreg:$0xe];
	s8 =	simm.s32 $0x16C00;
	(pc) =	sbr.rel .LBB2_16-.Ltmp10, $4  }
0x31d: {  	[hbm4b:s0+s3] =	stream.linear.scatter [tilespmem:s8], [sflag:$0x7], $0x80, $0x38;
	[tilespmem:$0x18680] =	vst v63  }
0x31e: {  	_ =	swait.ge [sflag:s24], $0x80  }
0x31f: {  	[sflag:s24] =	ssyncset.done $0x0  }
0x320: {  	s8 =	rddreg [dreg:$0x10];
	[sflag:s24] =	ssyncadd.s32 $0xFFFFFF80  }
.LBB2_17:
0x321: {  	_ =	sfence.sel $0x180000  }
0x322: {  	[bflag:$0x0] =	sbarrier.arrive $0xFFFF  }
0x323: {  	_ =	strace $0x9000004D  }
0x324: {  	s0 =	stileid.u32;
	[bflag:$0x2] =	sbarrier.arrive $0xFFFF  }
0x325: {  	p0 =	sne.s32 s0, $0x0;
	s0 =	rddreg [dreg:$0x2]  }
0x326: {  	s0 =	sadd.s32 @!p0 $0x100000, s0  }
0x327: {  	[sflag:s0] =	ssyncadd.tile.s32 @!p0 $0x1;
	_ =	shalt  }
.Lfunc_end2:
_tile_overlayer_lowered:
.L_overlay_start_2:
0x328: {  	(tag) =	ssettag $0x2  }
0x329: {  	s0 =	rddreg [dreg:$0x0];
	s2 =	stileid.u32  }
0x32a: {  	s1 =	rddreg [dreg:$0x1];
	p0 =	sne.s32 s2, $0x0  }
0x32b: {  	s3 =	rddreg [dreg:$0x2];
	[bflag:$0x3] =	sbarrier.arrive $0xFFFF;
	s2 =	simm.s32 @!p0 $0x1C07  }
0x32c: {  	[timem:s3], [sflag:s2] =	dma.local @!p0 [hbm:s0], s1  }
0x32d: {  	s0 =	simm.s32 @!p0 $0x7  }
0x32e: {  	_ =	swait.ge @!p0 [sflag:s0], s1  }
0x32f: {  	s1 =	ssub.s32 @!p0 $0x0, s1;
	[sflag:s0] =	ssyncset.done @!p0 $0x0  }
0x330: {  	[sflag:s0] =	ssyncadd.s32 @!p0 s1  }
0x331: {  	[bflag:$0x3] =	sbarrier.arrive $0xFFFF  }
0x332: {  	_ =	shalt  }

// kernel: kernel.5.cloned.1.call-start
scs
__scs_entry_jumppad:
0x0: {  	(pc) =	sbr.rel $0x88, $3  }
0x1: {  	(tag) =	ssettag $0x0;
	lr =	simm.s32 $0x1  }
0x2: {  	[smem:$0x3F9F] =	sst lr;
	_ =	strace $0xD0000000  }
0x3: {  	_ = 	snop  }
0x4: {  	_ = 	snop  }
0x5: {  	_ = 	snop  }
0x6: {  	_ = 	snop  }
0x7: {  	_ = 	snop  }
__scs_overlays_trampoline_lowered:
0x8: {  	[smem:$0x3FAE] =	sst s0  }
0x9: {  	[smem:$0x3FAF] =	sst s1  }
0xa: {  	[smem:$0x3FB0] =	sst s2  }
0xb: {  	[smem:$0x3FB1] =	sst s3  }
0xc: {  	[smem:$0x3FB2] =	sst s4  }
0xd: {  	[smem:$0x3FB3] =	sst s5  }
0xe: {  	[smem:$0x3FB4] =	sst s6  }
0xf: {  	[smem:$0x3FB5] =	sst s7  }
0x10: {  	[smem:$0x3FB6] =	sst s8  }
0x11: {  	[smem:$0x3FB7] =	sst s9;
	s0 =	simm.s32 @!p0 $0x0  }
0x12: {  	s1 =	sld [smem:$0x3F9D];
	s0 =	simm.s32 @p0 $0x1  }
0x13: {  	[smem:$0x3FB8] =	sst s0;
	s0 =	simm.s32 @!p1 $0x0  }
0x14: {  	s2 =	sld [smem:$0x3F9C];
	s0 =	simm.s32 @p1 $0x1  }
0x15: {  	[smem:$0x3FB9] =	sst s0;
	s0 =	simm.s32 @!p2 $0x0  }
0x16: {  	s3 =	sld [smem:$0x3FDB];
	s0 =	simm.s32 @p2 $0x1  }
0x17: {  	s4 =	simm.s32 $0x1BF5;
	[smem:$0x3FBB] =	sst s0  }
0x18: {  	s0 =	sld [smem:$0x3F9E];
	_ =	swait.ge [sflag:s4], $0x0  }
0x19: {  	s7 =	sld [smem:$0x3F9F]  }
0x1a: {  	s8 =	sadd.s32 $0xFFFFE003, lr  }
0x1b: {  	s9 =	sadd.s32 $0xFFFFFEF7, lr;
	s5 =	simm.s32 $0xFFFFFFFF;
	p2 =	slt.u32 s8, $0xFFFFF086  }
0x1c: {  	p1 =	slt.u32 s9, $0xF7A;
	s5 =	simm.s32 @!p2 $0x0  }
0x1d: {  	s5 =	simm.s32 @p1 $0x1;
	p0 =	seq.s32 s7, s2  }
0x1e: {  	s7 =	smul.u32 @!p0 $0xF7A, s2;
	p2 =	seq.s32 @!p0 s5, $0x0  }
0x1f: {  	s9 =	smul.u32 $0xF7A, s1;
	s8 =	simm.s32 @!p0 $0x1BF5;
	p2 =	por !p2, p0  }
0x20: {  	[sflag:s8] =	ssyncset.s32 @!p0 $0xFFFFF086;
	s6 =	sadd.s32 @!p0 s3, s7;
	s7 =	simm.s32 @!p0 $0x108  }
0x21: {  	s3 =	sadd.s32 s3, s9;
	s6 =	sadd.s32 @!p0 $0x88, s6;
	s7 =	simm.s32 @p2 $0x1082  }
0x22: {  	[simem:s7], [sflag:s8] =	dma.local @!p0 [hbm:s6], $0xF7A  }
0x23: {  	s9 =	sor.u32 $0xD0000000, s2;
	s6 =	simm.s32 $0x108;
	_ =	swait.ge @!p0 [sflag:s8], $0x0  }
0x24: {  	s3 =	sadd.s32 $0x88, s3;
	s6 =	simm.s32 @!p1 $0x1082;
	[sflag:s4] =	ssyncset.s32 $0xFFFFF086  }
0x25: {  	[simem:s6], [sflag:s4] =	dma.local [hbm:s3], $0xF7A  }
0x26: {  	[smem:$0x3F9F] =	sst s1;
	(tag) =	ssettag s2;
	_ =	strace s9  }
0x27: {  	s1 =	sld [smem:$0x3FAF]  }
0x28: {  	s2 =	sld [smem:$0x3FB0]  }
0x29: {  	s4 =	sld [smem:$0x3FB2]  }
0x2a: {  	p0 =	seq.s32 s5, $0x0;
	s5 =	sld [smem:$0x3FB3]  }
0x2b: {  	s6 =	sld [smem:$0x3FB4]  }
0x2c: {  	s7 =	sld [smem:$0x3FB5]  }
0x2d: {  	s3 =	simm.s32 $0x108;
	s8 =	sld [smem:$0x3FB6]  }
0x2e: {  	s3 =	simm.s32 @!p0 $0x1082;
	s9 =	sld [smem:$0x3FB7]  }
0x2f: {  	lr =	sadd.s32 s0, s3;
	s0 =	sld [smem:$0x3FAE]  }
0x30: {  	s3 =	sld [smem:$0x3FB1]  }
0x31: {  	[smem:$0x3FBA] =	sst s10  }
0x32: {  	s10 =	sld [smem:$0x3FB8];
	_ =	sdelay $0x3  }
0x33: {  	p0 =	seq.s32 s10, $0x1;
	s10 =	sld [smem:$0x3FBA];
	_ =	sdelay $0x3  }
0x34: {  	[smem:$0x3FBA] =	sst s10  }
0x35: {  	s10 =	sld [smem:$0x3FB9];
	_ =	sdelay $0x3  }
0x36: {  	p1 =	seq.s32 s10, $0x1;
	s10 =	sld [smem:$0x3FBA];
	_ =	sdelay $0x3  }
0x37: {  	[smem:$0x3FBA] =	sst s10  }
0x38: {  	s10 =	sld [smem:$0x3FBB]  }
0x39: {  	_ = 	snop;
	(pc) =	sbr.ind lr, $3  }
0x3a: {  	_ = 	snop  }
0x3b: {  	_ = 	snop  }
0x3c: {  	p2 =	seq.s32 s10, $0x1;
	s10 =	sld [smem:$0x3FBA]  }
0x3d: {  	_ =	shalt  }
0x3e: {  	_ =	shalt  }
0x3f: {  	_ =	shalt  }
0x40: {  	_ =	shalt  }
0x41: {  	_ =	shalt  }
0x42: {  	_ =	shalt  }
0x43: {  	_ =	shalt  }
0x44: {  	_ =	shalt  }
0x45: {  	_ =	shalt  }
0x46: {  	_ =	shalt  }
0x47: {  	_ =	shalt  }
0x48: {  	_ =	shalt  }
0x49: {  	_ =	shalt  }
0x4a: {  	_ =	shalt  }
0x4b: {  	_ =	shalt  }
0x4c: {  	_ =	shalt  }
0x4d: {  	_ =	shalt  }
0x4e: {  	_ =	shalt  }
0x4f: {  	_ =	shalt  }
0x50: {  	_ =	shalt  }
0x51: {  	_ =	shalt  }
0x52: {  	_ =	shalt  }
0x53: {  	_ =	shalt  }
0x54: {  	_ =	shalt  }
0x55: {  	_ =	shalt  }
0x56: {  	_ =	shalt  }
0x57: {  	_ =	shalt  }
0x58: {  	_ =	shalt  }
0x59: {  	_ =	shalt  }
0x5a: {  	_ =	shalt  }
0x5b: {  	_ =	shalt  }
0x5c: {  	_ =	shalt  }
0x5d: {  	_ =	shalt  }
0x5e: {  	_ =	shalt  }
0x5f: {  	_ =	shalt  }
0x60: {  	_ =	shalt  }
0x61: {  	_ =	shalt  }
0x62: {  	_ =	shalt  }
0x63: {  	_ =	shalt  }
0x64: {  	_ =	shalt  }
0x65: {  	_ =	shalt  }
0x66: {  	_ =	shalt  }
0x67: {  	_ =	shalt  }
0x68: {  	_ =	shalt  }
0x69: {  	_ =	shalt  }
0x6a: {  	_ =	shalt  }
0x6b: {  	_ =	shalt  }
0x6c: {  	_ =	shalt  }
0x6d: {  	_ =	shalt  }
0x6e: {  	_ =	shalt  }
0x6f: {  	_ =	shalt  }
0x70: {  	_ =	shalt  }
0x71: {  	_ =	shalt  }
0x72: {  	_ =	shalt  }
0x73: {  	_ =	shalt  }
0x74: {  	_ =	shalt  }
0x75: {  	_ =	shalt  }
0x76: {  	_ =	shalt  }
0x77: {  	_ =	shalt  }
0x78: {  	_ =	shalt  }
0x79: {  	_ =	shalt  }
0x7a: {  	_ =	shalt  }
0x7b: {  	_ =	shalt  }
0x7c: {  	_ =	shalt  }
0x7d: {  	_ =	shalt  }
0x7e: {  	_ =	shalt  }
0x7f: {  	_ =	shalt  }
0x80: {  	_ =	shalt  }
0x81: {  	_ =	shalt  }
0x82: {  	_ =	shalt  }
0x83: {  	_ =	shalt  }
0x84: {  	_ =	shalt  }
0x85: {  	_ =	shalt  }
0x86: {  	_ =	shalt  }
0x87: {  	_ =	shalt  }
.Lfunc_end0:
.L_simem_size_0:
called_computation_lowered:
.L_overlay_start_0:
0x88: {  	s2 =	sld [smem:$0x3FD9]  }
0x89: {  	s3 =	sld [smem:$0x3FFE];
	_ =	sdelay $0x1  }
0x8a: {  	s1 =	srdreg.scid  }
0x8b: {  	s0 =	sand.u32 $0x1, s1  }
0x8c: {  	s17 =	sshll.u32 s0, $0xA;
	s2 =	sadd.s32 s3, s2  }
0x8d: {  	s2 =	sadd.s32 s2, s17  }
0x8e: {  	[smem:$0x3FC6] =	sst s2  }
0x8f: {  	_ = 	snop  }
0x90: {  	s2 =	sld [smem:$0x3FD0];
	(tm) =	ssettm $0x1  }
0x91: {  	s18 =	sld [smem:$0x3FFB];
	_ =	sdelay $0x3  }
0x92: {  	_ =	strace s18  }
0x93: {  	s3 =	sld [smem:$0x3FFC];
	_ =	sdelay $0x3  }
0x94: {  	_ =	strace s3  }
0x95: {  	s3 =	sld [smem:$0x3FFD];
	_ =	sdelay $0x3  }
0x96: {  	_ =	strace s3  }
0x97: {  	_ =	strace $0x8FFFFFFF  }
0x98: {  	s19 =	sld [smem:$0x3FDB];
	_ =	sdelay $0x1  }
0x99: {  	s4 =	simm.s32 $_scs_section_size  }
0x9a: {  	s5 =	simm.s32 $_size__tile_overlayer_lowered;
	s6 =	simm.s32 $_tile_overlayer_lowered  }
0x9b: {  	s22 =	simm.s32 $0x1BFF;
	s21 =	sshll.u32 s6, $0x1;
	s3 =	sadd.s32 s4, s19  }
0x9c: {  	s7 =	simm.s32 $0x0;
	s20 =	sshll.u32 s5, $0x1;
	s5 =	sadd.s32 s21, s3  }
0x9d: {  	[timem:s7], [sflag:s22] =	dma.local [hbm:s5], s20  }
0x9e: {  	_ =	swait.ge [sflag:s22], s20  }
0x9f: {  	s4 =	ssub.s32 $0x0, s20;
	[sflag:s22] =	ssyncset.done $0x0  }
0xa0: {  	[sflag:s22] =	ssyncadd.s32 s4;
	_ =	sdelay $0x1  }
0xa1: {  	s23 =	simm.s32 $0x1B8B  }
0xa2: {  	_ =	swait.ge [sflag:s23], $0x1  }
0xa3: {  	[sflag:s23] =	ssyncset.done $0x0  }
0xa4: {  	s25 =	simm.s32 $0x1B8E;
	s24 =	sld [smem:$0x3FFE];
	[sflag:s23] =	ssyncadd.s32 $0xFFFFFFFF  }
0xa5: {  	s26 =	simm.s32 $execute0_lowered;
	[smem:$0x3FD2] =	sst s25  }
0xa6: {  	s5 =	sshll.u32 s26, $0x1;
	_ =	strace $0x80000046;
	[dreg:$0x1] =	wrdreg $0xFFFFFFFF  }
0xa7: {  	s28 =	simm.s32 $_size_execute0_lowered;
	s3 =	sadd.s32 s3, s5;
	[dreg:$0x0] =	wrdreg $0x0  }
0xa8: {  	s5 =	sshll.u32 s28, $0x1;
	[dreg:$0x2] =	wrdreg s3  }
0xa9: {  	[dreg:$0x3] =	wrdreg s5  }
0xaa: {  	[dreg:$0x4] =	wrdreg $0xC0  }
0xab: {  	_ =	task [dreg:s7], $0x5FFFF  }
0xac: {  	[dreg:$0x1] =	wrdreg $0xFFFFFFFF  }
0xad: {  	[dreg:$0x0] =	wrdreg $0x60  }
0xae: {  	[dreg:$0x2] =	wrdreg s2  }
0xaf: {  	[dreg:$0x3] =	wrdreg s24  }
0xb0: {  	[dreg:$0x4] =	wrdreg $0xA9E00  }
0xb1: {  	[dreg:$0x5] =	wrdreg $0x9  }
0xb2: {  	_ =	task.clear_ibuf [dreg:s7], $0x6FFFF;
	_ =	strace $0x90000046  }
0xb3: {  	s29 =	simm.s32 $0x9;
	_ =	strace $0x80000048  }
0xb4: {  	_ =	swait.ge [sflag:s29], $0x1  }
0xb5: {  	[sflag:s29] =	ssyncadd.s32 $0xFFFFFFFF  }
0xb6: {  	_ =	strace $0x90000048  }
0xb7: {  	_ =	sfence  }
0xb8: {  	s30 =	sld [smem:$0x0];
	_ =	sdelay $0x2  }
0xb9: {  	s31 =	sshll.u32 s1, $0xD;
	s1 =	sshrl.u32 s1, $0x2  }
0xba: {  	s3 =	sand.u32 $0x4000, s31;
	s1 =	sadd.s32 s1, s30  }
0xbb: {  	s0 =	sor.u32 s3, s0;
	s1 =	sshll.u32 s1, $0x11  }
0xbc: {  	s0 =	sor.u32 s1, s0  }
0xbd: {  	s0 =	sadd.s32 $0x8F2B, s0  }
0xbe: {  	[sflag:s0] =	ssyncadd.remote.s32 $0x1  }
0xbf: {  	_ =	sfence.sel $0xFFFF  }
0xc0: {  	[dreg:$0x0] =	wrdreg $0xFFFFFFFF;
	(pc) =	sbr.abs _section_cstart, $3  }
0xc1: {  	[dreg:$0x1] =	wrdreg $0xFFFFFFFF  }
0xc2: {  	_ =	task.clear_ibuf [dreg:s7], $0x2FFFF;
	_ =	strace $0x9FFFFFFF  }
0xc3: {  	(tm) =	ssettm $0x7FFFFFFF  }
tec
execute0_lowered:
.L_overlay_start_1:
0x0: {  	(tag) =	ssettag $0x1  }
0x1: {  	s1 =	rddreg [dreg:$0x0]  }
0x2: {  	s0 =	rddreg [dreg:$0x1]  }
0x3: {  	s3 =	rddreg [dreg:$0x2];
	s4 =	simm.s32 $0x0;
	s2 =	srdreg.scid  }
0x4: {  	s24 =	stileid.u32;
	s17 =	simm.s32 $0x2D00;
	s18 =	simm.s32 $0x4  }
0x5: {  	s19 =	simm.s32 $0xF00;
	s20 =	simm.s32 $0x1;
	s21 =	simm.s32 $0x780  }
0x6: {  	s22 =	simm.s32 $0x6900;
	s28 =	simm.s32 $0xA6E0;
	s31 =	simm.s32 $0x0  }
0x7: {  	[smem:$0x7FF] =	sst s4;
	s2 =	sand.u32 $0x1, s2;
	s5 =	sshll.u32 s24, $0x1  }
0x8: {  	s13 =	smul.u32 $0x6200, s24;
	p0 =	sgt.u32 s24, $0x7;
	s24 =	simm.s32 $0x3  }
0x9: {  	_ =	strace $0x80000047;
	s6 =	sor.u32 s2, s5;
	s5 =	sadd.s32 $0x1200, s0  }
0xa: {  	s7 =	ssub.s32 $0x2, s2;
	s0 =	sadd.s32 $0xC4800, s0;
	s2 =	smul.u32 $0x62000, s2  }
0xb: {  	s8 =	smul.u32 $0xC340, s6;
	s9 =	sshrl.u32 s7, $0x1;
	s6 =	smin.u32 s6, $0x10  }
0xc: {  	s14 =	sadd.s32 $0x3C00, s13;
	s16 =	ssub.s32 s7, s9;
	s6 =	sshll.u32 s6, $0x5  }
0xd: {  	s7 =	sadd.s32 s14, s3;
	s29 =	sadd.s32 s13, s2;
	s2 =	sadd.s32 s2, s14  }
0xe: {  	s8 =	sadd.s32 s8, s6;
	s6 =	sadd.s32 s13, s3;
	s30 =	sshrl.u32 s29, $0x3  }
0xf: {  	s2 =	sshrl.u32 s2, $0x3;
	s16 =	smax.u32 s16, $0x1;
	s23 =	sshrl.u32 s8, $0x3  }
0x10: {  	s10 =	sshrl.u32 s8, $0x1;
	s15 =	sadd.s32 $0xC300, s8;
	s11 =	sadd.s32 $0xF00, s8  }
.Ltmp0:
0x11: {  	s14 =	sadd.s32 s0, s30;
	s9 =	sadd.s32 s1, s23;
	(pc) =	sbr.rel .LBB2_1-.Ltmp0, $4  }
0x12: {  	s25 =	sadd.s32 s5, s10;
	s10 =	sadd.s32 $0x780, s8;
	s12 =	sshrl.u32 s15, $0x3  }
0x13: {  	s26 =	sshrl.u32 s15, $0x1;
	s15 =	sadd.s32 s0, s2;
	[dreg:$0x4] =	wrdreg s9  }
0x14: {  	v0 =	vlaneseq.u32;
	s23 =	simm.s32 $0x2;
	[dreg:$0x5] =	wrdreg s25;
	s8 =	sand.u32 $0x1FFFFFF0, s26  }
0x15: {  	v1 =	vimm.f32 $0.0e+00;
	v2 =	vmul.u32 $0x2, v0;
	v3 =	vand.u32 $0x3, v0;
	s12 =	sadd.s32 s1, s12;
	s25 =	simm.s32 $0xA500;
	s13 =	sadd.s32 s5, s8  }
.LBB2_17:
0x16: {  	[bflag:$0x0] =	sbarrier.arrive $0xFFFF  }
0x17: {  	[tilespmem:s17], [sflag:$0x4] =	stream.linear.gather [spmem:s6], $0x3C00, $0x38;
	[tilespmem:$0xDAE0] =	vst v63  }
0x18: {  	_ =	swait.ge [sflag:s18], $0x3C00  }
0x19: {  	[sflag:s18] =	ssyncset.done $0x0  }
0x1a: {  	[sflag:s18] =	ssyncadd.s32 $0xFFFFC400  }
0x1b: {  	[hbm4b:s14+s4] =	stream.linear.scatter [tilespmem:s17], [sflag:$0x4], $0x3C00, $0x38;
	[tilespmem:$0xDAE0] =	vst v63  }
0x1c: {  	_ =	swait.ge [sflag:s18], $0x3C00  }
0x1d: {  	[sflag:s18] =	ssyncset.done $0x0  }
0x1e: {  	[sflag:s18] =	ssyncadd.s32 $0xFFFFC400  }
0x1f: {  	[tilespmem:s22], [sflag:$0x4] =	stream.linear.gather [spmem:s7], $0x2600, $0x38;
	[tilespmem:$0xDAE0] =	vst v63  }
0x20: {  	s31 =	sadd.s32 $0x1, s31;
	_ =	swait.ge [sflag:s18], $0x2600  }
0x21: {  	p1 =	sne.s32 s31, s16;
	[sflag:s18] =	ssyncset.done $0x0  }
.Ltmp1:
0x22: {  	[sflag:s18] =	ssyncadd.s32 $0xFFFFDA00;
	(pc) =	sbr.rel @!p1 .LBB2_18-.Ltmp1, $4  }
0x23: {  	[hbm4b:s15+s4] =	stream.linear.scatter [tilespmem:s22], [sflag:$0x4], $0x2600, $0x38;
	[tilespmem:$0xDAE0] =	vst v63  }
0x24: {  	_ =	swait.ge [sflag:s18], $0x2600  }
0x25: {  	[sflag:s18] =	ssyncset.done $0x0  }
0x26: {  	[sflag:s18] =	ssyncadd.s32 $0xFFFFDA00  }
.LBB2_1:
0x27: {  	v4 =	vmov s4  }
0x28: {  	v5 =	vor.u32 s4, v0;
	v6 =	vshrl.u32 v4, $0x2  }
0x29: {  	v5 =	vand.u32 $0x7F, v5;
	v6 =	vand.u32 $0x780, v6  }
0x2a: {  	v4 =	vshrl.u32 v4, $0x7;
	v5 =	vor.u32 v5, v6  }
0x2b: {  	v4 =	vand.u32 $0x3, v4;
	v5 =	vshll.u32 v5, $0x3  }
0x2c: {  	s0 =	simm.s32 $0x10;
	v4 =	vor.u32 v4, v5  }
.LBB2_2:
0x2d: {  	v5 =	vmov s0;
	p1 =	sne.s32 s0, $0x1DF0;
	s2 =	smov.u32 s0;
	s0 =	sadd.s32 $0x10, s0  }
.Ltmp2:
0x2e: {  	v6 =	vor.u32 s2, v0;
	v7 =	vshrl.u32 v5, $0x2;
	(pc) =	sbr.rel @p1 .LBB2_2-.Ltmp2, $4  }
0x2f: {  	v7 =	vand.u32 $0x780, v7;
	v6 =	vand.u32 $0x7F, v6  }
0x30: {  	v5 =	vshrl.u32 v5, $0x7;
	v6 =	vor.u32 v6, v7  }
0x31: {  	v5 =	vand.u32 $0x3, v5;
	v6 =	vshll.u32 v6, $0x3;
	[tilespmem:v4+s17+$0x0] =	vst.idx.msk $0xffff, v1  }
0x32: {  	v4 =	vor.u32 v5, v6  }
0x33: {  	_ =	sdelay $0x3  }
0x34: {  	[tilespmem:v4+s17+$0x0] =	vst.idx.msk $0xffff, v1  }
0x35: {  	[spmem:s6] =	stream.linear.scatter [tilespmem:s17], [sflag:$0x4], $0x3C00, $0x38;
	[tilespmem:$0xDAE0] =	vst v63  }
0x36: {  	_ =	swait.ge [sflag:s18], $0x3C00  }
0x37: {  	[sflag:s18] =	ssyncset.done $0x0  }
0x38: {  	[sflag:s18] =	ssyncadd.s32 $0xFFFFC400  }
0x39: {  	[spmem:s7] =	stream.linear.scatter [tilespmem:s17], [sflag:$0x4], $0x2600, $0x38;
	[tilespmem:$0xDAE0] =	vst v63  }
0x3a: {  	_ =	swait.ge [sflag:s18], $0x2600  }
0x3b: {  	[sflag:s18] =	ssyncset.done $0x0  }
0x3c: {  	[sflag:s18] =	ssyncadd.s32 $0xFFFFDA00  }
0x3d: {  	[bflag:$0x0] =	sbarrier.arrive $0xFFFF  }
0x3e: {  	s0 =	simm.s32 $0x0;
	s2 =	rddreg [dreg:$0x4]  }
0x3f: {  	[tilespmem:s0], [sflag:$0x1] =	stream.linear.gather [hbm4b:s2+s0], $0x780, $0x38;
	[tilespmem:$0xDAE0] =	vst v63  }
0x40: {  	s30 =	rddreg [dreg:$0x5];
	s2 =	simm.s32 $0x0  }
0x41: {  	[tilespmem:s19], [sflag:$0x1] =	stream.linear.gather [hbm4b:s30+s0], $0x1E00, $0x38;
	[tilespmem:$0xDAE0] =	vst v63  }
.LBB2_4:
0x42: {  	_ =	swait.ge [sflag:s20], $0x780  }
0x43: {  	[sflag:s20] =	ssyncset.done $0x0  }
0x44: {  	[sflag:s20] =	ssyncadd.s32 $0xFFFFF880  }
0x45: {  	v4 =	vmov s0;
	_ =	swait.ge [sflag:s20], $0x1E00  }
0x46: {  	v5 =	vor.u32 s0, v0;
	v6 =	vshrl.u32 v4, $0x2;
	[sflag:s20] =	ssyncset.done $0x0  }
0x47: {  	s29 =	simm.s32 $0xF20;
	v5 =	vand.u32 $0x4F, v5;
	v6 =	vand.u32 $0x780, v6;
	[sflag:s20] =	ssyncadd.s32 $0xFFFFE200  }
0x48: {  	v4 =	vshrl.u32 v4, $0x7;
	v5 =	vor.u32 v5, v6;
	v6 =	vld [tilespmem:s29+$0xFFFFFFE0]  }
0x49: {  	v4 =	vand.u32 $0x3, v4;
	v5 =	vshll.u32 v5, $0x3  }
0x4a: {  	v4 =	vor.u32 v4, v5;
	_ =	sdelay $0x1  }
0x4b: {  	s8 =	simm.s32 $0x10  }
0x4c: {  	v5 =	vmul.f32 v6, v6;
	v6 =	vmov s8  }
0x4d: {  	v7 =	vor.u32 s8, v0;
	v8 =	vshrl.u32 v6, $0x2  }
0x4e: {  	[tilespmem:v4+s17+$0x0] =	vst.idx.msk $0xffff, v5;
	v4 =	vand.u32 $0x780, v8;
	v5 =	vand.u32 $0x5F, v7  }
0x4f: {  	v6 =	vshrl.u32 v6, $0x7;
	v4 =	vor.u32 v5, v4;
	v5 =	vld [tilespmem:s29+$0xFFFFFFF0]  }
0x50: {  	v6 =	vand.u32 $0x3, v6;
	v4 =	vshll.u32 v4, $0x3  }
0x51: {  	v4 =	vor.u32 v6, v4;
	_ =	sdelay $0x1  }
0x52: {  	s9 =	simm.s32 $0x20  }
0x53: {  	v6 =	vmov s9;
	v5 =	vmul.f32 v5, v5  }
0x54: {  	v7 =	vor.u32 s9, v0;
	v8 =	vshrl.u32 v6, $0x2  }
0x55: {  	[tilespmem:v4+s17+$0x0] =	vst.idx.msk $0xffff, v5;
	v4 =	vand.u32 $0x780, v8;
	v5 =	vand.u32 $0x6F, v7  }
0x56: {  	v6 =	vshrl.u32 v6, $0x7;
	v4 =	vor.u32 v5, v4;
	v5 =	vld [tilespmem:s29+$0x0]  }
0x57: {  	v6 =	vand.u32 $0x3, v6;
	v4 =	vshll.u32 v4, $0x3  }
0x58: {  	v4 =	vor.u32 v6, v4;
	_ =	sdelay $0x2  }
0x59: {  	v5 =	vmul.f32 v5, v5  }
0x5a: {  	s26 =	simm.s32 $0x30  }
0x5b: {  	[tilespmem:v4+s17+$0x0] =	vst.idx.msk $0xffff, v5;
	v4 =	vmov s26  }
0x5c: {  	v6 =	vor.u32 s26, v0;
	v7 =	vshrl.u32 v4, $0x2  }
0x5d: {  	v6 =	vand.u32 $0x7F, v6;
	v7 =	vand.u32 $0x780, v7  }
0x5e: {  	v5 =	vld [tilespmem:s29+$0x10];
	v4 =	vshrl.u32 v4, $0x7;
	v6 =	vor.u32 v6, v7  }
0x5f: {  	v4 =	vand.u32 $0x3, v4;
	v6 =	vshll.u32 v6, $0x3  }
0x60: {  	v4 =	vor.u32 v4, v6;
	_ =	sdelay $0x1  }
0x61: {  	s30 =	simm.s32 $0x40  }
0x62: {  	v9 =	vmov s30;
	v6 =	vmul.f32 v5, v5  }
0x63: {  	v8 =	vshrl.u32 v9, $0x2;
	s26 =	simm.s32 $0x4;
	v7 =	vor.u32 s30, v0;
	v5 =	vshrl.u32 v9, $0x7  }
.LBB2_5:
0x64: {  	s26 =	sadd.s32 $0x4, s26;
	v8 =	vand.u32 $0x780, v8;
	v7 =	vand.u32 $0x4F, v7;
	[tilespmem:v4+s17+$0x0] =	vst.idx.msk $0xffff, v6;
	s29 =	sadd.s32 $0x40, s29  }
0x65: {  	p1 =	slt.u32 s26, $0x1DC;
	v4 =	vor.u32 v7, v8;
	v6 =	vld [tilespmem:s29+$0xFFFFFFE0]  }
0x66: {  	v5 =	vand.u32 $0x3, v5;
	v4 =	vshll.u32 v4, $0x3  }
0x67: {  	v4 =	vor.u32 v5, v4;
	_ =	sdelay $0x1  }
0x68: {  	s8 =	sadd.s32 $0x10, s30  }
0x69: {  	v7 =	vor.u32 s8, v0;
	v5 =	vmul.f32 v6, v6;
	v6 =	vmov s8  }
0x6a: {  	v8 =	vshrl.u32 v6, $0x2;
	v6 =	vshrl.u32 v6, $0x7  }
0x6b: {  	[tilespmem:v4+s17+$0x0] =	vst.idx.msk $0xffff, v5;
	v4 =	vand.u32 $0x780, v8;
	v5 =	vand.u32 $0x5F, v7  }
0x6c: {  	v4 =	vor.u32 v5, v4;
	v5 =	vld [tilespmem:s29+$0xFFFFFFF0]  }
0x6d: {  	v6 =	vand.u32 $0x3, v6;
	v4 =	vshll.u32 v4, $0x3  }
0x6e: {  	v4 =	vor.u32 v6, v4;
	_ =	sdelay $0x1  }
0x6f: {  	s8 =	sadd.s32 $0x20, s30  }
0x70: {  	v7 =	vor.u32 s8, v0;
	v6 =	vmov s8;
	v5 =	vmul.f32 v5, v5  }
0x71: {  	v8 =	vshrl.u32 v6, $0x2;
	v6 =	vshrl.u32 v6, $0x7  }
0x72: {  	[tilespmem:v4+s17+$0x0] =	vst.idx.msk $0xffff, v5;
	v4 =	vand.u32 $0x780, v8;
	v5 =	vand.u32 $0x6F, v7  }
0x73: {  	v4 =	vor.u32 v5, v4;
	v5 =	vld [tilespmem:s29+$0x0]  }
0x74: {  	v6 =	vand.u32 $0x3, v6;
	v4 =	vshll.u32 v4, $0x3  }
0x75: {  	v4 =	vor.u32 v6, v4;
	_ =	sdelay $0x1  }
0x76: {  	s8 =	sadd.s32 $0x30, s30  }
0x77: {  	v7 =	vor.u32 s8, v0;
	v6 =	vmov s8;
	v5 =	vmul.f32 v5, v5  }
0x78: {  	v8 =	vshrl.u32 v6, $0x2;
	v6 =	vshrl.u32 v6, $0x7  }
0x79: {  	[tilespmem:v4+s17+$0x0] =	vst.idx.msk $0xffff, v5;
	v4 =	vand.u32 $0x780, v8;
	v5 =	vand.u32 $0x7F, v7  }
0x7a: {  	v4 =	vor.u32 v5, v4;
	v5 =	vld [tilespmem:s29+$0x10]  }
0x7b: {  	v6 =	vand.u32 $0x3, v6;
	v4 =	vshll.u32 v4, $0x3  }
.Ltmp3:
0x7c: {  	v4 =	vor.u32 v6, v4;
	(pc) =	sbr.rel @p1 .LBB2_5-.Ltmp3, $4  }
0x7d: {  	_ = 	snop  }
0x7e: {  	s30 =	sadd.s32 $0x40, s30  }
0x7f: {  	v9 =	vmov s30;
	v6 =	vmul.f32 v5, v5  }
0x80: {  	v7 =	vor.u32 s30, v0;
	v8 =	vshrl.u32 v9, $0x2;
	v5 =	vshrl.u32 v9, $0x7  }
0x81: {  	_ =	sdelay $0x3  }
0x82: {  	v8 =	vand.u32 $0x780, v8;
	v7 =	vand.u32 $0x4F, v7;
	[tilespmem:v4+s17+$0x0] =	vst.idx.msk $0xffff, v6;
	s8 =	sadd.s32 $0x40, s29  }
0x83: {  	v4 =	vor.u32 v7, v8;
	v6 =	vld [tilespmem:s8+$0xFFFFFFE0]  }
0x84: {  	v5 =	vand.u32 $0x3, v5;
	v4 =	vshll.u32 v4, $0x3  }
0x85: {  	v4 =	vor.u32 v5, v4;
	_ =	sdelay $0x1  }
0x86: {  	s26 =	sadd.s32 $0x10, s30  }
0x87: {  	v5 =	vmul.f32 v6, v6;
	v6 =	vmov s26  }
0x88: {  	v7 =	vor.u32 s26, v0;
	v8 =	vshrl.u32 v6, $0x2  }
0x89: {  	[tilespmem:v4+s17+$0x0] =	vst.idx.msk $0xffff, v5;
	v4 =	vand.u32 $0x780, v8;
	v5 =	vand.u32 $0x5F, v7  }
0x8a: {  	v6 =	vshrl.u32 v6, $0x7;
	v4 =	vor.u32 v5, v4;
	v5 =	vld [tilespmem:s8+$0xFFFFFFF0]  }
0x8b: {  	v6 =	vand.u32 $0x3, v6;
	v4 =	vshll.u32 v4, $0x3  }
0x8c: {  	v4 =	vor.u32 v6, v4;
	_ =	sdelay $0x1  }
0x8d: {  	s9 =	sadd.s32 $0x20, s30  }
0x8e: {  	v6 =	vmov s9;
	v5 =	vmul.f32 v5, v5  }
0x8f: {  	v7 =	vor.u32 s9, v0;
	v8 =	vshrl.u32 v6, $0x2  }
0x90: {  	[tilespmem:v4+s17+$0x0] =	vst.idx.msk $0xffff, v5;
	v4 =	vand.u32 $0x780, v8;
	v5 =	vand.u32 $0x6F, v7  }
0x91: {  	v6 =	vshrl.u32 v6, $0x7;
	v4 =	vor.u32 v5, v4;
	v5 =	vld [tilespmem:s8+$0x0]  }
0x92: {  	v6 =	vand.u32 $0x3, v6;
	v4 =	vshll.u32 v4, $0x3  }
0x93: {  	v4 =	vor.u32 v6, v4;
	_ =	sdelay $0x1  }
0x94: {  	s9 =	sadd.s32 $0x30, s30  }
0x95: {  	v6 =	vmov s9;
	v5 =	vmul.f32 v5, v5  }
0x96: {  	v7 =	vor.u32 s9, v0;
	v8 =	vshrl.u32 v6, $0x2  }
0x97: {  	[tilespmem:v4+s17+$0x0] =	vst.idx.msk $0xffff, v5;
	v4 =	vand.u32 $0x780, v8;
	v5 =	vand.u32 $0x7F, v7  }
0x98: {  	v6 =	vshrl.u32 v6, $0x7;
	v4 =	vor.u32 v5, v4;
	v5 =	vld [tilespmem:s8+$0x10]  }
0x99: {  	v6 =	vand.u32 $0x3, v6;
	v4 =	vshll.u32 v4, $0x3  }
0x9a: {  	v4 =	vor.u32 v6, v4;
	_ =	sdelay $0x2  }
0x9b: {  	v5 =	vmul.f32 v5, v5  }
0x9c: {  	p1 =	seq.s32 s2, $0x0  }
0x9d: {  	s29 =	smul.u32 $0xF00, s2;
	s8 =	simm.s32 @!p1 $0x3;
	[tilespmem:v4+s17+$0x0] =	vst.idx.msk $0xffff, v5  }
0x9e: {  	_ =	swait.ge @!p1 [sflag:s8], $0x1E00  }
0x9f: {  	s9 =	sadd.s32 s29, s10;
	[sflag:s8] =	ssyncset.done @!p1 $0x0  }
0xa0: {  	s30 =	sshrl.u32 s9, $0x3;
	[sflag:s8] =	ssyncadd.s32 @!p1 $0xFFFFE200;
	s8 =	simm.s32 $0x0  }
0xa1: {  	[spmem:s3] =	stream.indirect.scatter.add.f32 [tilespmem:s17], [sflag:$0x2], $0x4, s8, s21, $0xb8;
	[tilespmem:$0xDAE0] =	vst v63  }
0xa2: {  	s26 =	sshrl.u32 s9, $0x1;
	s30 =	sadd.s32 s1, s30  }
0xa3: {  	[tilespmem:s21], [sflag:$0x1] =	stream.linear.gather [hbm4b:s30+s8], $0x780, $0x38;
	[tilespmem:$0xDAE0] =	vst v63  }
0xa4: {  	s26 =	sadd.s32 s5, s26  }
0xa5: {  	[tilespmem:s19], [sflag:$0x1] =	stream.linear.gather [hbm4b:s26+s8], $0x1E00, $0x38;
	[tilespmem:$0xDAE0] =	vst v63  }
0xa6: {  	_ =	swait.ge [sflag:s20], $0x780  }
0xa7: {  	[sflag:s20] =	ssyncset.done $0x0  }
0xa8: {  	[sflag:s20] =	ssyncadd.s32 $0xFFFFF880  }
0xa9: {  	v4 =	vmov s8;
	_ =	swait.ge [sflag:s20], $0x1E00  }
0xaa: {  	v5 =	vor.u32 s8, v0;
	v6 =	vshrl.u32 v4, $0x2;
	[sflag:s20] =	ssyncset.done $0x0  }
0xab: {  	v5 =	vand.u32 $0x4F, v5;
	s30 =	simm.s32 $0xF20;
	v6 =	vand.u32 $0x780, v6;
	[sflag:s20] =	ssyncadd.s32 $0xFFFFE200  }
0xac: {  	v4 =	vshrl.u32 v4, $0x7;
	v5 =	vor.u32 v5, v6;
	v6 =	vld [tilespmem:s30+$0xFFFFFFE0]  }
0xad: {  	v4 =	vand.u32 $0x3, v4;
	v5 =	vshll.u32 v5, $0x3  }
0xae: {  	v4 =	vor.u32 v4, v5;
	_ =	sdelay $0x1  }
0xaf: {  	s26 =	simm.s32 $0x10  }
0xb0: {  	v5 =	vmul.f32 v6, v6;
	v6 =	vmov s26  }
0xb1: {  	v7 =	vor.u32 s26, v0;
	v8 =	vshrl.u32 v6, $0x2  }
0xb2: {  	[tilespmem:v4+s22+$0x0] =	vst.idx.msk $0xffff, v5;
	v4 =	vand.u32 $0x780, v8;
	v5 =	vand.u32 $0x5F, v7  }
0xb3: {  	v6 =	vshrl.u32 v6, $0x7;
	v4 =	vor.u32 v5, v4;
	v5 =	vld [tilespmem:s30+$0xFFFFFFF0]  }
0xb4: {  	v6 =	vand.u32 $0x3, v6;
	v4 =	vshll.u32 v4, $0x3  }
0xb5: {  	v4 =	vor.u32 v6, v4;
	_ =	sdelay $0x1  }
0xb6: {  	s9 =	simm.s32 $0x20  }
0xb7: {  	v6 =	vmov s9;
	v5 =	vmul.f32 v5, v5  }
0xb8: {  	v7 =	vor.u32 s9, v0;
	v8 =	vshrl.u32 v6, $0x2  }
0xb9: {  	[tilespmem:v4+s22+$0x0] =	vst.idx.msk $0xffff, v5;
	v4 =	vand.u32 $0x780, v8;
	v5 =	vand.u32 $0x6F, v7  }
0xba: {  	v6 =	vshrl.u32 v6, $0x7;
	v4 =	vor.u32 v5, v4;
	v5 =	vld [tilespmem:s30+$0x0]  }
0xbb: {  	v6 =	vand.u32 $0x3, v6;
	v4 =	vshll.u32 v4, $0x3  }
0xbc: {  	v4 =	vor.u32 v6, v4;
	_ =	sdelay $0x2  }
0xbd: {  	v5 =	vmul.f32 v5, v5  }
0xbe: {  	s26 =	simm.s32 $0x30  }
0xbf: {  	[tilespmem:v4+s22+$0x0] =	vst.idx.msk $0xffff, v5;
	v4 =	vmov s26  }
0xc0: {  	v6 =	vor.u32 s26, v0;
	v7 =	vshrl.u32 v4, $0x2  }
0xc1: {  	v6 =	vand.u32 $0x7F, v6;
	v7 =	vand.u32 $0x780, v7  }
0xc2: {  	v5 =	vld [tilespmem:s30+$0x10];
	v4 =	vshrl.u32 v4, $0x7;
	v6 =	vor.u32 v6, v7  }
0xc3: {  	v4 =	vand.u32 $0x3, v4;
	v6 =	vshll.u32 v6, $0x3  }
0xc4: {  	v4 =	vor.u32 v4, v6;
	_ =	sdelay $0x1  }
0xc5: {  	s26 =	simm.s32 $0x40  }
0xc6: {  	v9 =	vmov s26;
	v6 =	vmul.f32 v5, v5  }
0xc7: {  	s8 =	simm.s32 $0x4;
	v8 =	vshrl.u32 v9, $0x2;
	v7 =	vor.u32 s26, v0;
	v5 =	vshrl.u32 v9, $0x7  }
.LBB2_7:
0xc8: {  	s8 =	sadd.s32 $0x4, s8;
	v8 =	vand.u32 $0x780, v8;
	v7 =	vand.u32 $0x4F, v7;
	[tilespmem:v4+s22+$0x0] =	vst.idx.msk $0xffff, v6;
	s30 =	sadd.s32 $0x40, s30  }
0xc9: {  	p1 =	slt.u32 s8, $0x1DC;
	v4 =	vor.u32 v7, v8;
	v6 =	vld [tilespmem:s30+$0xFFFFFFE0]  }
0xca: {  	v5 =	vand.u32 $0x3, v5;
	v4 =	vshll.u32 v4, $0x3  }
0xcb: {  	v4 =	vor.u32 v5, v4;
	_ =	sdelay $0x1  }
0xcc: {  	s9 =	sadd.s32 $0x10, s26  }
0xcd: {  	v7 =	vor.u32 s9, v0;
	v5 =	vmul.f32 v6, v6;
	v6 =	vmov s9  }
0xce: {  	v8 =	vshrl.u32 v6, $0x2;
	v6 =	vshrl.u32 v6, $0x7  }
0xcf: {  	[tilespmem:v4+s22+$0x0] =	vst.idx.msk $0xffff, v5;
	v4 =	vand.u32 $0x780, v8;
	v5 =	vand.u32 $0x5F, v7  }
0xd0: {  	v4 =	vor.u32 v5, v4;
	v5 =	vld [tilespmem:s30+$0xFFFFFFF0]  }
0xd1: {  	v6 =	vand.u32 $0x3, v6;
	v4 =	vshll.u32 v4, $0x3  }
0xd2: {  	v4 =	vor.u32 v6, v4;
	_ =	sdelay $0x1  }
0xd3: {  	s9 =	sadd.s32 $0x20, s26  }
0xd4: {  	v7 =	vor.u32 s9, v0;
	v6 =	vmov s9;
	v5 =	vmul.f32 v5, v5  }
0xd5: {  	v8 =	vshrl.u32 v6, $0x2;
	v6 =	vshrl.u32 v6, $0x7  }
0xd6: {  	[tilespmem:v4+s22+$0x0] =	vst.idx.msk $0xffff, v5;
	v4 =	vand.u32 $0x780, v8;
	v5 =	vand.u32 $0x6F, v7  }
0xd7: {  	v4 =	vor.u32 v5, v4;
	v5 =	vld [tilespmem:s30+$0x0]  }
0xd8: {  	v6 =	vand.u32 $0x3, v6;
	v4 =	vshll.u32 v4, $0x3  }
0xd9: {  	v4 =	vor.u32 v6, v4;
	_ =	sdelay $0x1  }
0xda: {  	s9 =	sadd.s32 $0x30, s26  }
0xdb: {  	v7 =	vor.u32 s9, v0;
	v6 =	vmov s9;
	v5 =	vmul.f32 v5, v5  }
0xdc: {  	v8 =	vshrl.u32 v6, $0x2;
	v6 =	vshrl.u32 v6, $0x7  }
0xdd: {  	[tilespmem:v4+s22+$0x0] =	vst.idx.msk $0xffff, v5;
	v4 =	vand.u32 $0x780, v8;
	v5 =	vand.u32 $0x7F, v7  }
0xde: {  	v4 =	vor.u32 v5, v4;
	v5 =	vld [tilespmem:s30+$0x10]  }
0xdf: {  	v6 =	vand.u32 $0x3, v6;
	v4 =	vshll.u32 v4, $0x3  }
.Ltmp4:
0xe0: {  	v4 =	vor.u32 v6, v4;
	(pc) =	sbr.rel @p1 .LBB2_7-.Ltmp4, $4  }
0xe1: {  	_ = 	snop  }
0xe2: {  	s26 =	sadd.s32 $0x40, s26  }
0xe3: {  	v9 =	vmov s26;
	v6 =	vmul.f32 v5, v5  }
0xe4: {  	v7 =	vor.u32 s26, v0;
	v8 =	vshrl.u32 v9, $0x2;
	v5 =	vshrl.u32 v9, $0x7  }
0xe5: {  	_ =	sdelay $0x3  }
0xe6: {  	v8 =	vand.u32 $0x780, v8;
	v7 =	vand.u32 $0x4F, v7;
	[tilespmem:v4+s22+$0x0] =	vst.idx.msk $0xffff, v6;
	s8 =	sadd.s32 $0x40, s30  }
0xe7: {  	v4 =	vor.u32 v7, v8;
	v6 =	vld [tilespmem:s8+$0xFFFFFFE0]  }
0xe8: {  	v5 =	vand.u32 $0x3, v5;
	v4 =	vshll.u32 v4, $0x3  }
0xe9: {  	v4 =	vor.u32 v5, v4;
	_ =	sdelay $0x1  }
0xea: {  	s9 =	sadd.s32 $0x10, s26  }
0xeb: {  	v55 =	vmov s9;
	v5 =	vmul.f32 v6, v6  }
0xec: {  	v56 =	vor.u32 s9, v0;
	v57 =	vshrl.u32 v55, $0x2  }
0xed: {  	[tilespmem:v4+s22+$0x0] =	vst.idx.msk $0xffff, v5;
	v4 =	vand.u32 $0x780, v57;
	v5 =	vand.u32 $0x5F, v56  }
0xee: {  	v6 =	vshrl.u32 v55, $0x7;
	v4 =	vor.u32 v5, v4;
	v5 =	vld [tilespmem:s8+$0xFFFFFFF0]  }
0xef: {  	v6 =	vand.u32 $0x3, v6;
	v4 =	vshll.u32 v4, $0x3  }
0xf0: {  	v4 =	vor.u32 v6, v4;
	_ =	sdelay $0x1  }
0xf1: {  	s30 =	sadd.s32 $0x20, s26  }
0xf2: {  	v58 =	vmov s30;
	v5 =	vmul.f32 v5, v5  }
0xf3: {  	v59 =	vor.u32 s30, v0;
	v60 =	vshrl.u32 v58, $0x2  }
0xf4: {  	[tilespmem:v4+s22+$0x0] =	vst.idx.msk $0xffff, v5;
	v4 =	vand.u32 $0x780, v60;
	v5 =	vand.u32 $0x6F, v59  }
0xf5: {  	v6 =	vshrl.u32 v58, $0x7;
	v4 =	vor.u32 v5, v4;
	v5 =	vld [tilespmem:s8+$0x0]  }
0xf6: {  	v6 =	vand.u32 $0x3, v6;
	v4 =	vshll.u32 v4, $0x3  }
0xf7: {  	v4 =	vor.u32 v6, v4;
	_ =	sdelay $0x1  }
0xf8: {  	s30 =	sadd.s32 $0x30, s26  }
0xf9: {  	v61 =	vmov s30;
	v5 =	vmul.f32 v5, v5  }
0xfa: {  	v62 =	vor.u32 s30, v0;
	v63 =	vshrl.u32 v61, $0x2  }
0xfb: {  	[tilespmem:v4+s22+$0x0] =	vst.idx.msk $0xffff, v5;
	v4 =	vand.u32 $0x780, v63;
	v5 =	vand.u32 $0x7F, v62  }
0xfc: {  	v6 =	vshrl.u32 v61, $0x7;
	v4 =	vor.u32 v5, v4;
	v5 =	vld [tilespmem:s8+$0x10]  }
0xfd: {  	v6 =	vand.u32 $0x3, v6;
	v4 =	vshll.u32 v4, $0x3  }
0xfe: {  	v4 =	vor.u32 v6, v4;
	_ =	sdelay $0x2  }
0xff: {  	v5 =	vmul.f32 v5, v5  }
0x100: {  	p1 =	seq.s32 s2, $0xC  }
.Ltmp5:
0x101: {  	[tilespmem:v4+s22+$0x0] =	vst.idx.msk $0xffff, v5;
	(pc) =	sbr.rel @p1 .LBB2_10-.Ltmp5, $4  }
0x102: {  	_ =	swait.ge [sflag:s23], $0x1E00  }
0x103: {  	[sflag:s23] =	ssyncset.done $0x0  }
0x104: {  	[sflag:s23] =	ssyncadd.s32 $0xFFFFE200  }
0x105: {  	[spmem:s3] =	stream.indirect.scatter.add.f32 [tilespmem:s22], [sflag:$0x3], $0x4, s21, s21, $0xb8;
	[tilespmem:$0xDAE0] =	vst v63  }
0x106: {  	s8 =	sadd.s32 s29, s11  }
.Ltmp6:
0x107: {  	s9 =	sshrl.u32 s8, $0x3;
	s8 =	sshrl.u32 s8, $0x1;
	(pc) =	sbr.rel .LBB2_4-.Ltmp6, $4  }
0x108: {  	s9 =	sadd.s32 s1, s9;
	s8 =	sand.u32 $0x1FFFFFF0, s8  }
0x109: {  	[tilespmem:s4], [sflag:$0x1] =	stream.linear.gather [hbm4b:s9+s4], $0x780, $0x38;
	[tilespmem:$0xDAE0] =	vst v63  }
0x10a: {  	s2 =	sadd.s32 $0x1, s2;
	s8 =	sadd.s32 s5, s8  }
0x10b: {  	[tilespmem:s19], [sflag:$0x1] =	stream.linear.gather [hbm4b:s8+s4], $0x1E00, $0x38;
	[tilespmem:$0xDAE0] =	vst v63  }
.LBB2_10:
.Ltmp7:
0x10c: {  	(pc) =	sbr.rel @p0 .LBB2_14-.Ltmp7, $4  }
0x10d: {  	_ = 	snop  }
0x10e: {  	_ =	swait.ge [sflag:s24], $0x1E00  }
0x10f: {  	[sflag:s24] =	ssyncset.done $0x0  }
0x110: {  	s0 =	simm.s32 $0x0;
	[sflag:s24] =	ssyncadd.s32 $0xFFFFE200  }
0x111: {  	[tilespmem:s25], [sflag:$0x4] =	stream.linear.gather [hbm4b:s12+s0], $0x60, $0x38;
	[tilespmem:$0xDAE0] =	vst v63  }
0x112: {  	_ =	swait.ge [sflag:s18], $0x60  }
0x113: {  	[sflag:s18] =	ssyncset.done $0x0  }
0x114: {  	s2 =	simm.s32 $0xA560;
	[sflag:s18] =	ssyncadd.s32 $0xFFFFFFA0  }
0x115: {  	[tilespmem:s2], [sflag:$0x4] =	stream.linear.gather [hbm4b:s13+s0], $0x180, $0x38;
	[tilespmem:$0xDAE0] =	vst v63  }
0x116: {  	_ =	swait.ge [sflag:s18], $0x180  }
0x117: {  	v4 =	vmov s0;
	[sflag:s18] =	ssyncset.done $0x0  }
0x118: {  	v4 =	vshll.u32 v4, $0x1;
	s0 =	simm.s32 $0xA580;
	[sflag:s18] =	ssyncadd.s32 $0xFFFFFE80  }
0x119: {  	v4 =	vor.u32 v2, v4;
	v5 =	vld [tilespmem:s0+$0xFFFFFFE0]  }
0x11a: {  	v4 =	vand.u32 $0x398, v4  }
0x11b: {  	v4 =	vor.u32 v3, v4;
	_ =	sdelay $0x2  }
0x11c: {  	s26 =	simm.s32 $0x10;
	v5 =	vmul.f32 v5, v5  }
0x11d: {  	v6 =	vmov s26  }
0x11e: {  	[tilespmem:v4+s28+$0x0] =	vst.idx.msk $0xffff, v5;
	v4 =	vshll.u32 v6, $0x1  }
0x11f: {  	v5 =	vld [tilespmem:s0+$0xFFFFFFF0];
	v4 =	vor.u32 v2, v4  }
0x120: {  	v4 =	vand.u32 $0x7FFFFFF8, v4  }
0x121: {  	v4 =	vor.u32 v3, v4;
	_ =	sdelay $0x2  }
0x122: {  	s29 =	simm.s32 $0x20;
	v5 =	vmul.f32 v5, v5  }
0x123: {  	v6 =	vmov s29  }
0x124: {  	[tilespmem:v4+s28+$0x0] =	vst.idx.msk $0xffff, v5;
	v4 =	vshll.u32 v6, $0x1  }
0x125: {  	v5 =	vld [tilespmem:s0+$0x0];
	v4 =	vor.u32 v2, v4  }
0x126: {  	v4 =	vand.u32 $0x7FFFFFF8, v4  }
0x127: {  	v4 =	vor.u32 v3, v4;
	_ =	sdelay $0x2  }
0x128: {  	v5 =	vmul.f32 v5, v5  }
0x129: {  	s30 =	simm.s32 $0x30  }
0x12a: {  	[tilespmem:v4+s28+$0x0] =	vst.idx.msk $0xffff, v5;
	v4 =	vmov s30  }
0x12b: {  	v4 =	vshll.u32 v4, $0x1  }
0x12c: {  	v5 =	vld [tilespmem:s0+$0x10];
	v4 =	vor.u32 v2, v4  }
0x12d: {  	v4 =	vand.u32 $0x7FFFFFF8, v4  }
0x12e: {  	v4 =	vor.u32 v3, v4;
	_ =	sdelay $0x2  }
0x12f: {  	s2 =	simm.s32 $0x40;
	v5 =	vmul.f32 v5, v5  }
0x130: {  	s8 =	simm.s32 $0x4;
	v6 =	vmov s2  }
.LBB2_12:
0x131: {  	s8 =	sadd.s32 $0x4, s8;
	v6 =	vshll.u32 v6, $0x1;
	[tilespmem:v4+s28+$0x0] =	vst.idx.msk $0xffff, v5;
	s0 =	sadd.s32 $0x40, s0  }
0x132: {  	p1 =	slt.u32 s8, $0x14;
	v4 =	vld [tilespmem:s0+$0xFFFFFFE0];
	v5 =	vor.u32 v2, v6  }
0x133: {  	v5 =	vand.u32 $0x398, v5  }
0x134: {  	v5 =	vor.u32 v3, v5;
	_ =	sdelay $0x2  }
0x135: {  	s9 =	sadd.s32 $0x10, s2;
	v4 =	vmul.f32 v4, v4  }
0x136: {  	v6 =	vmov s9  }
0x137: {  	[tilespmem:v5+s28+$0x0] =	vst.idx.msk $0xffff, v4;
	v4 =	vshll.u32 v6, $0x1  }
0x138: {  	v5 =	vld [tilespmem:s0+$0xFFFFFFF0];
	v4 =	vor.u32 v2, v4  }
0x139: {  	v4 =	vand.u32 $0x7FFFFFF8, v4  }
0x13a: {  	v4 =	vor.u32 v3, v4;
	_ =	sdelay $0x2  }
0x13b: {  	s9 =	sadd.s32 $0x20, s2;
	v5 =	vmul.f32 v5, v5  }
0x13c: {  	v6 =	vmov s9  }
0x13d: {  	[tilespmem:v4+s28+$0x0] =	vst.idx.msk $0xffff, v5;
	v4 =	vshll.u32 v6, $0x1  }
0x13e: {  	v5 =	vld [tilespmem:s0+$0x0];
	v4 =	vor.u32 v2, v4  }
0x13f: {  	v4 =	vand.u32 $0x7FFFFFF8, v4  }
0x140: {  	v4 =	vor.u32 v3, v4;
	_ =	sdelay $0x2  }
0x141: {  	s9 =	sadd.s32 $0x30, s2;
	v5 =	vmul.f32 v5, v5  }
0x142: {  	v6 =	vmov s9  }
0x143: {  	[tilespmem:v4+s28+$0x0] =	vst.idx.msk $0xffff, v5;
	v4 =	vshll.u32 v6, $0x1  }
0x144: {  	v5 =	vld [tilespmem:s0+$0x10];
	v4 =	vor.u32 v2, v4  }
0x145: {  	v4 =	vand.u32 $0x7FFFFFF8, v4  }
.Ltmp8:
0x146: {  	v4 =	vor.u32 v3, v4;
	(pc) =	sbr.rel @p1 .LBB2_12-.Ltmp8, $3  }
0x147: {  	_ =	sdelay $0x1  }
0x148: {  	s2 =	sadd.s32 $0x40, s2;
	v5 =	vmul.f32 v5, v5  }
0x149: {  	v6 =	vmov s2  }
0x14a: {  	_ =	sdelay $0x3  }
0x14b: {  	v6 =	vshll.u32 v6, $0x1;
	[tilespmem:v4+s28+$0x0] =	vst.idx.msk $0xffff, v5;
	s0 =	sadd.s32 $0x40, s0  }
0x14c: {  	v4 =	vld [tilespmem:s0+$0xFFFFFFE0];
	v5 =	vor.u32 v2, v6  }
0x14d: {  	v5 =	vand.u32 $0x398, v5  }
0x14e: {  	v5 =	vor.u32 v3, v5;
	_ =	sdelay $0x2  }
0x14f: {  	s8 =	sadd.s32 $0x10, s2;
	v4 =	vmul.f32 v4, v4  }
0x150: {  	v61 =	vmov s8  }
0x151: {  	[tilespmem:v5+s28+$0x0] =	vst.idx.msk $0xffff, v4;
	v4 =	vshll.u32 v61, $0x1  }
0x152: {  	v5 =	vld [tilespmem:s0+$0xFFFFFFF0];
	v4 =	vor.u32 v2, v4  }
0x153: {  	v4 =	vand.u32 $0x7FFFFFF8, v4  }
0x154: {  	v4 =	vor.u32 v3, v4;
	_ =	sdelay $0x2  }
0x155: {  	s26 =	sadd.s32 $0x20, s2;
	v5 =	vmul.f32 v5, v5  }
0x156: {  	v62 =	vmov s26  }
0x157: {  	[tilespmem:v4+s28+$0x0] =	vst.idx.msk $0xffff, v5;
	v4 =	vshll.u32 v62, $0x1  }
0x158: {  	v5 =	vld [tilespmem:s0+$0x0];
	v4 =	vor.u32 v2, v4  }
0x159: {  	v4 =	vand.u32 $0x7FFFFFF8, v4  }
0x15a: {  	v4 =	vor.u32 v3, v4;
	_ =	sdelay $0x2  }
0x15b: {  	s29 =	sadd.s32 $0x30, s2;
	v5 =	vmul.f32 v5, v5  }
0x15c: {  	v63 =	vmov s29  }
0x15d: {  	[tilespmem:v4+s28+$0x0] =	vst.idx.msk $0xffff, v5;
	v4 =	vshll.u32 v63, $0x1  }
0x15e: {  	v5 =	vld [tilespmem:s0+$0x10];
	v4 =	vor.u32 v2, v4  }
0x15f: {  	v4 =	vand.u32 $0x7FFFFFF8, v4  }
0x160: {  	v4 =	vor.u32 v3, v4;
	_ =	sdelay $0x2  }
0x161: {  	v5 =	vmul.f32 v5, v5;
	_ =	sdelay $0x1  }
.Ltmp9:
0x162: {  	s30 =	simm.s32 $0x60;
	[tilespmem:v4+s28+$0x0] =	vst.idx.msk $0xffff, v5;
	(pc) =	sbr.rel .LBB2_17-.Ltmp9, $4  }
0x163: {  	[spmem:s3] =	stream.indirect.scatter.add.f32 [tilespmem:s28], [sflag:$0x4], $0x4, s25, s30, $0xb8;
	[tilespmem:$0xDAE0] =	vst v63  }
0x164: {  	_ =	swait.ge [sflag:s18], $0x180  }
0x165: {  	[sflag:s18] =	ssyncset.done $0x0  }
0x166: {  	[sflag:s18] =	ssyncadd.s32 $0xFFFFFE80  }
.LBB2_14:
0x167: {  	[tilespmem:s25], [sflag:$0x4] =	stream.linear.gather [hbm4b:s12+s0], $0x40, $0x38;
	[tilespmem:$0xDAE0] =	vst v63  }
0x168: {  	_ =	swait.ge [sflag:s18], $0x40  }
0x169: {  	[sflag:s18] =	ssyncset.done $0x0  }
0x16a: {  	s2 =	simm.s32 $0xA560;
	[sflag:s18] =	ssyncadd.s32 $0xFFFFFFC0  }
0x16b: {  	[tilespmem:s2], [sflag:$0x4] =	stream.linear.gather [hbm4b:s13+s0], $0x100, $0x38;
	[tilespmem:$0xDAE0] =	vst v63  }
0x16c: {  	_ =	swait.ge [sflag:s18], $0x100  }
0x16d: {  	v4 =	vmov s0;
	[sflag:s18] =	ssyncset.done $0x0  }
0x16e: {  	v4 =	vshll.u32 v4, $0x1;
	s0 =	simm.s32 $0xA580;
	[sflag:s18] =	ssyncadd.s32 $0xFFFFFF00  }
0x16f: {  	v4 =	vor.u32 v2, v4;
	v5 =	vld [tilespmem:s0+$0xFFFFFFE0]  }
0x170: {  	v4 =	vand.u32 $0x198, v4  }
0x171: {  	v4 =	vor.u32 v3, v4;
	_ =	sdelay $0x2  }
0x172: {  	s26 =	simm.s32 $0x10;
	v5 =	vmul.f32 v5, v5  }
0x173: {  	v6 =	vmov s26  }
0x174: {  	[tilespmem:v4+s28+$0x0] =	vst.idx.msk $0xffff, v5;
	v4 =	vshll.u32 v6, $0x1  }
0x175: {  	v5 =	vld [tilespmem:s0+$0xFFFFFFF0];
	v4 =	vor.u32 v2, v4  }
0x176: {  	v4 =	vand.u32 $0x7FFFFFF8, v4  }
0x177: {  	v4 =	vor.u32 v3, v4;
	_ =	sdelay $0x2  }
0x178: {  	s29 =	simm.s32 $0x20;
	v5 =	vmul.f32 v5, v5  }
0x179: {  	v6 =	vmov s29  }
0x17a: {  	[tilespmem:v4+s28+$0x0] =	vst.idx.msk $0xffff, v5;
	v4 =	vshll.u32 v6, $0x1  }
0x17b: {  	v5 =	vld [tilespmem:s0+$0x0];
	v4 =	vor.u32 v2, v4  }
0x17c: {  	v4 =	vand.u32 $0x7FFFFFF8, v4  }
0x17d: {  	v4 =	vor.u32 v3, v4;
	_ =	sdelay $0x2  }
0x17e: {  	v5 =	vmul.f32 v5, v5  }
0x17f: {  	s30 =	simm.s32 $0x30  }
0x180: {  	[tilespmem:v4+s28+$0x0] =	vst.idx.msk $0xffff, v5;
	v4 =	vmov s30  }
0x181: {  	v4 =	vshll.u32 v4, $0x1  }
0x182: {  	v5 =	vld [tilespmem:s0+$0x10];
	v4 =	vor.u32 v2, v4  }
0x183: {  	v4 =	vand.u32 $0x7FFFFFF8, v4  }
0x184: {  	v4 =	vor.u32 v3, v4;
	_ =	sdelay $0x2  }
0x185: {  	s2 =	simm.s32 $0x40;
	v5 =	vmul.f32 v5, v5  }
0x186: {  	s8 =	simm.s32 $0x4;
	v6 =	vmov s2  }
.LBB2_15:
0x187: {  	s8 =	sadd.s32 $0x4, s8;
	v6 =	vshll.u32 v6, $0x1;
	[tilespmem:v4+s28+$0x0] =	vst.idx.msk $0xffff, v5;
	s0 =	sadd.s32 $0x40, s0  }
0x188: {  	p1 =	slt.u32 s8, $0xC;
	v4 =	vld [tilespmem:s0+$0xFFFFFFE0];
	v5 =	vor.u32 v2, v6  }
0x189: {  	v5 =	vand.u32 $0x198, v5  }
0x18a: {  	v5 =	vor.u32 v3, v5;
	_ =	sdelay $0x2  }
0x18b: {  	s9 =	sadd.s32 $0x10, s2;
	v4 =	vmul.f32 v4, v4  }
0x18c: {  	v6 =	vmov s9  }
0x18d: {  	[tilespmem:v5+s28+$0x0] =	vst.idx.msk $0xffff, v4;
	v4 =	vshll.u32 v6, $0x1  }
0x18e: {  	v5 =	vld [tilespmem:s0+$0xFFFFFFF0];
	v4 =	vor.u32 v2, v4  }
0x18f: {  	v4 =	vand.u32 $0x7FFFFFF8, v4  }
0x190: {  	v4 =	vor.u32 v3, v4;
	_ =	sdelay $0x2  }
0x191: {  	s9 =	sadd.s32 $0x20, s2;
	v5 =	vmul.f32 v5, v5  }
0x192: {  	v6 =	vmov s9  }
0x193: {  	[tilespmem:v4+s28+$0x0] =	vst.idx.msk $0xffff, v5;
	v4 =	vshll.u32 v6, $0x1  }
0x194: {  	v5 =	vld [tilespmem:s0+$0x0];
	v4 =	vor.u32 v2, v4  }
0x195: {  	v4 =	vand.u32 $0x7FFFFFF8, v4  }
0x196: {  	v4 =	vor.u32 v3, v4;
	_ =	sdelay $0x2  }
0x197: {  	s9 =	sadd.s32 $0x30, s2;
	v5 =	vmul.f32 v5, v5  }
0x198: {  	v6 =	vmov s9  }
0x199: {  	[tilespmem:v4+s28+$0x0] =	vst.idx.msk $0xffff, v5;
	v4 =	vshll.u32 v6, $0x1  }
0x19a: {  	v5 =	vld [tilespmem:s0+$0x10];
	v4 =	vor.u32 v2, v4  }
0x19b: {  	v4 =	vand.u32 $0x7FFFFFF8, v4  }
.Ltmp10:
0x19c: {  	v4 =	vor.u32 v3, v4;
	(pc) =	sbr.rel @p1 .LBB2_15-.Ltmp10, $3  }
0x19d: {  	_ =	sdelay $0x1  }
0x19e: {  	s2 =	sadd.s32 $0x40, s2;
	v5 =	vmul.f32 v5, v5  }
0x19f: {  	v6 =	vmov s2  }
0x1a0: {  	_ =	sdelay $0x3  }
0x1a1: {  	v6 =	vshll.u32 v6, $0x1;
	[tilespmem:v4+s28+$0x0] =	vst.idx.msk $0xffff, v5;
	s0 =	sadd.s32 $0x40, s0  }
0x1a2: {  	v4 =	vld [tilespmem:s0+$0xFFFFFFE0];
	v5 =	vor.u32 v2, v6  }
0x1a3: {  	v5 =	vand.u32 $0x198, v5  }
0x1a4: {  	v5 =	vor.u32 v3, v5;
	_ =	sdelay $0x2  }
0x1a5: {  	s8 =	sadd.s32 $0x10, s2;
	v4 =	vmul.f32 v4, v4  }
0x1a6: {  	v61 =	vmov s8  }
0x1a7: {  	[tilespmem:v5+s28+$0x0] =	vst.idx.msk $0xffff, v4;
	v4 =	vshll.u32 v61, $0x1  }
0x1a8: {  	v5 =	vld [tilespmem:s0+$0xFFFFFFF0];
	v4 =	vor.u32 v2, v4  }
0x1a9: {  	v4 =	vand.u32 $0x7FFFFFF8, v4  }
0x1aa: {  	v4 =	vor.u32 v3, v4;
	_ =	sdelay $0x2  }
0x1ab: {  	s26 =	sadd.s32 $0x20, s2;
	v5 =	vmul.f32 v5, v5  }
0x1ac: {  	v62 =	vmov s26  }
0x1ad: {  	[tilespmem:v4+s28+$0x0] =	vst.idx.msk $0xffff, v5;
	v4 =	vshll.u32 v62, $0x1  }
0x1ae: {  	v5 =	vld [tilespmem:s0+$0x0];
	v4 =	vor.u32 v2, v4  }
0x1af: {  	v4 =	vand.u32 $0x7FFFFFF8, v4  }
0x1b0: {  	v4 =	vor.u32 v3, v4;
	_ =	sdelay $0x2  }
0x1b1: {  	s29 =	sadd.s32 $0x30, s2;
	v5 =	vmul.f32 v5, v5  }
0x1b2: {  	v63 =	vmov s29  }
0x1b3: {  	[tilespmem:v4+s28+$0x0] =	vst.idx.msk $0xffff, v5;
	v4 =	vshll.u32 v63, $0x1  }
0x1b4: {  	v5 =	vld [tilespmem:s0+$0x10];
	v4 =	vor.u32 v2, v4  }
0x1b5: {  	v4 =	vand.u32 $0x7FFFFFF8, v4  }
0x1b6: {  	v4 =	vor.u32 v3, v4;
	_ =	sdelay $0x2  }
0x1b7: {  	v5 =	vmul.f32 v5, v5;
	_ =	sdelay $0x1  }
.Ltmp11:
0x1b8: {  	s30 =	simm.s32 $0x40;
	[tilespmem:v4+s28+$0x0] =	vst.idx.msk $0xffff, v5;
	(pc) =	sbr.rel .LBB2_17-.Ltmp11, $4  }
0x1b9: {  	[spmem:s3] =	stream.indirect.scatter.add.f32 [tilespmem:s28], [sflag:$0x4], $0x4, s25, s30, $0xb8;
	[tilespmem:$0xDAE0] =	vst v63  }
0x1ba: {  	_ =	swait.ge [sflag:s18], $0x100  }
0x1bb: {  	[sflag:s18] =	ssyncset.done $0x0  }
0x1bc: {  	[sflag:s18] =	ssyncadd.s32 $0xFFFFFF00  }
.LBB2_18:
0x1bd: {  	_ =	sfence.sel $0x180000  }
0x1be: {  	[bflag:$0x0] =	sbarrier.arrive $0xFFFF  }
0x1bf: {  	_ =	strace $0x90000047  }
0x1c0: {  	s0 =	stileid.u32;
	[bflag:$0x2] =	sbarrier.arrive $0xFFFF  }
0x1c1: {  	p0 =	sne.s32 s0, $0x0;
	s0 =	rddreg [dreg:$0x3]  }
0x1c2: {  	s0 =	sadd.s32 @!p0 $0x100000, s0  }
0x1c3: {  	[sflag:s0] =	ssyncadd.tile.s32 @!p0 $0x1;
	_ =	shalt  }
.Lfunc_end2:
_tile_overlayer_lowered:
.L_overlay_start_2:
0x1c4: {  	(tag) =	ssettag $0x2  }
0x1c5: {  	s0 =	rddreg [dreg:$0x0];
	s2 =	stileid.u32  }
0x1c6: {  	s1 =	rddreg [dreg:$0x1];
	p0 =	sne.s32 s2, $0x0  }
0x1c7: {  	s3 =	rddreg [dreg:$0x2];
	[bflag:$0x3] =	sbarrier.arrive $0xFFFF;
	s2 =	simm.s32 @!p0 $0x1C04  }
0x1c8: {  	[timem:s3], [sflag:s2] =	dma.local @!p0 [hbm:s0], s1  }
0x1c9: {  	s0 =	simm.s32 @!p0 $0x4  }
0x1ca: {  	_ =	swait.ge @!p0 [sflag:s0], s1  }
0x1cb: {  	s1 =	ssub.s32 @!p0 $0x0, s1;
	[sflag:s0] =	ssyncset.done @!p0 $0x0  }
0x1cc: {  	[sflag:s0] =	ssyncadd.s32 @!p0 s1  }
0x1cd: {  	[bflag:$0x3] =	sbarrier.arrive $0xFFFF  }
0x1ce: {  	_ =	shalt  }

// kernel: kernel.8.cloned.1.call-start
scs
__scs_entry_jumppad:
0x0: {  	(pc) =	sbr.rel $0x88, $3  }
0x1: {  	(tag) =	ssettag $0x0;
	lr =	simm.s32 $0x1  }
0x2: {  	[smem:$0x3F9F] =	sst lr;
	_ =	strace $0xD0000000  }
0x3: {  	_ = 	snop  }
0x4: {  	_ = 	snop  }
0x5: {  	_ = 	snop  }
0x6: {  	_ = 	snop  }
0x7: {  	_ = 	snop  }
__scs_overlays_trampoline_lowered:
0x8: {  	[smem:$0x3FAE] =	sst s0  }
0x9: {  	[smem:$0x3FAF] =	sst s1  }
0xa: {  	[smem:$0x3FB0] =	sst s2  }
0xb: {  	[smem:$0x3FB1] =	sst s3  }
0xc: {  	[smem:$0x3FB2] =	sst s4  }
0xd: {  	[smem:$0x3FB3] =	sst s5  }
0xe: {  	[smem:$0x3FB4] =	sst s6  }
0xf: {  	[smem:$0x3FB5] =	sst s7  }
0x10: {  	[smem:$0x3FB6] =	sst s8  }
0x11: {  	[smem:$0x3FB7] =	sst s9;
	s0 =	simm.s32 @!p0 $0x0  }
0x12: {  	s1 =	sld [smem:$0x3F9D];
	s0 =	simm.s32 @p0 $0x1  }
0x13: {  	[smem:$0x3FB8] =	sst s0;
	s0 =	simm.s32 @!p1 $0x0  }
0x14: {  	s2 =	sld [smem:$0x3F9C];
	s0 =	simm.s32 @p1 $0x1  }
0x15: {  	[smem:$0x3FB9] =	sst s0;
	s0 =	simm.s32 @!p2 $0x0  }
0x16: {  	s3 =	sld [smem:$0x3FDB];
	s0 =	simm.s32 @p2 $0x1  }
0x17: {  	s4 =	simm.s32 $0x1BF5;
	[smem:$0x3FBB] =	sst s0  }
0x18: {  	s0 =	sld [smem:$0x3F9E];
	_ =	swait.ge [sflag:s4], $0x0  }
0x19: {  	s7 =	sld [smem:$0x3F9F]  }
0x1a: {  	s8 =	sadd.s32 $0xFFFFE003, lr  }
0x1b: {  	s9 =	sadd.s32 $0xFFFFFEF7, lr;
	s5 =	simm.s32 $0xFFFFFFFF;
	p2 =	slt.u32 s8, $0xFFFFF086  }
0x1c: {  	p1 =	slt.u32 s9, $0xF7A;
	s5 =	simm.s32 @!p2 $0x0  }
0x1d: {  	s5 =	simm.s32 @p1 $0x1;
	p0 =	seq.s32 s7, s2  }
0x1e: {  	s7 =	smul.u32 @!p0 $0xF7A, s2;
	p2 =	seq.s32 @!p0 s5, $0x0  }
0x1f: {  	s9 =	smul.u32 $0xF7A, s1;
	s8 =	simm.s32 @!p0 $0x1BF5;
	p2 =	por !p2, p0  }
0x20: {  	[sflag:s8] =	ssyncset.s32 @!p0 $0xFFFFF086;
	s6 =	sadd.s32 @!p0 s3, s7;
	s7 =	simm.s32 @!p0 $0x108  }
0x21: {  	s3 =	sadd.s32 s3, s9;
	s6 =	sadd.s32 @!p0 $0x88, s6;
	s7 =	simm.s32 @p2 $0x1082  }
0x22: {  	[simem:s7], [sflag:s8] =	dma.local @!p0 [hbm:s6], $0xF7A  }
0x23: {  	s9 =	sor.u32 $0xD0000000, s2;
	s6 =	simm.s32 $0x108;
	_ =	swait.ge @!p0 [sflag:s8], $0x0  }
0x24: {  	s3 =	sadd.s32 $0x88, s3;
	s6 =	simm.s32 @!p1 $0x1082;
	[sflag:s4] =	ssyncset.s32 $0xFFFFF086  }
0x25: {  	[simem:s6], [sflag:s4] =	dma.local [hbm:s3], $0xF7A  }
0x26: {  	[smem:$0x3F9F] =	sst s1;
	(tag) =	ssettag s2;
	_ =	strace s9  }
0x27: {  	s1 =	sld [smem:$0x3FAF]  }
0x28: {  	s2 =	sld [smem:$0x3FB0]  }
0x29: {  	s4 =	sld [smem:$0x3FB2]  }
0x2a: {  	p0 =	seq.s32 s5, $0x0;
	s5 =	sld [smem:$0x3FB3]  }
0x2b: {  	s6 =	sld [smem:$0x3FB4]  }
0x2c: {  	s7 =	sld [smem:$0x3FB5]  }
0x2d: {  	s3 =	simm.s32 $0x108;
	s8 =	sld [smem:$0x3FB6]  }
0x2e: {  	s3 =	simm.s32 @!p0 $0x1082;
	s9 =	sld [smem:$0x3FB7]  }
0x2f: {  	lr =	sadd.s32 s0, s3;
	s0 =	sld [smem:$0x3FAE]  }
0x30: {  	s3 =	sld [smem:$0x3FB1]  }
0x31: {  	[smem:$0x3FBA] =	sst s10  }
0x32: {  	s10 =	sld [smem:$0x3FB8];
	_ =	sdelay $0x3  }
0x33: {  	p0 =	seq.s32 s10, $0x1;
	s10 =	sld [smem:$0x3FBA];
	_ =	sdelay $0x3  }
0x34: {  	[smem:$0x3FBA] =	sst s10  }
0x35: {  	s10 =	sld [smem:$0x3FB9];
	_ =	sdelay $0x3  }
0x36: {  	p1 =	seq.s32 s10, $0x1;
	s10 =	sld [smem:$0x3FBA];
	_ =	sdelay $0x3  }
0x37: {  	[smem:$0x3FBA] =	sst s10  }
0x38: {  	s10 =	sld [smem:$0x3FBB]  }
0x39: {  	_ = 	snop;
	(pc) =	sbr.ind lr, $3  }
0x3a: {  	_ = 	snop  }
0x3b: {  	_ = 	snop  }
0x3c: {  	p2 =	seq.s32 s10, $0x1;
	s10 =	sld [smem:$0x3FBA]  }
0x3d: {  	_ =	shalt  }
0x3e: {  	_ =	shalt  }
0x3f: {  	_ =	shalt  }
0x40: {  	_ =	shalt  }
0x41: {  	_ =	shalt  }
0x42: {  	_ =	shalt  }
0x43: {  	_ =	shalt  }
0x44: {  	_ =	shalt  }
0x45: {  	_ =	shalt  }
0x46: {  	_ =	shalt  }
0x47: {  	_ =	shalt  }
0x48: {  	_ =	shalt  }
0x49: {  	_ =	shalt  }
0x4a: {  	_ =	shalt  }
0x4b: {  	_ =	shalt  }
0x4c: {  	_ =	shalt  }
0x4d: {  	_ =	shalt  }
0x4e: {  	_ =	shalt  }
0x4f: {  	_ =	shalt  }
0x50: {  	_ =	shalt  }
0x51: {  	_ =	shalt  }
0x52: {  	_ =	shalt  }
0x53: {  	_ =	shalt  }
0x54: {  	_ =	shalt  }
0x55: {  	_ =	shalt  }
0x56: {  	_ =	shalt  }
0x57: {  	_ =	shalt  }
0x58: {  	_ =	shalt  }
0x59: {  	_ =	shalt  }
0x5a: {  	_ =	shalt  }
0x5b: {  	_ =	shalt  }
0x5c: {  	_ =	shalt  }
0x5d: {  	_ =	shalt  }
0x5e: {  	_ =	shalt  }
0x5f: {  	_ =	shalt  }
0x60: {  	_ =	shalt  }
0x61: {  	_ =	shalt  }
0x62: {  	_ =	shalt  }
0x63: {  	_ =	shalt  }
0x64: {  	_ =	shalt  }
0x65: {  	_ =	shalt  }
0x66: {  	_ =	shalt  }
0x67: {  	_ =	shalt  }
0x68: {  	_ =	shalt  }
0x69: {  	_ =	shalt  }
0x6a: {  	_ =	shalt  }
0x6b: {  	_ =	shalt  }
0x6c: {  	_ =	shalt  }
0x6d: {  	_ =	shalt  }
0x6e: {  	_ =	shalt  }
0x6f: {  	_ =	shalt  }
0x70: {  	_ =	shalt  }
0x71: {  	_ =	shalt  }
0x72: {  	_ =	shalt  }
0x73: {  	_ =	shalt  }
0x74: {  	_ =	shalt  }
0x75: {  	_ =	shalt  }
0x76: {  	_ =	shalt  }
0x77: {  	_ =	shalt  }
0x78: {  	_ =	shalt  }
0x79: {  	_ =	shalt  }
0x7a: {  	_ =	shalt  }
0x7b: {  	_ =	shalt  }
0x7c: {  	_ =	shalt  }
0x7d: {  	_ =	shalt  }
0x7e: {  	_ =	shalt  }
0x7f: {  	_ =	shalt  }
0x80: {  	_ =	shalt  }
0x81: {  	_ =	shalt  }
0x82: {  	_ =	shalt  }
0x83: {  	_ =	shalt  }
0x84: {  	_ =	shalt  }
0x85: {  	_ =	shalt  }
0x86: {  	_ =	shalt  }
0x87: {  	_ =	shalt  }
.Lfunc_end0:
.L_simem_size_0:
called_computation.1_lowered:
.L_overlay_start_0:
0x88: {  	s2 =	sld [smem:$0x3FD9]  }
0x89: {  	s3 =	sld [smem:$0x3FFE];
	_ =	sdelay $0x1  }
0x8a: {  	s1 =	srdreg.scid  }
0x8b: {  	s0 =	sand.u32 $0x1, s1  }
0x8c: {  	s16 =	sshll.u32 s0, $0xA;
	s2 =	sadd.s32 s3, s2  }
0x8d: {  	s2 =	sadd.s32 s2, s16  }
0x8e: {  	[smem:$0x3FC6] =	sst s2  }
0x8f: {  	_ = 	snop  }
0x90: {  	(tm) =	ssettm $0x1  }
0x91: {  	s17 =	sld [smem:$0x3FFB];
	_ =	sdelay $0x3  }
0x92: {  	_ =	strace s17  }
0x93: {  	s2 =	sld [smem:$0x3FFC];
	_ =	sdelay $0x3  }
0x94: {  	_ =	strace s2  }
0x95: {  	s2 =	sld [smem:$0x3FFD];
	_ =	sdelay $0x3  }
0x96: {  	_ =	strace s2  }
0x97: {  	_ =	strace $0x8FFFFFFF  }
0x98: {  	s18 =	sld [smem:$0x3FDB];
	_ =	sdelay $0x1  }
0x99: {  	s19 =	simm.s32 $_scs_section_size  }
0x9a: {  	s4 =	simm.s32 $_size__tile_overlayer_lowered;
	s5 =	simm.s32 $_tile_overlayer_lowered  }
0x9b: {  	s22 =	simm.s32 $0x1BFF;
	s21 =	sshll.u32 s5, $0x1;
	s2 =	sadd.s32 s19, s18  }
0x9c: {  	s6 =	simm.s32 $0x0;
	s20 =	sshll.u32 s4, $0x1;
	s4 =	sadd.s32 s21, s2  }
0x9d: {  	[timem:s6], [sflag:s22] =	dma.local [hbm:s4], s20  }
0x9e: {  	_ =	swait.ge [sflag:s22], s20  }
0x9f: {  	s3 =	ssub.s32 $0x0, s20;
	[sflag:s22] =	ssyncset.done $0x0  }
0xa0: {  	[sflag:s22] =	ssyncadd.s32 s3;
	_ =	sdelay $0x1  }
0xa1: {  	s23 =	simm.s32 $0x1B8B  }
0xa2: {  	_ =	swait.ge [sflag:s23], $0x1  }
0xa3: {  	[sflag:s23] =	ssyncset.done $0x0  }
0xa4: {  	s25 =	simm.s32 $0x1B8E;
	s24 =	sld [smem:$0x3FFE];
	[sflag:s23] =	ssyncadd.s32 $0xFFFFFFFF  }
0xa5: {  	s26 =	simm.s32 $execute0_lowered;
	[smem:$0x3FD2] =	sst s25  }
0xa6: {  	s4 =	sshll.u32 s26, $0x1;
	_ =	strace $0x80000049;
	[dreg:$0x1] =	wrdreg $0xFFFFFFFF  }
0xa7: {  	s28 =	simm.s32 $_size_execute0_lowered;
	s2 =	sadd.s32 s2, s4;
	[dreg:$0x0] =	wrdreg $0x0  }
0xa8: {  	s4 =	sshll.u32 s28, $0x1;
	[dreg:$0x2] =	wrdreg s2  }
0xa9: {  	[dreg:$0x3] =	wrdreg s4  }
0xaa: {  	[dreg:$0x4] =	wrdreg $0xC0  }
0xab: {  	_ =	task [dreg:s6], $0x5FFFF  }
0xac: {  	[dreg:$0x1] =	wrdreg $0xFFFFFFFF  }
0xad: {  	[dreg:$0x0] =	wrdreg $0x60  }
0xae: {  	[dreg:$0x2] =	wrdreg s24  }
0xaf: {  	[dreg:$0x3] =	wrdreg $0x9  }
0xb0: {  	_ =	task.clear_ibuf [dreg:s6], $0x4FFFF;
	_ =	strace $0x90000049  }
0xb1: {  	s29 =	simm.s32 $0x9;
	_ =	strace $0x8000004B  }
0xb2: {  	_ =	swait.ge [sflag:s29], $0x1  }
0xb3: {  	[sflag:s29] =	ssyncadd.s32 $0xFFFFFFFF  }
0xb4: {  	_ =	strace $0x9000004B  }
0xb5: {  	_ =	sfence  }
0xb6: {  	s30 =	sld [smem:$0x0];
	_ =	sdelay $0x2  }
0xb7: {  	s31 =	sshll.u32 s1, $0xD;
	s1 =	sshrl.u32 s1, $0x2  }
0xb8: {  	s3 =	sand.u32 $0x4000, s31;
	s1 =	sadd.s32 s1, s30  }
0xb9: {  	s0 =	sor.u32 s3, s0;
	s1 =	sshll.u32 s1, $0x11  }
0xba: {  	s0 =	sor.u32 s1, s0  }
0xbb: {  	s0 =	sadd.s32 $0x8F2B, s0  }
0xbc: {  	[sflag:s0] =	ssyncadd.remote.s32 $0x1  }
0xbd: {  	_ =	sfence.sel $0xFFFF  }
0xbe: {  	[dreg:$0x0] =	wrdreg $0xFFFFFFFF;
	(pc) =	sbr.abs _section_cstart, $3  }
0xbf: {  	[dreg:$0x1] =	wrdreg $0xFFFFFFFF  }
0xc0: {  	_ =	task.clear_ibuf [dreg:s6], $0x2FFFF;
	_ =	strace $0x9FFFFFFF  }
0xc1: {  	(tm) =	ssettm $0x7FFFFFFF  }
tec
execute0_lowered:
.L_overlay_start_1:
0x0: {  	(tag) =	ssettag $0x1  }
0x1: {  	s1 =	srdreg.scid  }
0x2: {  	s0 =	stileid.u32;
	s5 =	rddreg [dreg:$0x0];
	s2 =	simm.s32 $0x0  }
0x3: {  	s7 =	simm.s32 $0xD;
	s12 =	simm.s32 $0x1;
	s13 =	simm.s32 $0x3400  }
0x4: {  	s14 =	simm.s32 $0x6800;
	s3 =	sand.u32 $0x1, s1;
	s30 =	sshll.u32 s0, $0x1  }
0x5: {  	s15 =	simm.s32 $0x9C00;
	s16 =	simm.s32 $0x0;
	s1 =	sor.u32 s3, s30  }
0x6: {  	[smem:$0x7FF] =	sst s2;
	p0 =	slt.u32 s0, $0x4;
	s4 =	smul.u32 $0xC, s1  }
0x7: {  	s3 =	ssub.s32 $0x2, s3;
	s7 =	simm.s32 @!p0 $0xC;
	s6 =	smin.u32 s1, $0x8  }
0x8: {  	s1 =	rddreg [dreg:$0x1];
	s31 =	sshrl.u32 s3, $0x1;
	s4 =	sadd.s32 s6, s4  }
0x9: {  	_ =	strace $0x8000004A;
	s11 =	ssub.s32 s3, s31;
	s6 =	sshll.u32 s4, $0x7  }
0xa: {  	s11 =	smax.u32 s11, $0x1;
	s4 =	sshll.u32 s4, $0x6;
	s8 =	sadd.s32 s6, s5  }
0xb: {  	v0 =	vlaneseq.u32;
	s9 =	sadd.s32 s4, s5;
	s4 =	sshll.u32 s7, $0xA;
	s7 =	sshll.u32 s7, $0x9  }
0xc: {  	v1 =	vshrl.u32 v0, $0x3;
	s3 =	sadd.s32 $0xC4800, s8;
	s5 =	ssub.s32 $0x0, s4;
	s6 =	sadd.s32 $0xD0C00, s8  }
0xd: {  	v2 =	vand.u32 $0x7, v0;
	v1 =	vmul.u32 $0x8, v1;
	s8 =	sadd.s32 $0xE3200, s8;
	s9 =	sadd.s32 $0xDD000, s9;
	s10 =	ssub.s32 $0x0, s7  }
.LBB2_1:
0xe: {  	v3 =	vmov s2  }
0xf: {  	[tilespmem:s2], [sflag:$0x1] =	stream.linear.gather [hbm4b:s3+s2], s4, $0x38;
	v4 =	vor.u32 s2, v0;
	v5 =	vshrl.u32 v3, $0x2;
	[tilespmem:$0xB600] =	vst v63  }
0x10: {  	_ =	swait.ge [sflag:s12], s4;
	v4 =	vand.u32 $0x7F, v4;
	v5 =	vand.u32 $0x1FFFFF80, v5  }
0x11: {  	p1 =	sne.s32 s7, $0x10;
	v6 =	vshrl.u32 v3, $0x7;
	[sflag:s12] =	ssyncset.done $0x0;
	v4 =	vor.u32 v4, v5  }
.Ltmp0:
0x12: {  	[sflag:s12] =	ssyncadd.s32 s5;
	v5 =	vand.u32 $0xFFFFFFF8, v3;
	v3 =	vand.u32 $0x3, v6;
	v4 =	vshll.u32 v4, $0x3;
	(pc) =	sbr.rel @!p1 .LBB2_2-.Ltmp0, $4  }
0x13: {  	[tilespmem:s13], [sflag:$0x1] =	stream.linear.gather [hbm4b:s6+s2], s4, $0x38;
	v3 =	vor.u32 v3, v4;
	[tilespmem:$0xB600] =	vst v63  }
0x14: {  	_ =	swait.ge [sflag:s12], s4  }
0x15: {  	[sflag:s12] =	ssyncset.done $0x0  }
0x16: {  	s17 =	simm.s32 $0x10;
	p0 =	por $0x0, $0x0;
	v4 =	vor.u32 v1, v5;
	[sflag:s12] =	ssyncadd.s32 s5  }
0x17: {  	_ =	sdelay $0x3  }
0x18: {  	v5 =	vld.idx.msk [tilespmem:v3+s2+$0x0], $0xffff  }
0x19: {  	v6 =	vld.idx.msk [tilespmem:v3+s13+$0x0], $0xffff;
	_ =	sdelay $0x4  }
0x1a: {  	v5 =	vadd.f32 v6, v5;
	_ =	sdelay $0x1  }
0x1b: {  	v6 =	vadd.f32 $1.000000000e+00, v5;
	_ =	sdelay $0x1  }
0x1c: {  	v7 =	vshrl.u32 v6, $0x1;
	v8 =	vmul.f32 $5.000000000e-01, v6  }
0x1d: {  	v7 =	vsub.s32 $0x5F3759DF, v7  }
0x1e: {  	v9 =	vmul.f32 v7, v8;
	_ =	sdelay $0x1  }
0x1f: {  	v9 =	vmul.f32 v7, v9;
	_ =	sdelay $0x1  }
0x20: {  	v9 =	vsub.f32 $1.500000000e+00, v9;
	_ =	sdelay $0x1  }
0x21: {  	v7 =	vmul.f32 v7, v9  }
0x22: {  	(erf) = vrcp.f32 v6  }
0x23: {  	v6 =	vmul.f32 v7, v8;
	_ =	sdelay $0x1  }
0x24: {  	v6 =	vmul.f32 v6, v7;
	_ =	sdelay $0x1  }
0x25: {  	v6 =	vsub.f32 $1.500000000e+00, v6;
	_ =	sdelay $0x2  }
0x26: {  	v9 =	vmul.f32 v6, v7  }
0x27: {  	v6 =	vpop (erf)  }
0x28: {  	v7 =	vmul.f32 v9, v8;
	v5 =	vmul.f32 v6, v5;
	v6 =	vmov s17  }
0x29: {  	p1 =	sne.s32 s7, $0x20;
	v8 =	vor.u32 s17, v0;
	v10 =	vshrl.u32 v6, $0x2  }
.Ltmp1:
0x2a: {  	v8 =	vand.u32 $0x7F, v8;
	v7 =	vmul.f32 v7, v9;
	v10 =	vand.u32 $0x1FFFFF80, v10;
	(pc) =	sbr.rel @!p1 .LBB2_4-.Ltmp1, $4  }
0x2b: {  	v11 =	vshrl.u32 v6, $0x7;
	v8 =	vor.u32 v8, v10  }
0x2c: {  	v10 =	vand.u32 $0xFFFFFFF8, v6;
	v12 =	vsub.f32 $1.500000000e+00, v7;
	v6 =	vor.u32 v2, v4  }
0x2d: {  	v4 =	vand.u32 $0x3, v11;
	v7 =	vshll.u32 v8, $0x3  }
0x2e: {  	p0 =	por $0x1, $0x1;
	s17 =	simm.s32 $0x20;
	v7 =	vor.u32 v4, v7;
	v4 =	vor.u32 v1, v10;
	v8 =	vmul.f32 v12, v9  }
.LBB2_5:
0x2f: {  	_ = 	snop  }
0x30: {  	s18 =	smov.u32 s17;
	s17 =	sadd.s32 $0x10, s17;
	[tilespmem:v3+s14+$0x0] =	vst.idx.msk $0xffff, v8;
	v3 =	vmov v7  }
0x31: {  	p1 =	sne.s32 s7, s17;
	[tilespmem:v6+s15+$0x0] =	vst.idx.msk $0xffff, v5  }
0x32: {  	v5 =	vld.idx.msk [tilespmem:v7+s2+$0x0], $0xffff  }
0x33: {  	v6 =	vld.idx.msk [tilespmem:v7+s13+$0x0], $0xffff;
	_ =	sdelay $0x5  }
0x34: {  	v5 =	vadd.f32 v6, v5;
	_ =	sdelay $0x1  }
0x35: {  	v6 =	vadd.f32 $1.000000000e+00, v5;
	_ =	sdelay $0x1  }
0x36: {  	v7 =	vshrl.u32 v6, $0x1;
	v8 =	vmul.f32 $5.000000000e-01, v6;
	(erf) = vrcp.f32 v6  }
0x37: {  	v6 =	vsub.s32 $0x5F3759DF, v7  }
0x38: {  	v7 =	vmul.f32 v6, v8;
	_ =	sdelay $0x1  }
0x39: {  	v7 =	vmul.f32 v6, v7;
	_ =	sdelay $0x1  }
0x3a: {  	v9 =	vsub.f32 $1.500000000e+00, v7;
	_ =	sdelay $0x1  }
0x3b: {  	v6 =	vmul.f32 v6, v9  }
0x3c: {  	v7 =	vpop (erf)  }
0x3d: {  	v9 =	vmul.f32 v6, v8;
	v5 =	vmul.f32 v7, v5;
	_ =	sdelay $0x1  }
0x3e: {  	v7 =	vmul.f32 v9, v6;
	_ =	sdelay $0x1  }
0x3f: {  	v7 =	vsub.f32 $1.500000000e+00, v7;
	_ =	sdelay $0x1  }
0x40: {  	v9 =	vmul.f32 v7, v6;
	_ =	sdelay $0x1  }
0x41: {  	v6 =	vmov s18;
	v7 =	vmul.f32 v9, v8  }
0x42: {  	v10 =	vshrl.u32 v6, $0x2;
	v11 =	vshrl.u32 v6, $0x7;
	v8 =	vor.u32 s18, v0  }
.Ltmp2:
0x43: {  	v10 =	vand.u32 $0x1FFFFF80, v10;
	v8 =	vand.u32 $0x7F, v8;
	v7 =	vmul.f32 v7, v9;
	(pc) =	sbr.rel @p1 .LBB2_5-.Ltmp2, $4  }
0x44: {  	v8 =	vor.u32 v8, v10;
	v10 =	vand.u32 $0xFFFFFFF8, v6;
	v6 =	vor.u32 v2, v4  }
0x45: {  	v4 =	vand.u32 $0x3, v11;
	v8 =	vshll.u32 v8, $0x3;
	v11 =	vsub.f32 $1.500000000e+00, v7  }
0x46: {  	v7 =	vor.u32 v4, v8;
	v4 =	vor.u32 v1, v10  }
0x47: {  	v8 =	vmul.f32 v11, v9  }
0x48: {  	v9 =	vmov v3;
	v3 =	vmov v7  }
.LBB2_7:
0x49: {  	_ =	sdelay $0x3  }
0x4a: {  	[tilespmem:v9+s14+$0x0] =	vst.idx.msk @p0 $0xffff, v8  }
0x4b: {  	[tilespmem:v6+s15+$0x0] =	vst.idx.msk @p0 $0xffff, v5  }
0x4c: {  	v5 =	vld.idx.msk [tilespmem:v3+s2+$0x0], $0xffff  }
0x4d: {  	v6 =	vld.idx.msk [tilespmem:v3+s13+$0x0], $0xffff;
	_ =	sdelay $0x4  }
0x4e: {  	v5 =	vadd.f32 v6, v5;
	_ =	sdelay $0x1  }
0x4f: {  	v6 =	vadd.f32 $1.000000000e+00, v5;
	_ =	sdelay $0x1  }
0x50: {  	v7 =	vshrl.u32 v6, $0x1;
	v60 =	vmul.f32 $5.000000000e-01, v6  }
0x51: {  	v7 =	vsub.s32 $0x5F3759DF, v7  }
0x52: {  	v61 =	vmul.f32 v7, v60;
	_ =	sdelay $0x1  }
0x53: {  	v9 =	vmul.f32 v7, v61;
	_ =	sdelay $0x1  }
0x54: {  	v9 =	vsub.f32 $1.500000000e+00, v9;
	_ =	sdelay $0x1  }
0x55: {  	v7 =	vmul.f32 v7, v9;
	_ =	sdelay $0x1  }
0x56: {  	v9 =	vmul.f32 v7, v60;
	_ =	sdelay $0x1  }
0x57: {  	v9 =	vmul.f32 v9, v7;
	_ =	sdelay $0x1  }
0x58: {  	v9 =	vsub.f32 $1.500000000e+00, v9  }
0x59: {  	(erf) = vrcp.f32 v6  }
0x5a: {  	v62 =	vmul.f32 v9, v7;
	_ =	sdelay $0x1  }
0x5b: {  	v7 =	vmul.f32 v62, v60;
	_ =	sdelay $0x1  }
0x5c: {  	v7 =	vmul.f32 v7, v62;
	_ =	sdelay $0x1  }
0x5d: {  	v4 =	vor.u32 v2, v4;
	v7 =	vsub.f32 $1.500000000e+00, v7;
	_ =	sdelay $0x1  }
0x5e: {  	v63 =	vpop (erf);
	v6 =	vmul.f32 v7, v62  }
0x5f: {  	v5 =	vmul.f32 v63, v5  }
0x60: {  	[tilespmem:v3+s14+$0x0] =	vst.idx.msk $0xffff, v6  }
0x61: {  	[tilespmem:v4+s15+$0x0] =	vst.idx.msk $0xffff, v5  }
0x62: {  	[hbm4b:s8+s2] =	stream.linear.scatter [tilespmem:s14], [sflag:$0x1], s4, $0x38;
	[tilespmem:$0xB600] =	vst v63  }
0x63: {  	_ =	swait.ge [sflag:s12], s4  }
0x64: {  	s16 =	sadd.s32 $0x1, s16;
	[sflag:s12] =	ssyncset.done $0x0  }
0x65: {  	p0 =	sne.s32 s16, s11;
	[sflag:s12] =	ssyncadd.s32 s5  }
0x66: {  	[hbm4b:s9+s2] =	stream.linear.scatter [tilespmem:s15], [sflag:$0x1], s7, $0x38;
	[tilespmem:$0xB600] =	vst v63  }
.Ltmp3:
0x67: {  	_ = 	snop;
	(pc) =	sbr.rel @p0 .LBB2_1-.Ltmp3, $4  }
.Ltmp4:
0x68: {  	_ = 	snop;
	(pc) =	sbr.rel @!p0 .LBB2_8-.Ltmp4, $4  }
0x69: {  	_ =	swait.ge [sflag:s12], s7  }
0x6a: {  	[sflag:s12] =	ssyncset.done $0x0  }
0x6b: {  	[sflag:s12] =	ssyncadd.s32 s10  }
0x6c: {  	_ = 	snop  }
.LBB2_2:
.Ltmp5:
0x6d: {  	(pc) =	sbr.rel .LBB2_7-.Ltmp5, $2  }
0x6e: {  	_ =	sdelay $0x2  }
0x6f: {  	_ = 	snop  }
.LBB2_4:
.Ltmp6:
0x70: {  	(pc) =	sbr.rel .LBB2_7-.Ltmp6, $2  }
0x71: {  	_ =	sdelay $0x2  }
0x72: {  	v9 =	vmov v3;
	v3 =	vmov v7  }
.LBB2_8:
0x73: {  	_ =	sfence.sel $0x180000  }
0x74: {  	[bflag:$0x0] =	sbarrier.arrive $0xFFFF  }
0x75: {  	p0 =	sne.s32 s0, $0x0;
	_ =	strace $0x9000004A  }
0x76: {  	s0 =	sadd.s32 @!p0 $0x100000, s1;
	[bflag:$0x2] =	sbarrier.arrive $0xFFFF  }
0x77: {  	[sflag:s0] =	ssyncadd.tile.s32 @!p0 $0x1;
	_ =	shalt  }
.Lfunc_end2:
_tile_overlayer_lowered:
.L_overlay_start_2:
0x78: {  	(tag) =	ssettag $0x2  }
0x79: {  	s0 =	rddreg [dreg:$0x0];
	s2 =	stileid.u32  }
0x7a: {  	s1 =	rddreg [dreg:$0x1];
	p0 =	sne.s32 s2, $0x0  }
0x7b: {  	s3 =	rddreg [dreg:$0x2];
	[bflag:$0x3] =	sbarrier.arrive $0xFFFF;
	s2 =	simm.s32 @!p0 $0x1C01  }
0x7c: {  	[timem:s3], [sflag:s2] =	dma.local @!p0 [hbm:s0], s1  }
0x7d: {  	s0 =	simm.s32 @!p0 $0x1  }
0x7e: {  	_ =	swait.ge @!p0 [sflag:s0], s1  }
0x7f: {  	s1 =	ssub.s32 @!p0 $0x0, s1;
	[sflag:s0] =	ssyncset.done @!p0 $0x0  }
0x80: {  	[sflag:s0] =	ssyncadd.s32 @!p0 s1  }
0x81: {  	[bflag:$0x3] =	sbarrier.arrive $0xFFFF  }
0x82: {  	_ =	shalt  }

</sc_bundles>
